<compile_context>
chip_gen: v7x
topology: tpu7x:2x2x1
jax: 0.10.2.dev20260603
libtpu: 0.0.44.dev20260713+nightly
codegen_flags: <defaults>
</compile_context>

<pallas_src>
import functools

import jax
import jax.numpy as jnp
from jax import lax
from jax.experimental import pallas as pl
from jax.experimental.pallas import tpu as pltpu
from jax.experimental.pallas import tpu_sc as plsc

N_NODES = 10000
N_EDGES = 320000
D_FEAT = 128
UNITS = 128

NC = 2
NS = 16
L = 16

CHUNK = 128
EDGES_PER_TILE = N_EDGES // (NC * NS)
N_CHUNKS = EDGES_PER_TILE // CHUNK
TAIL = EDGES_PER_TILE - N_CHUNKS * CHUNK
ROWS_PER_TILE = 640
LAST_ROW_BASE = N_NODES - ROWS_PER_TILE


def _sc_aggregate(x, src, dst, edge_weight, zeros):
    mesh = plsc.VectorSubcoreMesh(core_axis_name="c", subcore_axis_name="s")

    @functools.partial(
        pl.kernel,
        out_type=jax.ShapeDtypeStruct((NC, N_NODES, D_FEAT), jnp.float32),
        mesh=mesh,
        scratch_types=[
            pltpu.VMEM((CHUNK, D_FEAT), jnp.float32),
            pltpu.VMEM((CHUNK, D_FEAT), jnp.float32),
            [pltpu.VMEM((CHUNK,), jnp.int32) for _ in range(4)],
            [pltpu.VMEM((CHUNK,), jnp.int32) for _ in range(4)],
            [pltpu.VMEM((CHUNK,), jnp.float32) for _ in range(4)],
            pltpu.VMEM((TAIL,), jnp.int32),
            pltpu.VMEM((TAIL,), jnp.int32),
            pltpu.VMEM((TAIL,), jnp.float32),
            pltpu.VMEM((TAIL, D_FEAT), jnp.float32),
            pltpu.VMEM_SHARED((N_NODES, D_FEAT), jnp.float32),
            pltpu.SemaphoreType.DMA,
            [pltpu.SemaphoreType.DMA for _ in range(2)],
            [pltpu.SemaphoreType.DMA for _ in range(4)],
        ],
    )
    def k(x_hbm, src_hbm, dst_hbm, ew_hbm, zeros_hbm, out_hbm,
          rows_a, rows_b, srcslots, dstslots, wslots,
          tsrc, tdst, tw, trows, agg_sh, sem_g, ssems, esems):
        cid = lax.axis_index("c")
        sid = lax.axis_index("s")
        tid = cid * NS + sid
        tbase = tid * EDGES_PER_TILE

        r0 = jnp.minimum(sid * ROWS_PER_TILE, LAST_ROW_BASE)
        pltpu.sync_copy(zeros_hbm.at[pl.ds(r0, ROWS_PER_TILE)],
                        agg_sh.at[pl.ds(r0, ROWS_PER_TILE)])
        plsc.subcore_barrier()

        def edesc_issue(i, s):
            eoff = tbase + i * CHUNK
            pltpu.async_copy(src_hbm.at[pl.ds(eoff, CHUNK)], srcslots[s],
                             esems[s])
            pltpu.async_copy(dst_hbm.at[pl.ds(eoff, CHUNK)], dstslots[s],
                             esems[s])
            pltpu.async_copy(ew_hbm.at[pl.ds(eoff, CHUNK)], wslots[s],
                             esems[s])

        def wait_e(s):
            pltpu.make_async_copy(ew_hbm.at[pl.ds(0, CHUNK)], srcslots[s],
                                  esems[s]).wait()
            pltpu.make_async_copy(ew_hbm.at[pl.ds(0, CHUNK)], dstslots[s],
                                  esems[s]).wait()
            pltpu.make_async_copy(ew_hbm.at[pl.ds(0, CHUNK)], wslots[s],
                                  esems[s]).wait()

        def gather_issue(s, rows_ref):
            pltpu.async_copy(x_hbm.at[srcslots[s]], rows_ref, sem_g)

        def scatter_issue(s, rows_ref):
            pltpu.async_copy(rows_ref, agg_sh.at[dstslots[s]], ssems[s % 2],
                             add=True)

        def wait_g(rows_ref):
            pltpu.make_async_copy(x_hbm.at[pl.ds(0, CHUNK)], rows_ref,
                                  sem_g).wait()

        def wait_s(p):
            pltpu.make_async_copy(x_hbm.at[pl.ds(0, CHUNK)], rows_a,
                                  ssems[p]).wait()

        def scale(s, rows_ref):
            wrow = wslots[s]

            def gbody(g, carry):
                wgrp = wrow[pl.ds(g * L, L)]

                def lbody(lane, carry2):
                    e = g * L + lane
                    wv = wgrp.at[jnp.full((L,), 0, jnp.int32) + lane].get(
                        mode="promise_in_bounds")
                    for f in range(D_FEAT // L):
                        sl = pl.ds(f * L, L)
                        rows_ref[e, sl] = rows_ref[e, sl] * wv
                    return carry2

                return lax.fori_loop(0, L, lbody, carry)

            lax.fori_loop(0, CHUNK // L, gbody, 0)

        rows = (rows_a, rows_b)

        def phase(i, s, first=False, last_e=False, last_g=False):
            cur = rows[s % 2]
            other = rows[(s + 1) % 2]
            wait_g(cur)
            if not first:
                wait_s((s + 1) % 2)
            if not last_e:
                edesc_issue(i + 2, (s + 2) % 4)
            if not last_g:
                wait_e((s + 1) % 4)
                gather_issue((s + 1) % 4, other)
            scale(s, cur)
            scatter_issue(s, cur)

        edesc_issue(0, 0)
        edesc_issue(1, 1)
        wait_e(0)
        gather_issue(0, rows_a)

        phase(0, 0, first=True)
        phase(1, 1)
        phase(2, 2)
        phase(3, 3)

        def obody(o, carry):
            i = 4 * o
            phase(i, 0)
            phase(i + 1, 1)
            phase(i + 2, 2)
            phase(i + 3, 3)
            return carry

        lax.fori_loop(1, N_CHUNKS // 4 - 1, obody, 0)

        i = 4 * (N_CHUNKS // 4 - 1)
        phase(i, 0)
        phase(i + 1, 1)
        phase(i + 2, 2)
        phase(i + 3, 3)
        phase(i + 4, 0, last_e=True)
        phase(i + 5, 1, last_e=True, last_g=True)
        wait_s(1)

        toff = tbase + N_CHUNKS * CHUNK
        pltpu.sync_copy(src_hbm.at[pl.ds(toff, TAIL)], tsrc)
        pltpu.sync_copy(dst_hbm.at[pl.ds(toff, TAIL)], tdst)
        pltpu.sync_copy(ew_hbm.at[pl.ds(toff, TAIL)], tw)
        pltpu.sync_copy(x_hbm.at[tsrc], trows)
        wgrp = tw[pl.ds(0, L)]

        def tbody(lane, carry):
            wv = wgrp.at[jnp.full((L,), 0, jnp.int32) + lane].get(
                mode="promise_in_bounds")
            for f in range(D_FEAT // L):
                sl = pl.ds(f * L, L)
                trows[lane, sl] = trows[lane, sl] * wv
            return carry

        lax.fori_loop(0, TAIL, tbody, 0)
        pltpu.sync_copy(trows, agg_sh.at[tdst], add=True)

        plsc.subcore_barrier()
        pltpu.sync_copy(agg_sh.at[pl.ds(r0, ROWS_PER_TILE)],
                        out_hbm.at[cid, pl.ds(r0, ROWS_PER_TILE)])

    return k(x, src, dst, edge_weight, zeros)


def _tc_finish(partials, w, bias2d):
    BLK = 1000

    def body(p_ref, w_ref, b_ref, o_ref):
        p = p_ref[0] + p_ref[1]
        acc = jnp.dot(p, w_ref[...], preferred_element_type=jnp.float32)
        o_ref[...] = jnp.maximum(acc + b_ref[...], 0.0)

    return pl.pallas_call(
        body,
        grid=(N_NODES // BLK,),
        in_specs=[
            pl.BlockSpec((NC, BLK, D_FEAT), lambda i: (0, i, 0)),
            pl.BlockSpec((D_FEAT, UNITS), lambda i: (0, 0)),
            pl.BlockSpec((1, UNITS), lambda i: (0, 0)),
        ],
        out_specs=pl.BlockSpec((BLK, UNITS), lambda i: (i, 0)),
        out_shape=jax.ShapeDtypeStruct((N_NODES, UNITS), jnp.float32),
    )(partials, w, bias2d)


@jax.jit
def kernel(x, edge_index, edge_weight, kernel, bias):
    zeros = jnp.zeros((N_NODES, D_FEAT), jnp.float32)
    partials = _sc_aggregate(x, edge_index[0], edge_index[1], edge_weight,
                             zeros)
    return _tc_finish(partials, kernel, bias.reshape(1, UNITS))

# --- scband reference (transcript-rebuilt; emitter-appended) ---
"""Pipeline reference for scband-graph-convolution-66554813218924 (READ-ONLY COPY).

The authoritative reference and input builder live on the scoring server;
editing this copy changes nothing except your own understanding.
"""

import jax, jax.numpy as jnp
import numpy as np

N_NODES = 10000
N_EDGES = 320000
D_FEAT = 128
UNITS = 128


def setup_inputs(seed: int = 0) -> dict:
    key = jax.random.key(seed)
    k1, k2, k3, k4 = jax.random.split(key, 4)
    x = jax.random.normal(k1, (N_NODES, D_FEAT), dtype=jnp.float32)
    edge_index = jax.random.randint(k2, (2, N_EDGES), 0, N_NODES, dtype=jnp.int32)
    edge_weight = jax.random.uniform(k3, (N_EDGES,), dtype=jnp.float32)
    # glorot_uniform kernel for (D_FEAT, UNITS)
    limit = float(np.sqrt(6.0 / (D_FEAT + UNITS)))
    kernel = jax.random.uniform(k4, (D_FEAT, UNITS), minval=-limit, maxval=limit, dtype=jnp.float32)
    bias = jnp.zeros((UNITS,), dtype=jnp.float32)
    return {"x": x, "edge_index": edge_index, "edge_weight": edge_weight, "kernel": kernel, "bias": bias}


def reference(x, edge_index, edge_weight, kernel, bias):
    # GraphConvolution.call (inference: dropout is a no-op):
    #   output = (A @ features) @ kernel + bias; act = relu(output)
    # Sparse A @ X implemented as gather(src) * w -> scatter-add(dst)
    src = edge_index[0]
    dst = edge_index[1]
    msgs = x[src] * edge_weight[:, None]               # gather (SparseCore)
    agg = jax.ops.segment_sum(msgs, dst, num_segments=N_NODES)  # scatter-add
    out = agg @ kernel
    out = out + bias
    return jax.nn.relu(out)

if __name__ == "__main__":
    import jax
    _d = setup_inputs()
    print(jax.jit(kernel)(*tuple(_d.values())))

</pallas_src>

<mosaic_0001>
#map = affine_map<(d0, d1) -> (0, 0)>
#map1 = affine_map<(d0, d1) -> (0)>
#map2 = affine_map<(d0, d1) -> (0, 0, 0)>
module attributes {stable_mosaic.version = 14 : i64} {
  func.func @k(%arg0: i32, %arg1: i32, %arg2: memref<10000x128xf32, #tpu.memory_space<hbm>>, %arg3: memref<320000xi32, #tpu.memory_space<hbm>>, %arg4: memref<320000xi32, #tpu.memory_space<hbm>>, %arg5: memref<320000xf32, #tpu.memory_space<hbm>>, %arg6: memref<10000x128xf32, #tpu.memory_space<hbm>>, %arg7: memref<2x10000x128xf32, #tpu.memory_space<hbm>>, %arg8: memref<128x128xf32, #tpu.memory_space<vmem>>, %arg9: memref<128x128xf32, #tpu.memory_space<vmem>>, %arg10: memref<128xi32, #tpu.memory_space<vmem>>, %arg11: memref<128xi32, #tpu.memory_space<vmem>>, %arg12: memref<128xi32, #tpu.memory_space<vmem>>, %arg13: memref<128xi32, #tpu.memory_space<vmem>>, %arg14: memref<128xi32, #tpu.memory_space<vmem>>, %arg15: memref<128xi32, #tpu.memory_space<vmem>>, %arg16: memref<128xi32, #tpu.memory_space<vmem>>, %arg17: memref<128xi32, #tpu.memory_space<vmem>>, %arg18: memref<128xf32, #tpu.memory_space<vmem>>, %arg19: memref<128xf32, #tpu.memory_space<vmem>>, %arg20: memref<128xf32, #tpu.memory_space<vmem>>, %arg21: memref<128xf32, #tpu.memory_space<vmem>>, %arg22: memref<16xi32, #tpu.memory_space<vmem>>, %arg23: memref<16xi32, #tpu.memory_space<vmem>>, %arg24: memref<16xf32, #tpu.memory_space<vmem>>, %arg25: memref<16x128xf32, #tpu.memory_space<vmem>>, %arg26: memref<10000x128xf32, #tpu.memory_space<vmem_shared>>, %arg27: memref<!tpu.dma_semaphore, #tpu.memory_space<semaphore_mem>>, %arg28: memref<!tpu.dma_semaphore, #tpu.memory_space<semaphore_mem>>, %arg29: memref<!tpu.dma_semaphore, #tpu.memory_space<semaphore_mem>>, %arg30: memref<!tpu.dma_semaphore, #tpu.memory_space<semaphore_mem>>, %arg31: memref<!tpu.dma_semaphore, #tpu.memory_space<semaphore_mem>>, %arg32: memref<!tpu.dma_semaphore, #tpu.memory_space<semaphore_mem>>, %arg33: memref<!tpu.dma_semaphore, #tpu.memory_space<semaphore_mem>>) attributes {dimension_semantics = [#tpu.dimension_semantics<core_parallel>, #tpu.dimension_semantics<subcore_parallel>], iteration_bounds = array<i64: 2, 16>, scalar_prefetch = 0 : i64, scratch_operands = 26 : i64, tpu.core_type = #tpu.core_type<sc_vector_subcore>, window_params = [{transform_indices = #map}, {transform_indices = #map1}, {transform_indices = #map1}, {transform_indices = #map1}, {transform_indices = #map}, {transform_indices = #map2}]} {
    %mul3A = arith.constant 16 : i32
    %mul3A_0 = arith.muli %arg0, %mul3A : i32
    %add3A = arith.addi %mul3A_0, %arg1 : i32
    %mul3A_1 = arith.constant 10000 : i32
    %mul3A_2 = arith.muli %add3A, %mul3A_1 : i32
    %mul3A_3 = arith.constant 640 : i32
    %mul3A_4 = arith.muli %arg1, %mul3A_3 : i32
    %min3A = arith.constant 9360 : i32
    %min3A_5 = arith.minsi %mul3A_4, %min3A : i32
    "tpu.region"() ({
      %run_scoped3A = tpu.sem_alloc : memref<!tpu.dma_semaphore, #tpu.memory_space<semaphore_mem>>
      %dma_start3A_460 = arith.constant 0 : i32
      %dma_start3A_461 = tpu.memref_slice %arg26[%min3A_5, %dma_start3A_460] : memref<10000x128xf32, #tpu.memory_space<vmem_shared>> -> memref<640x128xf32, #tpu.memory_space<vmem_shared>>
      %dma_start3A_462 = arith.constant 0 : i32
      %dma_start3A_463 = tpu.memref_slice %arg6[%min3A_5, %dma_start3A_462] : memref<10000x128xf32, #tpu.memory_space<hbm>> -> memref<640x128xf32, #tpu.memory_space<hbm>>
      tpu.enqueue_dma source(%dma_start3A_463 : memref<640x128xf32, #tpu.memory_space<hbm>>) target(%dma_start3A_461 : memref<640x128xf32, #tpu.memory_space<vmem_shared>>) target_semaphore(%run_scoped3A : memref<!tpu.dma_semaphore, #tpu.memory_space<semaphore_mem>>)
      %dma_wait3A_464 = arith.constant 0 : i32
      %dma_wait3A_465 = tpu.memref_slice %arg26[%min3A_5, %dma_wait3A_464] : memref<10000x128xf32, #tpu.memory_space<vmem_shared>> -> memref<640x128xf32, #tpu.memory_space<vmem_shared>>
      %dma_wait3A_466 = arith.constant 0 : i32
      %dma_wait3A_467 = tpu.memref_slice %arg6[%min3A_5, %dma_wait3A_466] : memref<10000x128xf32, #tpu.memory_space<hbm>> -> memref<640x128xf32, #tpu.memory_space<hbm>>
      tpu.wait_dma2 semaphore(%run_scoped3A : memref<!tpu.dma_semaphore, #tpu.memory_space<semaphore_mem>>) src(%dma_wait3A_467 : memref<640x128xf32, #tpu.memory_space<hbm>>) dst(%dma_wait3A_465 : memref<640x128xf32, #tpu.memory_space<vmem_shared>>)
      tpu.yield
    }) : () -> ()
    %barrier3A = arith.constant 0 : index
    tpu.barrier barrier_id(%barrier3A)
    %add3A_6 = arith.constant 0 : i32
    %add3A_7 = arith.addi %mul3A_2, %add3A_6 : i32
    %dma_start3A = tpu.memref_slice %arg3[%add3A_7] : memref<320000xi32, #tpu.memory_space<hbm>> -> memref<128xi32, #tpu.memory_space<hbm>>
    %dma_start3A_8 = tpu.memref_slice %arg3[%add3A_7] : memref<320000xi32, #tpu.memory_space<hbm>> -> memref<128xi32, #tpu.memory_space<hbm>>
    tpu.enqueue_dma source(%dma_start3A_8 : memref<128xi32, #tpu.memory_space<hbm>>) target(%arg10 : memref<128xi32, #tpu.memory_space<vmem>>) target_semaphore(%arg30 : memref<!tpu.dma_semaphore, #tpu.memory_space<semaphore_mem>>)
    %dma_start3A_9 = tpu.memref_slice %arg4[%add3A_7] : memref<320000xi32, #tpu.memory_space<hbm>> -> memref<128xi32, #tpu.memory_space<hbm>>
    %dma_start3A_10 = tpu.memref_slice %arg4[%add3A_7] : memref<320000xi32, #tpu.memory_space<hbm>> -> memref<128xi32, #tpu.memory_space<hbm>>
    tpu.enqueue_dma source(%dma_start3A_10 : memref<128xi32, #tpu.memory_space<hbm>>) target(%arg14 : memref<128xi32, #tpu.memory_space<vmem>>) target_semaphore(%arg30 : memref<!tpu.dma_semaphore, #tpu.memory_space<semaphore_mem>>)
    %dma_start3A_11 = tpu.memref_slice %arg5[%add3A_7] : memref<320000xf32, #tpu.memory_space<hbm>> -> memref<128xf32, #tpu.memory_space<hbm>>
    %dma_start3A_12 = tpu.memref_slice %arg5[%add3A_7] : memref<320000xf32, #tpu.memory_space<hbm>> -> memref<128xf32, #tpu.memory_space<hbm>>
    tpu.enqueue_dma source(%dma_start3A_12 : memref<128xf32, #tpu.memory_space<hbm>>) target(%arg18 : memref<128xf32, #tpu.memory_space<vmem>>) target_semaphore(%arg30 : memref<!tpu.dma_semaphore, #tpu.memory_space<semaphore_mem>>)
    %add3A_13 = arith.constant 128 : i32
    %add3A_14 = arith.addi %mul3A_2, %add3A_13 : i32
    %dma_start3A_15 = tpu.memref_slice %arg3[%add3A_14] : memref<320000xi32, #tpu.memory_space<hbm>> -> memref<128xi32, #tpu.memory_space<hbm>>
    %dma_start3A_16 = tpu.memref_slice %arg3[%add3A_14] : memref<320000xi32, #tpu.memory_space<hbm>> -> memref<128xi32, #tpu.memory_space<hbm>>
    tpu.enqueue_dma source(%dma_start3A_16 : memref<128xi32, #tpu.memory_space<hbm>>) target(%arg11 : memref<128xi32, #tpu.memory_space<vmem>>) target_semaphore(%arg31 : memref<!tpu.dma_semaphore, #tpu.memory_space<semaphore_mem>>)
    %dma_start3A_17 = tpu.memref_slice %arg4[%add3A_14] : memref<320000xi32, #tpu.memory_space<hbm>> -> memref<128xi32, #tpu.memory_space<hbm>>
    %dma_start3A_18 = tpu.memref_slice %arg4[%add3A_14] : memref<320000xi32, #tpu.memory_space<hbm>> -> memref<128xi32, #tpu.memory_space<hbm>>
    tpu.enqueue_dma source(%dma_start3A_18 : memref<128xi32, #tpu.memory_space<hbm>>) target(%arg15 : memref<128xi32, #tpu.memory_space<vmem>>) target_semaphore(%arg31 : memref<!tpu.dma_semaphore, #tpu.memory_space<semaphore_mem>>)
    %dma_start3A_19 = tpu.memref_slice %arg5[%add3A_14] : memref<320000xf32, #tpu.memory_space<hbm>> -> memref<128xf32, #tpu.memory_space<hbm>>
    %dma_start3A_20 = tpu.memref_slice %arg5[%add3A_14] : memref<320000xf32, #tpu.memory_space<hbm>> -> memref<128xf32, #tpu.memory_space<hbm>>
    tpu.enqueue_dma source(%dma_start3A_20 : memref<128xf32, #tpu.memory_space<hbm>>) target(%arg19 : memref<128xf32, #tpu.memory_space<vmem>>) target_semaphore(%arg31 : memref<!tpu.dma_semaphore, #tpu.memory_space<semaphore_mem>>)
    %dma_wait3A = arith.constant 0 : i32
    %dma_wait3A_21 = tpu.memref_slice %arg5[%dma_wait3A] : memref<320000xf32, #tpu.memory_space<hbm>> -> memref<128xf32, #tpu.memory_space<hbm>>
    %dma_wait3A_22 = arith.constant 0 : i32
    %dma_wait3A_23 = tpu.memref_slice %arg5[%dma_wait3A_22] : memref<320000xf32, #tpu.memory_space<hbm>> -> memref<128xf32, #tpu.memory_space<hbm>>
    tpu.wait_dma2 semaphore(%arg30 : memref<!tpu.dma_semaphore, #tpu.memory_space<semaphore_mem>>) src(%dma_wait3A_23 : memref<128xf32, #tpu.memory_space<hbm>>) dst(%arg10 : memref<128xi32, #tpu.memory_space<vmem>>)
    %dma_wait3A_24 = arith.constant 0 : i32
    %dma_wait3A_25 = tpu.memref_slice %arg5[%dma_wait3A_24] : memref<320000xf32, #tpu.memory_space<hbm>> -> memref<128xf32, #tpu.memory_space<hbm>>
    %dma_wait3A_26 = arith.constant 0 : i32
    %dma_wait3A_27 = tpu.memref_slice %arg5[%dma_wait3A_26] : memref<320000xf32, #tpu.memory_space<hbm>> -> memref<128xf32, #tpu.memory_space<hbm>>
    tpu.wait_dma2 semaphore(%arg30 : memref<!tpu.dma_semaphore, #tpu.memory_space<semaphore_mem>>) src(%dma_wait3A_27 : memref<128xf32, #tpu.memory_space<hbm>>) dst(%arg14 : memref<128xi32, #tpu.memory_space<vmem>>)
    %dma_wait3A_28 = arith.constant 0 : i32
    %dma_wait3A_29 = tpu.memref_slice %arg5[%dma_wait3A_28] : memref<320000xf32, #tpu.memory_space<hbm>> -> memref<128xf32, #tpu.memory_space<hbm>>
    %dma_wait3A_30 = arith.constant 0 : i32
    %dma_wait3A_31 = tpu.memref_slice %arg5[%dma_wait3A_30] : memref<320000xf32, #tpu.memory_space<hbm>> -> memref<128xf32, #tpu.memory_space<hbm>>
    tpu.wait_dma2 semaphore(%arg30 : memref<!tpu.dma_semaphore, #tpu.memory_space<semaphore_mem>>) src(%dma_wait3A_31 : memref<128xf32, #tpu.memory_space<hbm>>) dst(%arg18 : memref<128xf32, #tpu.memory_space<vmem>>)
    %dma_start3A_32 = arith.constant 0 : i32
    %dma_start3A_33 = arith.constant 0 : i32
    %dma_start3A_34 = tpu.memref_slice %arg2[%dma_start3A_32, %dma_start3A_33] : memref<10000x128xf32, #tpu.memory_space<hbm>> -> memref<10000x128xf32, #tpu.memory_space<hbm>>
    tpu.enqueue_indirect_dma source(%dma_start3A_34 : memref<10000x128xf32, #tpu.memory_space<hbm>>) target(%arg8 : memref<128x128xf32, #tpu.memory_space<vmem>>) offsets(%arg10 : memref<128xi32, #tpu.memory_space<vmem>>) semaphore(%arg27 : memref<!tpu.dma_semaphore, #tpu.memory_space<semaphore_mem>>)
    %dma_wait3A_35 = arith.constant 0 : i32
    %dma_wait3A_36 = arith.constant 0 : i32
    %dma_wait3A_37 = tpu.memref_slice %arg2[%dma_wait3A_35, %dma_wait3A_36] : memref<10000x128xf32, #tpu.memory_space<hbm>> -> memref<128x128xf32, #tpu.memory_space<hbm>>
    %dma_wait3A_38 = arith.constant 0 : i32
    %dma_wait3A_39 = arith.constant 0 : i32
    %dma_wait3A_40 = tpu.memref_slice %arg2[%dma_wait3A_38, %dma_wait3A_39] : memref<10000x128xf32, #tpu.memory_space<hbm>> -> memref<128x128xf32, #tpu.memory_space<hbm>>
    tpu.wait_dma2 semaphore(%arg27 : memref<!tpu.dma_semaphore, #tpu.memory_space<semaphore_mem>>) src(%dma_wait3A_40 : memref<128x128xf32, #tpu.memory_space<hbm>>) dst(%arg8 : memref<128x128xf32, #tpu.memory_space<vmem>>)
    %add3A_41 = arith.constant 256 : i32
    %add3A_42 = arith.addi %mul3A_2, %add3A_41 : i32
    %dma_start3A_43 = tpu.memref_slice %arg3[%add3A_42] : memref<320000xi32, #tpu.memory_space<hbm>> -> memref<128xi32, #tpu.memory_space<hbm>>
    %dma_start3A_44 = tpu.memref_slice %arg3[%add3A_42] : memref<320000xi32, #tpu.memory_space<hbm>> -> memref<128xi32, #tpu.memory_space<hbm>>
    tpu.enqueue_dma source(%dma_start3A_44 : memref<128xi32, #tpu.memory_space<hbm>>) target(%arg12 : memref<128xi32, #tpu.memory_space<vmem>>) target_semaphore(%arg32 : memref<!tpu.dma_semaphore, #tpu.memory_space<semaphore_mem>>)
    %dma_start3A_45 = tpu.memref_slice %arg4[%add3A_42] : memref<320000xi32, #tpu.memory_space<hbm>> -> memref<128xi32, #tpu.memory_space<hbm>>
    %dma_start3A_46 = tpu.memref_slice %arg4[%add3A_42] : memref<320000xi32, #tpu.memory_space<hbm>> -> memref<128xi32, #tpu.memory_space<hbm>>
    tpu.enqueue_dma source(%dma_start3A_46 : memref<128xi32, #tpu.memory_space<hbm>>) target(%arg16 : memref<128xi32, #tpu.memory_space<vmem>>) target_semaphore(%arg32 : memref<!tpu.dma_semaphore, #tpu.memory_space<semaphore_mem>>)
    %dma_start3A_47 = tpu.memref_slice %arg5[%add3A_42] : memref<320000xf32, #tpu.memory_space<hbm>> -> memref<128xf32, #tpu.memory_space<hbm>>
    %dma_start3A_48 = tpu.memref_slice %arg5[%add3A_42] : memref<320000xf32, #tpu.memory_space<hbm>> -> memref<128xf32, #tpu.memory_space<hbm>>
    tpu.enqueue_dma source(%dma_start3A_48 : memref<128xf32, #tpu.memory_space<hbm>>) target(%arg20 : memref<128xf32, #tpu.memory_space<vmem>>) target_semaphore(%arg32 : memref<!tpu.dma_semaphore, #tpu.memory_space<semaphore_mem>>)
    %dma_wait3A_49 = arith.constant 0 : i32
    %dma_wait3A_50 = tpu.memref_slice %arg5[%dma_wait3A_49] : memref<320000xf32, #tpu.memory_space<hbm>> -> memref<128xf32, #tpu.memory_space<hbm>>
    %dma_wait3A_51 = arith.constant 0 : i32
    %dma_wait3A_52 = tpu.memref_slice %arg5[%dma_wait3A_51] : memref<320000xf32, #tpu.memory_space<hbm>> -> memref<128xf32, #tpu.memory_space<hbm>>
    tpu.wait_dma2 semaphore(%arg31 : memref<!tpu.dma_semaphore, #tpu.memory_space<semaphore_mem>>) src(%dma_wait3A_52 : memref<128xf32, #tpu.memory_space<hbm>>) dst(%arg11 : memref<128xi32, #tpu.memory_space<vmem>>)
    %dma_wait3A_53 = arith.constant 0 : i32
    %dma_wait3A_54 = tpu.memref_slice %arg5[%dma_wait3A_53] : memref<320000xf32, #tpu.memory_space<hbm>> -> memref<128xf32, #tpu.memory_space<hbm>>
    %dma_wait3A_55 = arith.constant 0 : i32
    %dma_wait3A_56 = tpu.memref_slice %arg5[%dma_wait3A_55] : memref<320000xf32, #tpu.memory_space<hbm>> -> memref<128xf32, #tpu.memory_space<hbm>>
    tpu.wait_dma2 semaphore(%arg31 : memref<!tpu.dma_semaphore, #tpu.memory_space<semaphore_mem>>) src(%dma_wait3A_56 : memref<128xf32, #tpu.memory_space<hbm>>) dst(%arg15 : memref<128xi32, #tpu.memory_space<vmem>>)
    %dma_wait3A_57 = arith.constant 0 : i32
    %dma_wait3A_58 = tpu.memref_slice %arg5[%dma_wait3A_57] : memref<320000xf32, #tpu.memory_space<hbm>> -> memref<128xf32, #tpu.memory_space<hbm>>
    %dma_wait3A_59 = arith.constant 0 : i32
    %dma_wait3A_60 = tpu.memref_slice %arg5[%dma_wait3A_59] : memref<320000xf32, #tpu.memory_space<hbm>> -> memref<128xf32, #tpu.memory_space<hbm>>
    tpu.wait_dma2 semaphore(%arg31 : memref<!tpu.dma_semaphore, #tpu.memory_space<semaphore_mem>>) src(%dma_wait3A_60 : memref<128xf32, #tpu.memory_space<hbm>>) dst(%arg19 : memref<128xf32, #tpu.memory_space<vmem>>)
    %dma_start3A_61 = arith.constant 0 : i32
    %dma_start3A_62 = arith.constant 0 : i32
    %dma_start3A_63 = tpu.memref_slice %arg2[%dma_start3A_61, %dma_start3A_62] : memref<10000x128xf32, #tpu.memory_space<hbm>> -> memref<10000x128xf32, #tpu.memory_space<hbm>>
    tpu.enqueue_indirect_dma source(%dma_start3A_63 : memref<10000x128xf32, #tpu.memory_space<hbm>>) target(%arg9 : memref<128x128xf32, #tpu.memory_space<vmem>>) offsets(%arg11 : memref<128xi32, #tpu.memory_space<vmem>>) semaphore(%arg27 : memref<!tpu.dma_semaphore, #tpu.memory_space<semaphore_mem>>)
    %scan3A = arith.constant 0 : i32
    %scan3A_64 = arith.constant 0 : i32
    %scan3A_65 = arith.constant 8 : i32
    %scan3A_66 = arith.addi %scan3A_64, %scan3A_65 : i32
    %scan3A_67 = arith.constant 1 : i32
    scf.for %scan3A_460 = %scan3A_64 to %scan3A_66 step %scan3A_67  : i32 {
      %mul3A_461 = arith.constant 16 : i32
      %mul3A_462 = arith.muli %scan3A_460, %mul3A_461 : i32
      %get3A_463 = arith.index_cast %mul3A_462 : i32 to index
      %get3A_464 = tpu.vector_load %arg18[%get3A_463] {strides = array<i32>} : memref<128xf32, #tpu.memory_space<vmem>>, vector<16xf32>,
      %get3A_465 = vector.shape_cast %get3A_464 : vector<16xf32> to vector<16xf32>
      %scan3A_466 = arith.constant 0 : i32
      %scan3A_467 = arith.constant 16 : i32
      %scan3A_468 = arith.addi %scan3A_466, %scan3A_467 : i32
      %scan3A_469 = arith.constant 1 : i32
      scf.for %scan3A_471 = %scan3A_466 to %scan3A_468 step %scan3A_469  : i32 {
        %mul3A_472 = arith.constant 16 : i32
        %mul3A_473 = arith.muli %scan3A_460, %mul3A_472 : i32
        %add3A_474 = arith.addi %mul3A_473, %scan3A_471 : i32
        %broadcast_in_dim3A = arith.constant 0 : i32
        %broadcast_in_dim3A_475 = vector.broadcast %broadcast_in_dim3A : i32 to vector<16xi32>
        %add3A_476 = vector.broadcast %scan3A_471 : i32 to vector<16xi32>
        %add3A_477 = arith.addi %broadcast_in_dim3A_475, %add3A_476 : vector<16xi32>
        %lt3A = arith.constant 0 : i32
        %lt3A_478 = vector.broadcast %lt3A : i32 to vector<16xi32>
        %lt3A_479 = arith.cmpi slt, %add3A_477, %lt3A_478 : vector<16xi32>
        %add3A_480 = arith.constant 16 : i32
        %add3A_481 = vector.broadcast %add3A_480 : i32 to vector<16xi32>
        %add3A_482 = arith.addi %add3A_477, %add3A_481 : vector<16xi32>
        %select_n3A = arith.select %lt3A_479, %add3A_482, %add3A_477 : vector<16xi1>, vector<16xi32>
        %broadcast_in_dim3A_483 = vector.shape_cast %select_n3A : vector<16xi32> to vector<16x1xi32>
        %gather3A = vector.shape_cast %broadcast_in_dim3A_483 : vector<16x1xi32> to vector<16xi32>
        %gather3A_484 = tpu.dynamic_gather %get3A_465[%gather3A] in [0] : vector<16xf32>, vector<16xi32> -> vector<16xf32>
        %get3A_485 = arith.index_cast %add3A_474 : i32 to index
        %get3A_486 = arith.constant 0 : index
        %get3A_487 = tpu.vector_load %arg8[%get3A_485, %get3A_486] {strides = array<i32>} : memref<128x128xf32, #tpu.memory_space<vmem>>, vector<1x16xf32>,
        %get3A_488 = vector.shape_cast %get3A_487 : vector<1x16xf32> to vector<16xf32>
        %mul3A_489 = arith.mulf %get3A_488, %gather3A_484 : vector<16xf32>
        %swap3A = arith.index_cast %add3A_474 : i32 to index
        %swap3A_490 = arith.constant 0 : index
        %swap3A_491 = tpu.vector_load %arg8[%swap3A, %swap3A_490] {strides = array<i32>} : memref<128x128xf32, #tpu.memory_space<vmem>>, vector<1x16xf32>,
        %swap3A_492 = vector.shape_cast %swap3A_491 : vector<1x16xf32> to vector<16xf32>
        %swap3A_493 = vector.shape_cast %mul3A_489 : vector<16xf32> to vector<1x16xf32>
        tpu.vector_store %arg8[%swap3A, %swap3A_490], %swap3A_493 {strides = array<i32>} : memref<128x128xf32, #tpu.memory_space<vmem>>, vector<1x16xf32>,
        %get3A_494 = arith.index_cast %add3A_474 : i32 to index
        %get3A_495 = arith.constant 16 : index
        %get3A_496 = tpu.vector_load %arg8[%get3A_494, %get3A_495] {strides = array<i32>} : memref<128x128xf32, #tpu.memory_space<vmem>>, vector<1x16xf32>,
        %get3A_497 = vector.shape_cast %get3A_496 : vector<1x16xf32> to vector<16xf32>
        %mul3A_498 = arith.mulf %get3A_497, %gather3A_484 : vector<16xf32>
        %swap3A_499 = arith.index_cast %add3A_474 : i32 to index
        %swap3A_500 = arith.constant 16 : index
        %swap3A_501 = tpu.vector_load %arg8[%swap3A_499, %swap3A_500] {strides = array<i32>} : memref<128x128xf32, #tpu.memory_space<vmem>>, vector<1x16xf32>,
        %swap3A_502 = vector.shape_cast %swap3A_501 : vector<1x16xf32> to vector<16xf32>
        %swap3A_503 = vector.shape_cast %mul3A_498 : vector<16xf32> to vector<1x16xf32>
        tpu.vector_store %arg8[%swap3A_499, %swap3A_500], %swap3A_503 {strides = array<i32>} : memref<128x128xf32, #tpu.memory_space<vmem>>, vector<1x16xf32>,
        %get3A_504 = arith.index_cast %add3A_474 : i32 to index
        %get3A_505 = arith.constant 32 : index
        %get3A_506 = tpu.vector_load %arg8[%get3A_504, %get3A_505] {strides = array<i32>} : memref<128x128xf32, #tpu.memory_space<vmem>>, vector<1x16xf32>,
        %get3A_507 = vector.shape_cast %get3A_506 : vector<1x16xf32> to vector<16xf32>
        %mul3A_508 = arith.mulf %get3A_507, %gather3A_484 : vector<16xf32>
        %swap3A_509 = arith.index_cast %add3A_474 : i32 to index
        %swap3A_510 = arith.constant 32 : index
        %swap3A_511 = tpu.vector_load %arg8[%swap3A_509, %swap3A_510] {strides = array<i32>} : memref<128x128xf32, #tpu.memory_space<vmem>>, vector<1x16xf32>,
        %swap3A_512 = vector.shape_cast %swap3A_511 : vector<1x16xf32> to vector<16xf32>
        %swap3A_513 = vector.shape_cast %mul3A_508 : vector<16xf32> to vector<1x16xf32>
        tpu.vector_store %arg8[%swap3A_509, %swap3A_510], %swap3A_513 {strides = array<i32>} : memref<128x128xf32, #tpu.memory_space<vmem>>, vector<1x16xf32>,
        %get3A_514 = arith.index_cast %add3A_474 : i32 to index
        %get3A_515 = arith.constant 48 : index
        %get3A_516 = tpu.vector_load %arg8[%get3A_514, %get3A_515] {strides = array<i32>} : memref<128x128xf32, #tpu.memory_space<vmem>>, vector<1x16xf32>,
        %get3A_517 = vector.shape_cast %get3A_516 : vector<1x16xf32> to vector<16xf32>
        %mul3A_518 = arith.mulf %get3A_517, %gather3A_484 : vector<16xf32>
        %swap3A_519 = arith.index_cast %add3A_474 : i32 to index
        %swap3A_520 = arith.constant 48 : index
        %swap3A_521 = tpu.vector_load %arg8[%swap3A_519, %swap3A_520] {strides = array<i32>} : memref<128x128xf32, #tpu.memory_space<vmem>>, vector<1x16xf32>,
        %swap3A_522 = vector.shape_cast %swap3A_521 : vector<1x16xf32> to vector<16xf32>
        %swap3A_523 = vector.shape_cast %mul3A_518 : vector<16xf32> to vector<1x16xf32>
        tpu.vector_store %arg8[%swap3A_519, %swap3A_520], %swap3A_523 {strides = array<i32>} : memref<128x128xf32, #tpu.memory_space<vmem>>, vector<1x16xf32>,
        %get3A_524 = arith.index_cast %add3A_474 : i32 to index
        %get3A_525 = arith.constant 64 : index
        %get3A_526 = tpu.vector_load %arg8[%get3A_524, %get3A_525] {strides = array<i32>} : memref<128x128xf32, #tpu.memory_space<vmem>>, vector<1x16xf32>,
        %get3A_527 = vector.shape_cast %get3A_526 : vector<1x16xf32> to vector<16xf32>
        %mul3A_528 = arith.mulf %get3A_527, %gather3A_484 : vector<16xf32>
        %swap3A_529 = arith.index_cast %add3A_474 : i32 to index
        %swap3A_530 = arith.constant 64 : index
        %swap3A_531 = tpu.vector_load %arg8[%swap3A_529, %swap3A_530] {strides = array<i32>} : memref<128x128xf32, #tpu.memory_space<vmem>>, vector<1x16xf32>,
        %swap3A_532 = vector.shape_cast %swap3A_531 : vector<1x16xf32> to vector<16xf32>
        %swap3A_533 = vector.shape_cast %mul3A_528 : vector<16xf32> to vector<1x16xf32>
        tpu.vector_store %arg8[%swap3A_529, %swap3A_530], %swap3A_533 {strides = array<i32>} : memref<128x128xf32, #tpu.memory_space<vmem>>, vector<1x16xf32>,
        %get3A_534 = arith.index_cast %add3A_474 : i32 to index
        %get3A_535 = arith.constant 80 : index
        %get3A_536 = tpu.vector_load %arg8[%get3A_534, %get3A_535] {strides = array<i32>} : memref<128x128xf32, #tpu.memory_space<vmem>>, vector<1x16xf32>,
        %get3A_537 = vector.shape_cast %get3A_536 : vector<1x16xf32> to vector<16xf32>
        %mul3A_538 = arith.mulf %get3A_537, %gather3A_484 : vector<16xf32>
        %swap3A_539 = arith.index_cast %add3A_474 : i32 to index
        %swap3A_540 = arith.constant 80 : index
        %swap3A_541 = tpu.vector_load %arg8[%swap3A_539, %swap3A_540] {strides = array<i32>} : memref<128x128xf32, #tpu.memory_space<vmem>>, vector<1x16xf32>,
        %swap3A_542 = vector.shape_cast %swap3A_541 : vector<1x16xf32> to vector<16xf32>
        %swap3A_543 = vector.shape_cast %mul3A_538 : vector<16xf32> to vector<1x16xf32>
        tpu.vector_store %arg8[%swap3A_539, %swap3A_540], %swap3A_543 {strides = array<i32>} : memref<128x128xf32, #tpu.memory_space<vmem>>, vector<1x16xf32>,
        %get3A_544 = arith.index_cast %add3A_474 : i32 to index
        %get3A_545 = arith.constant 96 : index
        %get3A_546 = tpu.vector_load %arg8[%get3A_544, %get3A_545] {strides = array<i32>} : memref<128x128xf32, #tpu.memory_space<vmem>>, vector<1x16xf32>,
        %get3A_547 = vector.shape_cast %get3A_546 : vector<1x16xf32> to vector<16xf32>
        %mul3A_548 = arith.mulf %get3A_547, %gather3A_484 : vector<16xf32>
        %swap3A_549 = arith.index_cast %add3A_474 : i32 to index
        %swap3A_550 = arith.constant 96 : index
        %swap3A_551 = tpu.vector_load %arg8[%swap3A_549, %swap3A_550] {strides = array<i32>} : memref<128x128xf32, #tpu.memory_space<vmem>>, vector<1x16xf32>,
        %swap3A_552 = vector.shape_cast %swap3A_551 : vector<1x16xf32> to vector<16xf32>
        %swap3A_553 = vector.shape_cast %mul3A_548 : vector<16xf32> to vector<1x16xf32>
        tpu.vector_store %arg8[%swap3A_549, %swap3A_550], %swap3A_553 {strides = array<i32>} : memref<128x128xf32, #tpu.memory_space<vmem>>, vector<1x16xf32>,
        %get3A_554 = arith.index_cast %add3A_474 : i32 to index
        %get3A_555 = arith.constant 112 : index
        %get3A_556 = tpu.vector_load %arg8[%get3A_554, %get3A_555] {strides = array<i32>} : memref<128x128xf32, #tpu.memory_space<vmem>>, vector<1x16xf32>,
        %get3A_557 = vector.shape_cast %get3A_556 : vector<1x16xf32> to vector<16xf32>
        %mul3A_558 = arith.mulf %get3A_557, %gather3A_484 : vector<16xf32>
        %swap3A_559 = arith.index_cast %add3A_474 : i32 to index
        %swap3A_560 = arith.constant 112 : index
        %swap3A_561 = tpu.vector_load %arg8[%swap3A_559, %swap3A_560] {strides = array<i32>} : memref<128x128xf32, #tpu.memory_space<vmem>>, vector<1x16xf32>,
        %swap3A_562 = vector.shape_cast %swap3A_561 : vector<1x16xf32> to vector<16xf32>
        %swap3A_563 = vector.shape_cast %mul3A_558 : vector<16xf32> to vector<1x16xf32>
        tpu.vector_store %arg8[%swap3A_559, %swap3A_560], %swap3A_563 {strides = array<i32>} : memref<128x128xf32, #tpu.memory_space<vmem>>, vector<1x16xf32>,
      }
      %scan3A_470 = arith.constant 16 : i32
    }
    %scan3A_68 = arith.constant 8 : i32
    %dma_start3A_69 = arith.constant 0 : i32
    %dma_start3A_70 = arith.constant 0 : i32
    %dma_start3A_71 = tpu.memref_slice %arg26[%dma_start3A_69, %dma_start3A_70] : memref<10000x128xf32, #tpu.memory_space<vmem_shared>> -> memref<10000x128xf32, #tpu.memory_space<vmem_shared>>
    tpu.enqueue_indirect_dma source(%arg8 : memref<128x128xf32, #tpu.memory_space<vmem>>) target(%dma_start3A_71 : memref<10000x128xf32, #tpu.memory_space<vmem_shared>>) offsets(%arg14 : memref<128xi32, #tpu.memory_space<vmem>>) semaphore(%arg28 : memref<!tpu.dma_semaphore, #tpu.memory_space<semaphore_mem>>) {add = true}
    %dma_wait3A_72 = arith.constant 0 : i32
    %dma_wait3A_73 = arith.constant 0 : i32
    %dma_wait3A_74 = tpu.memref_slice %arg2[%dma_wait3A_72, %dma_wait3A_73] : memref<10000x128xf32, #tpu.memory_space<hbm>> -> memref<128x128xf32, #tpu.memory_space<hbm>>
    %dma_wait3A_75 = arith.constant 0 : i32
    %dma_wait3A_76 = arith.constant 0 : i32
    %dma_wait3A_77 = tpu.memref_slice %arg2[%dma_wait3A_75, %dma_wait3A_76] : memref<10000x128xf32, #tpu.memory_space<hbm>> -> memref<128x128xf32, #tpu.memory_space<hbm>>
    tpu.wait_dma2 semaphore(%arg27 : memref<!tpu.dma_semaphore, #tpu.memory_space<semaphore_mem>>) src(%dma_wait3A_77 : memref<128x128xf32, #tpu.memory_space<hbm>>) dst(%arg9 : memref<128x128xf32, #tpu.memory_space<vmem>>)
    %dma_wait3A_78 = arith.constant 0 : i32
    %dma_wait3A_79 = arith.constant 0 : i32
    %dma_wait3A_80 = tpu.memref_slice %arg2[%dma_wait3A_78, %dma_wait3A_79] : memref<10000x128xf32, #tpu.memory_space<hbm>> -> memref<128x128xf32, #tpu.memory_space<hbm>>
    %dma_wait3A_81 = arith.constant 0 : i32
    %dma_wait3A_82 = arith.constant 0 : i32
    %dma_wait3A_83 = tpu.memref_slice %arg2[%dma_wait3A_81, %dma_wait3A_82] : memref<10000x128xf32, #tpu.memory_space<hbm>> -> memref<128x128xf32, #tpu.memory_space<hbm>>
    tpu.wait_dma2 semaphore(%arg28 : memref<!tpu.dma_semaphore, #tpu.memory_space<semaphore_mem>>) src(%dma_wait3A_83 : memref<128x128xf32, #tpu.memory_space<hbm>>) dst(%arg8 : memref<128x128xf32, #tpu.memory_space<vmem>>)
    %add3A_84 = arith.constant 384 : i32
    %add3A_85 = arith.addi %mul3A_2, %add3A_84 : i32
    %dma_start3A_86 = tpu.memref_slice %arg3[%add3A_85] : memref<320000xi32, #tpu.memory_space<hbm>> -> memref<128xi32, #tpu.memory_space<hbm>>
    %dma_start3A_87 = tpu.memref_slice %arg3[%add3A_85] : memref<320000xi32, #tpu.memory_space<hbm>> -> memref<128xi32, #tpu.memory_space<hbm>>
    tpu.enqueue_dma source(%dma_start3A_87 : memref<128xi32, #tpu.memory_space<hbm>>) target(%arg13 : memref<128xi32, #tpu.memory_space<vmem>>) target_semaphore(%arg33 : memref<!tpu.dma_semaphore, #tpu.memory_space<semaphore_mem>>)
    %dma_start3A_88 = tpu.memref_slice %arg4[%add3A_85] : memref<320000xi32, #tpu.memory_space<hbm>> -> memref<128xi32, #tpu.memory_space<hbm>>
    %dma_start3A_89 = tpu.memref_slice %arg4[%add3A_85] : memref<320000xi32, #tpu.memory_space<hbm>> -> memref<128xi32, #tpu.memory_space<hbm>>
    tpu.enqueue_dma source(%dma_start3A_89 : memref<128xi32, #tpu.memory_space<hbm>>) target(%arg17 : memref<128xi32, #tpu.memory_space<vmem>>) target_semaphore(%arg33 : memref<!tpu.dma_semaphore, #tpu.memory_space<semaphore_mem>>)
    %dma_start3A_90 = tpu.memref_slice %arg5[%add3A_85] : memref<320000xf32, #tpu.memory_space<hbm>> -> memref<128xf32, #tpu.memory_space<hbm>>
    %dma_start3A_91 = tpu.memref_slice %arg5[%add3A_85] : memref<320000xf32, #tpu.memory_space<hbm>> -> memref<128xf32, #tpu.memory_space<hbm>>
    tpu.enqueue_dma source(%dma_start3A_91 : memref<128xf32, #tpu.memory_space<hbm>>) target(%arg21 : memref<128xf32, #tpu.memory_space<vmem>>) target_semaphore(%arg33 : memref<!tpu.dma_semaphore, #tpu.memory_space<semaphore_mem>>)
    %dma_wait3A_92 = arith.constant 0 : i32
    %dma_wait3A_93 = tpu.memref_slice %arg5[%dma_wait3A_92] : memref<320000xf32, #tpu.memory_space<hbm>> -> memref<128xf32, #tpu.memory_space<hbm>>
    %dma_wait3A_94 = arith.constant 0 : i32
    %dma_wait3A_95 = tpu.memref_slice %arg5[%dma_wait3A_94] : memref<320000xf32, #tpu.memory_space<hbm>> -> memref<128xf32, #tpu.memory_space<hbm>>
    tpu.wait_dma2 semaphore(%arg32 : memref<!tpu.dma_semaphore, #tpu.memory_space<semaphore_mem>>) src(%dma_wait3A_95 : memref<128xf32, #tpu.memory_space<hbm>>) dst(%arg12 : memref<128xi32, #tpu.memory_space<vmem>>)
    %dma_wait3A_96 = arith.constant 0 : i32
    %dma_wait3A_97 = tpu.memref_slice %arg5[%dma_wait3A_96] : memref<320000xf32, #tpu.memory_space<hbm>> -> memref<128xf32, #tpu.memory_space<hbm>>
    %dma_wait3A_98 = arith.constant 0 : i32
    %dma_wait3A_99 = tpu.memref_slice %arg5[%dma_wait3A_98] : memref<320000xf32, #tpu.memory_space<hbm>> -> memref<128xf32, #tpu.memory_space<hbm>>
    tpu.wait_dma2 semaphore(%arg32 : memref<!tpu.dma_semaphore, #tpu.memory_space<semaphore_mem>>) src(%dma_wait3A_99 : memref<128xf32, #tpu.memory_space<hbm>>) dst(%arg16 : memref<128xi32, #tpu.memory_space<vmem>>)
    %dma_wait3A_100 = arith.constant 0 : i32
    %dma_wait3A_101 = tpu.memref_slice %arg5[%dma_wait3A_100] : memref<320000xf32, #tpu.memory_space<hbm>> -> memref<128xf32, #tpu.memory_space<hbm>>
    %dma_wait3A_102 = arith.constant 0 : i32
    %dma_wait3A_103 = tpu.memref_slice %arg5[%dma_wait3A_102] : memref<320000xf32, #tpu.memory_space<hbm>> -> memref<128xf32, #tpu.memory_space<hbm>>
    tpu.wait_dma2 semaphore(%arg32 : memref<!tpu.dma_semaphore, #tpu.memory_space<semaphore_mem>>) src(%dma_wait3A_103 : memref<128xf32, #tpu.memory_space<hbm>>) dst(%arg20 : memref<128xf32, #tpu.memory_space<vmem>>)
    %dma_start3A_104 = arith.constant 0 : i32
    %dma_start3A_105 = arith.constant 0 : i32
    %dma_start3A_106 = tpu.memref_slice %arg2[%dma_start3A_104, %dma_start3A_105] : memref<10000x128xf32, #tpu.memory_space<hbm>> -> memref<10000x128xf32, #tpu.memory_space<hbm>>
    tpu.enqueue_indirect_dma source(%dma_start3A_106 : memref<10000x128xf32, #tpu.memory_space<hbm>>) target(%arg8 : memref<128x128xf32, #tpu.memory_space<vmem>>) offsets(%arg12 : memref<128xi32, #tpu.memory_space<vmem>>) semaphore(%arg27 : memref<!tpu.dma_semaphore, #tpu.memory_space<semaphore_mem>>)
    %scan3A_107 = arith.constant 0 : i32
    %scan3A_108 = arith.constant 0 : i32
    %scan3A_109 = arith.constant 8 : i32
    %scan3A_110 = arith.addi %scan3A_108, %scan3A_109 : i32
    %scan3A_111 = arith.constant 1 : i32
    scf.for %scan3A_460 = %scan3A_108 to %scan3A_110 step %scan3A_111  : i32 {
      %mul3A_461 = arith.constant 16 : i32
      %mul3A_462 = arith.muli %scan3A_460, %mul3A_461 : i32
      %get3A_463 = arith.index_cast %mul3A_462 : i32 to index
      %get3A_464 = tpu.vector_load %arg19[%get3A_463] {strides = array<i32>} : memref<128xf32, #tpu.memory_space<vmem>>, vector<16xf32>,
      %get3A_465 = vector.shape_cast %get3A_464 : vector<16xf32> to vector<16xf32>
      %scan3A_466 = arith.constant 0 : i32
      %scan3A_467 = arith.constant 16 : i32
      %scan3A_468 = arith.addi %scan3A_466, %scan3A_467 : i32
      %scan3A_469 = arith.constant 1 : i32
      scf.for %scan3A_471 = %scan3A_466 to %scan3A_468 step %scan3A_469  : i32 {
        %mul3A_472 = arith.constant 16 : i32
        %mul3A_473 = arith.muli %scan3A_460, %mul3A_472 : i32
        %add3A_474 = arith.addi %mul3A_473, %scan3A_471 : i32
        %broadcast_in_dim3A = arith.constant 0 : i32
        %broadcast_in_dim3A_475 = vector.broadcast %broadcast_in_dim3A : i32 to vector<16xi32>
        %add3A_476 = vector.broadcast %scan3A_471 : i32 to vector<16xi32>
        %add3A_477 = arith.addi %broadcast_in_dim3A_475, %add3A_476 : vector<16xi32>
        %lt3A = arith.constant 0 : i32
        %lt3A_478 = vector.broadcast %lt3A : i32 to vector<16xi32>
        %lt3A_479 = arith.cmpi slt, %add3A_477, %lt3A_478 : vector<16xi32>
        %add3A_480 = arith.constant 16 : i32
        %add3A_481 = vector.broadcast %add3A_480 : i32 to vector<16xi32>
        %add3A_482 = arith.addi %add3A_477, %add3A_481 : vector<16xi32>
        %select_n3A = arith.select %lt3A_479, %add3A_482, %add3A_477 : vector<16xi1>, vector<16xi32>
        %broadcast_in_dim3A_483 = vector.shape_cast %select_n3A : vector<16xi32> to vector<16x1xi32>
        %gather3A = vector.shape_cast %broadcast_in_dim3A_483 : vector<16x1xi32> to vector<16xi32>
        %gather3A_484 = tpu.dynamic_gather %get3A_465[%gather3A] in [0] : vector<16xf32>, vector<16xi32> -> vector<16xf32>
        %get3A_485 = arith.index_cast %add3A_474 : i32 to index
        %get3A_486 = arith.constant 0 : index
        %get3A_487 = tpu.vector_load %arg9[%get3A_485, %get3A_486] {strides = array<i32>} : memref<128x128xf32, #tpu.memory_space<vmem>>, vector<1x16xf32>,
        %get3A_488 = vector.shape_cast %get3A_487 : vector<1x16xf32> to vector<16xf32>
        %mul3A_489 = arith.mulf %get3A_488, %gather3A_484 : vector<16xf32>
        %swap3A = arith.index_cast %add3A_474 : i32 to index
        %swap3A_490 = arith.constant 0 : index
        %swap3A_491 = tpu.vector_load %arg9[%swap3A, %swap3A_490] {strides = array<i32>} : memref<128x128xf32, #tpu.memory_space<vmem>>, vector<1x16xf32>,
        %swap3A_492 = vector.shape_cast %swap3A_491 : vector<1x16xf32> to vector<16xf32>
        %swap3A_493 = vector.shape_cast %mul3A_489 : vector<16xf32> to vector<1x16xf32>
        tpu.vector_store %arg9[%swap3A, %swap3A_490], %swap3A_493 {strides = array<i32>} : memref<128x128xf32, #tpu.memory_space<vmem>>, vector<1x16xf32>,
        %get3A_494 = arith.index_cast %add3A_474 : i32 to index
        %get3A_495 = arith.constant 16 : index
        %get3A_496 = tpu.vector_load %arg9[%get3A_494, %get3A_495] {strides = array<i32>} : memref<128x128xf32, #tpu.memory_space<vmem>>, vector<1x16xf32>,
        %get3A_497 = vector.shape_cast %get3A_496 : vector<1x16xf32> to vector<16xf32>
        %mul3A_498 = arith.mulf %get3A_497, %gather3A_484 : vector<16xf32>
        %swap3A_499 = arith.index_cast %add3A_474 : i32 to index
        %swap3A_500 = arith.constant 16 : index
        %swap3A_501 = tpu.vector_load %arg9[%swap3A_499, %swap3A_500] {strides = array<i32>} : memref<128x128xf32, #tpu.memory_space<vmem>>, vector<1x16xf32>,
        %swap3A_502 = vector.shape_cast %swap3A_501 : vector<1x16xf32> to vector<16xf32>
        %swap3A_503 = vector.shape_cast %mul3A_498 : vector<16xf32> to vector<1x16xf32>
        tpu.vector_store %arg9[%swap3A_499, %swap3A_500], %swap3A_503 {strides = array<i32>} : memref<128x128xf32, #tpu.memory_space<vmem>>, vector<1x16xf32>,
        %get3A_504 = arith.index_cast %add3A_474 : i32 to index
        %get3A_505 = arith.constant 32 : index
        %get3A_506 = tpu.vector_load %arg9[%get3A_504, %get3A_505] {strides = array<i32>} : memref<128x128xf32, #tpu.memory_space<vmem>>, vector<1x16xf32>,
        %get3A_507 = vector.shape_cast %get3A_506 : vector<1x16xf32> to vector<16xf32>
        %mul3A_508 = arith.mulf %get3A_507, %gather3A_484 : vector<16xf32>
        %swap3A_509 = arith.index_cast %add3A_474 : i32 to index
        %swap3A_510 = arith.constant 32 : index
        %swap3A_511 = tpu.vector_load %arg9[%swap3A_509, %swap3A_510] {strides = array<i32>} : memref<128x128xf32, #tpu.memory_space<vmem>>, vector<1x16xf32>,
        %swap3A_512 = vector.shape_cast %swap3A_511 : vector<1x16xf32> to vector<16xf32>
        %swap3A_513 = vector.shape_cast %mul3A_508 : vector<16xf32> to vector<1x16xf32>
        tpu.vector_store %arg9[%swap3A_509, %swap3A_510], %swap3A_513 {strides = array<i32>} : memref<128x128xf32, #tpu.memory_space<vmem>>, vector<1x16xf32>,
        %get3A_514 = arith.index_cast %add3A_474 : i32 to index
        %get3A_515 = arith.constant 48 : index
        %get3A_516 = tpu.vector_load %arg9[%get3A_514, %get3A_515] {strides = array<i32>} : memref<128x128xf32, #tpu.memory_space<vmem>>, vector<1x16xf32>,
        %get3A_517 = vector.shape_cast %get3A_516 : vector<1x16xf32> to vector<16xf32>
        %mul3A_518 = arith.mulf %get3A_517, %gather3A_484 : vector<16xf32>
        %swap3A_519 = arith.index_cast %add3A_474 : i32 to index
        %swap3A_520 = arith.constant 48 : index
        %swap3A_521 = tpu.vector_load %arg9[%swap3A_519, %swap3A_520] {strides = array<i32>} : memref<128x128xf32, #tpu.memory_space<vmem>>, vector<1x16xf32>,
        %swap3A_522 = vector.shape_cast %swap3A_521 : vector<1x16xf32> to vector<16xf32>
        %swap3A_523 = vector.shape_cast %mul3A_518 : vector<16xf32> to vector<1x16xf32>
        tpu.vector_store %arg9[%swap3A_519, %swap3A_520], %swap3A_523 {strides = array<i32>} : memref<128x128xf32, #tpu.memory_space<vmem>>, vector<1x16xf32>,
        %get3A_524 = arith.index_cast %add3A_474 : i32 to index
        %get3A_525 = arith.constant 64 : index
        %get3A_526 = tpu.vector_load %arg9[%get3A_524, %get3A_525] {strides = array<i32>} : memref<128x128xf32, #tpu.memory_space<vmem>>, vector<1x16xf32>,
        %get3A_527 = vector.shape_cast %get3A_526 : vector<1x16xf32> to vector<16xf32>
        %mul3A_528 = arith.mulf %get3A_527, %gather3A_484 : vector<16xf32>
        %swap3A_529 = arith.index_cast %add3A_474 : i32 to index
        %swap3A_530 = arith.constant 64 : index
        %swap3A_531 = tpu.vector_load %arg9[%swap3A_529, %swap3A_530] {strides = array<i32>} : memref<128x128xf32, #tpu.memory_space<vmem>>, vector<1x16xf32>,
        %swap3A_532 = vector.shape_cast %swap3A_531 : vector<1x16xf32> to vector<16xf32>
        %swap3A_533 = vector.shape_cast %mul3A_528 : vector<16xf32> to vector<1x16xf32>
        tpu.vector_store %arg9[%swap3A_529, %swap3A_530], %swap3A_533 {strides = array<i32>} : memref<128x128xf32, #tpu.memory_space<vmem>>, vector<1x16xf32>,
        %get3A_534 = arith.index_cast %add3A_474 : i32 to index
        %get3A_535 = arith.constant 80 : index
        %get3A_536 = tpu.vector_load %arg9[%get3A_534, %get3A_535] {strides = array<i32>} : memref<128x128xf32, #tpu.memory_space<vmem>>, vector<1x16xf32>,
        %get3A_537 = vector.shape_cast %get3A_536 : vector<1x16xf32> to vector<16xf32>
        %mul3A_538 = arith.mulf %get3A_537, %gather3A_484 : vector<16xf32>
        %swap3A_539 = arith.index_cast %add3A_474 : i32 to index
        %swap3A_540 = arith.constant 80 : index
        %swap3A_541 = tpu.vector_load %arg9[%swap3A_539, %swap3A_540] {strides = array<i32>} : memref<128x128xf32, #tpu.memory_space<vmem>>, vector<1x16xf32>,
        %swap3A_542 = vector.shape_cast %swap3A_541 : vector<1x16xf32> to vector<16xf32>
        %swap3A_543 = vector.shape_cast %mul3A_538 : vector<16xf32> to vector<1x16xf32>
        tpu.vector_store %arg9[%swap3A_539, %swap3A_540], %swap3A_543 {strides = array<i32>} : memref<128x128xf32, #tpu.memory_space<vmem>>, vector<1x16xf32>,
        %get3A_544 = arith.index_cast %add3A_474 : i32 to index
        %get3A_545 = arith.constant 96 : index
        %get3A_546 = tpu.vector_load %arg9[%get3A_544, %get3A_545] {strides = array<i32>} : memref<128x128xf32, #tpu.memory_space<vmem>>, vector<1x16xf32>,
        %get3A_547 = vector.shape_cast %get3A_546 : vector<1x16xf32> to vector<16xf32>
        %mul3A_548 = arith.mulf %get3A_547, %gather3A_484 : vector<16xf32>
        %swap3A_549 = arith.index_cast %add3A_474 : i32 to index
        %swap3A_550 = arith.constant 96 : index
        %swap3A_551 = tpu.vector_load %arg9[%swap3A_549, %swap3A_550] {strides = array<i32>} : memref<128x128xf32, #tpu.memory_space<vmem>>, vector<1x16xf32>,
        %swap3A_552 = vector.shape_cast %swap3A_551 : vector<1x16xf32> to vector<16xf32>
        %swap3A_553 = vector.shape_cast %mul3A_548 : vector<16xf32> to vector<1x16xf32>
        tpu.vector_store %arg9[%swap3A_549, %swap3A_550], %swap3A_553 {strides = array<i32>} : memref<128x128xf32, #tpu.memory_space<vmem>>, vector<1x16xf32>,
        %get3A_554 = arith.index_cast %add3A_474 : i32 to index
        %get3A_555 = arith.constant 112 : index
        %get3A_556 = tpu.vector_load %arg9[%get3A_554, %get3A_555] {strides = array<i32>} : memref<128x128xf32, #tpu.memory_space<vmem>>, vector<1x16xf32>,
        %get3A_557 = vector.shape_cast %get3A_556 : vector<1x16xf32> to vector<16xf32>
        %mul3A_558 = arith.mulf %get3A_557, %gather3A_484 : vector<16xf32>
        %swap3A_559 = arith.index_cast %add3A_474 : i32 to index
        %swap3A_560 = arith.constant 112 : index
        %swap3A_561 = tpu.vector_load %arg9[%swap3A_559, %swap3A_560] {strides = array<i32>} : memref<128x128xf32, #tpu.memory_space<vmem>>, vector<1x16xf32>,
        %swap3A_562 = vector.shape_cast %swap3A_561 : vector<1x16xf32> to vector<16xf32>
        %swap3A_563 = vector.shape_cast %mul3A_558 : vector<16xf32> to vector<1x16xf32>
        tpu.vector_store %arg9[%swap3A_559, %swap3A_560], %swap3A_563 {strides = array<i32>} : memref<128x128xf32, #tpu.memory_space<vmem>>, vector<1x16xf32>,
      }
      %scan3A_470 = arith.constant 16 : i32
    }
    %scan3A_112 = arith.constant 8 : i32
    %dma_start3A_113 = arith.constant 0 : i32
    %dma_start3A_114 = arith.constant 0 : i32
    %dma_start3A_115 = tpu.memref_slice %arg26[%dma_start3A_113, %dma_start3A_114] : memref<10000x128xf32, #tpu.memory_space<vmem_shared>> -> memref<10000x128xf32, #tpu.memory_space<vmem_shared>>
    tpu.enqueue_indirect_dma source(%arg9 : memref<128x128xf32, #tpu.memory_space<vmem>>) target(%dma_start3A_115 : memref<10000x128xf32, #tpu.memory_space<vmem_shared>>) offsets(%arg15 : memref<128xi32, #tpu.memory_space<vmem>>) semaphore(%arg29 : memref<!tpu.dma_semaphore, #tpu.memory_space<semaphore_mem>>) {add = true}
    %dma_wait3A_116 = arith.constant 0 : i32
    %dma_wait3A_117 = arith.constant 0 : i32
    %dma_wait3A_118 = tpu.memref_slice %arg2[%dma_wait3A_116, %dma_wait3A_117] : memref<10000x128xf32, #tpu.memory_space<hbm>> -> memref<128x128xf32, #tpu.memory_space<hbm>>
    %dma_wait3A_119 = arith.constant 0 : i32
    %dma_wait3A_120 = arith.constant 0 : i32
    %dma_wait3A_121 = tpu.memref_slice %arg2[%dma_wait3A_119, %dma_wait3A_120] : memref<10000x128xf32, #tpu.memory_space<hbm>> -> memref<128x128xf32, #tpu.memory_space<hbm>>
    tpu.wait_dma2 semaphore(%arg27 : memref<!tpu.dma_semaphore, #tpu.memory_space<semaphore_mem>>) src(%dma_wait3A_121 : memref<128x128xf32, #tpu.memory_space<hbm>>) dst(%arg8 : memref<128x128xf32, #tpu.memory_space<vmem>>)
    %dma_wait3A_122 = arith.constant 0 : i32
    %dma_wait3A_123 = arith.constant 0 : i32
    %dma_wait3A_124 = tpu.memref_slice %arg2[%dma_wait3A_122, %dma_wait3A_123] : memref<10000x128xf32, #tpu.memory_space<hbm>> -> memref<128x128xf32, #tpu.memory_space<hbm>>
    %dma_wait3A_125 = arith.constant 0 : i32
    %dma_wait3A_126 = arith.constant 0 : i32
    %dma_wait3A_127 = tpu.memref_slice %arg2[%dma_wait3A_125, %dma_wait3A_126] : memref<10000x128xf32, #tpu.memory_space<hbm>> -> memref<128x128xf32, #tpu.memory_space<hbm>>
    tpu.wait_dma2 semaphore(%arg29 : memref<!tpu.dma_semaphore, #tpu.memory_space<semaphore_mem>>) src(%dma_wait3A_127 : memref<128x128xf32, #tpu.memory_space<hbm>>) dst(%arg8 : memref<128x128xf32, #tpu.memory_space<vmem>>)
    %add3A_128 = arith.constant 512 : i32
    %add3A_129 = arith.addi %mul3A_2, %add3A_128 : i32
    %dma_start3A_130 = tpu.memref_slice %arg3[%add3A_129] : memref<320000xi32, #tpu.memory_space<hbm>> -> memref<128xi32, #tpu.memory_space<hbm>>
    %dma_start3A_131 = tpu.memref_slice %arg3[%add3A_129] : memref<320000xi32, #tpu.memory_space<hbm>> -> memref<128xi32, #tpu.memory_space<hbm>>
    tpu.enqueue_dma source(%dma_start3A_131 : memref<128xi32, #tpu.memory_space<hbm>>) target(%arg10 : memref<128xi32, #tpu.memory_space<vmem>>) target_semaphore(%arg30 : memref<!tpu.dma_semaphore, #tpu.memory_space<semaphore_mem>>)
    %dma_start3A_132 = tpu.memref_slice %arg4[%add3A_129] : memref<320000xi32, #tpu.memory_space<hbm>> -> memref<128xi32, #tpu.memory_space<hbm>>
    %dma_start3A_133 = tpu.memref_slice %arg4[%add3A_129] : memref<320000xi32, #tpu.memory_space<hbm>> -> memref<128xi32, #tpu.memory_space<hbm>>
    tpu.enqueue_dma source(%dma_start3A_133 : memref<128xi32, #tpu.memory_space<hbm>>) target(%arg14 : memref<128xi32, #tpu.memory_space<vmem>>) target_semaphore(%arg30 : memref<!tpu.dma_semaphore, #tpu.memory_space<semaphore_mem>>)
    %dma_start3A_134 = tpu.memref_slice %arg5[%add3A_129] : memref<320000xf32, #tpu.memory_space<hbm>> -> memref<128xf32, #tpu.memory_space<hbm>>
    %dma_start3A_135 = tpu.memref_slice %arg5[%add3A_129] : memref<320000xf32, #tpu.memory_space<hbm>> -> memref<128xf32, #tpu.memory_space<hbm>>
    tpu.enqueue_dma source(%dma_start3A_135 : memref<128xf32, #tpu.memory_space<hbm>>) target(%arg18 : memref<128xf32, #tpu.memory_space<vmem>>) target_semaphore(%arg30 : memref<!tpu.dma_semaphore, #tpu.memory_space<semaphore_mem>>)
    %dma_wait3A_136 = arith.constant 0 : i32
    %dma_wait3A_137 = tpu.memref_slice %arg5[%dma_wait3A_136] : memref<320000xf32, #tpu.memory_space<hbm>> -> memref<128xf32, #tpu.memory_space<hbm>>
    %dma_wait3A_138 = arith.constant 0 : i32
    %dma_wait3A_139 = tpu.memref_slice %arg5[%dma_wait3A_138] : memref<320000xf32, #tpu.memory_space<hbm>> -> memref<128xf32, #tpu.memory_space<hbm>>
    tpu.wait_dma2 semaphore(%arg33 : memref<!tpu.dma_semaphore, #tpu.memory_space<semaphore_mem>>) src(%dma_wait3A_139 : memref<128xf32, #tpu.memory_space<hbm>>) dst(%arg13 : memref<128xi32, #tpu.memory_space<vmem>>)
    %dma_wait3A_140 = arith.constant 0 : i32
    %dma_wait3A_141 = tpu.memref_slice %arg5[%dma_wait3A_140] : memref<320000xf32, #tpu.memory_space<hbm>> -> memref<128xf32, #tpu.memory_space<hbm>>
    %dma_wait3A_142 = arith.constant 0 : i32
    %dma_wait3A_143 = tpu.memref_slice %arg5[%dma_wait3A_142] : memref<320000xf32, #tpu.memory_space<hbm>> -> memref<128xf32, #tpu.memory_space<hbm>>
    tpu.wait_dma2 semaphore(%arg33 : memref<!tpu.dma_semaphore, #tpu.memory_space<semaphore_mem>>) src(%dma_wait3A_143 : memref<128xf32, #tpu.memory_space<hbm>>) dst(%arg17 : memref<128xi32, #tpu.memory_space<vmem>>)
    %dma_wait3A_144 = arith.constant 0 : i32
    %dma_wait3A_145 = tpu.memref_slice %arg5[%dma_wait3A_144] : memref<320000xf32, #tpu.memory_space<hbm>> -> memref<128xf32, #tpu.memory_space<hbm>>
    %dma_wait3A_146 = arith.constant 0 : i32
    %dma_wait3A_147 = tpu.memref_slice %arg5[%dma_wait3A_146] : memref<320000xf32, #tpu.memory_space<hbm>> -> memref<128xf32, #tpu.memory_space<hbm>>
    tpu.wait_dma2 semaphore(%arg33 : memref<!tpu.dma_semaphore, #tpu.memory_space<semaphore_mem>>) src(%dma_wait3A_147 : memref<128xf32, #tpu.memory_space<hbm>>) dst(%arg21 : memref<128xf32, #tpu.memory_space<vmem>>)
    %dma_start3A_148 = arith.constant 0 : i32
    %dma_start3A_149 = arith.constant 0 : i32
    %dma_start3A_150 = tpu.memref_slice %arg2[%dma_start3A_148, %dma_start3A_149] : memref<10000x128xf32, #tpu.memory_space<hbm>> -> memref<10000x128xf32, #tpu.memory_space<hbm>>
    tpu.enqueue_indirect_dma source(%dma_start3A_150 : memref<10000x128xf32, #tpu.memory_space<hbm>>) target(%arg9 : memref<128x128xf32, #tpu.memory_space<vmem>>) offsets(%arg13 : memref<128xi32, #tpu.memory_space<vmem>>) semaphore(%arg27 : memref<!tpu.dma_semaphore, #tpu.memory_space<semaphore_mem>>)
    %scan3A_151 = arith.constant 0 : i32
    %scan3A_152 = arith.constant 0 : i32
    %scan3A_153 = arith.constant 8 : i32
    %scan3A_154 = arith.addi %scan3A_152, %scan3A_153 : i32
    %scan3A_155 = arith.constant 1 : i32
    scf.for %scan3A_460 = %scan3A_152 to %scan3A_154 step %scan3A_155  : i32 {
      %mul3A_461 = arith.constant 16 : i32
      %mul3A_462 = arith.muli %scan3A_460, %mul3A_461 : i32
      %get3A_463 = arith.index_cast %mul3A_462 : i32 to index
      %get3A_464 = tpu.vector_load %arg20[%get3A_463] {strides = array<i32>} : memref<128xf32, #tpu.memory_space<vmem>>, vector<16xf32>,
      %get3A_465 = vector.shape_cast %get3A_464 : vector<16xf32> to vector<16xf32>
      %scan3A_466 = arith.constant 0 : i32
      %scan3A_467 = arith.constant 16 : i32
      %scan3A_468 = arith.addi %scan3A_466, %scan3A_467 : i32
      %scan3A_469 = arith.constant 1 : i32
      scf.for %scan3A_471 = %scan3A_466 to %scan3A_468 step %scan3A_469  : i32 {
        %mul3A_472 = arith.constant 16 : i32
        %mul3A_473 = arith.muli %scan3A_460, %mul3A_472 : i32
        %add3A_474 = arith.addi %mul3A_473, %scan3A_471 : i32
        %broadcast_in_dim3A = arith.constant 0 : i32
        %broadcast_in_dim3A_475 = vector.broadcast %broadcast_in_dim3A : i32 to vector<16xi32>
        %add3A_476 = vector.broadcast %scan3A_471 : i32 to vector<16xi32>
        %add3A_477 = arith.addi %broadcast_in_dim3A_475, %add3A_476 : vector<16xi32>
        %lt3A = arith.constant 0 : i32
        %lt3A_478 = vector.broadcast %lt3A : i32 to vector<16xi32>
        %lt3A_479 = arith.cmpi slt, %add3A_477, %lt3A_478 : vector<16xi32>
        %add3A_480 = arith.constant 16 : i32
        %add3A_481 = vector.broadcast %add3A_480 : i32 to vector<16xi32>
        %add3A_482 = arith.addi %add3A_477, %add3A_481 : vector<16xi32>
        %select_n3A = arith.select %lt3A_479, %add3A_482, %add3A_477 : vector<16xi1>, vector<16xi32>
        %broadcast_in_dim3A_483 = vector.shape_cast %select_n3A : vector<16xi32> to vector<16x1xi32>
        %gather3A = vector.shape_cast %broadcast_in_dim3A_483 : vector<16x1xi32> to vector<16xi32>
        %gather3A_484 = tpu.dynamic_gather %get3A_465[%gather3A] in [0] : vector<16xf32>, vector<16xi32> -> vector<16xf32>
        %get3A_485 = arith.index_cast %add3A_474 : i32 to index
        %get3A_486 = arith.constant 0 : index
        %get3A_487 = tpu.vector_load %arg8[%get3A_485, %get3A_486] {strides = array<i32>} : memref<128x128xf32, #tpu.memory_space<vmem>>, vector<1x16xf32>,
        %get3A_488 = vector.shape_cast %get3A_487 : vector<1x16xf32> to vector<16xf32>
        %mul3A_489 = arith.mulf %get3A_488, %gather3A_484 : vector<16xf32>
        %swap3A = arith.index_cast %add3A_474 : i32 to index
        %swap3A_490 = arith.constant 0 : index
        %swap3A_491 = tpu.vector_load %arg8[%swap3A, %swap3A_490] {strides = array<i32>} : memref<128x128xf32, #tpu.memory_space<vmem>>, vector<1x16xf32>,
        %swap3A_492 = vector.shape_cast %swap3A_491 : vector<1x16xf32> to vector<16xf32>
        %swap3A_493 = vector.shape_cast %mul3A_489 : vector<16xf32> to vector<1x16xf32>
        tpu.vector_store %arg8[%swap3A, %swap3A_490], %swap3A_493 {strides = array<i32>} : memref<128x128xf32, #tpu.memory_space<vmem>>, vector<1x16xf32>,
        %get3A_494 = arith.index_cast %add3A_474 : i32 to index
        %get3A_495 = arith.constant 16 : index
        %get3A_496 = tpu.vector_load %arg8[%get3A_494, %get3A_495] {strides = array<i32>} : memref<128x128xf32, #tpu.memory_space<vmem>>, vector<1x16xf32>,
        %get3A_497 = vector.shape_cast %get3A_496 : vector<1x16xf32> to vector<16xf32>
        %mul3A_498 = arith.mulf %get3A_497, %gather3A_484 : vector<16xf32>
        %swap3A_499 = arith.index_cast %add3A_474 : i32 to index
        %swap3A_500 = arith.constant 16 : index
        %swap3A_501 = tpu.vector_load %arg8[%swap3A_499, %swap3A_500] {strides = array<i32>} : memref<128x128xf32, #tpu.memory_space<vmem>>, vector<1x16xf32>,
        %swap3A_502 = vector.shape_cast %swap3A_501 : vector<1x16xf32> to vector<16xf32>
        %swap3A_503 = vector.shape_cast %mul3A_498 : vector<16xf32> to vector<1x16xf32>
        tpu.vector_store %arg8[%swap3A_499, %swap3A_500], %swap3A_503 {strides = array<i32>} : memref<128x128xf32, #tpu.memory_space<vmem>>, vector<1x16xf32>,
        %get3A_504 = arith.index_cast %add3A_474 : i32 to index
        %get3A_505 = arith.constant 32 : index
        %get3A_506 = tpu.vector_load %arg8[%get3A_504, %get3A_505] {strides = array<i32>} : memref<128x128xf32, #tpu.memory_space<vmem>>, vector<1x16xf32>,
        %get3A_507 = vector.shape_cast %get3A_506 : vector<1x16xf32> to vector<16xf32>
        %mul3A_508 = arith.mulf %get3A_507, %gather3A_484 : vector<16xf32>
        %swap3A_509 = arith.index_cast %add3A_474 : i32 to index
        %swap3A_510 = arith.constant 32 : index
        %swap3A_511 = tpu.vector_load %arg8[%swap3A_509, %swap3A_510] {strides = array<i32>} : memref<128x128xf32, #tpu.memory_space<vmem>>, vector<1x16xf32>,
        %swap3A_512 = vector.shape_cast %swap3A_511 : vector<1x16xf32> to vector<16xf32>
        %swap3A_513 = vector.shape_cast %mul3A_508 : vector<16xf32> to vector<1x16xf32>
        tpu.vector_store %arg8[%swap3A_509, %swap3A_510], %swap3A_513 {strides = array<i32>} : memref<128x128xf32, #tpu.memory_space<vmem>>, vector<1x16xf32>,
        %get3A_514 = arith.index_cast %add3A_474 : i32 to index
        %get3A_515 = arith.constant 48 : index
        %get3A_516 = tpu.vector_load %arg8[%get3A_514, %get3A_515] {strides = array<i32>} : memref<128x128xf32, #tpu.memory_space<vmem>>, vector<1x16xf32>,
        %get3A_517 = vector.shape_cast %get3A_516 : vector<1x16xf32> to vector<16xf32>
        %mul3A_518 = arith.mulf %get3A_517, %gather3A_484 : vector<16xf32>
        %swap3A_519 = arith.index_cast %add3A_474 : i32 to index
        %swap3A_520 = arith.constant 48 : index
        %swap3A_521 = tpu.vector_load %arg8[%swap3A_519, %swap3A_520] {strides = array<i32>} : memref<128x128xf32, #tpu.memory_space<vmem>>, vector<1x16xf32>,
        %swap3A_522 = vector.shape_cast %swap3A_521 : vector<1x16xf32> to vector<16xf32>
        %swap3A_523 = vector.shape_cast %mul3A_518 : vector<16xf32> to vector<1x16xf32>
        tpu.vector_store %arg8[%swap3A_519, %swap3A_520], %swap3A_523 {strides = array<i32>} : memref<128x128xf32, #tpu.memory_space<vmem>>, vector<1x16xf32>,
        %get3A_524 = arith.index_cast %add3A_474 : i32 to index
        %get3A_525 = arith.constant 64 : index
        %get3A_526 = tpu.vector_load %arg8[%get3A_524, %get3A_525] {strides = array<i32>} : memref<128x128xf32, #tpu.memory_space<vmem>>, vector<1x16xf32>,
        %get3A_527 = vector.shape_cast %get3A_526 : vector<1x16xf32> to vector<16xf32>
        %mul3A_528 = arith.mulf %get3A_527, %gather3A_484 : vector<16xf32>
        %swap3A_529 = arith.index_cast %add3A_474 : i32 to index
        %swap3A_530 = arith.constant 64 : index
        %swap3A_531 = tpu.vector_load %arg8[%swap3A_529, %swap3A_530] {strides = array<i32>} : memref<128x128xf32, #tpu.memory_space<vmem>>, vector<1x16xf32>,
        %swap3A_532 = vector.shape_cast %swap3A_531 : vector<1x16xf32> to vector<16xf32>
        %swap3A_533 = vector.shape_cast %mul3A_528 : vector<16xf32> to vector<1x16xf32>
        tpu.vector_store %arg8[%swap3A_529, %swap3A_530], %swap3A_533 {strides = array<i32>} : memref<128x128xf32, #tpu.memory_space<vmem>>, vector<1x16xf32>,
        %get3A_534 = arith.index_cast %add3A_474 : i32 to index
        %get3A_535 = arith.constant 80 : index
        %get3A_536 = tpu.vector_load %arg8[%get3A_534, %get3A_535] {strides = array<i32>} : memref<128x128xf32, #tpu.memory_space<vmem>>, vector<1x16xf32>,
        %get3A_537 = vector.shape_cast %get3A_536 : vector<1x16xf32> to vector<16xf32>
        %mul3A_538 = arith.mulf %get3A_537, %gather3A_484 : vector<16xf32>
        %swap3A_539 = arith.index_cast %add3A_474 : i32 to index
        %swap3A_540 = arith.constant 80 : index
        %swap3A_541 = tpu.vector_load %arg8[%swap3A_539, %swap3A_540] {strides = array<i32>} : memref<128x128xf32, #tpu.memory_space<vmem>>, vector<1x16xf32>,
        %swap3A_542 = vector.shape_cast %swap3A_541 : vector<1x16xf32> to vector<16xf32>
        %swap3A_543 = vector.shape_cast %mul3A_538 : vector<16xf32> to vector<1x16xf32>
        tpu.vector_store %arg8[%swap3A_539, %swap3A_540], %swap3A_543 {strides = array<i32>} : memref<128x128xf32, #tpu.memory_space<vmem>>, vector<1x16xf32>,
        %get3A_544 = arith.index_cast %add3A_474 : i32 to index
        %get3A_545 = arith.constant 96 : index
        %get3A_546 = tpu.vector_load %arg8[%get3A_544, %get3A_545] {strides = array<i32>} : memref<128x128xf32, #tpu.memory_space<vmem>>, vector<1x16xf32>,
        %get3A_547 = vector.shape_cast %get3A_546 : vector<1x16xf32> to vector<16xf32>
        %mul3A_548 = arith.mulf %get3A_547, %gather3A_484 : vector<16xf32>
        %swap3A_549 = arith.index_cast %add3A_474 : i32 to index
        %swap3A_550 = arith.constant 96 : index
        %swap3A_551 = tpu.vector_load %arg8[%swap3A_549, %swap3A_550] {strides = array<i32>} : memref<128x128xf32, #tpu.memory_space<vmem>>, vector<1x16xf32>,
        %swap3A_552 = vector.shape_cast %swap3A_551 : vector<1x16xf32> to vector<16xf32>
        %swap3A_553 = vector.shape_cast %mul3A_548 : vector<16xf32> to vector<1x16xf32>
        tpu.vector_store %arg8[%swap3A_549, %swap3A_550], %swap3A_553 {strides = array<i32>} : memref<128x128xf32, #tpu.memory_space<vmem>>, vector<1x16xf32>,
        %get3A_554 = arith.index_cast %add3A_474 : i32 to index
        %get3A_555 = arith.constant 112 : index
        %get3A_556 = tpu.vector_load %arg8[%get3A_554, %get3A_555] {strides = array<i32>} : memref<128x128xf32, #tpu.memory_space<vmem>>, vector<1x16xf32>,
        %get3A_557 = vector.shape_cast %get3A_556 : vector<1x16xf32> to vector<16xf32>
        %mul3A_558 = arith.mulf %get3A_557, %gather3A_484 : vector<16xf32>
        %swap3A_559 = arith.index_cast %add3A_474 : i32 to index
        %swap3A_560 = arith.constant 112 : index
        %swap3A_561 = tpu.vector_load %arg8[%swap3A_559, %swap3A_560] {strides = array<i32>} : memref<128x128xf32, #tpu.memory_space<vmem>>, vector<1x16xf32>,
        %swap3A_562 = vector.shape_cast %swap3A_561 : vector<1x16xf32> to vector<16xf32>
        %swap3A_563 = vector.shape_cast %mul3A_558 : vector<16xf32> to vector<1x16xf32>
        tpu.vector_store %arg8[%swap3A_559, %swap3A_560], %swap3A_563 {strides = array<i32>} : memref<128x128xf32, #tpu.memory_space<vmem>>, vector<1x16xf32>,
      }
      %scan3A_470 = arith.constant 16 : i32
    }
    %scan3A_156 = arith.constant 8 : i32
    %dma_start3A_157 = arith.constant 0 : i32
    %dma_start3A_158 = arith.constant 0 : i32
    %dma_start3A_159 = tpu.memref_slice %arg26[%dma_start3A_157, %dma_start3A_158] : memref<10000x128xf32, #tpu.memory_space<vmem_shared>> -> memref<10000x128xf32, #tpu.memory_space<vmem_shared>>
    tpu.enqueue_indirect_dma source(%arg8 : memref<128x128xf32, #tpu.memory_space<vmem>>) target(%dma_start3A_159 : memref<10000x128xf32, #tpu.memory_space<vmem_shared>>) offsets(%arg16 : memref<128xi32, #tpu.memory_space<vmem>>) semaphore(%arg28 : memref<!tpu.dma_semaphore, #tpu.memory_space<semaphore_mem>>) {add = true}
    %dma_wait3A_160 = arith.constant 0 : i32
    %dma_wait3A_161 = arith.constant 0 : i32
    %dma_wait3A_162 = tpu.memref_slice %arg2[%dma_wait3A_160, %dma_wait3A_161] : memref<10000x128xf32, #tpu.memory_space<hbm>> -> memref<128x128xf32, #tpu.memory_space<hbm>>
    %dma_wait3A_163 = arith.constant 0 : i32
    %dma_wait3A_164 = arith.constant 0 : i32
    %dma_wait3A_165 = tpu.memref_slice %arg2[%dma_wait3A_163, %dma_wait3A_164] : memref<10000x128xf32, #tpu.memory_space<hbm>> -> memref<128x128xf32, #tpu.memory_space<hbm>>
    tpu.wait_dma2 semaphore(%arg27 : memref<!tpu.dma_semaphore, #tpu.memory_space<semaphore_mem>>) src(%dma_wait3A_165 : memref<128x128xf32, #tpu.memory_space<hbm>>) dst(%arg9 : memref<128x128xf32, #tpu.memory_space<vmem>>)
    %dma_wait3A_166 = arith.constant 0 : i32
    %dma_wait3A_167 = arith.constant 0 : i32
    %dma_wait3A_168 = tpu.memref_slice %arg2[%dma_wait3A_166, %dma_wait3A_167] : memref<10000x128xf32, #tpu.memory_space<hbm>> -> memref<128x128xf32, #tpu.memory_space<hbm>>
    %dma_wait3A_169 = arith.constant 0 : i32
    %dma_wait3A_170 = arith.constant 0 : i32
    %dma_wait3A_171 = tpu.memref_slice %arg2[%dma_wait3A_169, %dma_wait3A_170] : memref<10000x128xf32, #tpu.memory_space<hbm>> -> memref<128x128xf32, #tpu.memory_space<hbm>>
    tpu.wait_dma2 semaphore(%arg28 : memref<!tpu.dma_semaphore, #tpu.memory_space<semaphore_mem>>) src(%dma_wait3A_171 : memref<128x128xf32, #tpu.memory_space<hbm>>) dst(%arg8 : memref<128x128xf32, #tpu.memory_space<vmem>>)
    %add3A_172 = arith.constant 640 : i32
    %add3A_173 = arith.addi %mul3A_2, %add3A_172 : i32
    %dma_start3A_174 = tpu.memref_slice %arg3[%add3A_173] : memref<320000xi32, #tpu.memory_space<hbm>> -> memref<128xi32, #tpu.memory_space<hbm>>
    %dma_start3A_175 = tpu.memref_slice %arg3[%add3A_173] : memref<320000xi32, #tpu.memory_space<hbm>> -> memref<128xi32, #tpu.memory_space<hbm>>
    tpu.enqueue_dma source(%dma_start3A_175 : memref<128xi32, #tpu.memory_space<hbm>>) target(%arg11 : memref<128xi32, #tpu.memory_space<vmem>>) target_semaphore(%arg31 : memref<!tpu.dma_semaphore, #tpu.memory_space<semaphore_mem>>)
    %dma_start3A_176 = tpu.memref_slice %arg4[%add3A_173] : memref<320000xi32, #tpu.memory_space<hbm>> -> memref<128xi32, #tpu.memory_space<hbm>>
    %dma_start3A_177 = tpu.memref_slice %arg4[%add3A_173] : memref<320000xi32, #tpu.memory_space<hbm>> -> memref<128xi32, #tpu.memory_space<hbm>>
    tpu.enqueue_dma source(%dma_start3A_177 : memref<128xi32, #tpu.memory_space<hbm>>) target(%arg15 : memref<128xi32, #tpu.memory_space<vmem>>) target_semaphore(%arg31 : memref<!tpu.dma_semaphore, #tpu.memory_space<semaphore_mem>>)
    %dma_start3A_178 = tpu.memref_slice %arg5[%add3A_173] : memref<320000xf32, #tpu.memory_space<hbm>> -> memref<128xf32, #tpu.memory_space<hbm>>
    %dma_start3A_179 = tpu.memref_slice %arg5[%add3A_173] : memref<320000xf32, #tpu.memory_space<hbm>> -> memref<128xf32, #tpu.memory_space<hbm>>
    tpu.enqueue_dma source(%dma_start3A_179 : memref<128xf32, #tpu.memory_space<hbm>>) target(%arg19 : memref<128xf32, #tpu.memory_space<vmem>>) target_semaphore(%arg31 : memref<!tpu.dma_semaphore, #tpu.memory_space<semaphore_mem>>)
    %dma_wait3A_180 = arith.constant 0 : i32
    %dma_wait3A_181 = tpu.memref_slice %arg5[%dma_wait3A_180] : memref<320000xf32, #tpu.memory_space<hbm>> -> memref<128xf32, #tpu.memory_space<hbm>>
    %dma_wait3A_182 = arith.constant 0 : i32
    %dma_wait3A_183 = tpu.memref_slice %arg5[%dma_wait3A_182] : memref<320000xf32, #tpu.memory_space<hbm>> -> memref<128xf32, #tpu.memory_space<hbm>>
    tpu.wait_dma2 semaphore(%arg30 : memref<!tpu.dma_semaphore, #tpu.memory_space<semaphore_mem>>) src(%dma_wait3A_183 : memref<128xf32, #tpu.memory_space<hbm>>) dst(%arg10 : memref<128xi32, #tpu.memory_space<vmem>>)
    %dma_wait3A_184 = arith.constant 0 : i32
    %dma_wait3A_185 = tpu.memref_slice %arg5[%dma_wait3A_184] : memref<320000xf32, #tpu.memory_space<hbm>> -> memref<128xf32, #tpu.memory_space<hbm>>
    %dma_wait3A_186 = arith.constant 0 : i32
    %dma_wait3A_187 = tpu.memref_slice %arg5[%dma_wait3A_186] : memref<320000xf32, #tpu.memory_space<hbm>> -> memref<128xf32, #tpu.memory_space<hbm>>
    tpu.wait_dma2 semaphore(%arg30 : memref<!tpu.dma_semaphore, #tpu.memory_space<semaphore_mem>>) src(%dma_wait3A_187 : memref<128xf32, #tpu.memory_space<hbm>>) dst(%arg14 : memref<128xi32, #tpu.memory_space<vmem>>)
    %dma_wait3A_188 = arith.constant 0 : i32
    %dma_wait3A_189 = tpu.memref_slice %arg5[%dma_wait3A_188] : memref<320000xf32, #tpu.memory_space<hbm>> -> memref<128xf32, #tpu.memory_space<hbm>>
    %dma_wait3A_190 = arith.constant 0 : i32
    %dma_wait3A_191 = tpu.memref_slice %arg5[%dma_wait3A_190] : memref<320000xf32, #tpu.memory_space<hbm>> -> memref<128xf32, #tpu.memory_space<hbm>>
    tpu.wait_dma2 semaphore(%arg30 : memref<!tpu.dma_semaphore, #tpu.memory_space<semaphore_mem>>) src(%dma_wait3A_191 : memref<128xf32, #tpu.memory_space<hbm>>) dst(%arg18 : memref<128xf32, #tpu.memory_space<vmem>>)
    %dma_start3A_192 = arith.constant 0 : i32
    %dma_start3A_193 = arith.constant 0 : i32
    %dma_start3A_194 = tpu.memref_slice %arg2[%dma_start3A_192, %dma_start3A_193] : memref<10000x128xf32, #tpu.memory_space<hbm>> -> memref<10000x128xf32, #tpu.memory_space<hbm>>
    tpu.enqueue_indirect_dma source(%dma_start3A_194 : memref<10000x128xf32, #tpu.memory_space<hbm>>) target(%arg8 : memref<128x128xf32, #tpu.memory_space<vmem>>) offsets(%arg10 : memref<128xi32, #tpu.memory_space<vmem>>) semaphore(%arg27 : memref<!tpu.dma_semaphore, #tpu.memory_space<semaphore_mem>>)
    %scan3A_195 = arith.constant 0 : i32
    %scan3A_196 = arith.constant 0 : i32
    %scan3A_197 = arith.constant 8 : i32
    %scan3A_198 = arith.addi %scan3A_196, %scan3A_197 : i32
    %scan3A_199 = arith.constant 1 : i32
    scf.for %scan3A_460 = %scan3A_196 to %scan3A_198 step %scan3A_199  : i32 {
      %mul3A_461 = arith.constant 16 : i32
      %mul3A_462 = arith.muli %scan3A_460, %mul3A_461 : i32
      %get3A_463 = arith.index_cast %mul3A_462 : i32 to index
      %get3A_464 = tpu.vector_load %arg21[%get3A_463] {strides = array<i32>} : memref<128xf32, #tpu.memory_space<vmem>>, vector<16xf32>,
      %get3A_465 = vector.shape_cast %get3A_464 : vector<16xf32> to vector<16xf32>
      %scan3A_466 = arith.constant 0 : i32
      %scan3A_467 = arith.constant 16 : i32
      %scan3A_468 = arith.addi %scan3A_466, %scan3A_467 : i32
      %scan3A_469 = arith.constant 1 : i32
      scf.for %scan3A_471 = %scan3A_466 to %scan3A_468 step %scan3A_469  : i32 {
        %mul3A_472 = arith.constant 16 : i32
        %mul3A_473 = arith.muli %scan3A_460, %mul3A_472 : i32
        %add3A_474 = arith.addi %mul3A_473, %scan3A_471 : i32
        %broadcast_in_dim3A = arith.constant 0 : i32
        %broadcast_in_dim3A_475 = vector.broadcast %broadcast_in_dim3A : i32 to vector<16xi32>
        %add3A_476 = vector.broadcast %scan3A_471 : i32 to vector<16xi32>
        %add3A_477 = arith.addi %broadcast_in_dim3A_475, %add3A_476 : vector<16xi32>
        %lt3A = arith.constant 0 : i32
        %lt3A_478 = vector.broadcast %lt3A : i32 to vector<16xi32>
        %lt3A_479 = arith.cmpi slt, %add3A_477, %lt3A_478 : vector<16xi32>
        %add3A_480 = arith.constant 16 : i32
        %add3A_481 = vector.broadcast %add3A_480 : i32 to vector<16xi32>
        %add3A_482 = arith.addi %add3A_477, %add3A_481 : vector<16xi32>
        %select_n3A = arith.select %lt3A_479, %add3A_482, %add3A_477 : vector<16xi1>, vector<16xi32>
        %broadcast_in_dim3A_483 = vector.shape_cast %select_n3A : vector<16xi32> to vector<16x1xi32>
        %gather3A = vector.shape_cast %broadcast_in_dim3A_483 : vector<16x1xi32> to vector<16xi32>
        %gather3A_484 = tpu.dynamic_gather %get3A_465[%gather3A] in [0] : vector<16xf32>, vector<16xi32> -> vector<16xf32>
        %get3A_485 = arith.index_cast %add3A_474 : i32 to index
        %get3A_486 = arith.constant 0 : index
        %get3A_487 = tpu.vector_load %arg9[%get3A_485, %get3A_486] {strides = array<i32>} : memref<128x128xf32, #tpu.memory_space<vmem>>, vector<1x16xf32>,
        %get3A_488 = vector.shape_cast %get3A_487 : vector<1x16xf32> to vector<16xf32>
        %mul3A_489 = arith.mulf %get3A_488, %gather3A_484 : vector<16xf32>
        %swap3A = arith.index_cast %add3A_474 : i32 to index
        %swap3A_490 = arith.constant 0 : index
        %swap3A_491 = tpu.vector_load %arg9[%swap3A, %swap3A_490] {strides = array<i32>} : memref<128x128xf32, #tpu.memory_space<vmem>>, vector<1x16xf32>,
        %swap3A_492 = vector.shape_cast %swap3A_491 : vector<1x16xf32> to vector<16xf32>
        %swap3A_493 = vector.shape_cast %mul3A_489 : vector<16xf32> to vector<1x16xf32>
        tpu.vector_store %arg9[%swap3A, %swap3A_490], %swap3A_493 {strides = array<i32>} : memref<128x128xf32, #tpu.memory_space<vmem>>, vector<1x16xf32>,
        %get3A_494 = arith.index_cast %add3A_474 : i32 to index
        %get3A_495 = arith.constant 16 : index
        %get3A_496 = tpu.vector_load %arg9[%get3A_494, %get3A_495] {strides = array<i32>} : memref<128x128xf32, #tpu.memory_space<vmem>>, vector<1x16xf32>,
        %get3A_497 = vector.shape_cast %get3A_496 : vector<1x16xf32> to vector<16xf32>
        %mul3A_498 = arith.mulf %get3A_497, %gather3A_484 : vector<16xf32>
        %swap3A_499 = arith.index_cast %add3A_474 : i32 to index
        %swap3A_500 = arith.constant 16 : index
        %swap3A_501 = tpu.vector_load %arg9[%swap3A_499, %swap3A_500] {strides = array<i32>} : memref<128x128xf32, #tpu.memory_space<vmem>>, vector<1x16xf32>,
        %swap3A_502 = vector.shape_cast %swap3A_501 : vector<1x16xf32> to vector<16xf32>
        %swap3A_503 = vector.shape_cast %mul3A_498 : vector<16xf32> to vector<1x16xf32>
        tpu.vector_store %arg9[%swap3A_499, %swap3A_500], %swap3A_503 {strides = array<i32>} : memref<128x128xf32, #tpu.memory_space<vmem>>, vector<1x16xf32>,
        %get3A_504 = arith.index_cast %add3A_474 : i32 to index
        %get3A_505 = arith.constant 32 : index
        %get3A_506 = tpu.vector_load %arg9[%get3A_504, %get3A_505] {strides = array<i32>} : memref<128x128xf32, #tpu.memory_space<vmem>>, vector<1x16xf32>,
        %get3A_507 = vector.shape_cast %get3A_506 : vector<1x16xf32> to vector<16xf32>
        %mul3A_508 = arith.mulf %get3A_507, %gather3A_484 : vector<16xf32>
        %swap3A_509 = arith.index_cast %add3A_474 : i32 to index
        %swap3A_510 = arith.constant 32 : index
        %swap3A_511 = tpu.vector_load %arg9[%swap3A_509, %swap3A_510] {strides = array<i32>} : memref<128x128xf32, #tpu.memory_space<vmem>>, vector<1x16xf32>,
        %swap3A_512 = vector.shape_cast %swap3A_511 : vector<1x16xf32> to vector<16xf32>
        %swap3A_513 = vector.shape_cast %mul3A_508 : vector<16xf32> to vector<1x16xf32>
        tpu.vector_store %arg9[%swap3A_509, %swap3A_510], %swap3A_513 {strides = array<i32>} : memref<128x128xf32, #tpu.memory_space<vmem>>, vector<1x16xf32>,
        %get3A_514 = arith.index_cast %add3A_474 : i32 to index
        %get3A_515 = arith.constant 48 : index
        %get3A_516 = tpu.vector_load %arg9[%get3A_514, %get3A_515] {strides = array<i32>} : memref<128x128xf32, #tpu.memory_space<vmem>>, vector<1x16xf32>,
        %get3A_517 = vector.shape_cast %get3A_516 : vector<1x16xf32> to vector<16xf32>
        %mul3A_518 = arith.mulf %get3A_517, %gather3A_484 : vector<16xf32>
        %swap3A_519 = arith.index_cast %add3A_474 : i32 to index
        %swap3A_520 = arith.constant 48 : index
        %swap3A_521 = tpu.vector_load %arg9[%swap3A_519, %swap3A_520] {strides = array<i32>} : memref<128x128xf32, #tpu.memory_space<vmem>>, vector<1x16xf32>,
        %swap3A_522 = vector.shape_cast %swap3A_521 : vector<1x16xf32> to vector<16xf32>
        %swap3A_523 = vector.shape_cast %mul3A_518 : vector<16xf32> to vector<1x16xf32>
        tpu.vector_store %arg9[%swap3A_519, %swap3A_520], %swap3A_523 {strides = array<i32>} : memref<128x128xf32, #tpu.memory_space<vmem>>, vector<1x16xf32>,
        %get3A_524 = arith.index_cast %add3A_474 : i32 to index
        %get3A_525 = arith.constant 64 : index
        %get3A_526 = tpu.vector_load %arg9[%get3A_524, %get3A_525] {strides = array<i32>} : memref<128x128xf32, #tpu.memory_space<vmem>>, vector<1x16xf32>,
        %get3A_527 = vector.shape_cast %get3A_526 : vector<1x16xf32> to vector<16xf32>
        %mul3A_528 = arith.mulf %get3A_527, %gather3A_484 : vector<16xf32>
        %swap3A_529 = arith.index_cast %add3A_474 : i32 to index
        %swap3A_530 = arith.constant 64 : index
        %swap3A_531 = tpu.vector_load %arg9[%swap3A_529, %swap3A_530] {strides = array<i32>} : memref<128x128xf32, #tpu.memory_space<vmem>>, vector<1x16xf32>,
        %swap3A_532 = vector.shape_cast %swap3A_531 : vector<1x16xf32> to vector<16xf32>
        %swap3A_533 = vector.shape_cast %mul3A_528 : vector<16xf32> to vector<1x16xf32>
        tpu.vector_store %arg9[%swap3A_529, %swap3A_530], %swap3A_533 {strides = array<i32>} : memref<128x128xf32, #tpu.memory_space<vmem>>, vector<1x16xf32>,
        %get3A_534 = arith.index_cast %add3A_474 : i32 to index
        %get3A_535 = arith.constant 80 : index
        %get3A_536 = tpu.vector_load %arg9[%get3A_534, %get3A_535] {strides = array<i32>} : memref<128x128xf32, #tpu.memory_space<vmem>>, vector<1x16xf32>,
        %get3A_537 = vector.shape_cast %get3A_536 : vector<1x16xf32> to vector<16xf32>
        %mul3A_538 = arith.mulf %get3A_537, %gather3A_484 : vector<16xf32>
        %swap3A_539 = arith.index_cast %add3A_474 : i32 to index
        %swap3A_540 = arith.constant 80 : index
        %swap3A_541 = tpu.vector_load %arg9[%swap3A_539, %swap3A_540] {strides = array<i32>} : memref<128x128xf32, #tpu.memory_space<vmem>>, vector<1x16xf32>,
        %swap3A_542 = vector.shape_cast %swap3A_541 : vector<1x16xf32> to vector<16xf32>
        %swap3A_543 = vector.shape_cast %mul3A_538 : vector<16xf32> to vector<1x16xf32>
        tpu.vector_store %arg9[%swap3A_539, %swap3A_540], %swap3A_543 {strides = array<i32>} : memref<128x128xf32, #tpu.memory_space<vmem>>, vector<1x16xf32>,
        %get3A_544 = arith.index_cast %add3A_474 : i32 to index
        %get3A_545 = arith.constant 96 : index
        %get3A_546 = tpu.vector_load %arg9[%get3A_544, %get3A_545] {strides = array<i32>} : memref<128x128xf32, #tpu.memory_space<vmem>>, vector<1x16xf32>,
        %get3A_547 = vector.shape_cast %get3A_546 : vector<1x16xf32> to vector<16xf32>
        %mul3A_548 = arith.mulf %get3A_547, %gather3A_484 : vector<16xf32>
        %swap3A_549 = arith.index_cast %add3A_474 : i32 to index
        %swap3A_550 = arith.constant 96 : index
        %swap3A_551 = tpu.vector_load %arg9[%swap3A_549, %swap3A_550] {strides = array<i32>} : memref<128x128xf32, #tpu.memory_space<vmem>>, vector<1x16xf32>,
        %swap3A_552 = vector.shape_cast %swap3A_551 : vector<1x16xf32> to vector<16xf32>
        %swap3A_553 = vector.shape_cast %mul3A_548 : vector<16xf32> to vector<1x16xf32>
        tpu.vector_store %arg9[%swap3A_549, %swap3A_550], %swap3A_553 {strides = array<i32>} : memref<128x128xf32, #tpu.memory_space<vmem>>, vector<1x16xf32>,
        %get3A_554 = arith.index_cast %add3A_474 : i32 to index
        %get3A_555 = arith.constant 112 : index
        %get3A_556 = tpu.vector_load %arg9[%get3A_554, %get3A_555] {strides = array<i32>} : memref<128x128xf32, #tpu.memory_space<vmem>>, vector<1x16xf32>,
        %get3A_557 = vector.shape_cast %get3A_556 : vector<1x16xf32> to vector<16xf32>
        %mul3A_558 = arith.mulf %get3A_557, %gather3A_484 : vector<16xf32>
        %swap3A_559 = arith.index_cast %add3A_474 : i32 to index
        %swap3A_560 = arith.constant 112 : index
        %swap3A_561 = tpu.vector_load %arg9[%swap3A_559, %swap3A_560] {strides = array<i32>} : memref<128x128xf32, #tpu.memory_space<vmem>>, vector<1x16xf32>,
        %swap3A_562 = vector.shape_cast %swap3A_561 : vector<1x16xf32> to vector<16xf32>
        %swap3A_563 = vector.shape_cast %mul3A_558 : vector<16xf32> to vector<1x16xf32>
        tpu.vector_store %arg9[%swap3A_559, %swap3A_560], %swap3A_563 {strides = array<i32>} : memref<128x128xf32, #tpu.memory_space<vmem>>, vector<1x16xf32>,
      }
      %scan3A_470 = arith.constant 16 : i32
    }
    %scan3A_200 = arith.constant 8 : i32
    %dma_start3A_201 = arith.constant 0 : i32
    %dma_start3A_202 = arith.constant 0 : i32
    %dma_start3A_203 = tpu.memref_slice %arg26[%dma_start3A_201, %dma_start3A_202] : memref<10000x128xf32, #tpu.memory_space<vmem_shared>> -> memref<10000x128xf32, #tpu.memory_space<vmem_shared>>
    tpu.enqueue_indirect_dma source(%arg9 : memref<128x128xf32, #tpu.memory_space<vmem>>) target(%dma_start3A_203 : memref<10000x128xf32, #tpu.memory_space<vmem_shared>>) offsets(%arg17 : memref<128xi32, #tpu.memory_space<vmem>>) semaphore(%arg29 : memref<!tpu.dma_semaphore, #tpu.memory_space<semaphore_mem>>) {add = true}
    %scan3A_204 = arith.constant 0 : i32
    %scan3A_205 = arith.constant 1 : i32
    %scan3A_206 = arith.constant 17 : i32
    %scan3A_207 = arith.addi %scan3A_205, %scan3A_206 : i32
    %scan3A_208 = arith.constant 1 : i32
    scf.for %scan3A_460 = %scan3A_205 to %scan3A_207 step %scan3A_208  : i32 {
      %mul3A_461 = arith.constant 4 : i32
      %mul3A_462 = arith.muli %mul3A_461, %scan3A_460 : i32
      %dma_wait3A_463 = arith.constant 0 : i32
      %dma_wait3A_464 = arith.constant 0 : i32
      %dma_wait3A_465 = tpu.memref_slice %arg2[%dma_wait3A_463, %dma_wait3A_464] : memref<10000x128xf32, #tpu.memory_space<hbm>> -> memref<128x128xf32, #tpu.memory_space<hbm>>
      %dma_wait3A_466 = arith.constant 0 : i32
      %dma_wait3A_467 = arith.constant 0 : i32
      %dma_wait3A_468 = tpu.memref_slice %arg2[%dma_wait3A_466, %dma_wait3A_467] : memref<10000x128xf32, #tpu.memory_space<hbm>> -> memref<128x128xf32, #tpu.memory_space<hbm>>
      tpu.wait_dma2 semaphore(%arg27 : memref<!tpu.dma_semaphore, #tpu.memory_space<semaphore_mem>>) src(%dma_wait3A_468 : memref<128x128xf32, #tpu.memory_space<hbm>>) dst(%arg8 : memref<128x128xf32, #tpu.memory_space<vmem>>)
      %dma_wait3A_469 = arith.constant 0 : i32
      %dma_wait3A_470 = arith.constant 0 : i32
      %dma_wait3A_471 = tpu.memref_slice %arg2[%dma_wait3A_469, %dma_wait3A_470] : memref<10000x128xf32, #tpu.memory_space<hbm>> -> memref<128x128xf32, #tpu.memory_space<hbm>>
      %dma_wait3A_472 = arith.constant 0 : i32
      %dma_wait3A_473 = arith.constant 0 : i32
      %dma_wait3A_474 = tpu.memref_slice %arg2[%dma_wait3A_472, %dma_wait3A_473] : memref<10000x128xf32, #tpu.memory_space<hbm>> -> memref<128x128xf32, #tpu.memory_space<hbm>>
      tpu.wait_dma2 semaphore(%arg29 : memref<!tpu.dma_semaphore, #tpu.memory_space<semaphore_mem>>) src(%dma_wait3A_474 : memref<128x128xf32, #tpu.memory_space<hbm>>) dst(%arg8 : memref<128x128xf32, #tpu.memory_space<vmem>>)
      %add3A_475 = arith.constant 2 : i32
      %add3A_476 = arith.addi %mul3A_462, %add3A_475 : i32
      %mul3A_477 = arith.constant 128 : i32
      %mul3A_478 = arith.muli %add3A_476, %mul3A_477 : i32
      %add3A_479 = arith.addi %mul3A_2, %mul3A_478 : i32
      %dma_start3A_480 = tpu.memref_slice %arg3[%add3A_479] : memref<320000xi32, #tpu.memory_space<hbm>> -> memref<128xi32, #tpu.memory_space<hbm>>
      %dma_start3A_481 = tpu.memref_slice %arg3[%add3A_479] : memref<320000xi32, #tpu.memory_space<hbm>> -> memref<128xi32, #tpu.memory_space<hbm>>
      tpu.enqueue_dma source(%dma_start3A_481 : memref<128xi32, #tpu.memory_space<hbm>>) target(%arg12 : memref<128xi32, #tpu.memory_space<vmem>>) target_semaphore(%arg32 : memref<!tpu.dma_semaphore, #tpu.memory_space<semaphore_mem>>)
      %dma_start3A_482 = tpu.memref_slice %arg4[%add3A_479] : memref<320000xi32, #tpu.memory_space<hbm>> -> memref<128xi32, #tpu.memory_space<hbm>>
      %dma_start3A_483 = tpu.memref_slice %arg4[%add3A_479] : memref<320000xi32, #tpu.memory_space<hbm>> -> memref<128xi32, #tpu.memory_space<hbm>>
      tpu.enqueue_dma source(%dma_start3A_483 : memref<128xi32, #tpu.memory_space<hbm>>) target(%arg16 : memref<128xi32, #tpu.memory_space<vmem>>) target_semaphore(%arg32 : memref<!tpu.dma_semaphore, #tpu.memory_space<semaphore_mem>>)
      %dma_start3A_484 = tpu.memref_slice %arg5[%add3A_479] : memref<320000xf32, #tpu.memory_space<hbm>> -> memref<128xf32, #tpu.memory_space<hbm>>
      %dma_start3A_485 = tpu.memref_slice %arg5[%add3A_479] : memref<320000xf32, #tpu.memory_space<hbm>> -> memref<128xf32, #tpu.memory_space<hbm>>
      tpu.enqueue_dma source(%dma_start3A_485 : memref<128xf32, #tpu.memory_space<hbm>>) target(%arg20 : memref<128xf32, #tpu.memory_space<vmem>>) target_semaphore(%arg32 : memref<!tpu.dma_semaphore, #tpu.memory_space<semaphore_mem>>)
      %dma_wait3A_486 = arith.constant 0 : i32
      %dma_wait3A_487 = tpu.memref_slice %arg5[%dma_wait3A_486] : memref<320000xf32, #tpu.memory_space<hbm>> -> memref<128xf32, #tpu.memory_space<hbm>>
      %dma_wait3A_488 = arith.constant 0 : i32
      %dma_wait3A_489 = tpu.memref_slice %arg5[%dma_wait3A_488] : memref<320000xf32, #tpu.memory_space<hbm>> -> memref<128xf32, #tpu.memory_space<hbm>>
      tpu.wait_dma2 semaphore(%arg31 : memref<!tpu.dma_semaphore, #tpu.memory_space<semaphore_mem>>) src(%dma_wait3A_489 : memref<128xf32, #tpu.memory_space<hbm>>) dst(%arg11 : memref<128xi32, #tpu.memory_space<vmem>>)
      %dma_wait3A_490 = arith.constant 0 : i32
      %dma_wait3A_491 = tpu.memref_slice %arg5[%dma_wait3A_490] : memref<320000xf32, #tpu.memory_space<hbm>> -> memref<128xf32, #tpu.memory_space<hbm>>
      %dma_wait3A_492 = arith.constant 0 : i32
      %dma_wait3A_493 = tpu.memref_slice %arg5[%dma_wait3A_492] : memref<320000xf32, #tpu.memory_space<hbm>> -> memref<128xf32, #tpu.memory_space<hbm>>
      tpu.wait_dma2 semaphore(%arg31 : memref<!tpu.dma_semaphore, #tpu.memory_space<semaphore_mem>>) src(%dma_wait3A_493 : memref<128xf32, #tpu.memory_space<hbm>>) dst(%arg15 : memref<128xi32, #tpu.memory_space<vmem>>)
      %dma_wait3A_494 = arith.constant 0 : i32
      %dma_wait3A_495 = tpu.memref_slice %arg5[%dma_wait3A_494] : memref<320000xf32, #tpu.memory_space<hbm>> -> memref<128xf32, #tpu.memory_space<hbm>>
      %dma_wait3A_496 = arith.constant 0 : i32
      %dma_wait3A_497 = tpu.memref_slice %arg5[%dma_wait3A_496] : memref<320000xf32, #tpu.memory_space<hbm>> -> memref<128xf32, #tpu.memory_space<hbm>>
      tpu.wait_dma2 semaphore(%arg31 : memref<!tpu.dma_semaphore, #tpu.memory_space<semaphore_mem>>) src(%dma_wait3A_497 : memref<128xf32, #tpu.memory_space<hbm>>) dst(%arg19 : memref<128xf32, #tpu.memory_space<vmem>>)
      %dma_start3A_498 = arith.constant 0 : i32
      %dma_start3A_499 = arith.constant 0 : i32
      %dma_start3A_500 = tpu.memref_slice %arg2[%dma_start3A_498, %dma_start3A_499] : memref<10000x128xf32, #tpu.memory_space<hbm>> -> memref<10000x128xf32, #tpu.memory_space<hbm>>
      tpu.enqueue_indirect_dma source(%dma_start3A_500 : memref<10000x128xf32, #tpu.memory_space<hbm>>) target(%arg9 : memref<128x128xf32, #tpu.memory_space<vmem>>) offsets(%arg11 : memref<128xi32, #tpu.memory_space<vmem>>) semaphore(%arg27 : memref<!tpu.dma_semaphore, #tpu.memory_space<semaphore_mem>>)
      %scan3A_501 = arith.constant 0 : i32
      %scan3A_502 = arith.constant 0 : i32
      %scan3A_503 = arith.constant 8 : i32
      %scan3A_504 = arith.addi %scan3A_502, %scan3A_503 : i32
      %scan3A_505 = arith.constant 1 : i32
      scf.for %scan3A_657 = %scan3A_502 to %scan3A_504 step %scan3A_505  : i32 {
        %mul3A_658 = arith.constant 16 : i32
        %mul3A_659 = arith.muli %scan3A_657, %mul3A_658 : i32
        %get3A_660 = arith.index_cast %mul3A_659 : i32 to index
        %get3A_661 = tpu.vector_load %arg18[%get3A_660] {strides = array<i32>} : memref<128xf32, #tpu.memory_space<vmem>>, vector<16xf32>,
        %get3A_662 = vector.shape_cast %get3A_661 : vector<16xf32> to vector<16xf32>
        %scan3A_663 = arith.constant 0 : i32
        %scan3A_664 = arith.constant 16 : i32
        %scan3A_665 = arith.addi %scan3A_663, %scan3A_664 : i32
        %scan3A_666 = arith.constant 1 : i32
        scf.for %scan3A_668 = %scan3A_663 to %scan3A_665 step %scan3A_666  : i32 {
          %mul3A_669 = arith.constant 16 : i32
          %mul3A_670 = arith.muli %scan3A_657, %mul3A_669 : i32
          %add3A_671 = arith.addi %mul3A_670, %scan3A_668 : i32
          %broadcast_in_dim3A = arith.constant 0 : i32
          %broadcast_in_dim3A_672 = vector.broadcast %broadcast_in_dim3A : i32 to vector<16xi32>
          %add3A_673 = vector.broadcast %scan3A_668 : i32 to vector<16xi32>
          %add3A_674 = arith.addi %broadcast_in_dim3A_672, %add3A_673 : vector<16xi32>
          %lt3A = arith.constant 0 : i32
          %lt3A_675 = vector.broadcast %lt3A : i32 to vector<16xi32>
          %lt3A_676 = arith.cmpi slt, %add3A_674, %lt3A_675 : vector<16xi32>
          %add3A_677 = arith.constant 16 : i32
          %add3A_678 = vector.broadcast %add3A_677 : i32 to vector<16xi32>
          %add3A_679 = arith.addi %add3A_674, %add3A_678 : vector<16xi32>
          %select_n3A = arith.select %lt3A_676, %add3A_679, %add3A_674 : vector<16xi1>, vector<16xi32>
          %broadcast_in_dim3A_680 = vector.shape_cast %select_n3A : vector<16xi32> to vector<16x1xi32>
          %gather3A = vector.shape_cast %broadcast_in_dim3A_680 : vector<16x1xi32> to vector<16xi32>
          %gather3A_681 = tpu.dynamic_gather %get3A_662[%gather3A] in [0] : vector<16xf32>, vector<16xi32> -> vector<16xf32>
          %get3A_682 = arith.index_cast %add3A_671 : i32 to index
          %get3A_683 = arith.constant 0 : index
          %get3A_684 = tpu.vector_load %arg8[%get3A_682, %get3A_683] {strides = array<i32>} : memref<128x128xf32, #tpu.memory_space<vmem>>, vector<1x16xf32>,
          %get3A_685 = vector.shape_cast %get3A_684 : vector<1x16xf32> to vector<16xf32>
          %mul3A_686 = arith.mulf %get3A_685, %gather3A_681 : vector<16xf32>
          %swap3A = arith.index_cast %add3A_671 : i32 to index
          %swap3A_687 = arith.constant 0 : index
          %swap3A_688 = tpu.vector_load %arg8[%swap3A, %swap3A_687] {strides = array<i32>} : memref<128x128xf32, #tpu.memory_space<vmem>>, vector<1x16xf32>,
          %swap3A_689 = vector.shape_cast %swap3A_688 : vector<1x16xf32> to vector<16xf32>
          %swap3A_690 = vector.shape_cast %mul3A_686 : vector<16xf32> to vector<1x16xf32>
          tpu.vector_store %arg8[%swap3A, %swap3A_687], %swap3A_690 {strides = array<i32>} : memref<128x128xf32, #tpu.memory_space<vmem>>, vector<1x16xf32>,
          %get3A_691 = arith.index_cast %add3A_671 : i32 to index
          %get3A_692 = arith.constant 16 : index
          %get3A_693 = tpu.vector_load %arg8[%get3A_691, %get3A_692] {strides = array<i32>} : memref<128x128xf32, #tpu.memory_space<vmem>>, vector<1x16xf32>,
          %get3A_694 = vector.shape_cast %get3A_693 : vector<1x16xf32> to vector<16xf32>
          %mul3A_695 = arith.mulf %get3A_694, %gather3A_681 : vector<16xf32>
          %swap3A_696 = arith.index_cast %add3A_671 : i32 to index
          %swap3A_697 = arith.constant 16 : index
          %swap3A_698 = tpu.vector_load %arg8[%swap3A_696, %swap3A_697] {strides = array<i32>} : memref<128x128xf32, #tpu.memory_space<vmem>>, vector<1x16xf32>,
          %swap3A_699 = vector.shape_cast %swap3A_698 : vector<1x16xf32> to vector<16xf32>
          %swap3A_700 = vector.shape_cast %mul3A_695 : vector<16xf32> to vector<1x16xf32>
          tpu.vector_store %arg8[%swap3A_696, %swap3A_697], %swap3A_700 {strides = array<i32>} : memref<128x128xf32, #tpu.memory_space<vmem>>, vector<1x16xf32>,
          %get3A_701 = arith.index_cast %add3A_671 : i32 to index
          %get3A_702 = arith.constant 32 : index
          %get3A_703 = tpu.vector_load %arg8[%get3A_701, %get3A_702] {strides = array<i32>} : memref<128x128xf32, #tpu.memory_space<vmem>>, vector<1x16xf32>,
          %get3A_704 = vector.shape_cast %get3A_703 : vector<1x16xf32> to vector<16xf32>
          %mul3A_705 = arith.mulf %get3A_704, %gather3A_681 : vector<16xf32>
          %swap3A_706 = arith.index_cast %add3A_671 : i32 to index
          %swap3A_707 = arith.constant 32 : index
          %swap3A_708 = tpu.vector_load %arg8[%swap3A_706, %swap3A_707] {strides = array<i32>} : memref<128x128xf32, #tpu.memory_space<vmem>>, vector<1x16xf32>,
          %swap3A_709 = vector.shape_cast %swap3A_708 : vector<1x16xf32> to vector<16xf32>
          %swap3A_710 = vector.shape_cast %mul3A_705 : vector<16xf32> to vector<1x16xf32>
          tpu.vector_store %arg8[%swap3A_706, %swap3A_707], %swap3A_710 {strides = array<i32>} : memref<128x128xf32, #tpu.memory_space<vmem>>, vector<1x16xf32>,
          %get3A_711 = arith.index_cast %add3A_671 : i32 to index
          %get3A_712 = arith.constant 48 : index
          %get3A_713 = tpu.vector_load %arg8[%get3A_711, %get3A_712] {strides = array<i32>} : memref<128x128xf32, #tpu.memory_space<vmem>>, vector<1x16xf32>,
          %get3A_714 = vector.shape_cast %get3A_713 : vector<1x16xf32> to vector<16xf32>
          %mul3A_715 = arith.mulf %get3A_714, %gather3A_681 : vector<16xf32>
          %swap3A_716 = arith.index_cast %add3A_671 : i32 to index
          %swap3A_717 = arith.constant 48 : index
          %swap3A_718 = tpu.vector_load %arg8[%swap3A_716, %swap3A_717] {strides = array<i32>} : memref<128x128xf32, #tpu.memory_space<vmem>>, vector<1x16xf32>,
          %swap3A_719 = vector.shape_cast %swap3A_718 : vector<1x16xf32> to vector<16xf32>
          %swap3A_720 = vector.shape_cast %mul3A_715 : vector<16xf32> to vector<1x16xf32>
          tpu.vector_store %arg8[%swap3A_716, %swap3A_717], %swap3A_720 {strides = array<i32>} : memref<128x128xf32, #tpu.memory_space<vmem>>, vector<1x16xf32>,
          %get3A_721 = arith.index_cast %add3A_671 : i32 to index
          %get3A_722 = arith.constant 64 : index
          %get3A_723 = tpu.vector_load %arg8[%get3A_721, %get3A_722] {strides = array<i32>} : memref<128x128xf32, #tpu.memory_space<vmem>>, vector<1x16xf32>,
          %get3A_724 = vector.shape_cast %get3A_723 : vector<1x16xf32> to vector<16xf32>
          %mul3A_725 = arith.mulf %get3A_724, %gather3A_681 : vector<16xf32>
          %swap3A_726 = arith.index_cast %add3A_671 : i32 to index
          %swap3A_727 = arith.constant 64 : index
          %swap3A_728 = tpu.vector_load %arg8[%swap3A_726, %swap3A_727] {strides = array<i32>} : memref<128x128xf32, #tpu.memory_space<vmem>>, vector<1x16xf32>,
          %swap3A_729 = vector.shape_cast %swap3A_728 : vector<1x16xf32> to vector<16xf32>
          %swap3A_730 = vector.shape_cast %mul3A_725 : vector<16xf32> to vector<1x16xf32>
          tpu.vector_store %arg8[%swap3A_726, %swap3A_727], %swap3A_730 {strides = array<i32>} : memref<128x128xf32, #tpu.memory_space<vmem>>, vector<1x16xf32>,
          %get3A_731 = arith.index_cast %add3A_671 : i32 to index
          %get3A_732 = arith.constant 80 : index
          %get3A_733 = tpu.vector_load %arg8[%get3A_731, %get3A_732] {strides = array<i32>} : memref<128x128xf32, #tpu.memory_space<vmem>>, vector<1x16xf32>,
          %get3A_734 = vector.shape_cast %get3A_733 : vector<1x16xf32> to vector<16xf32>
          %mul3A_735 = arith.mulf %get3A_734, %gather3A_681 : vector<16xf32>
          %swap3A_736 = arith.index_cast %add3A_671 : i32 to index
          %swap3A_737 = arith.constant 80 : index
          %swap3A_738 = tpu.vector_load %arg8[%swap3A_736, %swap3A_737] {strides = array<i32>} : memref<128x128xf32, #tpu.memory_space<vmem>>, vector<1x16xf32>,
          %swap3A_739 = vector.shape_cast %swap3A_738 : vector<1x16xf32> to vector<16xf32>
          %swap3A_740 = vector.shape_cast %mul3A_735 : vector<16xf32> to vector<1x16xf32>
          tpu.vector_store %arg8[%swap3A_736, %swap3A_737], %swap3A_740 {strides = array<i32>} : memref<128x128xf32, #tpu.memory_space<vmem>>, vector<1x16xf32>,
          %get3A_741 = arith.index_cast %add3A_671 : i32 to index
          %get3A_742 = arith.constant 96 : index
          %get3A_743 = tpu.vector_load %arg8[%get3A_741, %get3A_742] {strides = array<i32>} : memref<128x128xf32, #tpu.memory_space<vmem>>, vector<1x16xf32>,
          %get3A_744 = vector.shape_cast %get3A_743 : vector<1x16xf32> to vector<16xf32>
          %mul3A_745 = arith.mulf %get3A_744, %gather3A_681 : vector<16xf32>
          %swap3A_746 = arith.index_cast %add3A_671 : i32 to index
          %swap3A_747 = arith.constant 96 : index
          %swap3A_748 = tpu.vector_load %arg8[%swap3A_746, %swap3A_747] {strides = array<i32>} : memref<128x128xf32, #tpu.memory_space<vmem>>, vector<1x16xf32>,
          %swap3A_749 = vector.shape_cast %swap3A_748 : vector<1x16xf32> to vector<16xf32>
          %swap3A_750 = vector.shape_cast %mul3A_745 : vector<16xf32> to vector<1x16xf32>
          tpu.vector_store %arg8[%swap3A_746, %swap3A_747], %swap3A_750 {strides = array<i32>} : memref<128x128xf32, #tpu.memory_space<vmem>>, vector<1x16xf32>,
          %get3A_751 = arith.index_cast %add3A_671 : i32 to index
          %get3A_752 = arith.constant 112 : index
          %get3A_753 = tpu.vector_load %arg8[%get3A_751, %get3A_752] {strides = array<i32>} : memref<128x128xf32, #tpu.memory_space<vmem>>, vector<1x16xf32>,
          %get3A_754 = vector.shape_cast %get3A_753 : vector<1x16xf32> to vector<16xf32>
          %mul3A_755 = arith.mulf %get3A_754, %gather3A_681 : vector<16xf32>
          %swap3A_756 = arith.index_cast %add3A_671 : i32 to index
          %swap3A_757 = arith.constant 112 : index
          %swap3A_758 = tpu.vector_load %arg8[%swap3A_756, %swap3A_757] {strides = array<i32>} : memref<128x128xf32, #tpu.memory_space<vmem>>, vector<1x16xf32>,
          %swap3A_759 = vector.shape_cast %swap3A_758 : vector<1x16xf32> to vector<16xf32>
          %swap3A_760 = vector.shape_cast %mul3A_755 : vector<16xf32> to vector<1x16xf32>
          tpu.vector_store %arg8[%swap3A_756, %swap3A_757], %swap3A_760 {strides = array<i32>} : memref<128x128xf32, #tpu.memory_space<vmem>>, vector<1x16xf32>,
        }
        %scan3A_667 = arith.constant 16 : i32
      }
      %scan3A_506 = arith.constant 8 : i32
      %dma_start3A_507 = arith.constant 0 : i32
      %dma_start3A_508 = arith.constant 0 : i32
      %dma_start3A_509 = tpu.memref_slice %arg26[%dma_start3A_507, %dma_start3A_508] : memref<10000x128xf32, #tpu.memory_space<vmem_shared>> -> memref<10000x128xf32, #tpu.memory_space<vmem_shared>>
      tpu.enqueue_indirect_dma source(%arg8 : memref<128x128xf32, #tpu.memory_space<vmem>>) target(%dma_start3A_509 : memref<10000x128xf32, #tpu.memory_space<vmem_shared>>) offsets(%arg14 : memref<128xi32, #tpu.memory_space<vmem>>) semaphore(%arg28 : memref<!tpu.dma_semaphore, #tpu.memory_space<semaphore_mem>>) {add = true}
      %add3A_510 = arith.constant 1 : i32
      %add3A_511 = arith.addi %mul3A_462, %add3A_510 : i32
      %dma_wait3A_512 = arith.constant 0 : i32
      %dma_wait3A_513 = arith.constant 0 : i32
      %dma_wait3A_514 = tpu.memref_slice %arg2[%dma_wait3A_512, %dma_wait3A_513] : memref<10000x128xf32, #tpu.memory_space<hbm>> -> memref<128x128xf32, #tpu.memory_space<hbm>>
      %dma_wait3A_515 = arith.constant 0 : i32
      %dma_wait3A_516 = arith.constant 0 : i32
      %dma_wait3A_517 = tpu.memref_slice %arg2[%dma_wait3A_515, %dma_wait3A_516] : memref<10000x128xf32, #tpu.memory_space<hbm>> -> memref<128x128xf32, #tpu.memory_space<hbm>>
      tpu.wait_dma2 semaphore(%arg27 : memref<!tpu.dma_semaphore, #tpu.memory_space<semaphore_mem>>) src(%dma_wait3A_517 : memref<128x128xf32, #tpu.memory_space<hbm>>) dst(%arg9 : memref<128x128xf32, #tpu.memory_space<vmem>>)
      %dma_wait3A_518 = arith.constant 0 : i32
      %dma_wait3A_519 = arith.constant 0 : i32
      %dma_wait3A_520 = tpu.memref_slice %arg2[%dma_wait3A_518, %dma_wait3A_519] : memref<10000x128xf32, #tpu.memory_space<hbm>> -> memref<128x128xf32, #tpu.memory_space<hbm>>
      %dma_wait3A_521 = arith.constant 0 : i32
      %dma_wait3A_522 = arith.constant 0 : i32
      %dma_wait3A_523 = tpu.memref_slice %arg2[%dma_wait3A_521, %dma_wait3A_522] : memref<10000x128xf32, #tpu.memory_space<hbm>> -> memref<128x128xf32, #tpu.memory_space<hbm>>
      tpu.wait_dma2 semaphore(%arg28 : memref<!tpu.dma_semaphore, #tpu.memory_space<semaphore_mem>>) src(%dma_wait3A_523 : memref<128x128xf32, #tpu.memory_space<hbm>>) dst(%arg8 : memref<128x128xf32, #tpu.memory_space<vmem>>)
      %add3A_524 = arith.constant 2 : i32
      %add3A_525 = arith.addi %add3A_511, %add3A_524 : i32
      %mul3A_526 = arith.constant 128 : i32
      %mul3A_527 = arith.muli %add3A_525, %mul3A_526 : i32
      %add3A_528 = arith.addi %mul3A_2, %mul3A_527 : i32
      %dma_start3A_529 = tpu.memref_slice %arg3[%add3A_528] : memref<320000xi32, #tpu.memory_space<hbm>> -> memref<128xi32, #tpu.memory_space<hbm>>
      %dma_start3A_530 = tpu.memref_slice %arg3[%add3A_528] : memref<320000xi32, #tpu.memory_space<hbm>> -> memref<128xi32, #tpu.memory_space<hbm>>
      tpu.enqueue_dma source(%dma_start3A_530 : memref<128xi32, #tpu.memory_space<hbm>>) target(%arg13 : memref<128xi32, #tpu.memory_space<vmem>>) target_semaphore(%arg33 : memref<!tpu.dma_semaphore, #tpu.memory_space<semaphore_mem>>)
      %dma_start3A_531 = tpu.memref_slice %arg4[%add3A_528] : memref<320000xi32, #tpu.memory_space<hbm>> -> memref<128xi32, #tpu.memory_space<hbm>>
      %dma_start3A_532 = tpu.memref_slice %arg4[%add3A_528] : memref<320000xi32, #tpu.memory_space<hbm>> -> memref<128xi32, #tpu.memory_space<hbm>>
      tpu.enqueue_dma source(%dma_start3A_532 : memref<128xi32, #tpu.memory_space<hbm>>) target(%arg17 : memref<128xi32, #tpu.memory_space<vmem>>) target_semaphore(%arg33 : memref<!tpu.dma_semaphore, #tpu.memory_space<semaphore_mem>>)
      %dma_start3A_533 = tpu.memref_slice %arg5[%add3A_528] : memref<320000xf32, #tpu.memory_space<hbm>> -> memref<128xf32, #tpu.memory_space<hbm>>
      %dma_start3A_534 = tpu.memref_slice %arg5[%add3A_528] : memref<320000xf32, #tpu.memory_space<hbm>> -> memref<128xf32, #tpu.memory_space<hbm>>
      tpu.enqueue_dma source(%dma_start3A_534 : memref<128xf32, #tpu.memory_space<hbm>>) target(%arg21 : memref<128xf32, #tpu.memory_space<vmem>>) target_semaphore(%arg33 : memref<!tpu.dma_semaphore, #tpu.memory_space<semaphore_mem>>)
      %dma_wait3A_535 = arith.constant 0 : i32
      %dma_wait3A_536 = tpu.memref_slice %arg5[%dma_wait3A_535] : memref<320000xf32, #tpu.memory_space<hbm>> -> memref<128xf32, #tpu.memory_space<hbm>>
      %dma_wait3A_537 = arith.constant 0 : i32
      %dma_wait3A_538 = tpu.memref_slice %arg5[%dma_wait3A_537] : memref<320000xf32, #tpu.memory_space<hbm>> -> memref<128xf32, #tpu.memory_space<hbm>>
      tpu.wait_dma2 semaphore(%arg32 : memref<!tpu.dma_semaphore, #tpu.memory_space<semaphore_mem>>) src(%dma_wait3A_538 : memref<128xf32, #tpu.memory_space<hbm>>) dst(%arg12 : memref<128xi32, #tpu.memory_space<vmem>>)
      %dma_wait3A_539 = arith.constant 0 : i32
      %dma_wait3A_540 = tpu.memref_slice %arg5[%dma_wait3A_539] : memref<320000xf32, #tpu.memory_space<hbm>> -> memref<128xf32, #tpu.memory_space<hbm>>
      %dma_wait3A_541 = arith.constant 0 : i32
      %dma_wait3A_542 = tpu.memref_slice %arg5[%dma_wait3A_541] : memref<320000xf32, #tpu.memory_space<hbm>> -> memref<128xf32, #tpu.memory_space<hbm>>
      tpu.wait_dma2 semaphore(%arg32 : memref<!tpu.dma_semaphore, #tpu.memory_space<semaphore_mem>>) src(%dma_wait3A_542 : memref<128xf32, #tpu.memory_space<hbm>>) dst(%arg16 : memref<128xi32, #tpu.memory_space<vmem>>)
      %dma_wait3A_543 = arith.constant 0 : i32
      %dma_wait3A_544 = tpu.memref_slice %arg5[%dma_wait3A_543] : memref<320000xf32, #tpu.memory_space<hbm>> -> memref<128xf32, #tpu.memory_space<hbm>>
      %dma_wait3A_545 = arith.constant 0 : i32
      %dma_wait3A_546 = tpu.memref_slice %arg5[%dma_wait3A_545] : memref<320000xf32, #tpu.memory_space<hbm>> -> memref<128xf32, #tpu.memory_space<hbm>>
      tpu.wait_dma2 semaphore(%arg32 : memref<!tpu.dma_semaphore, #tpu.memory_space<semaphore_mem>>) src(%dma_wait3A_546 : memref<128xf32, #tpu.memory_space<hbm>>) dst(%arg20 : memref<128xf32, #tpu.memory_space<vmem>>)
      %dma_start3A_547 = arith.constant 0 : i32
      %dma_start3A_548 = arith.constant 0 : i32
      %dma_start3A_549 = tpu.memref_slice %arg2[%dma_start3A_547, %dma_start3A_548] : memref<10000x128xf32, #tpu.memory_space<hbm>> -> memref<10000x128xf32, #tpu.memory_space<hbm>>
      tpu.enqueue_indirect_dma source(%dma_start3A_549 : memref<10000x128xf32, #tpu.memory_space<hbm>>) target(%arg8 : memref<128x128xf32, #tpu.memory_space<vmem>>) offsets(%arg12 : memref<128xi32, #tpu.memory_space<vmem>>) semaphore(%arg27 : memref<!tpu.dma_semaphore, #tpu.memory_space<semaphore_mem>>)
      %scan3A_550 = arith.constant 0 : i32
      %scan3A_551 = arith.constant 0 : i32
      %scan3A_552 = arith.constant 8 : i32
      %scan3A_553 = arith.addi %scan3A_551, %scan3A_552 : i32
      %scan3A_554 = arith.constant 1 : i32
      scf.for %scan3A_657 = %scan3A_551 to %scan3A_553 step %scan3A_554  : i32 {
        %mul3A_658 = arith.constant 16 : i32
        %mul3A_659 = arith.muli %scan3A_657, %mul3A_658 : i32
        %get3A_660 = arith.index_cast %mul3A_659 : i32 to index
        %get3A_661 = tpu.vector_load %arg19[%get3A_660] {strides = array<i32>} : memref<128xf32, #tpu.memory_space<vmem>>, vector<16xf32>,
        %get3A_662 = vector.shape_cast %get3A_661 : vector<16xf32> to vector<16xf32>
        %scan3A_663 = arith.constant 0 : i32
        %scan3A_664 = arith.constant 16 : i32
        %scan3A_665 = arith.addi %scan3A_663, %scan3A_664 : i32
        %scan3A_666 = arith.constant 1 : i32
        scf.for %scan3A_668 = %scan3A_663 to %scan3A_665 step %scan3A_666  : i32 {
          %mul3A_669 = arith.constant 16 : i32
          %mul3A_670 = arith.muli %scan3A_657, %mul3A_669 : i32
          %add3A_671 = arith.addi %mul3A_670, %scan3A_668 : i32
          %broadcast_in_dim3A = arith.constant 0 : i32
          %broadcast_in_dim3A_672 = vector.broadcast %broadcast_in_dim3A : i32 to vector<16xi32>
          %add3A_673 = vector.broadcast %scan3A_668 : i32 to vector<16xi32>
          %add3A_674 = arith.addi %broadcast_in_dim3A_672, %add3A_673 : vector<16xi32>
          %lt3A = arith.constant 0 : i32
          %lt3A_675 = vector.broadcast %lt3A : i32 to vector<16xi32>
          %lt3A_676 = arith.cmpi slt, %add3A_674, %lt3A_675 : vector<16xi32>
          %add3A_677 = arith.constant 16 : i32
          %add3A_678 = vector.broadcast %add3A_677 : i32 to vector<16xi32>
          %add3A_679 = arith.addi %add3A_674, %add3A_678 : vector<16xi32>
          %select_n3A = arith.select %lt3A_676, %add3A_679, %add3A_674 : vector<16xi1>, vector<16xi32>
          %broadcast_in_dim3A_680 = vector.shape_cast %select_n3A : vector<16xi32> to vector<16x1xi32>
          %gather3A = vector.shape_cast %broadcast_in_dim3A_680 : vector<16x1xi32> to vector<16xi32>
          %gather3A_681 = tpu.dynamic_gather %get3A_662[%gather3A] in [0] : vector<16xf32>, vector<16xi32> -> vector<16xf32>
          %get3A_682 = arith.index_cast %add3A_671 : i32 to index
          %get3A_683 = arith.constant 0 : index
          %get3A_684 = tpu.vector_load %arg9[%get3A_682, %get3A_683] {strides = array<i32>} : memref<128x128xf32, #tpu.memory_space<vmem>>, vector<1x16xf32>,
          %get3A_685 = vector.shape_cast %get3A_684 : vector<1x16xf32> to vector<16xf32>
          %mul3A_686 = arith.mulf %get3A_685, %gather3A_681 : vector<16xf32>
          %swap3A = arith.index_cast %add3A_671 : i32 to index
          %swap3A_687 = arith.constant 0 : index
          %swap3A_688 = tpu.vector_load %arg9[%swap3A, %swap3A_687] {strides = array<i32>} : memref<128x128xf32, #tpu.memory_space<vmem>>, vector<1x16xf32>,
          %swap3A_689 = vector.shape_cast %swap3A_688 : vector<1x16xf32> to vector<16xf32>
          %swap3A_690 = vector.shape_cast %mul3A_686 : vector<16xf32> to vector<1x16xf32>
          tpu.vector_store %arg9[%swap3A, %swap3A_687], %swap3A_690 {strides = array<i32>} : memref<128x128xf32, #tpu.memory_space<vmem>>, vector<1x16xf32>,
          %get3A_691 = arith.index_cast %add3A_671 : i32 to index
          %get3A_692 = arith.constant 16 : index
          %get3A_693 = tpu.vector_load %arg9[%get3A_691, %get3A_692] {strides = array<i32>} : memref<128x128xf32, #tpu.memory_space<vmem>>, vector<1x16xf32>,
          %get3A_694 = vector.shape_cast %get3A_693 : vector<1x16xf32> to vector<16xf32>
          %mul3A_695 = arith.mulf %get3A_694, %gather3A_681 : vector<16xf32>
          %swap3A_696 = arith.index_cast %add3A_671 : i32 to index
          %swap3A_697 = arith.constant 16 : index
          %swap3A_698 = tpu.vector_load %arg9[%swap3A_696, %swap3A_697] {strides = array<i32>} : memref<128x128xf32, #tpu.memory_space<vmem>>, vector<1x16xf32>,
          %swap3A_699 = vector.shape_cast %swap3A_698 : vector<1x16xf32> to vector<16xf32>
          %swap3A_700 = vector.shape_cast %mul3A_695 : vector<16xf32> to vector<1x16xf32>
          tpu.vector_store %arg9[%swap3A_696, %swap3A_697], %swap3A_700 {strides = array<i32>} : memref<128x128xf32, #tpu.memory_space<vmem>>, vector<1x16xf32>,
          %get3A_701 = arith.index_cast %add3A_671 : i32 to index
          %get3A_702 = arith.constant 32 : index
          %get3A_703 = tpu.vector_load %arg9[%get3A_701, %get3A_702] {strides = array<i32>} : memref<128x128xf32, #tpu.memory_space<vmem>>, vector<1x16xf32>,
          %get3A_704 = vector.shape_cast %get3A_703 : vector<1x16xf32> to vector<16xf32>
          %mul3A_705 = arith.mulf %get3A_704, %gather3A_681 : vector<16xf32>
          %swap3A_706 = arith.index_cast %add3A_671 : i32 to index
          %swap3A_707 = arith.constant 32 : index
          %swap3A_708 = tpu.vector_load %arg9[%swap3A_706, %swap3A_707] {strides = array<i32>} : memref<128x128xf32, #tpu.memory_space<vmem>>, vector<1x16xf32>,
          %swap3A_709 = vector.shape_cast %swap3A_708 : vector<1x16xf32> to vector<16xf32>
          %swap3A_710 = vector.shape_cast %mul3A_705 : vector<16xf32> to vector<1x16xf32>
          tpu.vector_store %arg9[%swap3A_706, %swap3A_707], %swap3A_710 {strides = array<i32>} : memref<128x128xf32, #tpu.memory_space<vmem>>, vector<1x16xf32>,
          %get3A_711 = arith.index_cast %add3A_671 : i32 to index
          %get3A_712 = arith.constant 48 : index
          %get3A_713 = tpu.vector_load %arg9[%get3A_711, %get3A_712] {strides = array<i32>} : memref<128x128xf32, #tpu.memory_space<vmem>>, vector<1x16xf32>,
          %get3A_714 = vector.shape_cast %get3A_713 : vector<1x16xf32> to vector<16xf32>
          %mul3A_715 = arith.mulf %get3A_714, %gather3A_681 : vector<16xf32>
          %swap3A_716 = arith.index_cast %add3A_671 : i32 to index
          %swap3A_717 = arith.constant 48 : index
          %swap3A_718 = tpu.vector_load %arg9[%swap3A_716, %swap3A_717] {strides = array<i32>} : memref<128x128xf32, #tpu.memory_space<vmem>>, vector<1x16xf32>,
          %swap3A_719 = vector.shape_cast %swap3A_718 : vector<1x16xf32> to vector<16xf32>
          %swap3A_720 = vector.shape_cast %mul3A_715 : vector<16xf32> to vector<1x16xf32>
          tpu.vector_store %arg9[%swap3A_716, %swap3A_717], %swap3A_720 {strides = array<i32>} : memref<128x128xf32, #tpu.memory_space<vmem>>, vector<1x16xf32>,
          %get3A_721 = arith.index_cast %add3A_671 : i32 to index
          %get3A_722 = arith.constant 64 : index
          %get3A_723 = tpu.vector_load %arg9[%get3A_721, %get3A_722] {strides = array<i32>} : memref<128x128xf32, #tpu.memory_space<vmem>>, vector<1x16xf32>,
          %get3A_724 = vector.shape_cast %get3A_723 : vector<1x16xf32> to vector<16xf32>
          %mul3A_725 = arith.mulf %get3A_724, %gather3A_681 : vector<16xf32>
          %swap3A_726 = arith.index_cast %add3A_671 : i32 to index
          %swap3A_727 = arith.constant 64 : index
          %swap3A_728 = tpu.vector_load %arg9[%swap3A_726, %swap3A_727] {strides = array<i32>} : memref<128x128xf32, #tpu.memory_space<vmem>>, vector<1x16xf32>,
          %swap3A_729 = vector.shape_cast %swap3A_728 : vector<1x16xf32> to vector<16xf32>
          %swap3A_730 = vector.shape_cast %mul3A_725 : vector<16xf32> to vector<1x16xf32>
          tpu.vector_store %arg9[%swap3A_726, %swap3A_727], %swap3A_730 {strides = array<i32>} : memref<128x128xf32, #tpu.memory_space<vmem>>, vector<1x16xf32>,
          %get3A_731 = arith.index_cast %add3A_671 : i32 to index
          %get3A_732 = arith.constant 80 : index
          %get3A_733 = tpu.vector_load %arg9[%get3A_731, %get3A_732] {strides = array<i32>} : memref<128x128xf32, #tpu.memory_space<vmem>>, vector<1x16xf32>,
          %get3A_734 = vector.shape_cast %get3A_733 : vector<1x16xf32> to vector<16xf32>
          %mul3A_735 = arith.mulf %get3A_734, %gather3A_681 : vector<16xf32>
          %swap3A_736 = arith.index_cast %add3A_671 : i32 to index
          %swap3A_737 = arith.constant 80 : index
          %swap3A_738 = tpu.vector_load %arg9[%swap3A_736, %swap3A_737] {strides = array<i32>} : memref<128x128xf32, #tpu.memory_space<vmem>>, vector<1x16xf32>,
          %swap3A_739 = vector.shape_cast %swap3A_738 : vector<1x16xf32> to vector<16xf32>
          %swap3A_740 = vector.shape_cast %mul3A_735 : vector<16xf32> to vector<1x16xf32>
          tpu.vector_store %arg9[%swap3A_736, %swap3A_737], %swap3A_740 {strides = array<i32>} : memref<128x128xf32, #tpu.memory_space<vmem>>, vector<1x16xf32>,
          %get3A_741 = arith.index_cast %add3A_671 : i32 to index
          %get3A_742 = arith.constant 96 : index
          %get3A_743 = tpu.vector_load %arg9[%get3A_741, %get3A_742] {strides = array<i32>} : memref<128x128xf32, #tpu.memory_space<vmem>>, vector<1x16xf32>,
          %get3A_744 = vector.shape_cast %get3A_743 : vector<1x16xf32> to vector<16xf32>
          %mul3A_745 = arith.mulf %get3A_744, %gather3A_681 : vector<16xf32>
          %swap3A_746 = arith.index_cast %add3A_671 : i32 to index
          %swap3A_747 = arith.constant 96 : index
          %swap3A_748 = tpu.vector_load %arg9[%swap3A_746, %swap3A_747] {strides = array<i32>} : memref<128x128xf32, #tpu.memory_space<vmem>>, vector<1x16xf32>,
          %swap3A_749 = vector.shape_cast %swap3A_748 : vector<1x16xf32> to vector<16xf32>
          %swap3A_750 = vector.shape_cast %mul3A_745 : vector<16xf32> to vector<1x16xf32>
          tpu.vector_store %arg9[%swap3A_746, %swap3A_747], %swap3A_750 {strides = array<i32>} : memref<128x128xf32, #tpu.memory_space<vmem>>, vector<1x16xf32>,
          %get3A_751 = arith.index_cast %add3A_671 : i32 to index
          %get3A_752 = arith.constant 112 : index
          %get3A_753 = tpu.vector_load %arg9[%get3A_751, %get3A_752] {strides = array<i32>} : memref<128x128xf32, #tpu.memory_space<vmem>>, vector<1x16xf32>,
          %get3A_754 = vector.shape_cast %get3A_753 : vector<1x16xf32> to vector<16xf32>
          %mul3A_755 = arith.mulf %get3A_754, %gather3A_681 : vector<16xf32>
          %swap3A_756 = arith.index_cast %add3A_671 : i32 to index
          %swap3A_757 = arith.constant 112 : index
          %swap3A_758 = tpu.vector_load %arg9[%swap3A_756, %swap3A_757] {strides = array<i32>} : memref<128x128xf32, #tpu.memory_space<vmem>>, vector<1x16xf32>,
          %swap3A_759 = vector.shape_cast %swap3A_758 : vector<1x16xf32> to vector<16xf32>
          %swap3A_760 = vector.shape_cast %mul3A_755 : vector<16xf32> to vector<1x16xf32>
          tpu.vector_store %arg9[%swap3A_756, %swap3A_757], %swap3A_760 {strides = array<i32>} : memref<128x128xf32, #tpu.memory_space<vmem>>, vector<1x16xf32>,
        }
        %scan3A_667 = arith.constant 16 : i32
      }
      %scan3A_555 = arith.constant 8 : i32
      %dma_start3A_556 = arith.constant 0 : i32
      %dma_start3A_557 = arith.constant 0 : i32
      %dma_start3A_558 = tpu.memref_slice %arg26[%dma_start3A_556, %dma_start3A_557] : memref<10000x128xf32, #tpu.memory_space<vmem_shared>> -> memref<10000x128xf32, #tpu.memory_space<vmem_shared>>
      tpu.enqueue_indirect_dma source(%arg9 : memref<128x128xf32, #tpu.memory_space<vmem>>) target(%dma_start3A_558 : memref<10000x128xf32, #tpu.memory_space<vmem_shared>>) offsets(%arg15 : memref<128xi32, #tpu.memory_space<vmem>>) semaphore(%arg29 : memref<!tpu.dma_semaphore, #tpu.memory_space<semaphore_mem>>) {add = true}
      %add3A_559 = arith.constant 2 : i32
      %add3A_560 = arith.addi %mul3A_462, %add3A_559 : i32
      %dma_wait3A_561 = arith.constant 0 : i32
      %dma_wait3A_562 = arith.constant 0 : i32
      %dma_wait3A_563 = tpu.memref_slice %arg2[%dma_wait3A_561, %dma_wait3A_562] : memref<10000x128xf32, #tpu.memory_space<hbm>> -> memref<128x128xf32, #tpu.memory_space<hbm>>
      %dma_wait3A_564 = arith.constant 0 : i32
      %dma_wait3A_565 = arith.constant 0 : i32
      %dma_wait3A_566 = tpu.memref_slice %arg2[%dma_wait3A_564, %dma_wait3A_565] : memref<10000x128xf32, #tpu.memory_space<hbm>> -> memref<128x128xf32, #tpu.memory_space<hbm>>
      tpu.wait_dma2 semaphore(%arg27 : memref<!tpu.dma_semaphore, #tpu.memory_space<semaphore_mem>>) src(%dma_wait3A_566 : memref<128x128xf32, #tpu.memory_space<hbm>>) dst(%arg8 : memref<128x128xf32, #tpu.memory_space<vmem>>)
      %dma_wait3A_567 = arith.constant 0 : i32
      %dma_wait3A_568 = arith.constant 0 : i32
      %dma_wait3A_569 = tpu.memref_slice %arg2[%dma_wait3A_567, %dma_wait3A_568] : memref<10000x128xf32, #tpu.memory_space<hbm>> -> memref<128x128xf32, #tpu.memory_space<hbm>>
      %dma_wait3A_570 = arith.constant 0 : i32
      %dma_wait3A_571 = arith.constant 0 : i32
      %dma_wait3A_572 = tpu.memref_slice %arg2[%dma_wait3A_570, %dma_wait3A_571] : memref<10000x128xf32, #tpu.memory_space<hbm>> -> memref<128x128xf32, #tpu.memory_space<hbm>>
      tpu.wait_dma2 semaphore(%arg29 : memref<!tpu.dma_semaphore, #tpu.memory_space<semaphore_mem>>) src(%dma_wait3A_572 : memref<128x128xf32, #tpu.memory_space<hbm>>) dst(%arg8 : memref<128x128xf32, #tpu.memory_space<vmem>>)
      %add3A_573 = arith.constant 2 : i32
      %add3A_574 = arith.addi %add3A_560, %add3A_573 : i32
      %mul3A_575 = arith.constant 128 : i32
      %mul3A_576 = arith.muli %add3A_574, %mul3A_575 : i32
      %add3A_577 = arith.addi %mul3A_2, %mul3A_576 : i32
      %dma_start3A_578 = tpu.memref_slice %arg3[%add3A_577] : memref<320000xi32, #tpu.memory_space<hbm>> -> memref<128xi32, #tpu.memory_space<hbm>>
      %dma_start3A_579 = tpu.memref_slice %arg3[%add3A_577] : memref<320000xi32, #tpu.memory_space<hbm>> -> memref<128xi32, #tpu.memory_space<hbm>>
      tpu.enqueue_dma source(%dma_start3A_579 : memref<128xi32, #tpu.memory_space<hbm>>) target(%arg10 : memref<128xi32, #tpu.memory_space<vmem>>) target_semaphore(%arg30 : memref<!tpu.dma_semaphore, #tpu.memory_space<semaphore_mem>>)
      %dma_start3A_580 = tpu.memref_slice %arg4[%add3A_577] : memref<320000xi32, #tpu.memory_space<hbm>> -> memref<128xi32, #tpu.memory_space<hbm>>
      %dma_start3A_581 = tpu.memref_slice %arg4[%add3A_577] : memref<320000xi32, #tpu.memory_space<hbm>> -> memref<128xi32, #tpu.memory_space<hbm>>
      tpu.enqueue_dma source(%dma_start3A_581 : memref<128xi32, #tpu.memory_space<hbm>>) target(%arg14 : memref<128xi32, #tpu.memory_space<vmem>>) target_semaphore(%arg30 : memref<!tpu.dma_semaphore, #tpu.memory_space<semaphore_mem>>)
      %dma_start3A_582 = tpu.memref_slice %arg5[%add3A_577] : memref<320000xf32, #tpu.memory_space<hbm>> -> memref<128xf32, #tpu.memory_space<hbm>>
      %dma_start3A_583 = tpu.memref_slice %arg5[%add3A_577] : memref<320000xf32, #tpu.memory_space<hbm>> -> memref<128xf32, #tpu.memory_space<hbm>>
      tpu.enqueue_dma source(%dma_start3A_583 : memref<128xf32, #tpu.memory_space<hbm>>) target(%arg18 : memref<128xf32, #tpu.memory_space<vmem>>) target_semaphore(%arg30 : memref<!tpu.dma_semaphore, #tpu.memory_space<semaphore_mem>>)
      %dma_wait3A_584 = arith.constant 0 : i32
      %dma_wait3A_585 = tpu.memref_slice %arg5[%dma_wait3A_584] : memref<320000xf32, #tpu.memory_space<hbm>> -> memref<128xf32, #tpu.memory_space<hbm>>
      %dma_wait3A_586 = arith.constant 0 : i32
      %dma_wait3A_587 = tpu.memref_slice %arg5[%dma_wait3A_586] : memref<320000xf32, #tpu.memory_space<hbm>> -> memref<128xf32, #tpu.memory_space<hbm>>
      tpu.wait_dma2 semaphore(%arg33 : memref<!tpu.dma_semaphore, #tpu.memory_space<semaphore_mem>>) src(%dma_wait3A_587 : memref<128xf32, #tpu.memory_space<hbm>>) dst(%arg13 : memref<128xi32, #tpu.memory_space<vmem>>)
      %dma_wait3A_588 = arith.constant 0 : i32
      %dma_wait3A_589 = tpu.memref_slice %arg5[%dma_wait3A_588] : memref<320000xf32, #tpu.memory_space<hbm>> -> memref<128xf32, #tpu.memory_space<hbm>>
      %dma_wait3A_590 = arith.constant 0 : i32
      %dma_wait3A_591 = tpu.memref_slice %arg5[%dma_wait3A_590] : memref<320000xf32, #tpu.memory_space<hbm>> -> memref<128xf32, #tpu.memory_space<hbm>>
      tpu.wait_dma2 semaphore(%arg33 : memref<!tpu.dma_semaphore, #tpu.memory_space<semaphore_mem>>) src(%dma_wait3A_591 : memref<128xf32, #tpu.memory_space<hbm>>) dst(%arg17 : memref<128xi32, #tpu.memory_space<vmem>>)
      %dma_wait3A_592 = arith.constant 0 : i32
      %dma_wait3A_593 = tpu.memref_slice %arg5[%dma_wait3A_592] : memref<320000xf32, #tpu.memory_space<hbm>> -> memref<128xf32, #tpu.memory_space<hbm>>
      %dma_wait3A_594 = arith.constant 0 : i32
      %dma_wait3A_595 = tpu.memref_slice %arg5[%dma_wait3A_594] : memref<320000xf32, #tpu.memory_space<hbm>> -> memref<128xf32, #tpu.memory_space<hbm>>
      tpu.wait_dma2 semaphore(%arg33 : memref<!tpu.dma_semaphore, #tpu.memory_space<semaphore_mem>>) src(%dma_wait3A_595 : memref<128xf32, #tpu.memory_space<hbm>>) dst(%arg21 : memref<128xf32, #tpu.memory_space<vmem>>)
      %dma_start3A_596 = arith.constant 0 : i32
      %dma_start3A_597 = arith.constant 0 : i32
      %dma_start3A_598 = tpu.memref_slice %arg2[%dma_start3A_596, %dma_start3A_597] : memref<10000x128xf32, #tpu.memory_space<hbm>> -> memref<10000x128xf32, #tpu.memory_space<hbm>>
      tpu.enqueue_indirect_dma source(%dma_start3A_598 : memref<10000x128xf32, #tpu.memory_space<hbm>>) target(%arg9 : memref<128x128xf32, #tpu.memory_space<vmem>>) offsets(%arg13 : memref<128xi32, #tpu.memory_space<vmem>>) semaphore(%arg27 : memref<!tpu.dma_semaphore, #tpu.memory_space<semaphore_mem>>)
      %scan3A_599 = arith.constant 0 : i32
      %scan3A_600 = arith.constant 0 : i32
      %scan3A_601 = arith.constant 8 : i32
      %scan3A_602 = arith.addi %scan3A_600, %scan3A_601 : i32
      %scan3A_603 = arith.constant 1 : i32
      scf.for %scan3A_657 = %scan3A_600 to %scan3A_602 step %scan3A_603  : i32 {
        %mul3A_658 = arith.constant 16 : i32
        %mul3A_659 = arith.muli %scan3A_657, %mul3A_658 : i32
        %get3A_660 = arith.index_cast %mul3A_659 : i32 to index
        %get3A_661 = tpu.vector_load %arg20[%get3A_660] {strides = array<i32>} : memref<128xf32, #tpu.memory_space<vmem>>, vector<16xf32>,
        %get3A_662 = vector.shape_cast %get3A_661 : vector<16xf32> to vector<16xf32>
        %scan3A_663 = arith.constant 0 : i32
        %scan3A_664 = arith.constant 16 : i32
        %scan3A_665 = arith.addi %scan3A_663, %scan3A_664 : i32
        %scan3A_666 = arith.constant 1 : i32
        scf.for %scan3A_668 = %scan3A_663 to %scan3A_665 step %scan3A_666  : i32 {
          %mul3A_669 = arith.constant 16 : i32
          %mul3A_670 = arith.muli %scan3A_657, %mul3A_669 : i32
          %add3A_671 = arith.addi %mul3A_670, %scan3A_668 : i32
          %broadcast_in_dim3A = arith.constant 0 : i32
          %broadcast_in_dim3A_672 = vector.broadcast %broadcast_in_dim3A : i32 to vector<16xi32>
          %add3A_673 = vector.broadcast %scan3A_668 : i32 to vector<16xi32>
          %add3A_674 = arith.addi %broadcast_in_dim3A_672, %add3A_673 : vector<16xi32>
          %lt3A = arith.constant 0 : i32
          %lt3A_675 = vector.broadcast %lt3A : i32 to vector<16xi32>
          %lt3A_676 = arith.cmpi slt, %add3A_674, %lt3A_675 : vector<16xi32>
          %add3A_677 = arith.constant 16 : i32
          %add3A_678 = vector.broadcast %add3A_677 : i32 to vector<16xi32>
          %add3A_679 = arith.addi %add3A_674, %add3A_678 : vector<16xi32>
          %select_n3A = arith.select %lt3A_676, %add3A_679, %add3A_674 : vector<16xi1>, vector<16xi32>
          %broadcast_in_dim3A_680 = vector.shape_cast %select_n3A : vector<16xi32> to vector<16x1xi32>
          %gather3A = vector.shape_cast %broadcast_in_dim3A_680 : vector<16x1xi32> to vector<16xi32>
          %gather3A_681 = tpu.dynamic_gather %get3A_662[%gather3A] in [0] : vector<16xf32>, vector<16xi32> -> vector<16xf32>
          %get3A_682 = arith.index_cast %add3A_671 : i32 to index
          %get3A_683 = arith.constant 0 : index
          %get3A_684 = tpu.vector_load %arg8[%get3A_682, %get3A_683] {strides = array<i32>} : memref<128x128xf32, #tpu.memory_space<vmem>>, vector<1x16xf32>,
          %get3A_685 = vector.shape_cast %get3A_684 : vector<1x16xf32> to vector<16xf32>
          %mul3A_686 = arith.mulf %get3A_685, %gather3A_681 : vector<16xf32>
          %swap3A = arith.index_cast %add3A_671 : i32 to index
          %swap3A_687 = arith.constant 0 : index
          %swap3A_688 = tpu.vector_load %arg8[%swap3A, %swap3A_687] {strides = array<i32>} : memref<128x128xf32, #tpu.memory_space<vmem>>, vector<1x16xf32>,
          %swap3A_689 = vector.shape_cast %swap3A_688 : vector<1x16xf32> to vector<16xf32>
          %swap3A_690 = vector.shape_cast %mul3A_686 : vector<16xf32> to vector<1x16xf32>
          tpu.vector_store %arg8[%swap3A, %swap3A_687], %swap3A_690 {strides = array<i32>} : memref<128x128xf32, #tpu.memory_space<vmem>>, vector<1x16xf32>,
          %get3A_691 = arith.index_cast %add3A_671 : i32 to index
          %get3A_692 = arith.constant 16 : index
          %get3A_693 = tpu.vector_load %arg8[%get3A_691, %get3A_692] {strides = array<i32>} : memref<128x128xf32, #tpu.memory_space<vmem>>, vector<1x16xf32>,
          %get3A_694 = vector.shape_cast %get3A_693 : vector<1x16xf32> to vector<16xf32>
          %mul3A_695 = arith.mulf %get3A_694, %gather3A_681 : vector<16xf32>
          %swap3A_696 = arith.index_cast %add3A_671 : i32 to index
          %swap3A_697 = arith.constant 16 : index
          %swap3A_698 = tpu.vector_load %arg8[%swap3A_696, %swap3A_697] {strides = array<i32>} : memref<128x128xf32, #tpu.memory_space<vmem>>, vector<1x16xf32>,
          %swap3A_699 = vector.shape_cast %swap3A_698 : vector<1x16xf32> to vector<16xf32>
          %swap3A_700 = vector.shape_cast %mul3A_695 : vector<16xf32> to vector<1x16xf32>
          tpu.vector_store %arg8[%swap3A_696, %swap3A_697], %swap3A_700 {strides = array<i32>} : memref<128x128xf32, #tpu.memory_space<vmem>>, vector<1x16xf32>,
          %get3A_701 = arith.index_cast %add3A_671 : i32 to index
          %get3A_702 = arith.constant 32 : index
          %get3A_703 = tpu.vector_load %arg8[%get3A_701, %get3A_702] {strides = array<i32>} : memref<128x128xf32, #tpu.memory_space<vmem>>, vector<1x16xf32>,
          %get3A_704 = vector.shape_cast %get3A_703 : vector<1x16xf32> to vector<16xf32>
          %mul3A_705 = arith.mulf %get3A_704, %gather3A_681 : vector<16xf32>
          %swap3A_706 = arith.index_cast %add3A_671 : i32 to index
          %swap3A_707 = arith.constant 32 : index
          %swap3A_708 = tpu.vector_load %arg8[%swap3A_706, %swap3A_707] {strides = array<i32>} : memref<128x128xf32, #tpu.memory_space<vmem>>, vector<1x16xf32>,
          %swap3A_709 = vector.shape_cast %swap3A_708 : vector<1x16xf32> to vector<16xf32>
          %swap3A_710 = vector.shape_cast %mul3A_705 : vector<16xf32> to vector<1x16xf32>
          tpu.vector_store %arg8[%swap3A_706, %swap3A_707], %swap3A_710 {strides = array<i32>} : memref<128x128xf32, #tpu.memory_space<vmem>>, vector<1x16xf32>,
          %get3A_711 = arith.index_cast %add3A_671 : i32 to index
          %get3A_712 = arith.constant 48 : index
          %get3A_713 = tpu.vector_load %arg8[%get3A_711, %get3A_712] {strides = array<i32>} : memref<128x128xf32, #tpu.memory_space<vmem>>, vector<1x16xf32>,
          %get3A_714 = vector.shape_cast %get3A_713 : vector<1x16xf32> to vector<16xf32>
          %mul3A_715 = arith.mulf %get3A_714, %gather3A_681 : vector<16xf32>
          %swap3A_716 = arith.index_cast %add3A_671 : i32 to index
          %swap3A_717 = arith.constant 48 : index
          %swap3A_718 = tpu.vector_load %arg8[%swap3A_716, %swap3A_717] {strides = array<i32>} : memref<128x128xf32, #tpu.memory_space<vmem>>, vector<1x16xf32>,
          %swap3A_719 = vector.shape_cast %swap3A_718 : vector<1x16xf32> to vector<16xf32>
          %swap3A_720 = vector.shape_cast %mul3A_715 : vector<16xf32> to vector<1x16xf32>
          tpu.vector_store %arg8[%swap3A_716, %swap3A_717], %swap3A_720 {strides = array<i32>} : memref<128x128xf32, #tpu.memory_space<vmem>>, vector<1x16xf32>,
          %get3A_721 = arith.index_cast %add3A_671 : i32 to index
          %get3A_722 = arith.constant 64 : index
          %get3A_723 = tpu.vector_load %arg8[%get3A_721, %get3A_722] {strides = array<i32>} : memref<128x128xf32, #tpu.memory_space<vmem>>, vector<1x16xf32>,
          %get3A_724 = vector.shape_cast %get3A_723 : vector<1x16xf32> to vector<16xf32>
          %mul3A_725 = arith.mulf %get3A_724, %gather3A_681 : vector<16xf32>
          %swap3A_726 = arith.index_cast %add3A_671 : i32 to index
          %swap3A_727 = arith.constant 64 : index
          %swap3A_728 = tpu.vector_load %arg8[%swap3A_726, %swap3A_727] {strides = array<i32>} : memref<128x128xf32, #tpu.memory_space<vmem>>, vector<1x16xf32>,
          %swap3A_729 = vector.shape_cast %swap3A_728 : vector<1x16xf32> to vector<16xf32>
          %swap3A_730 = vector.shape_cast %mul3A_725 : vector<16xf32> to vector<1x16xf32>
          tpu.vector_store %arg8[%swap3A_726, %swap3A_727], %swap3A_730 {strides = array<i32>} : memref<128x128xf32, #tpu.memory_space<vmem>>, vector<1x16xf32>,
          %get3A_731 = arith.index_cast %add3A_671 : i32 to index
          %get3A_732 = arith.constant 80 : index
          %get3A_733 = tpu.vector_load %arg8[%get3A_731, %get3A_732] {strides = array<i32>} : memref<128x128xf32, #tpu.memory_space<vmem>>, vector<1x16xf32>,
          %get3A_734 = vector.shape_cast %get3A_733 : vector<1x16xf32> to vector<16xf32>
          %mul3A_735 = arith.mulf %get3A_734, %gather3A_681 : vector<16xf32>
          %swap3A_736 = arith.index_cast %add3A_671 : i32 to index
          %swap3A_737 = arith.constant 80 : index
          %swap3A_738 = tpu.vector_load %arg8[%swap3A_736, %swap3A_737] {strides = array<i32>} : memref<128x128xf32, #tpu.memory_space<vmem>>, vector<1x16xf32>,
          %swap3A_739 = vector.shape_cast %swap3A_738 : vector<1x16xf32> to vector<16xf32>
          %swap3A_740 = vector.shape_cast %mul3A_735 : vector<16xf32> to vector<1x16xf32>
          tpu.vector_store %arg8[%swap3A_736, %swap3A_737], %swap3A_740 {strides = array<i32>} : memref<128x128xf32, #tpu.memory_space<vmem>>, vector<1x16xf32>,
          %get3A_741 = arith.index_cast %add3A_671 : i32 to index
          %get3A_742 = arith.constant 96 : index
          %get3A_743 = tpu.vector_load %arg8[%get3A_741, %get3A_742] {strides = array<i32>} : memref<128x128xf32, #tpu.memory_space<vmem>>, vector<1x16xf32>,
          %get3A_744 = vector.shape_cast %get3A_743 : vector<1x16xf32> to vector<16xf32>
          %mul3A_745 = arith.mulf %get3A_744, %gather3A_681 : vector<16xf32>
          %swap3A_746 = arith.index_cast %add3A_671 : i32 to index
          %swap3A_747 = arith.constant 96 : index
          %swap3A_748 = tpu.vector_load %arg8[%swap3A_746, %swap3A_747] {strides = array<i32>} : memref<128x128xf32, #tpu.memory_space<vmem>>, vector<1x16xf32>,
          %swap3A_749 = vector.shape_cast %swap3A_748 : vector<1x16xf32> to vector<16xf32>
          %swap3A_750 = vector.shape_cast %mul3A_745 : vector<16xf32> to vector<1x16xf32>
          tpu.vector_store %arg8[%swap3A_746, %swap3A_747], %swap3A_750 {strides = array<i32>} : memref<128x128xf32, #tpu.memory_space<vmem>>, vector<1x16xf32>,
          %get3A_751 = arith.index_cast %add3A_671 : i32 to index
          %get3A_752 = arith.constant 112 : index
          %get3A_753 = tpu.vector_load %arg8[%get3A_751, %get3A_752] {strides = array<i32>} : memref<128x128xf32, #tpu.memory_space<vmem>>, vector<1x16xf32>,
          %get3A_754 = vector.shape_cast %get3A_753 : vector<1x16xf32> to vector<16xf32>
          %mul3A_755 = arith.mulf %get3A_754, %gather3A_681 : vector<16xf32>
          %swap3A_756 = arith.index_cast %add3A_671 : i32 to index
          %swap3A_757 = arith.constant 112 : index
          %swap3A_758 = tpu.vector_load %arg8[%swap3A_756, %swap3A_757] {strides = array<i32>} : memref<128x128xf32, #tpu.memory_space<vmem>>, vector<1x16xf32>,
          %swap3A_759 = vector.shape_cast %swap3A_758 : vector<1x16xf32> to vector<16xf32>
          %swap3A_760 = vector.shape_cast %mul3A_755 : vector<16xf32> to vector<1x16xf32>
          tpu.vector_store %arg8[%swap3A_756, %swap3A_757], %swap3A_760 {strides = array<i32>} : memref<128x128xf32, #tpu.memory_space<vmem>>, vector<1x16xf32>,
        }
        %scan3A_667 = arith.constant 16 : i32
      }
      %scan3A_604 = arith.constant 8 : i32
      %dma_start3A_605 = arith.constant 0 : i32
      %dma_start3A_606 = arith.constant 0 : i32
      %dma_start3A_607 = tpu.memref_slice %arg26[%dma_start3A_605, %dma_start3A_606] : memref<10000x128xf32, #tpu.memory_space<vmem_shared>> -> memref<10000x128xf32, #tpu.memory_space<vmem_shared>>
      tpu.enqueue_indirect_dma source(%arg8 : memref<128x128xf32, #tpu.memory_space<vmem>>) target(%dma_start3A_607 : memref<10000x128xf32, #tpu.memory_space<vmem_shared>>) offsets(%arg16 : memref<128xi32, #tpu.memory_space<vmem>>) semaphore(%arg28 : memref<!tpu.dma_semaphore, #tpu.memory_space<semaphore_mem>>) {add = true}
      %add3A_608 = arith.constant 3 : i32
      %add3A_609 = arith.addi %mul3A_462, %add3A_608 : i32
      %dma_wait3A_610 = arith.constant 0 : i32
      %dma_wait3A_611 = arith.constant 0 : i32
      %dma_wait3A_612 = tpu.memref_slice %arg2[%dma_wait3A_610, %dma_wait3A_611] : memref<10000x128xf32, #tpu.memory_space<hbm>> -> memref<128x128xf32, #tpu.memory_space<hbm>>
      %dma_wait3A_613 = arith.constant 0 : i32
      %dma_wait3A_614 = arith.constant 0 : i32
      %dma_wait3A_615 = tpu.memref_slice %arg2[%dma_wait3A_613, %dma_wait3A_614] : memref<10000x128xf32, #tpu.memory_space<hbm>> -> memref<128x128xf32, #tpu.memory_space<hbm>>
      tpu.wait_dma2 semaphore(%arg27 : memref<!tpu.dma_semaphore, #tpu.memory_space<semaphore_mem>>) src(%dma_wait3A_615 : memref<128x128xf32, #tpu.memory_space<hbm>>) dst(%arg9 : memref<128x128xf32, #tpu.memory_space<vmem>>)
      %dma_wait3A_616 = arith.constant 0 : i32
      %dma_wait3A_617 = arith.constant 0 : i32
      %dma_wait3A_618 = tpu.memref_slice %arg2[%dma_wait3A_616, %dma_wait3A_617] : memref<10000x128xf32, #tpu.memory_space<hbm>> -> memref<128x128xf32, #tpu.memory_space<hbm>>
      %dma_wait3A_619 = arith.constant 0 : i32
      %dma_wait3A_620 = arith.constant 0 : i32
      %dma_wait3A_621 = tpu.memref_slice %arg2[%dma_wait3A_619, %dma_wait3A_620] : memref<10000x128xf32, #tpu.memory_space<hbm>> -> memref<128x128xf32, #tpu.memory_space<hbm>>
      tpu.wait_dma2 semaphore(%arg28 : memref<!tpu.dma_semaphore, #tpu.memory_space<semaphore_mem>>) src(%dma_wait3A_621 : memref<128x128xf32, #tpu.memory_space<hbm>>) dst(%arg8 : memref<128x128xf32, #tpu.memory_space<vmem>>)
      %add3A_622 = arith.constant 2 : i32
      %add3A_623 = arith.addi %add3A_609, %add3A_622 : i32
      %mul3A_624 = arith.constant 128 : i32
      %mul3A_625 = arith.muli %add3A_623, %mul3A_624 : i32
      %add3A_626 = arith.addi %mul3A_2, %mul3A_625 : i32
      %dma_start3A_627 = tpu.memref_slice %arg3[%add3A_626] : memref<320000xi32, #tpu.memory_space<hbm>> -> memref<128xi32, #tpu.memory_space<hbm>>
      %dma_start3A_628 = tpu.memref_slice %arg3[%add3A_626] : memref<320000xi32, #tpu.memory_space<hbm>> -> memref<128xi32, #tpu.memory_space<hbm>>
      tpu.enqueue_dma source(%dma_start3A_628 : memref<128xi32, #tpu.memory_space<hbm>>) target(%arg11 : memref<128xi32, #tpu.memory_space<vmem>>) target_semaphore(%arg31 : memref<!tpu.dma_semaphore, #tpu.memory_space<semaphore_mem>>)
      %dma_start3A_629 = tpu.memref_slice %arg4[%add3A_626] : memref<320000xi32, #tpu.memory_space<hbm>> -> memref<128xi32, #tpu.memory_space<hbm>>
      %dma_start3A_630 = tpu.memref_slice %arg4[%add3A_626] : memref<320000xi32, #tpu.memory_space<hbm>> -> memref<128xi32, #tpu.memory_space<hbm>>
      tpu.enqueue_dma source(%dma_start3A_630 : memref<128xi32, #tpu.memory_space<hbm>>) target(%arg15 : memref<128xi32, #tpu.memory_space<vmem>>) target_semaphore(%arg31 : memref<!tpu.dma_semaphore, #tpu.memory_space<semaphore_mem>>)
      %dma_start3A_631 = tpu.memref_slice %arg5[%add3A_626] : memref<320000xf32, #tpu.memory_space<hbm>> -> memref<128xf32, #tpu.memory_space<hbm>>
      %dma_start3A_632 = tpu.memref_slice %arg5[%add3A_626] : memref<320000xf32, #tpu.memory_space<hbm>> -> memref<128xf32, #tpu.memory_space<hbm>>
      tpu.enqueue_dma source(%dma_start3A_632 : memref<128xf32, #tpu.memory_space<hbm>>) target(%arg19 : memref<128xf32, #tpu.memory_space<vmem>>) target_semaphore(%arg31 : memref<!tpu.dma_semaphore, #tpu.memory_space<semaphore_mem>>)
      %dma_wait3A_633 = arith.constant 0 : i32
      %dma_wait3A_634 = tpu.memref_slice %arg5[%dma_wait3A_633] : memref<320000xf32, #tpu.memory_space<hbm>> -> memref<128xf32, #tpu.memory_space<hbm>>
      %dma_wait3A_635 = arith.constant 0 : i32
      %dma_wait3A_636 = tpu.memref_slice %arg5[%dma_wait3A_635] : memref<320000xf32, #tpu.memory_space<hbm>> -> memref<128xf32, #tpu.memory_space<hbm>>
      tpu.wait_dma2 semaphore(%arg30 : memref<!tpu.dma_semaphore, #tpu.memory_space<semaphore_mem>>) src(%dma_wait3A_636 : memref<128xf32, #tpu.memory_space<hbm>>) dst(%arg10 : memref<128xi32, #tpu.memory_space<vmem>>)
      %dma_wait3A_637 = arith.constant 0 : i32
      %dma_wait3A_638 = tpu.memref_slice %arg5[%dma_wait3A_637] : memref<320000xf32, #tpu.memory_space<hbm>> -> memref<128xf32, #tpu.memory_space<hbm>>
      %dma_wait3A_639 = arith.constant 0 : i32
      %dma_wait3A_640 = tpu.memref_slice %arg5[%dma_wait3A_639] : memref<320000xf32, #tpu.memory_space<hbm>> -> memref<128xf32, #tpu.memory_space<hbm>>
      tpu.wait_dma2 semaphore(%arg30 : memref<!tpu.dma_semaphore, #tpu.memory_space<semaphore_mem>>) src(%dma_wait3A_640 : memref<128xf32, #tpu.memory_space<hbm>>) dst(%arg14 : memref<128xi32, #tpu.memory_space<vmem>>)
      %dma_wait3A_641 = arith.constant 0 : i32
      %dma_wait3A_642 = tpu.memref_slice %arg5[%dma_wait3A_641] : memref<320000xf32, #tpu.memory_space<hbm>> -> memref<128xf32, #tpu.memory_space<hbm>>
      %dma_wait3A_643 = arith.constant 0 : i32
      %dma_wait3A_644 = tpu.memref_slice %arg5[%dma_wait3A_643] : memref<320000xf32, #tpu.memory_space<hbm>> -> memref<128xf32, #tpu.memory_space<hbm>>
      tpu.wait_dma2 semaphore(%arg30 : memref<!tpu.dma_semaphore, #tpu.memory_space<semaphore_mem>>) src(%dma_wait3A_644 : memref<128xf32, #tpu.memory_space<hbm>>) dst(%arg18 : memref<128xf32, #tpu.memory_space<vmem>>)
      %dma_start3A_645 = arith.constant 0 : i32
      %dma_start3A_646 = arith.constant 0 : i32
      %dma_start3A_647 = tpu.memref_slice %arg2[%dma_start3A_645, %dma_start3A_646] : memref<10000x128xf32, #tpu.memory_space<hbm>> -> memref<10000x128xf32, #tpu.memory_space<hbm>>
      tpu.enqueue_indirect_dma source(%dma_start3A_647 : memref<10000x128xf32, #tpu.memory_space<hbm>>) target(%arg8 : memref<128x128xf32, #tpu.memory_space<vmem>>) offsets(%arg10 : memref<128xi32, #tpu.memory_space<vmem>>) semaphore(%arg27 : memref<!tpu.dma_semaphore, #tpu.memory_space<semaphore_mem>>)
      %scan3A_648 = arith.constant 0 : i32
      %scan3A_649 = arith.constant 0 : i32
      %scan3A_650 = arith.constant 8 : i32
      %scan3A_651 = arith.addi %scan3A_649, %scan3A_650 : i32
      %scan3A_652 = arith.constant 1 : i32
      scf.for %scan3A_657 = %scan3A_649 to %scan3A_651 step %scan3A_652  : i32 {
        %mul3A_658 = arith.constant 16 : i32
        %mul3A_659 = arith.muli %scan3A_657, %mul3A_658 : i32
        %get3A_660 = arith.index_cast %mul3A_659 : i32 to index
        %get3A_661 = tpu.vector_load %arg21[%get3A_660] {strides = array<i32>} : memref<128xf32, #tpu.memory_space<vmem>>, vector<16xf32>,
        %get3A_662 = vector.shape_cast %get3A_661 : vector<16xf32> to vector<16xf32>
        %scan3A_663 = arith.constant 0 : i32
        %scan3A_664 = arith.constant 16 : i32
        %scan3A_665 = arith.addi %scan3A_663, %scan3A_664 : i32
        %scan3A_666 = arith.constant 1 : i32
        scf.for %scan3A_668 = %scan3A_663 to %scan3A_665 step %scan3A_666  : i32 {
          %mul3A_669 = arith.constant 16 : i32
          %mul3A_670 = arith.muli %scan3A_657, %mul3A_669 : i32
          %add3A_671 = arith.addi %mul3A_670, %scan3A_668 : i32
          %broadcast_in_dim3A = arith.constant 0 : i32
          %broadcast_in_dim3A_672 = vector.broadcast %broadcast_in_dim3A : i32 to vector<16xi32>
          %add3A_673 = vector.broadcast %scan3A_668 : i32 to vector<16xi32>
          %add3A_674 = arith.addi %broadcast_in_dim3A_672, %add3A_673 : vector<16xi32>
          %lt3A = arith.constant 0 : i32
          %lt3A_675 = vector.broadcast %lt3A : i32 to vector<16xi32>
          %lt3A_676 = arith.cmpi slt, %add3A_674, %lt3A_675 : vector<16xi32>
          %add3A_677 = arith.constant 16 : i32
          %add3A_678 = vector.broadcast %add3A_677 : i32 to vector<16xi32>
          %add3A_679 = arith.addi %add3A_674, %add3A_678 : vector<16xi32>
          %select_n3A = arith.select %lt3A_676, %add3A_679, %add3A_674 : vector<16xi1>, vector<16xi32>
          %broadcast_in_dim3A_680 = vector.shape_cast %select_n3A : vector<16xi32> to vector<16x1xi32>
          %gather3A = vector.shape_cast %broadcast_in_dim3A_680 : vector<16x1xi32> to vector<16xi32>
          %gather3A_681 = tpu.dynamic_gather %get3A_662[%gather3A] in [0] : vector<16xf32>, vector<16xi32> -> vector<16xf32>
          %get3A_682 = arith.index_cast %add3A_671 : i32 to index
          %get3A_683 = arith.constant 0 : index
          %get3A_684 = tpu.vector_load %arg9[%get3A_682, %get3A_683] {strides = array<i32>} : memref<128x128xf32, #tpu.memory_space<vmem>>, vector<1x16xf32>,
          %get3A_685 = vector.shape_cast %get3A_684 : vector<1x16xf32> to vector<16xf32>
          %mul3A_686 = arith.mulf %get3A_685, %gather3A_681 : vector<16xf32>
          %swap3A = arith.index_cast %add3A_671 : i32 to index
          %swap3A_687 = arith.constant 0 : index
          %swap3A_688 = tpu.vector_load %arg9[%swap3A, %swap3A_687] {strides = array<i32>} : memref<128x128xf32, #tpu.memory_space<vmem>>, vector<1x16xf32>,
          %swap3A_689 = vector.shape_cast %swap3A_688 : vector<1x16xf32> to vector<16xf32>
          %swap3A_690 = vector.shape_cast %mul3A_686 : vector<16xf32> to vector<1x16xf32>
          tpu.vector_store %arg9[%swap3A, %swap3A_687], %swap3A_690 {strides = array<i32>} : memref<128x128xf32, #tpu.memory_space<vmem>>, vector<1x16xf32>,
          %get3A_691 = arith.index_cast %add3A_671 : i32 to index
          %get3A_692 = arith.constant 16 : index
          %get3A_693 = tpu.vector_load %arg9[%get3A_691, %get3A_692] {strides = array<i32>} : memref<128x128xf32, #tpu.memory_space<vmem>>, vector<1x16xf32>,
          %get3A_694 = vector.shape_cast %get3A_693 : vector<1x16xf32> to vector<16xf32>
          %mul3A_695 = arith.mulf %get3A_694, %gather3A_681 : vector<16xf32>
          %swap3A_696 = arith.index_cast %add3A_671 : i32 to index
          %swap3A_697 = arith.constant 16 : index
          %swap3A_698 = tpu.vector_load %arg9[%swap3A_696, %swap3A_697] {strides = array<i32>} : memref<128x128xf32, #tpu.memory_space<vmem>>, vector<1x16xf32>,
          %swap3A_699 = vector.shape_cast %swap3A_698 : vector<1x16xf32> to vector<16xf32>
          %swap3A_700 = vector.shape_cast %mul3A_695 : vector<16xf32> to vector<1x16xf32>
          tpu.vector_store %arg9[%swap3A_696, %swap3A_697], %swap3A_700 {strides = array<i32>} : memref<128x128xf32, #tpu.memory_space<vmem>>, vector<1x16xf32>,
          %get3A_701 = arith.index_cast %add3A_671 : i32 to index
          %get3A_702 = arith.constant 32 : index
          %get3A_703 = tpu.vector_load %arg9[%get3A_701, %get3A_702] {strides = array<i32>} : memref<128x128xf32, #tpu.memory_space<vmem>>, vector<1x16xf32>,
          %get3A_704 = vector.shape_cast %get3A_703 : vector<1x16xf32> to vector<16xf32>
          %mul3A_705 = arith.mulf %get3A_704, %gather3A_681 : vector<16xf32>
          %swap3A_706 = arith.index_cast %add3A_671 : i32 to index
          %swap3A_707 = arith.constant 32 : index
          %swap3A_708 = tpu.vector_load %arg9[%swap3A_706, %swap3A_707] {strides = array<i32>} : memref<128x128xf32, #tpu.memory_space<vmem>>, vector<1x16xf32>,
          %swap3A_709 = vector.shape_cast %swap3A_708 : vector<1x16xf32> to vector<16xf32>
          %swap3A_710 = vector.shape_cast %mul3A_705 : vector<16xf32> to vector<1x16xf32>
          tpu.vector_store %arg9[%swap3A_706, %swap3A_707], %swap3A_710 {strides = array<i32>} : memref<128x128xf32, #tpu.memory_space<vmem>>, vector<1x16xf32>,
          %get3A_711 = arith.index_cast %add3A_671 : i32 to index
          %get3A_712 = arith.constant 48 : index
          %get3A_713 = tpu.vector_load %arg9[%get3A_711, %get3A_712] {strides = array<i32>} : memref<128x128xf32, #tpu.memory_space<vmem>>, vector<1x16xf32>,
          %get3A_714 = vector.shape_cast %get3A_713 : vector<1x16xf32> to vector<16xf32>
          %mul3A_715 = arith.mulf %get3A_714, %gather3A_681 : vector<16xf32>
          %swap3A_716 = arith.index_cast %add3A_671 : i32 to index
          %swap3A_717 = arith.constant 48 : index
          %swap3A_718 = tpu.vector_load %arg9[%swap3A_716, %swap3A_717] {strides = array<i32>} : memref<128x128xf32, #tpu.memory_space<vmem>>, vector<1x16xf32>,
          %swap3A_719 = vector.shape_cast %swap3A_718 : vector<1x16xf32> to vector<16xf32>
          %swap3A_720 = vector.shape_cast %mul3A_715 : vector<16xf32> to vector<1x16xf32>
          tpu.vector_store %arg9[%swap3A_716, %swap3A_717], %swap3A_720 {strides = array<i32>} : memref<128x128xf32, #tpu.memory_space<vmem>>, vector<1x16xf32>,
          %get3A_721 = arith.index_cast %add3A_671 : i32 to index
          %get3A_722 = arith.constant 64 : index
          %get3A_723 = tpu.vector_load %arg9[%get3A_721, %get3A_722] {strides = array<i32>} : memref<128x128xf32, #tpu.memory_space<vmem>>, vector<1x16xf32>,
          %get3A_724 = vector.shape_cast %get3A_723 : vector<1x16xf32> to vector<16xf32>
          %mul3A_725 = arith.mulf %get3A_724, %gather3A_681 : vector<16xf32>
          %swap3A_726 = arith.index_cast %add3A_671 : i32 to index
          %swap3A_727 = arith.constant 64 : index
          %swap3A_728 = tpu.vector_load %arg9[%swap3A_726, %swap3A_727] {strides = array<i32>} : memref<128x128xf32, #tpu.memory_space<vmem>>, vector<1x16xf32>,
          %swap3A_729 = vector.shape_cast %swap3A_728 : vector<1x16xf32> to vector<16xf32>
          %swap3A_730 = vector.shape_cast %mul3A_725 : vector<16xf32> to vector<1x16xf32>
          tpu.vector_store %arg9[%swap3A_726, %swap3A_727], %swap3A_730 {strides = array<i32>} : memref<128x128xf32, #tpu.memory_space<vmem>>, vector<1x16xf32>,
          %get3A_731 = arith.index_cast %add3A_671 : i32 to index
          %get3A_732 = arith.constant 80 : index
          %get3A_733 = tpu.vector_load %arg9[%get3A_731, %get3A_732] {strides = array<i32>} : memref<128x128xf32, #tpu.memory_space<vmem>>, vector<1x16xf32>,
          %get3A_734 = vector.shape_cast %get3A_733 : vector<1x16xf32> to vector<16xf32>
          %mul3A_735 = arith.mulf %get3A_734, %gather3A_681 : vector<16xf32>
          %swap3A_736 = arith.index_cast %add3A_671 : i32 to index
          %swap3A_737 = arith.constant 80 : index
          %swap3A_738 = tpu.vector_load %arg9[%swap3A_736, %swap3A_737] {strides = array<i32>} : memref<128x128xf32, #tpu.memory_space<vmem>>, vector<1x16xf32>,
          %swap3A_739 = vector.shape_cast %swap3A_738 : vector<1x16xf32> to vector<16xf32>
          %swap3A_740 = vector.shape_cast %mul3A_735 : vector<16xf32> to vector<1x16xf32>
          tpu.vector_store %arg9[%swap3A_736, %swap3A_737], %swap3A_740 {strides = array<i32>} : memref<128x128xf32, #tpu.memory_space<vmem>>, vector<1x16xf32>,
          %get3A_741 = arith.index_cast %add3A_671 : i32 to index
          %get3A_742 = arith.constant 96 : index
          %get3A_743 = tpu.vector_load %arg9[%get3A_741, %get3A_742] {strides = array<i32>} : memref<128x128xf32, #tpu.memory_space<vmem>>, vector<1x16xf32>,
          %get3A_744 = vector.shape_cast %get3A_743 : vector<1x16xf32> to vector<16xf32>
          %mul3A_745 = arith.mulf %get3A_744, %gather3A_681 : vector<16xf32>
          %swap3A_746 = arith.index_cast %add3A_671 : i32 to index
          %swap3A_747 = arith.constant 96 : index
          %swap3A_748 = tpu.vector_load %arg9[%swap3A_746, %swap3A_747] {strides = array<i32>} : memref<128x128xf32, #tpu.memory_space<vmem>>, vector<1x16xf32>,
          %swap3A_749 = vector.shape_cast %swap3A_748 : vector<1x16xf32> to vector<16xf32>
          %swap3A_750 = vector.shape_cast %mul3A_745 : vector<16xf32> to vector<1x16xf32>
          tpu.vector_store %arg9[%swap3A_746, %swap3A_747], %swap3A_750 {strides = array<i32>} : memref<128x128xf32, #tpu.memory_space<vmem>>, vector<1x16xf32>,
          %get3A_751 = arith.index_cast %add3A_671 : i32 to index
          %get3A_752 = arith.constant 112 : index
          %get3A_753 = tpu.vector_load %arg9[%get3A_751, %get3A_752] {strides = array<i32>} : memref<128x128xf32, #tpu.memory_space<vmem>>, vector<1x16xf32>,
          %get3A_754 = vector.shape_cast %get3A_753 : vector<1x16xf32> to vector<16xf32>
          %mul3A_755 = arith.mulf %get3A_754, %gather3A_681 : vector<16xf32>
          %swap3A_756 = arith.index_cast %add3A_671 : i32 to index
          %swap3A_757 = arith.constant 112 : index
          %swap3A_758 = tpu.vector_load %arg9[%swap3A_756, %swap3A_757] {strides = array<i32>} : memref<128x128xf32, #tpu.memory_space<vmem>>, vector<1x16xf32>,
          %swap3A_759 = vector.shape_cast %swap3A_758 : vector<1x16xf32> to vector<16xf32>
          %swap3A_760 = vector.shape_cast %mul3A_755 : vector<16xf32> to vector<1x16xf32>
          tpu.vector_store %arg9[%swap3A_756, %swap3A_757], %swap3A_760 {strides = array<i32>} : memref<128x128xf32, #tpu.memory_space<vmem>>, vector<1x16xf32>,
        }
        %scan3A_667 = arith.constant 16 : i32
      }
      %scan3A_653 = arith.constant 8 : i32
      %dma_start3A_654 = arith.constant 0 : i32
      %dma_start3A_655 = arith.constant 0 : i32
      %dma_start3A_656 = tpu.memref_slice %arg26[%dma_start3A_654, %dma_start3A_655] : memref<10000x128xf32, #tpu.memory_space<vmem_shared>> -> memref<10000x128xf32, #tpu.memory_space<vmem_shared>>
      tpu.enqueue_indirect_dma source(%arg9 : memref<128x128xf32, #tpu.memory_space<vmem>>) target(%dma_start3A_656 : memref<10000x128xf32, #tpu.memory_space<vmem_shared>>) offsets(%arg17 : memref<128xi32, #tpu.memory_space<vmem>>) semaphore(%arg29 : memref<!tpu.dma_semaphore, #tpu.memory_space<semaphore_mem>>) {add = true}
    }
    %scan3A_209 = arith.constant 17 : i32
    %dma_wait3A_210 = arith.constant 0 : i32
    %dma_wait3A_211 = arith.constant 0 : i32
    %dma_wait3A_212 = tpu.memref_slice %arg2[%dma_wait3A_210, %dma_wait3A_211] : memref<10000x128xf32, #tpu.memory_space<hbm>> -> memref<128x128xf32, #tpu.memory_space<hbm>>
    %dma_wait3A_213 = arith.constant 0 : i32
    %dma_wait3A_214 = arith.constant 0 : i32
    %dma_wait3A_215 = tpu.memref_slice %arg2[%dma_wait3A_213, %dma_wait3A_214] : memref<10000x128xf32, #tpu.memory_space<hbm>> -> memref<128x128xf32, #tpu.memory_space<hbm>>
    tpu.wait_dma2 semaphore(%arg27 : memref<!tpu.dma_semaphore, #tpu.memory_space<semaphore_mem>>) src(%dma_wait3A_215 : memref<128x128xf32, #tpu.memory_space<hbm>>) dst(%arg8 : memref<128x128xf32, #tpu.memory_space<vmem>>)
    %dma_wait3A_216 = arith.constant 0 : i32
    %dma_wait3A_217 = arith.constant 0 : i32
    %dma_wait3A_218 = tpu.memref_slice %arg2[%dma_wait3A_216, %dma_wait3A_217] : memref<10000x128xf32, #tpu.memory_space<hbm>> -> memref<128x128xf32, #tpu.memory_space<hbm>>
    %dma_wait3A_219 = arith.constant 0 : i32
    %dma_wait3A_220 = arith.constant 0 : i32
    %dma_wait3A_221 = tpu.memref_slice %arg2[%dma_wait3A_219, %dma_wait3A_220] : memref<10000x128xf32, #tpu.memory_space<hbm>> -> memref<128x128xf32, #tpu.memory_space<hbm>>
    tpu.wait_dma2 semaphore(%arg29 : memref<!tpu.dma_semaphore, #tpu.memory_space<semaphore_mem>>) src(%dma_wait3A_221 : memref<128x128xf32, #tpu.memory_space<hbm>>) dst(%arg8 : memref<128x128xf32, #tpu.memory_space<vmem>>)
    %add3A_222 = arith.constant 9472 : i32
    %add3A_223 = arith.addi %mul3A_2, %add3A_222 : i32
    %dma_start3A_224 = tpu.memref_slice %arg3[%add3A_223] : memref<320000xi32, #tpu.memory_space<hbm>> -> memref<128xi32, #tpu.memory_space<hbm>>
    %dma_start3A_225 = tpu.memref_slice %arg3[%add3A_223] : memref<320000xi32, #tpu.memory_space<hbm>> -> memref<128xi32, #tpu.memory_space<hbm>>
    tpu.enqueue_dma source(%dma_start3A_225 : memref<128xi32, #tpu.memory_space<hbm>>) target(%arg12 : memref<128xi32, #tpu.memory_space<vmem>>) target_semaphore(%arg32 : memref<!tpu.dma_semaphore, #tpu.memory_space<semaphore_mem>>)
    %dma_start3A_226 = tpu.memref_slice %arg4[%add3A_223] : memref<320000xi32, #tpu.memory_space<hbm>> -> memref<128xi32, #tpu.memory_space<hbm>>
    %dma_start3A_227 = tpu.memref_slice %arg4[%add3A_223] : memref<320000xi32, #tpu.memory_space<hbm>> -> memref<128xi32, #tpu.memory_space<hbm>>
    tpu.enqueue_dma source(%dma_start3A_227 : memref<128xi32, #tpu.memory_space<hbm>>) target(%arg16 : memref<128xi32, #tpu.memory_space<vmem>>) target_semaphore(%arg32 : memref<!tpu.dma_semaphore, #tpu.memory_space<semaphore_mem>>)
    %dma_start3A_228 = tpu.memref_slice %arg5[%add3A_223] : memref<320000xf32, #tpu.memory_space<hbm>> -> memref<128xf32, #tpu.memory_space<hbm>>
    %dma_start3A_229 = tpu.memref_slice %arg5[%add3A_223] : memref<320000xf32, #tpu.memory_space<hbm>> -> memref<128xf32, #tpu.memory_space<hbm>>
    tpu.enqueue_dma source(%dma_start3A_229 : memref<128xf32, #tpu.memory_space<hbm>>) target(%arg20 : memref<128xf32, #tpu.memory_space<vmem>>) target_semaphore(%arg32 : memref<!tpu.dma_semaphore, #tpu.memory_space<semaphore_mem>>)
    %dma_wait3A_230 = arith.constant 0 : i32
    %dma_wait3A_231 = tpu.memref_slice %arg5[%dma_wait3A_230] : memref<320000xf32, #tpu.memory_space<hbm>> -> memref<128xf32, #tpu.memory_space<hbm>>
    %dma_wait3A_232 = arith.constant 0 : i32
    %dma_wait3A_233 = tpu.memref_slice %arg5[%dma_wait3A_232] : memref<320000xf32, #tpu.memory_space<hbm>> -> memref<128xf32, #tpu.memory_space<hbm>>
    tpu.wait_dma2 semaphore(%arg31 : memref<!tpu.dma_semaphore, #tpu.memory_space<semaphore_mem>>) src(%dma_wait3A_233 : memref<128xf32, #tpu.memory_space<hbm>>) dst(%arg11 : memref<128xi32, #tpu.memory_space<vmem>>)
    %dma_wait3A_234 = arith.constant 0 : i32
    %dma_wait3A_235 = tpu.memref_slice %arg5[%dma_wait3A_234] : memref<320000xf32, #tpu.memory_space<hbm>> -> memref<128xf32, #tpu.memory_space<hbm>>
    %dma_wait3A_236 = arith.constant 0 : i32
    %dma_wait3A_237 = tpu.memref_slice %arg5[%dma_wait3A_236] : memref<320000xf32, #tpu.memory_space<hbm>> -> memref<128xf32, #tpu.memory_space<hbm>>
    tpu.wait_dma2 semaphore(%arg31 : memref<!tpu.dma_semaphore, #tpu.memory_space<semaphore_mem>>) src(%dma_wait3A_237 : memref<128xf32, #tpu.memory_space<hbm>>) dst(%arg15 : memref<128xi32, #tpu.memory_space<vmem>>)
    %dma_wait3A_238 = arith.constant 0 : i32
    %dma_wait3A_239 = tpu.memref_slice %arg5[%dma_wait3A_238] : memref<320000xf32, #tpu.memory_space<hbm>> -> memref<128xf32, #tpu.memory_space<hbm>>
    %dma_wait3A_240 = arith.constant 0 : i32
    %dma_wait3A_241 = tpu.memref_slice %arg5[%dma_wait3A_240] : memref<320000xf32, #tpu.memory_space<hbm>> -> memref<128xf32, #tpu.memory_space<hbm>>
    tpu.wait_dma2 semaphore(%arg31 : memref<!tpu.dma_semaphore, #tpu.memory_space<semaphore_mem>>) src(%dma_wait3A_241 : memref<128xf32, #tpu.memory_space<hbm>>) dst(%arg19 : memref<128xf32, #tpu.memory_space<vmem>>)
    %dma_start3A_242 = arith.constant 0 : i32
    %dma_start3A_243 = arith.constant 0 : i32
    %dma_start3A_244 = tpu.memref_slice %arg2[%dma_start3A_242, %dma_start3A_243] : memref<10000x128xf32, #tpu.memory_space<hbm>> -> memref<10000x128xf32, #tpu.memory_space<hbm>>
    tpu.enqueue_indirect_dma source(%dma_start3A_244 : memref<10000x128xf32, #tpu.memory_space<hbm>>) target(%arg9 : memref<128x128xf32, #tpu.memory_space<vmem>>) offsets(%arg11 : memref<128xi32, #tpu.memory_space<vmem>>) semaphore(%arg27 : memref<!tpu.dma_semaphore, #tpu.memory_space<semaphore_mem>>)
    %scan3A_245 = arith.constant 0 : i32
    %scan3A_246 = arith.constant 0 : i32
    %scan3A_247 = arith.constant 8 : i32
    %scan3A_248 = arith.addi %scan3A_246, %scan3A_247 : i32
    %scan3A_249 = arith.constant 1 : i32
    scf.for %scan3A_460 = %scan3A_246 to %scan3A_248 step %scan3A_249  : i32 {
      %mul3A_461 = arith.constant 16 : i32
      %mul3A_462 = arith.muli %scan3A_460, %mul3A_461 : i32
      %get3A_463 = arith.index_cast %mul3A_462 : i32 to index
      %get3A_464 = tpu.vector_load %arg18[%get3A_463] {strides = array<i32>} : memref<128xf32, #tpu.memory_space<vmem>>, vector<16xf32>,
      %get3A_465 = vector.shape_cast %get3A_464 : vector<16xf32> to vector<16xf32>
      %scan3A_466 = arith.constant 0 : i32
      %scan3A_467 = arith.constant 16 : i32
      %scan3A_468 = arith.addi %scan3A_466, %scan3A_467 : i32
      %scan3A_469 = arith.constant 1 : i32
      scf.for %scan3A_471 = %scan3A_466 to %scan3A_468 step %scan3A_469  : i32 {
        %mul3A_472 = arith.constant 16 : i32
        %mul3A_473 = arith.muli %scan3A_460, %mul3A_472 : i32
        %add3A_474 = arith.addi %mul3A_473, %scan3A_471 : i32
        %broadcast_in_dim3A = arith.constant 0 : i32
        %broadcast_in_dim3A_475 = vector.broadcast %broadcast_in_dim3A : i32 to vector<16xi32>
        %add3A_476 = vector.broadcast %scan3A_471 : i32 to vector<16xi32>
        %add3A_477 = arith.addi %broadcast_in_dim3A_475, %add3A_476 : vector<16xi32>
        %lt3A = arith.constant 0 : i32
        %lt3A_478 = vector.broadcast %lt3A : i32 to vector<16xi32>
        %lt3A_479 = arith.cmpi slt, %add3A_477, %lt3A_478 : vector<16xi32>
        %add3A_480 = arith.constant 16 : i32
        %add3A_481 = vector.broadcast %add3A_480 : i32 to vector<16xi32>
        %add3A_482 = arith.addi %add3A_477, %add3A_481 : vector<16xi32>
        %select_n3A = arith.select %lt3A_479, %add3A_482, %add3A_477 : vector<16xi1>, vector<16xi32>
        %broadcast_in_dim3A_483 = vector.shape_cast %select_n3A : vector<16xi32> to vector<16x1xi32>
        %gather3A = vector.shape_cast %broadcast_in_dim3A_483 : vector<16x1xi32> to vector<16xi32>
        %gather3A_484 = tpu.dynamic_gather %get3A_465[%gather3A] in [0] : vector<16xf32>, vector<16xi32> -> vector<16xf32>
        %get3A_485 = arith.index_cast %add3A_474 : i32 to index
        %get3A_486 = arith.constant 0 : index
        %get3A_487 = tpu.vector_load %arg8[%get3A_485, %get3A_486] {strides = array<i32>} : memref<128x128xf32, #tpu.memory_space<vmem>>, vector<1x16xf32>,
        %get3A_488 = vector.shape_cast %get3A_487 : vector<1x16xf32> to vector<16xf32>
        %mul3A_489 = arith.mulf %get3A_488, %gather3A_484 : vector<16xf32>
        %swap3A = arith.index_cast %add3A_474 : i32 to index
        %swap3A_490 = arith.constant 0 : index
        %swap3A_491 = tpu.vector_load %arg8[%swap3A, %swap3A_490] {strides = array<i32>} : memref<128x128xf32, #tpu.memory_space<vmem>>, vector<1x16xf32>,
        %swap3A_492 = vector.shape_cast %swap3A_491 : vector<1x16xf32> to vector<16xf32>
        %swap3A_493 = vector.shape_cast %mul3A_489 : vector<16xf32> to vector<1x16xf32>
        tpu.vector_store %arg8[%swap3A, %swap3A_490], %swap3A_493 {strides = array<i32>} : memref<128x128xf32, #tpu.memory_space<vmem>>, vector<1x16xf32>,
        %get3A_494 = arith.index_cast %add3A_474 : i32 to index
        %get3A_495 = arith.constant 16 : index
        %get3A_496 = tpu.vector_load %arg8[%get3A_494, %get3A_495] {strides = array<i32>} : memref<128x128xf32, #tpu.memory_space<vmem>>, vector<1x16xf32>,
        %get3A_497 = vector.shape_cast %get3A_496 : vector<1x16xf32> to vector<16xf32>
        %mul3A_498 = arith.mulf %get3A_497, %gather3A_484 : vector<16xf32>
        %swap3A_499 = arith.index_cast %add3A_474 : i32 to index
        %swap3A_500 = arith.constant 16 : index
        %swap3A_501 = tpu.vector_load %arg8[%swap3A_499, %swap3A_500] {strides = array<i32>} : memref<128x128xf32, #tpu.memory_space<vmem>>, vector<1x16xf32>,
        %swap3A_502 = vector.shape_cast %swap3A_501 : vector<1x16xf32> to vector<16xf32>
        %swap3A_503 = vector.shape_cast %mul3A_498 : vector<16xf32> to vector<1x16xf32>
        tpu.vector_store %arg8[%swap3A_499, %swap3A_500], %swap3A_503 {strides = array<i32>} : memref<128x128xf32, #tpu.memory_space<vmem>>, vector<1x16xf32>,
        %get3A_504 = arith.index_cast %add3A_474 : i32 to index
        %get3A_505 = arith.constant 32 : index
        %get3A_506 = tpu.vector_load %arg8[%get3A_504, %get3A_505] {strides = array<i32>} : memref<128x128xf32, #tpu.memory_space<vmem>>, vector<1x16xf32>,
        %get3A_507 = vector.shape_cast %get3A_506 : vector<1x16xf32> to vector<16xf32>
        %mul3A_508 = arith.mulf %get3A_507, %gather3A_484 : vector<16xf32>
        %swap3A_509 = arith.index_cast %add3A_474 : i32 to index
        %swap3A_510 = arith.constant 32 : index
        %swap3A_511 = tpu.vector_load %arg8[%swap3A_509, %swap3A_510] {strides = array<i32>} : memref<128x128xf32, #tpu.memory_space<vmem>>, vector<1x16xf32>,
        %swap3A_512 = vector.shape_cast %swap3A_511 : vector<1x16xf32> to vector<16xf32>
        %swap3A_513 = vector.shape_cast %mul3A_508 : vector<16xf32> to vector<1x16xf32>
        tpu.vector_store %arg8[%swap3A_509, %swap3A_510], %swap3A_513 {strides = array<i32>} : memref<128x128xf32, #tpu.memory_space<vmem>>, vector<1x16xf32>,
        %get3A_514 = arith.index_cast %add3A_474 : i32 to index
        %get3A_515 = arith.constant 48 : index
        %get3A_516 = tpu.vector_load %arg8[%get3A_514, %get3A_515] {strides = array<i32>} : memref<128x128xf32, #tpu.memory_space<vmem>>, vector<1x16xf32>,
        %get3A_517 = vector.shape_cast %get3A_516 : vector<1x16xf32> to vector<16xf32>
        %mul3A_518 = arith.mulf %get3A_517, %gather3A_484 : vector<16xf32>
        %swap3A_519 = arith.index_cast %add3A_474 : i32 to index
        %swap3A_520 = arith.constant 48 : index
        %swap3A_521 = tpu.vector_load %arg8[%swap3A_519, %swap3A_520] {strides = array<i32>} : memref<128x128xf32, #tpu.memory_space<vmem>>, vector<1x16xf32>,
        %swap3A_522 = vector.shape_cast %swap3A_521 : vector<1x16xf32> to vector<16xf32>
        %swap3A_523 = vector.shape_cast %mul3A_518 : vector<16xf32> to vector<1x16xf32>
        tpu.vector_store %arg8[%swap3A_519, %swap3A_520], %swap3A_523 {strides = array<i32>} : memref<128x128xf32, #tpu.memory_space<vmem>>, vector<1x16xf32>,
        %get3A_524 = arith.index_cast %add3A_474 : i32 to index
        %get3A_525 = arith.constant 64 : index
        %get3A_526 = tpu.vector_load %arg8[%get3A_524, %get3A_525] {strides = array<i32>} : memref<128x128xf32, #tpu.memory_space<vmem>>, vector<1x16xf32>,
        %get3A_527 = vector.shape_cast %get3A_526 : vector<1x16xf32> to vector<16xf32>
        %mul3A_528 = arith.mulf %get3A_527, %gather3A_484 : vector<16xf32>
        %swap3A_529 = arith.index_cast %add3A_474 : i32 to index
        %swap3A_530 = arith.constant 64 : index
        %swap3A_531 = tpu.vector_load %arg8[%swap3A_529, %swap3A_530] {strides = array<i32>} : memref<128x128xf32, #tpu.memory_space<vmem>>, vector<1x16xf32>,
        %swap3A_532 = vector.shape_cast %swap3A_531 : vector<1x16xf32> to vector<16xf32>
        %swap3A_533 = vector.shape_cast %mul3A_528 : vector<16xf32> to vector<1x16xf32>
        tpu.vector_store %arg8[%swap3A_529, %swap3A_530], %swap3A_533 {strides = array<i32>} : memref<128x128xf32, #tpu.memory_space<vmem>>, vector<1x16xf32>,
        %get3A_534 = arith.index_cast %add3A_474 : i32 to index
        %get3A_535 = arith.constant 80 : index
        %get3A_536 = tpu.vector_load %arg8[%get3A_534, %get3A_535] {strides = array<i32>} : memref<128x128xf32, #tpu.memory_space<vmem>>, vector<1x16xf32>,
        %get3A_537 = vector.shape_cast %get3A_536 : vector<1x16xf32> to vector<16xf32>
        %mul3A_538 = arith.mulf %get3A_537, %gather3A_484 : vector<16xf32>
        %swap3A_539 = arith.index_cast %add3A_474 : i32 to index
        %swap3A_540 = arith.constant 80 : index
        %swap3A_541 = tpu.vector_load %arg8[%swap3A_539, %swap3A_540] {strides = array<i32>} : memref<128x128xf32, #tpu.memory_space<vmem>>, vector<1x16xf32>,
        %swap3A_542 = vector.shape_cast %swap3A_541 : vector<1x16xf32> to vector<16xf32>
        %swap3A_543 = vector.shape_cast %mul3A_538 : vector<16xf32> to vector<1x16xf32>
        tpu.vector_store %arg8[%swap3A_539, %swap3A_540], %swap3A_543 {strides = array<i32>} : memref<128x128xf32, #tpu.memory_space<vmem>>, vector<1x16xf32>,
        %get3A_544 = arith.index_cast %add3A_474 : i32 to index
        %get3A_545 = arith.constant 96 : index
        %get3A_546 = tpu.vector_load %arg8[%get3A_544, %get3A_545] {strides = array<i32>} : memref<128x128xf32, #tpu.memory_space<vmem>>, vector<1x16xf32>,
        %get3A_547 = vector.shape_cast %get3A_546 : vector<1x16xf32> to vector<16xf32>
        %mul3A_548 = arith.mulf %get3A_547, %gather3A_484 : vector<16xf32>
        %swap3A_549 = arith.index_cast %add3A_474 : i32 to index
        %swap3A_550 = arith.constant 96 : index
        %swap3A_551 = tpu.vector_load %arg8[%swap3A_549, %swap3A_550] {strides = array<i32>} : memref<128x128xf32, #tpu.memory_space<vmem>>, vector<1x16xf32>,
        %swap3A_552 = vector.shape_cast %swap3A_551 : vector<1x16xf32> to vector<16xf32>
        %swap3A_553 = vector.shape_cast %mul3A_548 : vector<16xf32> to vector<1x16xf32>
        tpu.vector_store %arg8[%swap3A_549, %swap3A_550], %swap3A_553 {strides = array<i32>} : memref<128x128xf32, #tpu.memory_space<vmem>>, vector<1x16xf32>,
        %get3A_554 = arith.index_cast %add3A_474 : i32 to index
        %get3A_555 = arith.constant 112 : index
        %get3A_556 = tpu.vector_load %arg8[%get3A_554, %get3A_555] {strides = array<i32>} : memref<128x128xf32, #tpu.memory_space<vmem>>, vector<1x16xf32>,
        %get3A_557 = vector.shape_cast %get3A_556 : vector<1x16xf32> to vector<16xf32>
        %mul3A_558 = arith.mulf %get3A_557, %gather3A_484 : vector<16xf32>
        %swap3A_559 = arith.index_cast %add3A_474 : i32 to index
        %swap3A_560 = arith.constant 112 : index
        %swap3A_561 = tpu.vector_load %arg8[%swap3A_559, %swap3A_560] {strides = array<i32>} : memref<128x128xf32, #tpu.memory_space<vmem>>, vector<1x16xf32>,
        %swap3A_562 = vector.shape_cast %swap3A_561 : vector<1x16xf32> to vector<16xf32>
        %swap3A_563 = vector.shape_cast %mul3A_558 : vector<16xf32> to vector<1x16xf32>
        tpu.vector_store %arg8[%swap3A_559, %swap3A_560], %swap3A_563 {strides = array<i32>} : memref<128x128xf32, #tpu.memory_space<vmem>>, vector<1x16xf32>,
      }
      %scan3A_470 = arith.constant 16 : i32
    }
    %scan3A_250 = arith.constant 8 : i32
    %dma_start3A_251 = arith.constant 0 : i32
    %dma_start3A_252 = arith.constant 0 : i32
    %dma_start3A_253 = tpu.memref_slice %arg26[%dma_start3A_251, %dma_start3A_252] : memref<10000x128xf32, #tpu.memory_space<vmem_shared>> -> memref<10000x128xf32, #tpu.memory_space<vmem_shared>>
    tpu.enqueue_indirect_dma source(%arg8 : memref<128x128xf32, #tpu.memory_space<vmem>>) target(%dma_start3A_253 : memref<10000x128xf32, #tpu.memory_space<vmem_shared>>) offsets(%arg14 : memref<128xi32, #tpu.memory_space<vmem>>) semaphore(%arg28 : memref<!tpu.dma_semaphore, #tpu.memory_space<semaphore_mem>>) {add = true}
    %dma_wait3A_254 = arith.constant 0 : i32
    %dma_wait3A_255 = arith.constant 0 : i32
    %dma_wait3A_256 = tpu.memref_slice %arg2[%dma_wait3A_254, %dma_wait3A_255] : memref<10000x128xf32, #tpu.memory_space<hbm>> -> memref<128x128xf32, #tpu.memory_space<hbm>>
    %dma_wait3A_257 = arith.constant 0 : i32
    %dma_wait3A_258 = arith.constant 0 : i32
    %dma_wait3A_259 = tpu.memref_slice %arg2[%dma_wait3A_257, %dma_wait3A_258] : memref<10000x128xf32, #tpu.memory_space<hbm>> -> memref<128x128xf32, #tpu.memory_space<hbm>>
    tpu.wait_dma2 semaphore(%arg27 : memref<!tpu.dma_semaphore, #tpu.memory_space<semaphore_mem>>) src(%dma_wait3A_259 : memref<128x128xf32, #tpu.memory_space<hbm>>) dst(%arg9 : memref<128x128xf32, #tpu.memory_space<vmem>>)
    %dma_wait3A_260 = arith.constant 0 : i32
    %dma_wait3A_261 = arith.constant 0 : i32
    %dma_wait3A_262 = tpu.memref_slice %arg2[%dma_wait3A_260, %dma_wait3A_261] : memref<10000x128xf32, #tpu.memory_space<hbm>> -> memref<128x128xf32, #tpu.memory_space<hbm>>
    %dma_wait3A_263 = arith.constant 0 : i32
    %dma_wait3A_264 = arith.constant 0 : i32
    %dma_wait3A_265 = tpu.memref_slice %arg2[%dma_wait3A_263, %dma_wait3A_264] : memref<10000x128xf32, #tpu.memory_space<hbm>> -> memref<128x128xf32, #tpu.memory_space<hbm>>
    tpu.wait_dma2 semaphore(%arg28 : memref<!tpu.dma_semaphore, #tpu.memory_space<semaphore_mem>>) src(%dma_wait3A_265 : memref<128x128xf32, #tpu.memory_space<hbm>>) dst(%arg8 : memref<128x128xf32, #tpu.memory_space<vmem>>)
    %add3A_266 = arith.constant 9600 : i32
    %add3A_267 = arith.addi %mul3A_2, %add3A_266 : i32
    %dma_start3A_268 = tpu.memref_slice %arg3[%add3A_267] : memref<320000xi32, #tpu.memory_space<hbm>> -> memref<128xi32, #tpu.memory_space<hbm>>
    %dma_start3A_269 = tpu.memref_slice %arg3[%add3A_267] : memref<320000xi32, #tpu.memory_space<hbm>> -> memref<128xi32, #tpu.memory_space<hbm>>
    tpu.enqueue_dma source(%dma_start3A_269 : memref<128xi32, #tpu.memory_space<hbm>>) target(%arg13 : memref<128xi32, #tpu.memory_space<vmem>>) target_semaphore(%arg33 : memref<!tpu.dma_semaphore, #tpu.memory_space<semaphore_mem>>)
    %dma_start3A_270 = tpu.memref_slice %arg4[%add3A_267] : memref<320000xi32, #tpu.memory_space<hbm>> -> memref<128xi32, #tpu.memory_space<hbm>>
    %dma_start3A_271 = tpu.memref_slice %arg4[%add3A_267] : memref<320000xi32, #tpu.memory_space<hbm>> -> memref<128xi32, #tpu.memory_space<hbm>>
    tpu.enqueue_dma source(%dma_start3A_271 : memref<128xi32, #tpu.memory_space<hbm>>) target(%arg17 : memref<128xi32, #tpu.memory_space<vmem>>) target_semaphore(%arg33 : memref<!tpu.dma_semaphore, #tpu.memory_space<semaphore_mem>>)
    %dma_start3A_272 = tpu.memref_slice %arg5[%add3A_267] : memref<320000xf32, #tpu.memory_space<hbm>> -> memref<128xf32, #tpu.memory_space<hbm>>
    %dma_start3A_273 = tpu.memref_slice %arg5[%add3A_267] : memref<320000xf32, #tpu.memory_space<hbm>> -> memref<128xf32, #tpu.memory_space<hbm>>
    tpu.enqueue_dma source(%dma_start3A_273 : memref<128xf32, #tpu.memory_space<hbm>>) target(%arg21 : memref<128xf32, #tpu.memory_space<vmem>>) target_semaphore(%arg33 : memref<!tpu.dma_semaphore, #tpu.memory_space<semaphore_mem>>)
    %dma_wait3A_274 = arith.constant 0 : i32
    %dma_wait3A_275 = tpu.memref_slice %arg5[%dma_wait3A_274] : memref<320000xf32, #tpu.memory_space<hbm>> -> memref<128xf32, #tpu.memory_space<hbm>>
    %dma_wait3A_276 = arith.constant 0 : i32
    %dma_wait3A_277 = tpu.memref_slice %arg5[%dma_wait3A_276] : memref<320000xf32, #tpu.memory_space<hbm>> -> memref<128xf32, #tpu.memory_space<hbm>>
    tpu.wait_dma2 semaphore(%arg32 : memref<!tpu.dma_semaphore, #tpu.memory_space<semaphore_mem>>) src(%dma_wait3A_277 : memref<128xf32, #tpu.memory_space<hbm>>) dst(%arg12 : memref<128xi32, #tpu.memory_space<vmem>>)
    %dma_wait3A_278 = arith.constant 0 : i32
    %dma_wait3A_279 = tpu.memref_slice %arg5[%dma_wait3A_278] : memref<320000xf32, #tpu.memory_space<hbm>> -> memref<128xf32, #tpu.memory_space<hbm>>
    %dma_wait3A_280 = arith.constant 0 : i32
    %dma_wait3A_281 = tpu.memref_slice %arg5[%dma_wait3A_280] : memref<320000xf32, #tpu.memory_space<hbm>> -> memref<128xf32, #tpu.memory_space<hbm>>
    tpu.wait_dma2 semaphore(%arg32 : memref<!tpu.dma_semaphore, #tpu.memory_space<semaphore_mem>>) src(%dma_wait3A_281 : memref<128xf32, #tpu.memory_space<hbm>>) dst(%arg16 : memref<128xi32, #tpu.memory_space<vmem>>)
    %dma_wait3A_282 = arith.constant 0 : i32
    %dma_wait3A_283 = tpu.memref_slice %arg5[%dma_wait3A_282] : memref<320000xf32, #tpu.memory_space<hbm>> -> memref<128xf32, #tpu.memory_space<hbm>>
    %dma_wait3A_284 = arith.constant 0 : i32
    %dma_wait3A_285 = tpu.memref_slice %arg5[%dma_wait3A_284] : memref<320000xf32, #tpu.memory_space<hbm>> -> memref<128xf32, #tpu.memory_space<hbm>>
    tpu.wait_dma2 semaphore(%arg32 : memref<!tpu.dma_semaphore, #tpu.memory_space<semaphore_mem>>) src(%dma_wait3A_285 : memref<128xf32, #tpu.memory_space<hbm>>) dst(%arg20 : memref<128xf32, #tpu.memory_space<vmem>>)
    %dma_start3A_286 = arith.constant 0 : i32
    %dma_start3A_287 = arith.constant 0 : i32
    %dma_start3A_288 = tpu.memref_slice %arg2[%dma_start3A_286, %dma_start3A_287] : memref<10000x128xf32, #tpu.memory_space<hbm>> -> memref<10000x128xf32, #tpu.memory_space<hbm>>
    tpu.enqueue_indirect_dma source(%dma_start3A_288 : memref<10000x128xf32, #tpu.memory_space<hbm>>) target(%arg8 : memref<128x128xf32, #tpu.memory_space<vmem>>) offsets(%arg12 : memref<128xi32, #tpu.memory_space<vmem>>) semaphore(%arg27 : memref<!tpu.dma_semaphore, #tpu.memory_space<semaphore_mem>>)
    %scan3A_289 = arith.constant 0 : i32
    %scan3A_290 = arith.constant 0 : i32
    %scan3A_291 = arith.constant 8 : i32
    %scan3A_292 = arith.addi %scan3A_290, %scan3A_291 : i32
    %scan3A_293 = arith.constant 1 : i32
    scf.for %scan3A_460 = %scan3A_290 to %scan3A_292 step %scan3A_293  : i32 {
      %mul3A_461 = arith.constant 16 : i32
      %mul3A_462 = arith.muli %scan3A_460, %mul3A_461 : i32
      %get3A_463 = arith.index_cast %mul3A_462 : i32 to index
      %get3A_464 = tpu.vector_load %arg19[%get3A_463] {strides = array<i32>} : memref<128xf32, #tpu.memory_space<vmem>>, vector<16xf32>,
      %get3A_465 = vector.shape_cast %get3A_464 : vector<16xf32> to vector<16xf32>
      %scan3A_466 = arith.constant 0 : i32
      %scan3A_467 = arith.constant 16 : i32
      %scan3A_468 = arith.addi %scan3A_466, %scan3A_467 : i32
      %scan3A_469 = arith.constant 1 : i32
      scf.for %scan3A_471 = %scan3A_466 to %scan3A_468 step %scan3A_469  : i32 {
        %mul3A_472 = arith.constant 16 : i32
        %mul3A_473 = arith.muli %scan3A_460, %mul3A_472 : i32
        %add3A_474 = arith.addi %mul3A_473, %scan3A_471 : i32
        %broadcast_in_dim3A = arith.constant 0 : i32
        %broadcast_in_dim3A_475 = vector.broadcast %broadcast_in_dim3A : i32 to vector<16xi32>
        %add3A_476 = vector.broadcast %scan3A_471 : i32 to vector<16xi32>
        %add3A_477 = arith.addi %broadcast_in_dim3A_475, %add3A_476 : vector<16xi32>
        %lt3A = arith.constant 0 : i32
        %lt3A_478 = vector.broadcast %lt3A : i32 to vector<16xi32>
        %lt3A_479 = arith.cmpi slt, %add3A_477, %lt3A_478 : vector<16xi32>
        %add3A_480 = arith.constant 16 : i32
        %add3A_481 = vector.broadcast %add3A_480 : i32 to vector<16xi32>
        %add3A_482 = arith.addi %add3A_477, %add3A_481 : vector<16xi32>
        %select_n3A = arith.select %lt3A_479, %add3A_482, %add3A_477 : vector<16xi1>, vector<16xi32>
        %broadcast_in_dim3A_483 = vector.shape_cast %select_n3A : vector<16xi32> to vector<16x1xi32>
        %gather3A = vector.shape_cast %broadcast_in_dim3A_483 : vector<16x1xi32> to vector<16xi32>
        %gather3A_484 = tpu.dynamic_gather %get3A_465[%gather3A] in [0] : vector<16xf32>, vector<16xi32> -> vector<16xf32>
        %get3A_485 = arith.index_cast %add3A_474 : i32 to index
        %get3A_486 = arith.constant 0 : index
        %get3A_487 = tpu.vector_load %arg9[%get3A_485, %get3A_486] {strides = array<i32>} : memref<128x128xf32, #tpu.memory_space<vmem>>, vector<1x16xf32>,
        %get3A_488 = vector.shape_cast %get3A_487 : vector<1x16xf32> to vector<16xf32>
        %mul3A_489 = arith.mulf %get3A_488, %gather3A_484 : vector<16xf32>
        %swap3A = arith.index_cast %add3A_474 : i32 to index
        %swap3A_490 = arith.constant 0 : index
        %swap3A_491 = tpu.vector_load %arg9[%swap3A, %swap3A_490] {strides = array<i32>} : memref<128x128xf32, #tpu.memory_space<vmem>>, vector<1x16xf32>,
        %swap3A_492 = vector.shape_cast %swap3A_491 : vector<1x16xf32> to vector<16xf32>
        %swap3A_493 = vector.shape_cast %mul3A_489 : vector<16xf32> to vector<1x16xf32>
        tpu.vector_store %arg9[%swap3A, %swap3A_490], %swap3A_493 {strides = array<i32>} : memref<128x128xf32, #tpu.memory_space<vmem>>, vector<1x16xf32>,
        %get3A_494 = arith.index_cast %add3A_474 : i32 to index
        %get3A_495 = arith.constant 16 : index
        %get3A_496 = tpu.vector_load %arg9[%get3A_494, %get3A_495] {strides = array<i32>} : memref<128x128xf32, #tpu.memory_space<vmem>>, vector<1x16xf32>,
        %get3A_497 = vector.shape_cast %get3A_496 : vector<1x16xf32> to vector<16xf32>
        %mul3A_498 = arith.mulf %get3A_497, %gather3A_484 : vector<16xf32>
        %swap3A_499 = arith.index_cast %add3A_474 : i32 to index
        %swap3A_500 = arith.constant 16 : index
        %swap3A_501 = tpu.vector_load %arg9[%swap3A_499, %swap3A_500] {strides = array<i32>} : memref<128x128xf32, #tpu.memory_space<vmem>>, vector<1x16xf32>,
        %swap3A_502 = vector.shape_cast %swap3A_501 : vector<1x16xf32> to vector<16xf32>
        %swap3A_503 = vector.shape_cast %mul3A_498 : vector<16xf32> to vector<1x16xf32>
        tpu.vector_store %arg9[%swap3A_499, %swap3A_500], %swap3A_503 {strides = array<i32>} : memref<128x128xf32, #tpu.memory_space<vmem>>, vector<1x16xf32>,
        %get3A_504 = arith.index_cast %add3A_474 : i32 to index
        %get3A_505 = arith.constant 32 : index
        %get3A_506 = tpu.vector_load %arg9[%get3A_504, %get3A_505] {strides = array<i32>} : memref<128x128xf32, #tpu.memory_space<vmem>>, vector<1x16xf32>,
        %get3A_507 = vector.shape_cast %get3A_506 : vector<1x16xf32> to vector<16xf32>
        %mul3A_508 = arith.mulf %get3A_507, %gather3A_484 : vector<16xf32>
        %swap3A_509 = arith.index_cast %add3A_474 : i32 to index
        %swap3A_510 = arith.constant 32 : index
        %swap3A_511 = tpu.vector_load %arg9[%swap3A_509, %swap3A_510] {strides = array<i32>} : memref<128x128xf32, #tpu.memory_space<vmem>>, vector<1x16xf32>,
        %swap3A_512 = vector.shape_cast %swap3A_511 : vector<1x16xf32> to vector<16xf32>
        %swap3A_513 = vector.shape_cast %mul3A_508 : vector<16xf32> to vector<1x16xf32>
        tpu.vector_store %arg9[%swap3A_509, %swap3A_510], %swap3A_513 {strides = array<i32>} : memref<128x128xf32, #tpu.memory_space<vmem>>, vector<1x16xf32>,
        %get3A_514 = arith.index_cast %add3A_474 : i32 to index
        %get3A_515 = arith.constant 48 : index
        %get3A_516 = tpu.vector_load %arg9[%get3A_514, %get3A_515] {strides = array<i32>} : memref<128x128xf32, #tpu.memory_space<vmem>>, vector<1x16xf32>,
        %get3A_517 = vector.shape_cast %get3A_516 : vector<1x16xf32> to vector<16xf32>
        %mul3A_518 = arith.mulf %get3A_517, %gather3A_484 : vector<16xf32>
        %swap3A_519 = arith.index_cast %add3A_474 : i32 to index
        %swap3A_520 = arith.constant 48 : index
        %swap3A_521 = tpu.vector_load %arg9[%swap3A_519, %swap3A_520] {strides = array<i32>} : memref<128x128xf32, #tpu.memory_space<vmem>>, vector<1x16xf32>,
        %swap3A_522 = vector.shape_cast %swap3A_521 : vector<1x16xf32> to vector<16xf32>
        %swap3A_523 = vector.shape_cast %mul3A_518 : vector<16xf32> to vector<1x16xf32>
        tpu.vector_store %arg9[%swap3A_519, %swap3A_520], %swap3A_523 {strides = array<i32>} : memref<128x128xf32, #tpu.memory_space<vmem>>, vector<1x16xf32>,
        %get3A_524 = arith.index_cast %add3A_474 : i32 to index
        %get3A_525 = arith.constant 64 : index
        %get3A_526 = tpu.vector_load %arg9[%get3A_524, %get3A_525] {strides = array<i32>} : memref<128x128xf32, #tpu.memory_space<vmem>>, vector<1x16xf32>,
        %get3A_527 = vector.shape_cast %get3A_526 : vector<1x16xf32> to vector<16xf32>
        %mul3A_528 = arith.mulf %get3A_527, %gather3A_484 : vector<16xf32>
        %swap3A_529 = arith.index_cast %add3A_474 : i32 to index
        %swap3A_530 = arith.constant 64 : index
        %swap3A_531 = tpu.vector_load %arg9[%swap3A_529, %swap3A_530] {strides = array<i32>} : memref<128x128xf32, #tpu.memory_space<vmem>>, vector<1x16xf32>,
        %swap3A_532 = vector.shape_cast %swap3A_531 : vector<1x16xf32> to vector<16xf32>
        %swap3A_533 = vector.shape_cast %mul3A_528 : vector<16xf32> to vector<1x16xf32>
        tpu.vector_store %arg9[%swap3A_529, %swap3A_530], %swap3A_533 {strides = array<i32>} : memref<128x128xf32, #tpu.memory_space<vmem>>, vector<1x16xf32>,
        %get3A_534 = arith.index_cast %add3A_474 : i32 to index
        %get3A_535 = arith.constant 80 : index
        %get3A_536 = tpu.vector_load %arg9[%get3A_534, %get3A_535] {strides = array<i32>} : memref<128x128xf32, #tpu.memory_space<vmem>>, vector<1x16xf32>,
        %get3A_537 = vector.shape_cast %get3A_536 : vector<1x16xf32> to vector<16xf32>
        %mul3A_538 = arith.mulf %get3A_537, %gather3A_484 : vector<16xf32>
        %swap3A_539 = arith.index_cast %add3A_474 : i32 to index
        %swap3A_540 = arith.constant 80 : index
        %swap3A_541 = tpu.vector_load %arg9[%swap3A_539, %swap3A_540] {strides = array<i32>} : memref<128x128xf32, #tpu.memory_space<vmem>>, vector<1x16xf32>,
        %swap3A_542 = vector.shape_cast %swap3A_541 : vector<1x16xf32> to vector<16xf32>
        %swap3A_543 = vector.shape_cast %mul3A_538 : vector<16xf32> to vector<1x16xf32>
        tpu.vector_store %arg9[%swap3A_539, %swap3A_540], %swap3A_543 {strides = array<i32>} : memref<128x128xf32, #tpu.memory_space<vmem>>, vector<1x16xf32>,
        %get3A_544 = arith.index_cast %add3A_474 : i32 to index
        %get3A_545 = arith.constant 96 : index
        %get3A_546 = tpu.vector_load %arg9[%get3A_544, %get3A_545] {strides = array<i32>} : memref<128x128xf32, #tpu.memory_space<vmem>>, vector<1x16xf32>,
        %get3A_547 = vector.shape_cast %get3A_546 : vector<1x16xf32> to vector<16xf32>
        %mul3A_548 = arith.mulf %get3A_547, %gather3A_484 : vector<16xf32>
        %swap3A_549 = arith.index_cast %add3A_474 : i32 to index
        %swap3A_550 = arith.constant 96 : index
        %swap3A_551 = tpu.vector_load %arg9[%swap3A_549, %swap3A_550] {strides = array<i32>} : memref<128x128xf32, #tpu.memory_space<vmem>>, vector<1x16xf32>,
        %swap3A_552 = vector.shape_cast %swap3A_551 : vector<1x16xf32> to vector<16xf32>
        %swap3A_553 = vector.shape_cast %mul3A_548 : vector<16xf32> to vector<1x16xf32>
        tpu.vector_store %arg9[%swap3A_549, %swap3A_550], %swap3A_553 {strides = array<i32>} : memref<128x128xf32, #tpu.memory_space<vmem>>, vector<1x16xf32>,
        %get3A_554 = arith.index_cast %add3A_474 : i32 to index
        %get3A_555 = arith.constant 112 : index
        %get3A_556 = tpu.vector_load %arg9[%get3A_554, %get3A_555] {strides = array<i32>} : memref<128x128xf32, #tpu.memory_space<vmem>>, vector<1x16xf32>,
        %get3A_557 = vector.shape_cast %get3A_556 : vector<1x16xf32> to vector<16xf32>
        %mul3A_558 = arith.mulf %get3A_557, %gather3A_484 : vector<16xf32>
        %swap3A_559 = arith.index_cast %add3A_474 : i32 to index
        %swap3A_560 = arith.constant 112 : index
        %swap3A_561 = tpu.vector_load %arg9[%swap3A_559, %swap3A_560] {strides = array<i32>} : memref<128x128xf32, #tpu.memory_space<vmem>>, vector<1x16xf32>,
        %swap3A_562 = vector.shape_cast %swap3A_561 : vector<1x16xf32> to vector<16xf32>
        %swap3A_563 = vector.shape_cast %mul3A_558 : vector<16xf32> to vector<1x16xf32>
        tpu.vector_store %arg9[%swap3A_559, %swap3A_560], %swap3A_563 {strides = array<i32>} : memref<128x128xf32, #tpu.memory_space<vmem>>, vector<1x16xf32>,
      }
      %scan3A_470 = arith.constant 16 : i32
    }
    %scan3A_294 = arith.constant 8 : i32
    %dma_start3A_295 = arith.constant 0 : i32
    %dma_start3A_296 = arith.constant 0 : i32
    %dma_start3A_297 = tpu.memref_slice %arg26[%dma_start3A_295, %dma_start3A_296] : memref<10000x128xf32, #tpu.memory_space<vmem_shared>> -> memref<10000x128xf32, #tpu.memory_space<vmem_shared>>
    tpu.enqueue_indirect_dma source(%arg9 : memref<128x128xf32, #tpu.memory_space<vmem>>) target(%dma_start3A_297 : memref<10000x128xf32, #tpu.memory_space<vmem_shared>>) offsets(%arg15 : memref<128xi32, #tpu.memory_space<vmem>>) semaphore(%arg29 : memref<!tpu.dma_semaphore, #tpu.memory_space<semaphore_mem>>) {add = true}
    %dma_wait3A_298 = arith.constant 0 : i32
    %dma_wait3A_299 = arith.constant 0 : i32
    %dma_wait3A_300 = tpu.memref_slice %arg2[%dma_wait3A_298, %dma_wait3A_299] : memref<10000x128xf32, #tpu.memory_space<hbm>> -> memref<128x128xf32, #tpu.memory_space<hbm>>
    %dma_wait3A_301 = arith.constant 0 : i32
    %dma_wait3A_302 = arith.constant 0 : i32
    %dma_wait3A_303 = tpu.memref_slice %arg2[%dma_wait3A_301, %dma_wait3A_302] : memref<10000x128xf32, #tpu.memory_space<hbm>> -> memref<128x128xf32, #tpu.memory_space<hbm>>
    tpu.wait_dma2 semaphore(%arg27 : memref<!tpu.dma_semaphore, #tpu.memory_space<semaphore_mem>>) src(%dma_wait3A_303 : memref<128x128xf32, #tpu.memory_space<hbm>>) dst(%arg8 : memref<128x128xf32, #tpu.memory_space<vmem>>)
    %dma_wait3A_304 = arith.constant 0 : i32
    %dma_wait3A_305 = arith.constant 0 : i32
    %dma_wait3A_306 = tpu.memref_slice %arg2[%dma_wait3A_304, %dma_wait3A_305] : memref<10000x128xf32, #tpu.memory_space<hbm>> -> memref<128x128xf32, #tpu.memory_space<hbm>>
    %dma_wait3A_307 = arith.constant 0 : i32
    %dma_wait3A_308 = arith.constant 0 : i32
    %dma_wait3A_309 = tpu.memref_slice %arg2[%dma_wait3A_307, %dma_wait3A_308] : memref<10000x128xf32, #tpu.memory_space<hbm>> -> memref<128x128xf32, #tpu.memory_space<hbm>>
    tpu.wait_dma2 semaphore(%arg29 : memref<!tpu.dma_semaphore, #tpu.memory_space<semaphore_mem>>) src(%dma_wait3A_309 : memref<128x128xf32, #tpu.memory_space<hbm>>) dst(%arg8 : memref<128x128xf32, #tpu.memory_space<vmem>>)
    %add3A_310 = arith.constant 9728 : i32
    %add3A_311 = arith.addi %mul3A_2, %add3A_310 : i32
    %dma_start3A_312 = tpu.memref_slice %arg3[%add3A_311] : memref<320000xi32, #tpu.memory_space<hbm>> -> memref<128xi32, #tpu.memory_space<hbm>>
    %dma_start3A_313 = tpu.memref_slice %arg3[%add3A_311] : memref<320000xi32, #tpu.memory_space<hbm>> -> memref<128xi32, #tpu.memory_space<hbm>>
    tpu.enqueue_dma source(%dma_start3A_313 : memref<128xi32, #tpu.memory_space<hbm>>) target(%arg10 : memref<128xi32, #tpu.memory_space<vmem>>) target_semaphore(%arg30 : memref<!tpu.dma_semaphore, #tpu.memory_space<semaphore_mem>>)
    %dma_start3A_314 = tpu.memref_slice %arg4[%add3A_311] : memref<320000xi32, #tpu.memory_space<hbm>> -> memref<128xi32, #tpu.memory_space<hbm>>
    %dma_start3A_315 = tpu.memref_slice %arg4[%add3A_311] : memref<320000xi32, #tpu.memory_space<hbm>> -> memref<128xi32, #tpu.memory_space<hbm>>
    tpu.enqueue_dma source(%dma_start3A_315 : memref<128xi32, #tpu.memory_space<hbm>>) target(%arg14 : memref<128xi32, #tpu.memory_space<vmem>>) target_semaphore(%arg30 : memref<!tpu.dma_semaphore, #tpu.memory_space<semaphore_mem>>)
    %dma_start3A_316 = tpu.memref_slice %arg5[%add3A_311] : memref<320000xf32, #tpu.memory_space<hbm>> -> memref<128xf32, #tpu.memory_space<hbm>>
    %dma_start3A_317 = tpu.memref_slice %arg5[%add3A_311] : memref<320000xf32, #tpu.memory_space<hbm>> -> memref<128xf32, #tpu.memory_space<hbm>>
    tpu.enqueue_dma source(%dma_start3A_317 : memref<128xf32, #tpu.memory_space<hbm>>) target(%arg18 : memref<128xf32, #tpu.memory_space<vmem>>) target_semaphore(%arg30 : memref<!tpu.dma_semaphore, #tpu.memory_space<semaphore_mem>>)
    %dma_wait3A_318 = arith.constant 0 : i32
    %dma_wait3A_319 = tpu.memref_slice %arg5[%dma_wait3A_318] : memref<320000xf32, #tpu.memory_space<hbm>> -> memref<128xf32, #tpu.memory_space<hbm>>
    %dma_wait3A_320 = arith.constant 0 : i32
    %dma_wait3A_321 = tpu.memref_slice %arg5[%dma_wait3A_320] : memref<320000xf32, #tpu.memory_space<hbm>> -> memref<128xf32, #tpu.memory_space<hbm>>
    tpu.wait_dma2 semaphore(%arg33 : memref<!tpu.dma_semaphore, #tpu.memory_space<semaphore_mem>>) src(%dma_wait3A_321 : memref<128xf32, #tpu.memory_space<hbm>>) dst(%arg13 : memref<128xi32, #tpu.memory_space<vmem>>)
    %dma_wait3A_322 = arith.constant 0 : i32
    %dma_wait3A_323 = tpu.memref_slice %arg5[%dma_wait3A_322] : memref<320000xf32, #tpu.memory_space<hbm>> -> memref<128xf32, #tpu.memory_space<hbm>>
    %dma_wait3A_324 = arith.constant 0 : i32
    %dma_wait3A_325 = tpu.memref_slice %arg5[%dma_wait3A_324] : memref<320000xf32, #tpu.memory_space<hbm>> -> memref<128xf32, #tpu.memory_space<hbm>>
    tpu.wait_dma2 semaphore(%arg33 : memref<!tpu.dma_semaphore, #tpu.memory_space<semaphore_mem>>) src(%dma_wait3A_325 : memref<128xf32, #tpu.memory_space<hbm>>) dst(%arg17 : memref<128xi32, #tpu.memory_space<vmem>>)
    %dma_wait3A_326 = arith.constant 0 : i32
    %dma_wait3A_327 = tpu.memref_slice %arg5[%dma_wait3A_326] : memref<320000xf32, #tpu.memory_space<hbm>> -> memref<128xf32, #tpu.memory_space<hbm>>
    %dma_wait3A_328 = arith.constant 0 : i32
    %dma_wait3A_329 = tpu.memref_slice %arg5[%dma_wait3A_328] : memref<320000xf32, #tpu.memory_space<hbm>> -> memref<128xf32, #tpu.memory_space<hbm>>
    tpu.wait_dma2 semaphore(%arg33 : memref<!tpu.dma_semaphore, #tpu.memory_space<semaphore_mem>>) src(%dma_wait3A_329 : memref<128xf32, #tpu.memory_space<hbm>>) dst(%arg21 : memref<128xf32, #tpu.memory_space<vmem>>)
    %dma_start3A_330 = arith.constant 0 : i32
    %dma_start3A_331 = arith.constant 0 : i32
    %dma_start3A_332 = tpu.memref_slice %arg2[%dma_start3A_330, %dma_start3A_331] : memref<10000x128xf32, #tpu.memory_space<hbm>> -> memref<10000x128xf32, #tpu.memory_space<hbm>>
    tpu.enqueue_indirect_dma source(%dma_start3A_332 : memref<10000x128xf32, #tpu.memory_space<hbm>>) target(%arg9 : memref<128x128xf32, #tpu.memory_space<vmem>>) offsets(%arg13 : memref<128xi32, #tpu.memory_space<vmem>>) semaphore(%arg27 : memref<!tpu.dma_semaphore, #tpu.memory_space<semaphore_mem>>)
    %scan3A_333 = arith.constant 0 : i32
    %scan3A_334 = arith.constant 0 : i32
    %scan3A_335 = arith.constant 8 : i32
    %scan3A_336 = arith.addi %scan3A_334, %scan3A_335 : i32
    %scan3A_337 = arith.constant 1 : i32
    scf.for %scan3A_460 = %scan3A_334 to %scan3A_336 step %scan3A_337  : i32 {
      %mul3A_461 = arith.constant 16 : i32
      %mul3A_462 = arith.muli %scan3A_460, %mul3A_461 : i32
      %get3A_463 = arith.index_cast %mul3A_462 : i32 to index
      %get3A_464 = tpu.vector_load %arg20[%get3A_463] {strides = array<i32>} : memref<128xf32, #tpu.memory_space<vmem>>, vector<16xf32>,
      %get3A_465 = vector.shape_cast %get3A_464 : vector<16xf32> to vector<16xf32>
      %scan3A_466 = arith.constant 0 : i32
      %scan3A_467 = arith.constant 16 : i32
      %scan3A_468 = arith.addi %scan3A_466, %scan3A_467 : i32
      %scan3A_469 = arith.constant 1 : i32
      scf.for %scan3A_471 = %scan3A_466 to %scan3A_468 step %scan3A_469  : i32 {
        %mul3A_472 = arith.constant 16 : i32
        %mul3A_473 = arith.muli %scan3A_460, %mul3A_472 : i32
        %add3A_474 = arith.addi %mul3A_473, %scan3A_471 : i32
        %broadcast_in_dim3A = arith.constant 0 : i32
        %broadcast_in_dim3A_475 = vector.broadcast %broadcast_in_dim3A : i32 to vector<16xi32>
        %add3A_476 = vector.broadcast %scan3A_471 : i32 to vector<16xi32>
        %add3A_477 = arith.addi %broadcast_in_dim3A_475, %add3A_476 : vector<16xi32>
        %lt3A = arith.constant 0 : i32
        %lt3A_478 = vector.broadcast %lt3A : i32 to vector<16xi32>
        %lt3A_479 = arith.cmpi slt, %add3A_477, %lt3A_478 : vector<16xi32>
        %add3A_480 = arith.constant 16 : i32
        %add3A_481 = vector.broadcast %add3A_480 : i32 to vector<16xi32>
        %add3A_482 = arith.addi %add3A_477, %add3A_481 : vector<16xi32>
        %select_n3A = arith.select %lt3A_479, %add3A_482, %add3A_477 : vector<16xi1>, vector<16xi32>
        %broadcast_in_dim3A_483 = vector.shape_cast %select_n3A : vector<16xi32> to vector<16x1xi32>
        %gather3A = vector.shape_cast %broadcast_in_dim3A_483 : vector<16x1xi32> to vector<16xi32>
        %gather3A_484 = tpu.dynamic_gather %get3A_465[%gather3A] in [0] : vector<16xf32>, vector<16xi32> -> vector<16xf32>
        %get3A_485 = arith.index_cast %add3A_474 : i32 to index
        %get3A_486 = arith.constant 0 : index
        %get3A_487 = tpu.vector_load %arg8[%get3A_485, %get3A_486] {strides = array<i32>} : memref<128x128xf32, #tpu.memory_space<vmem>>, vector<1x16xf32>,
        %get3A_488 = vector.shape_cast %get3A_487 : vector<1x16xf32> to vector<16xf32>
        %mul3A_489 = arith.mulf %get3A_488, %gather3A_484 : vector<16xf32>
        %swap3A = arith.index_cast %add3A_474 : i32 to index
        %swap3A_490 = arith.constant 0 : index
        %swap3A_491 = tpu.vector_load %arg8[%swap3A, %swap3A_490] {strides = array<i32>} : memref<128x128xf32, #tpu.memory_space<vmem>>, vector<1x16xf32>,
        %swap3A_492 = vector.shape_cast %swap3A_491 : vector<1x16xf32> to vector<16xf32>
        %swap3A_493 = vector.shape_cast %mul3A_489 : vector<16xf32> to vector<1x16xf32>
        tpu.vector_store %arg8[%swap3A, %swap3A_490], %swap3A_493 {strides = array<i32>} : memref<128x128xf32, #tpu.memory_space<vmem>>, vector<1x16xf32>,
        %get3A_494 = arith.index_cast %add3A_474 : i32 to index
        %get3A_495 = arith.constant 16 : index
        %get3A_496 = tpu.vector_load %arg8[%get3A_494, %get3A_495] {strides = array<i32>} : memref<128x128xf32, #tpu.memory_space<vmem>>, vector<1x16xf32>,
        %get3A_497 = vector.shape_cast %get3A_496 : vector<1x16xf32> to vector<16xf32>
        %mul3A_498 = arith.mulf %get3A_497, %gather3A_484 : vector<16xf32>
        %swap3A_499 = arith.index_cast %add3A_474 : i32 to index
        %swap3A_500 = arith.constant 16 : index
        %swap3A_501 = tpu.vector_load %arg8[%swap3A_499, %swap3A_500] {strides = array<i32>} : memref<128x128xf32, #tpu.memory_space<vmem>>, vector<1x16xf32>,
        %swap3A_502 = vector.shape_cast %swap3A_501 : vector<1x16xf32> to vector<16xf32>
        %swap3A_503 = vector.shape_cast %mul3A_498 : vector<16xf32> to vector<1x16xf32>
        tpu.vector_store %arg8[%swap3A_499, %swap3A_500], %swap3A_503 {strides = array<i32>} : memref<128x128xf32, #tpu.memory_space<vmem>>, vector<1x16xf32>,
        %get3A_504 = arith.index_cast %add3A_474 : i32 to index
        %get3A_505 = arith.constant 32 : index
        %get3A_506 = tpu.vector_load %arg8[%get3A_504, %get3A_505] {strides = array<i32>} : memref<128x128xf32, #tpu.memory_space<vmem>>, vector<1x16xf32>,
        %get3A_507 = vector.shape_cast %get3A_506 : vector<1x16xf32> to vector<16xf32>
        %mul3A_508 = arith.mulf %get3A_507, %gather3A_484 : vector<16xf32>
        %swap3A_509 = arith.index_cast %add3A_474 : i32 to index
        %swap3A_510 = arith.constant 32 : index
        %swap3A_511 = tpu.vector_load %arg8[%swap3A_509, %swap3A_510] {strides = array<i32>} : memref<128x128xf32, #tpu.memory_space<vmem>>, vector<1x16xf32>,
        %swap3A_512 = vector.shape_cast %swap3A_511 : vector<1x16xf32> to vector<16xf32>
        %swap3A_513 = vector.shape_cast %mul3A_508 : vector<16xf32> to vector<1x16xf32>
        tpu.vector_store %arg8[%swap3A_509, %swap3A_510], %swap3A_513 {strides = array<i32>} : memref<128x128xf32, #tpu.memory_space<vmem>>, vector<1x16xf32>,
        %get3A_514 = arith.index_cast %add3A_474 : i32 to index
        %get3A_515 = arith.constant 48 : index
        %get3A_516 = tpu.vector_load %arg8[%get3A_514, %get3A_515] {strides = array<i32>} : memref<128x128xf32, #tpu.memory_space<vmem>>, vector<1x16xf32>,
        %get3A_517 = vector.shape_cast %get3A_516 : vector<1x16xf32> to vector<16xf32>
        %mul3A_518 = arith.mulf %get3A_517, %gather3A_484 : vector<16xf32>
        %swap3A_519 = arith.index_cast %add3A_474 : i32 to index
        %swap3A_520 = arith.constant 48 : index
        %swap3A_521 = tpu.vector_load %arg8[%swap3A_519, %swap3A_520] {strides = array<i32>} : memref<128x128xf32, #tpu.memory_space<vmem>>, vector<1x16xf32>,
        %swap3A_522 = vector.shape_cast %swap3A_521 : vector<1x16xf32> to vector<16xf32>
        %swap3A_523 = vector.shape_cast %mul3A_518 : vector<16xf32> to vector<1x16xf32>
        tpu.vector_store %arg8[%swap3A_519, %swap3A_520], %swap3A_523 {strides = array<i32>} : memref<128x128xf32, #tpu.memory_space<vmem>>, vector<1x16xf32>,
        %get3A_524 = arith.index_cast %add3A_474 : i32 to index
        %get3A_525 = arith.constant 64 : index
        %get3A_526 = tpu.vector_load %arg8[%get3A_524, %get3A_525] {strides = array<i32>} : memref<128x128xf32, #tpu.memory_space<vmem>>, vector<1x16xf32>,
        %get3A_527 = vector.shape_cast %get3A_526 : vector<1x16xf32> to vector<16xf32>
        %mul3A_528 = arith.mulf %get3A_527, %gather3A_484 : vector<16xf32>
        %swap3A_529 = arith.index_cast %add3A_474 : i32 to index
        %swap3A_530 = arith.constant 64 : index
        %swap3A_531 = tpu.vector_load %arg8[%swap3A_529, %swap3A_530] {strides = array<i32>} : memref<128x128xf32, #tpu.memory_space<vmem>>, vector<1x16xf32>,
        %swap3A_532 = vector.shape_cast %swap3A_531 : vector<1x16xf32> to vector<16xf32>
        %swap3A_533 = vector.shape_cast %mul3A_528 : vector<16xf32> to vector<1x16xf32>
        tpu.vector_store %arg8[%swap3A_529, %swap3A_530], %swap3A_533 {strides = array<i32>} : memref<128x128xf32, #tpu.memory_space<vmem>>, vector<1x16xf32>,
        %get3A_534 = arith.index_cast %add3A_474 : i32 to index
        %get3A_535 = arith.constant 80 : index
        %get3A_536 = tpu.vector_load %arg8[%get3A_534, %get3A_535] {strides = array<i32>} : memref<128x128xf32, #tpu.memory_space<vmem>>, vector<1x16xf32>,
        %get3A_537 = vector.shape_cast %get3A_536 : vector<1x16xf32> to vector<16xf32>
        %mul3A_538 = arith.mulf %get3A_537, %gather3A_484 : vector<16xf32>
        %swap3A_539 = arith.index_cast %add3A_474 : i32 to index
        %swap3A_540 = arith.constant 80 : index
        %swap3A_541 = tpu.vector_load %arg8[%swap3A_539, %swap3A_540] {strides = array<i32>} : memref<128x128xf32, #tpu.memory_space<vmem>>, vector<1x16xf32>,
        %swap3A_542 = vector.shape_cast %swap3A_541 : vector<1x16xf32> to vector<16xf32>
        %swap3A_543 = vector.shape_cast %mul3A_538 : vector<16xf32> to vector<1x16xf32>
        tpu.vector_store %arg8[%swap3A_539, %swap3A_540], %swap3A_543 {strides = array<i32>} : memref<128x128xf32, #tpu.memory_space<vmem>>, vector<1x16xf32>,
        %get3A_544 = arith.index_cast %add3A_474 : i32 to index
        %get3A_545 = arith.constant 96 : index
        %get3A_546 = tpu.vector_load %arg8[%get3A_544, %get3A_545] {strides = array<i32>} : memref<128x128xf32, #tpu.memory_space<vmem>>, vector<1x16xf32>,
        %get3A_547 = vector.shape_cast %get3A_546 : vector<1x16xf32> to vector<16xf32>
        %mul3A_548 = arith.mulf %get3A_547, %gather3A_484 : vector<16xf32>
        %swap3A_549 = arith.index_cast %add3A_474 : i32 to index
        %swap3A_550 = arith.constant 96 : index
        %swap3A_551 = tpu.vector_load %arg8[%swap3A_549, %swap3A_550] {strides = array<i32>} : memref<128x128xf32, #tpu.memory_space<vmem>>, vector<1x16xf32>,
        %swap3A_552 = vector.shape_cast %swap3A_551 : vector<1x16xf32> to vector<16xf32>
        %swap3A_553 = vector.shape_cast %mul3A_548 : vector<16xf32> to vector<1x16xf32>
        tpu.vector_store %arg8[%swap3A_549, %swap3A_550], %swap3A_553 {strides = array<i32>} : memref<128x128xf32, #tpu.memory_space<vmem>>, vector<1x16xf32>,
        %get3A_554 = arith.index_cast %add3A_474 : i32 to index
        %get3A_555 = arith.constant 112 : index
        %get3A_556 = tpu.vector_load %arg8[%get3A_554, %get3A_555] {strides = array<i32>} : memref<128x128xf32, #tpu.memory_space<vmem>>, vector<1x16xf32>,
        %get3A_557 = vector.shape_cast %get3A_556 : vector<1x16xf32> to vector<16xf32>
        %mul3A_558 = arith.mulf %get3A_557, %gather3A_484 : vector<16xf32>
        %swap3A_559 = arith.index_cast %add3A_474 : i32 to index
        %swap3A_560 = arith.constant 112 : index
        %swap3A_561 = tpu.vector_load %arg8[%swap3A_559, %swap3A_560] {strides = array<i32>} : memref<128x128xf32, #tpu.memory_space<vmem>>, vector<1x16xf32>,
        %swap3A_562 = vector.shape_cast %swap3A_561 : vector<1x16xf32> to vector<16xf32>
        %swap3A_563 = vector.shape_cast %mul3A_558 : vector<16xf32> to vector<1x16xf32>
        tpu.vector_store %arg8[%swap3A_559, %swap3A_560], %swap3A_563 {strides = array<i32>} : memref<128x128xf32, #tpu.memory_space<vmem>>, vector<1x16xf32>,
      }
      %scan3A_470 = arith.constant 16 : i32
    }
    %scan3A_338 = arith.constant 8 : i32
    %dma_start3A_339 = arith.constant 0 : i32
    %dma_start3A_340 = arith.constant 0 : i32
    %dma_start3A_341 = tpu.memref_slice %arg26[%dma_start3A_339, %dma_start3A_340] : memref<10000x128xf32, #tpu.memory_space<vmem_shared>> -> memref<10000x128xf32, #tpu.memory_space<vmem_shared>>
    tpu.enqueue_indirect_dma source(%arg8 : memref<128x128xf32, #tpu.memory_space<vmem>>) target(%dma_start3A_341 : memref<10000x128xf32, #tpu.memory_space<vmem_shared>>) offsets(%arg16 : memref<128xi32, #tpu.memory_space<vmem>>) semaphore(%arg28 : memref<!tpu.dma_semaphore, #tpu.memory_space<semaphore_mem>>) {add = true}
    %dma_wait3A_342 = arith.constant 0 : i32
    %dma_wait3A_343 = arith.constant 0 : i32
    %dma_wait3A_344 = tpu.memref_slice %arg2[%dma_wait3A_342, %dma_wait3A_343] : memref<10000x128xf32, #tpu.memory_space<hbm>> -> memref<128x128xf32, #tpu.memory_space<hbm>>
    %dma_wait3A_345 = arith.constant 0 : i32
    %dma_wait3A_346 = arith.constant 0 : i32
    %dma_wait3A_347 = tpu.memref_slice %arg2[%dma_wait3A_345, %dma_wait3A_346] : memref<10000x128xf32, #tpu.memory_space<hbm>> -> memref<128x128xf32, #tpu.memory_space<hbm>>
    tpu.wait_dma2 semaphore(%arg27 : memref<!tpu.dma_semaphore, #tpu.memory_space<semaphore_mem>>) src(%dma_wait3A_347 : memref<128x128xf32, #tpu.memory_space<hbm>>) dst(%arg9 : memref<128x128xf32, #tpu.memory_space<vmem>>)
    %dma_wait3A_348 = arith.constant 0 : i32
    %dma_wait3A_349 = arith.constant 0 : i32
    %dma_wait3A_350 = tpu.memref_slice %arg2[%dma_wait3A_348, %dma_wait3A_349] : memref<10000x128xf32, #tpu.memory_space<hbm>> -> memref<128x128xf32, #tpu.memory_space<hbm>>
    %dma_wait3A_351 = arith.constant 0 : i32
    %dma_wait3A_352 = arith.constant 0 : i32
    %dma_wait3A_353 = tpu.memref_slice %arg2[%dma_wait3A_351, %dma_wait3A_352] : memref<10000x128xf32, #tpu.memory_space<hbm>> -> memref<128x128xf32, #tpu.memory_space<hbm>>
    tpu.wait_dma2 semaphore(%arg28 : memref<!tpu.dma_semaphore, #tpu.memory_space<semaphore_mem>>) src(%dma_wait3A_353 : memref<128x128xf32, #tpu.memory_space<hbm>>) dst(%arg8 : memref<128x128xf32, #tpu.memory_space<vmem>>)
    %add3A_354 = arith.constant 9856 : i32
    %add3A_355 = arith.addi %mul3A_2, %add3A_354 : i32
    %dma_start3A_356 = tpu.memref_slice %arg3[%add3A_355] : memref<320000xi32, #tpu.memory_space<hbm>> -> memref<128xi32, #tpu.memory_space<hbm>>
    %dma_start3A_357 = tpu.memref_slice %arg3[%add3A_355] : memref<320000xi32, #tpu.memory_space<hbm>> -> memref<128xi32, #tpu.memory_space<hbm>>
    tpu.enqueue_dma source(%dma_start3A_357 : memref<128xi32, #tpu.memory_space<hbm>>) target(%arg11 : memref<128xi32, #tpu.memory_space<vmem>>) target_semaphore(%arg31 : memref<!tpu.dma_semaphore, #tpu.memory_space<semaphore_mem>>)
    %dma_start3A_358 = tpu.memref_slice %arg4[%add3A_355] : memref<320000xi32, #tpu.memory_space<hbm>> -> memref<128xi32, #tpu.memory_space<hbm>>
    %dma_start3A_359 = tpu.memref_slice %arg4[%add3A_355] : memref<320000xi32, #tpu.memory_space<hbm>> -> memref<128xi32, #tpu.memory_space<hbm>>
    tpu.enqueue_dma source(%dma_start3A_359 : memref<128xi32, #tpu.memory_space<hbm>>) target(%arg15 : memref<128xi32, #tpu.memory_space<vmem>>) target_semaphore(%arg31 : memref<!tpu.dma_semaphore, #tpu.memory_space<semaphore_mem>>)
    %dma_start3A_360 = tpu.memref_slice %arg5[%add3A_355] : memref<320000xf32, #tpu.memory_space<hbm>> -> memref<128xf32, #tpu.memory_space<hbm>>
    %dma_start3A_361 = tpu.memref_slice %arg5[%add3A_355] : memref<320000xf32, #tpu.memory_space<hbm>> -> memref<128xf32, #tpu.memory_space<hbm>>
    tpu.enqueue_dma source(%dma_start3A_361 : memref<128xf32, #tpu.memory_space<hbm>>) target(%arg19 : memref<128xf32, #tpu.memory_space<vmem>>) target_semaphore(%arg31 : memref<!tpu.dma_semaphore, #tpu.memory_space<semaphore_mem>>)
    %dma_wait3A_362 = arith.constant 0 : i32
    %dma_wait3A_363 = tpu.memref_slice %arg5[%dma_wait3A_362] : memref<320000xf32, #tpu.memory_space<hbm>> -> memref<128xf32, #tpu.memory_space<hbm>>
    %dma_wait3A_364 = arith.constant 0 : i32
    %dma_wait3A_365 = tpu.memref_slice %arg5[%dma_wait3A_364] : memref<320000xf32, #tpu.memory_space<hbm>> -> memref<128xf32, #tpu.memory_space<hbm>>
    tpu.wait_dma2 semaphore(%arg30 : memref<!tpu.dma_semaphore, #tpu.memory_space<semaphore_mem>>) src(%dma_wait3A_365 : memref<128xf32, #tpu.memory_space<hbm>>) dst(%arg10 : memref<128xi32, #tpu.memory_space<vmem>>)
    %dma_wait3A_366 = arith.constant 0 : i32
    %dma_wait3A_367 = tpu.memref_slice %arg5[%dma_wait3A_366] : memref<320000xf32, #tpu.memory_space<hbm>> -> memref<128xf32, #tpu.memory_space<hbm>>
    %dma_wait3A_368 = arith.constant 0 : i32
    %dma_wait3A_369 = tpu.memref_slice %arg5[%dma_wait3A_368] : memref<320000xf32, #tpu.memory_space<hbm>> -> memref<128xf32, #tpu.memory_space<hbm>>
    tpu.wait_dma2 semaphore(%arg30 : memref<!tpu.dma_semaphore, #tpu.memory_space<semaphore_mem>>) src(%dma_wait3A_369 : memref<128xf32, #tpu.memory_space<hbm>>) dst(%arg14 : memref<128xi32, #tpu.memory_space<vmem>>)
    %dma_wait3A_370 = arith.constant 0 : i32
    %dma_wait3A_371 = tpu.memref_slice %arg5[%dma_wait3A_370] : memref<320000xf32, #tpu.memory_space<hbm>> -> memref<128xf32, #tpu.memory_space<hbm>>
    %dma_wait3A_372 = arith.constant 0 : i32
    %dma_wait3A_373 = tpu.memref_slice %arg5[%dma_wait3A_372] : memref<320000xf32, #tpu.memory_space<hbm>> -> memref<128xf32, #tpu.memory_space<hbm>>
    tpu.wait_dma2 semaphore(%arg30 : memref<!tpu.dma_semaphore, #tpu.memory_space<semaphore_mem>>) src(%dma_wait3A_373 : memref<128xf32, #tpu.memory_space<hbm>>) dst(%arg18 : memref<128xf32, #tpu.memory_space<vmem>>)
    %dma_start3A_374 = arith.constant 0 : i32
    %dma_start3A_375 = arith.constant 0 : i32
    %dma_start3A_376 = tpu.memref_slice %arg2[%dma_start3A_374, %dma_start3A_375] : memref<10000x128xf32, #tpu.memory_space<hbm>> -> memref<10000x128xf32, #tpu.memory_space<hbm>>
    tpu.enqueue_indirect_dma source(%dma_start3A_376 : memref<10000x128xf32, #tpu.memory_space<hbm>>) target(%arg8 : memref<128x128xf32, #tpu.memory_space<vmem>>) offsets(%arg10 : memref<128xi32, #tpu.memory_space<vmem>>) semaphore(%arg27 : memref<!tpu.dma_semaphore, #tpu.memory_space<semaphore_mem>>)
    %scan3A_377 = arith.constant 0 : i32
    %scan3A_378 = arith.constant 0 : i32
    %scan3A_379 = arith.constant 8 : i32
    %scan3A_380 = arith.addi %scan3A_378, %scan3A_379 : i32
    %scan3A_381 = arith.constant 1 : i32
    scf.for %scan3A_460 = %scan3A_378 to %scan3A_380 step %scan3A_381  : i32 {
      %mul3A_461 = arith.constant 16 : i32
      %mul3A_462 = arith.muli %scan3A_460, %mul3A_461 : i32
      %get3A_463 = arith.index_cast %mul3A_462 : i32 to index
      %get3A_464 = tpu.vector_load %arg21[%get3A_463] {strides = array<i32>} : memref<128xf32, #tpu.memory_space<vmem>>, vector<16xf32>,
      %get3A_465 = vector.shape_cast %get3A_464 : vector<16xf32> to vector<16xf32>
      %scan3A_466 = arith.constant 0 : i32
      %scan3A_467 = arith.constant 16 : i32
      %scan3A_468 = arith.addi %scan3A_466, %scan3A_467 : i32
      %scan3A_469 = arith.constant 1 : i32
      scf.for %scan3A_471 = %scan3A_466 to %scan3A_468 step %scan3A_469  : i32 {
        %mul3A_472 = arith.constant 16 : i32
        %mul3A_473 = arith.muli %scan3A_460, %mul3A_472 : i32
        %add3A_474 = arith.addi %mul3A_473, %scan3A_471 : i32
        %broadcast_in_dim3A = arith.constant 0 : i32
        %broadcast_in_dim3A_475 = vector.broadcast %broadcast_in_dim3A : i32 to vector<16xi32>
        %add3A_476 = vector.broadcast %scan3A_471 : i32 to vector<16xi32>
        %add3A_477 = arith.addi %broadcast_in_dim3A_475, %add3A_476 : vector<16xi32>
        %lt3A = arith.constant 0 : i32
        %lt3A_478 = vector.broadcast %lt3A : i32 to vector<16xi32>
        %lt3A_479 = arith.cmpi slt, %add3A_477, %lt3A_478 : vector<16xi32>
        %add3A_480 = arith.constant 16 : i32
        %add3A_481 = vector.broadcast %add3A_480 : i32 to vector<16xi32>
        %add3A_482 = arith.addi %add3A_477, %add3A_481 : vector<16xi32>
        %select_n3A = arith.select %lt3A_479, %add3A_482, %add3A_477 : vector<16xi1>, vector<16xi32>
        %broadcast_in_dim3A_483 = vector.shape_cast %select_n3A : vector<16xi32> to vector<16x1xi32>
        %gather3A = vector.shape_cast %broadcast_in_dim3A_483 : vector<16x1xi32> to vector<16xi32>
        %gather3A_484 = tpu.dynamic_gather %get3A_465[%gather3A] in [0] : vector<16xf32>, vector<16xi32> -> vector<16xf32>
        %get3A_485 = arith.index_cast %add3A_474 : i32 to index
        %get3A_486 = arith.constant 0 : index
        %get3A_487 = tpu.vector_load %arg9[%get3A_485, %get3A_486] {strides = array<i32>} : memref<128x128xf32, #tpu.memory_space<vmem>>, vector<1x16xf32>,
        %get3A_488 = vector.shape_cast %get3A_487 : vector<1x16xf32> to vector<16xf32>
        %mul3A_489 = arith.mulf %get3A_488, %gather3A_484 : vector<16xf32>
        %swap3A = arith.index_cast %add3A_474 : i32 to index
        %swap3A_490 = arith.constant 0 : index
        %swap3A_491 = tpu.vector_load %arg9[%swap3A, %swap3A_490] {strides = array<i32>} : memref<128x128xf32, #tpu.memory_space<vmem>>, vector<1x16xf32>,
        %swap3A_492 = vector.shape_cast %swap3A_491 : vector<1x16xf32> to vector<16xf32>
        %swap3A_493 = vector.shape_cast %mul3A_489 : vector<16xf32> to vector<1x16xf32>
        tpu.vector_store %arg9[%swap3A, %swap3A_490], %swap3A_493 {strides = array<i32>} : memref<128x128xf32, #tpu.memory_space<vmem>>, vector<1x16xf32>,
        %get3A_494 = arith.index_cast %add3A_474 : i32 to index
        %get3A_495 = arith.constant 16 : index
        %get3A_496 = tpu.vector_load %arg9[%get3A_494, %get3A_495] {strides = array<i32>} : memref<128x128xf32, #tpu.memory_space<vmem>>, vector<1x16xf32>,
        %get3A_497 = vector.shape_cast %get3A_496 : vector<1x16xf32> to vector<16xf32>
        %mul3A_498 = arith.mulf %get3A_497, %gather3A_484 : vector<16xf32>
        %swap3A_499 = arith.index_cast %add3A_474 : i32 to index
        %swap3A_500 = arith.constant 16 : index
        %swap3A_501 = tpu.vector_load %arg9[%swap3A_499, %swap3A_500] {strides = array<i32>} : memref<128x128xf32, #tpu.memory_space<vmem>>, vector<1x16xf32>,
        %swap3A_502 = vector.shape_cast %swap3A_501 : vector<1x16xf32> to vector<16xf32>
        %swap3A_503 = vector.shape_cast %mul3A_498 : vector<16xf32> to vector<1x16xf32>
        tpu.vector_store %arg9[%swap3A_499, %swap3A_500], %swap3A_503 {strides = array<i32>} : memref<128x128xf32, #tpu.memory_space<vmem>>, vector<1x16xf32>,
        %get3A_504 = arith.index_cast %add3A_474 : i32 to index
        %get3A_505 = arith.constant 32 : index
        %get3A_506 = tpu.vector_load %arg9[%get3A_504, %get3A_505] {strides = array<i32>} : memref<128x128xf32, #tpu.memory_space<vmem>>, vector<1x16xf32>,
        %get3A_507 = vector.shape_cast %get3A_506 : vector<1x16xf32> to vector<16xf32>
        %mul3A_508 = arith.mulf %get3A_507, %gather3A_484 : vector<16xf32>
        %swap3A_509 = arith.index_cast %add3A_474 : i32 to index
        %swap3A_510 = arith.constant 32 : index
        %swap3A_511 = tpu.vector_load %arg9[%swap3A_509, %swap3A_510] {strides = array<i32>} : memref<128x128xf32, #tpu.memory_space<vmem>>, vector<1x16xf32>,
        %swap3A_512 = vector.shape_cast %swap3A_511 : vector<1x16xf32> to vector<16xf32>
        %swap3A_513 = vector.shape_cast %mul3A_508 : vector<16xf32> to vector<1x16xf32>
        tpu.vector_store %arg9[%swap3A_509, %swap3A_510], %swap3A_513 {strides = array<i32>} : memref<128x128xf32, #tpu.memory_space<vmem>>, vector<1x16xf32>,
        %get3A_514 = arith.index_cast %add3A_474 : i32 to index
        %get3A_515 = arith.constant 48 : index
        %get3A_516 = tpu.vector_load %arg9[%get3A_514, %get3A_515] {strides = array<i32>} : memref<128x128xf32, #tpu.memory_space<vmem>>, vector<1x16xf32>,
        %get3A_517 = vector.shape_cast %get3A_516 : vector<1x16xf32> to vector<16xf32>
        %mul3A_518 = arith.mulf %get3A_517, %gather3A_484 : vector<16xf32>
        %swap3A_519 = arith.index_cast %add3A_474 : i32 to index
        %swap3A_520 = arith.constant 48 : index
        %swap3A_521 = tpu.vector_load %arg9[%swap3A_519, %swap3A_520] {strides = array<i32>} : memref<128x128xf32, #tpu.memory_space<vmem>>, vector<1x16xf32>,
        %swap3A_522 = vector.shape_cast %swap3A_521 : vector<1x16xf32> to vector<16xf32>
        %swap3A_523 = vector.shape_cast %mul3A_518 : vector<16xf32> to vector<1x16xf32>
        tpu.vector_store %arg9[%swap3A_519, %swap3A_520], %swap3A_523 {strides = array<i32>} : memref<128x128xf32, #tpu.memory_space<vmem>>, vector<1x16xf32>,
        %get3A_524 = arith.index_cast %add3A_474 : i32 to index
        %get3A_525 = arith.constant 64 : index
        %get3A_526 = tpu.vector_load %arg9[%get3A_524, %get3A_525] {strides = array<i32>} : memref<128x128xf32, #tpu.memory_space<vmem>>, vector<1x16xf32>,
        %get3A_527 = vector.shape_cast %get3A_526 : vector<1x16xf32> to vector<16xf32>
        %mul3A_528 = arith.mulf %get3A_527, %gather3A_484 : vector<16xf32>
        %swap3A_529 = arith.index_cast %add3A_474 : i32 to index
        %swap3A_530 = arith.constant 64 : index
        %swap3A_531 = tpu.vector_load %arg9[%swap3A_529, %swap3A_530] {strides = array<i32>} : memref<128x128xf32, #tpu.memory_space<vmem>>, vector<1x16xf32>,
        %swap3A_532 = vector.shape_cast %swap3A_531 : vector<1x16xf32> to vector<16xf32>
        %swap3A_533 = vector.shape_cast %mul3A_528 : vector<16xf32> to vector<1x16xf32>
        tpu.vector_store %arg9[%swap3A_529, %swap3A_530], %swap3A_533 {strides = array<i32>} : memref<128x128xf32, #tpu.memory_space<vmem>>, vector<1x16xf32>,
        %get3A_534 = arith.index_cast %add3A_474 : i32 to index
        %get3A_535 = arith.constant 80 : index
        %get3A_536 = tpu.vector_load %arg9[%get3A_534, %get3A_535] {strides = array<i32>} : memref<128x128xf32, #tpu.memory_space<vmem>>, vector<1x16xf32>,
        %get3A_537 = vector.shape_cast %get3A_536 : vector<1x16xf32> to vector<16xf32>
        %mul3A_538 = arith.mulf %get3A_537, %gather3A_484 : vector<16xf32>
        %swap3A_539 = arith.index_cast %add3A_474 : i32 to index
        %swap3A_540 = arith.constant 80 : index
        %swap3A_541 = tpu.vector_load %arg9[%swap3A_539, %swap3A_540] {strides = array<i32>} : memref<128x128xf32, #tpu.memory_space<vmem>>, vector<1x16xf32>,
        %swap3A_542 = vector.shape_cast %swap3A_541 : vector<1x16xf32> to vector<16xf32>
        %swap3A_543 = vector.shape_cast %mul3A_538 : vector<16xf32> to vector<1x16xf32>
        tpu.vector_store %arg9[%swap3A_539, %swap3A_540], %swap3A_543 {strides = array<i32>} : memref<128x128xf32, #tpu.memory_space<vmem>>, vector<1x16xf32>,
        %get3A_544 = arith.index_cast %add3A_474 : i32 to index
        %get3A_545 = arith.constant 96 : index
        %get3A_546 = tpu.vector_load %arg9[%get3A_544, %get3A_545] {strides = array<i32>} : memref<128x128xf32, #tpu.memory_space<vmem>>, vector<1x16xf32>,
        %get3A_547 = vector.shape_cast %get3A_546 : vector<1x16xf32> to vector<16xf32>
        %mul3A_548 = arith.mulf %get3A_547, %gather3A_484 : vector<16xf32>
        %swap3A_549 = arith.index_cast %add3A_474 : i32 to index
        %swap3A_550 = arith.constant 96 : index
        %swap3A_551 = tpu.vector_load %arg9[%swap3A_549, %swap3A_550] {strides = array<i32>} : memref<128x128xf32, #tpu.memory_space<vmem>>, vector<1x16xf32>,
        %swap3A_552 = vector.shape_cast %swap3A_551 : vector<1x16xf32> to vector<16xf32>
        %swap3A_553 = vector.shape_cast %mul3A_548 : vector<16xf32> to vector<1x16xf32>
        tpu.vector_store %arg9[%swap3A_549, %swap3A_550], %swap3A_553 {strides = array<i32>} : memref<128x128xf32, #tpu.memory_space<vmem>>, vector<1x16xf32>,
        %get3A_554 = arith.index_cast %add3A_474 : i32 to index
        %get3A_555 = arith.constant 112 : index
        %get3A_556 = tpu.vector_load %arg9[%get3A_554, %get3A_555] {strides = array<i32>} : memref<128x128xf32, #tpu.memory_space<vmem>>, vector<1x16xf32>,
        %get3A_557 = vector.shape_cast %get3A_556 : vector<1x16xf32> to vector<16xf32>
        %mul3A_558 = arith.mulf %get3A_557, %gather3A_484 : vector<16xf32>
        %swap3A_559 = arith.index_cast %add3A_474 : i32 to index
        %swap3A_560 = arith.constant 112 : index
        %swap3A_561 = tpu.vector_load %arg9[%swap3A_559, %swap3A_560] {strides = array<i32>} : memref<128x128xf32, #tpu.memory_space<vmem>>, vector<1x16xf32>,
        %swap3A_562 = vector.shape_cast %swap3A_561 : vector<1x16xf32> to vector<16xf32>
        %swap3A_563 = vector.shape_cast %mul3A_558 : vector<16xf32> to vector<1x16xf32>
        tpu.vector_store %arg9[%swap3A_559, %swap3A_560], %swap3A_563 {strides = array<i32>} : memref<128x128xf32, #tpu.memory_space<vmem>>, vector<1x16xf32>,
      }
      %scan3A_470 = arith.constant 16 : i32
    }
    %scan3A_382 = arith.constant 8 : i32
    %dma_start3A_383 = arith.constant 0 : i32
    %dma_start3A_384 = arith.constant 0 : i32
    %dma_start3A_385 = tpu.memref_slice %arg26[%dma_start3A_383, %dma_start3A_384] : memref<10000x128xf32, #tpu.memory_space<vmem_shared>> -> memref<10000x128xf32, #tpu.memory_space<vmem_shared>>
    tpu.enqueue_indirect_dma source(%arg9 : memref<128x128xf32, #tpu.memory_space<vmem>>) target(%dma_start3A_385 : memref<10000x128xf32, #tpu.memory_space<vmem_shared>>) offsets(%arg17 : memref<128xi32, #tpu.memory_space<vmem>>) semaphore(%arg29 : memref<!tpu.dma_semaphore, #tpu.memory_space<semaphore_mem>>) {add = true}
    %dma_wait3A_386 = arith.constant 0 : i32
    %dma_wait3A_387 = arith.constant 0 : i32
    %dma_wait3A_388 = tpu.memref_slice %arg2[%dma_wait3A_386, %dma_wait3A_387] : memref<10000x128xf32, #tpu.memory_space<hbm>> -> memref<128x128xf32, #tpu.memory_space<hbm>>
    %dma_wait3A_389 = arith.constant 0 : i32
    %dma_wait3A_390 = arith.constant 0 : i32
    %dma_wait3A_391 = tpu.memref_slice %arg2[%dma_wait3A_389, %dma_wait3A_390] : memref<10000x128xf32, #tpu.memory_space<hbm>> -> memref<128x128xf32, #tpu.memory_space<hbm>>
    tpu.wait_dma2 semaphore(%arg27 : memref<!tpu.dma_semaphore, #tpu.memory_space<semaphore_mem>>) src(%dma_wait3A_391 : memref<128x128xf32, #tpu.memory_space<hbm>>) dst(%arg8 : memref<128x128xf32, #tpu.memory_space<vmem>>)
    %dma_wait3A_392 = arith.constant 0 : i32
    %dma_wait3A_393 = arith.constant 0 : i32
    %dma_wait3A_394 = tpu.memref_slice %arg2[%dma_wait3A_392, %dma_wait3A_393] : memref<10000x128xf32, #tpu.memory_space<hbm>> -> memref<128x128xf32, #tpu.memory_space<hbm>>
    %dma_wait3A_395 = arith.constant 0 : i32
    %dma_wait3A_396 = arith.constant 0 : i32
    %dma_wait3A_397 = tpu.memref_slice %arg2[%dma_wait3A_395, %dma_wait3A_396] : memref<10000x128xf32, #tpu.memory_space<hbm>> -> memref<128x128xf32, #tpu.memory_space<hbm>>
    tpu.wait_dma2 semaphore(%arg29 : memref<!tpu.dma_semaphore, #tpu.memory_space<semaphore_mem>>) src(%dma_wait3A_397 : memref<128x128xf32, #tpu.memory_space<hbm>>) dst(%arg8 : memref<128x128xf32, #tpu.memory_space<vmem>>)
    %dma_wait3A_398 = arith.constant 0 : i32
    %dma_wait3A_399 = tpu.memref_slice %arg5[%dma_wait3A_398] : memref<320000xf32, #tpu.memory_space<hbm>> -> memref<128xf32, #tpu.memory_space<hbm>>
    %dma_wait3A_400 = arith.constant 0 : i32
    %dma_wait3A_401 = tpu.memref_slice %arg5[%dma_wait3A_400] : memref<320000xf32, #tpu.memory_space<hbm>> -> memref<128xf32, #tpu.memory_space<hbm>>
    tpu.wait_dma2 semaphore(%arg31 : memref<!tpu.dma_semaphore, #tpu.memory_space<semaphore_mem>>) src(%dma_wait3A_401 : memref<128xf32, #tpu.memory_space<hbm>>) dst(%arg11 : memref<128xi32, #tpu.memory_space<vmem>>)
    %dma_wait3A_402 = arith.constant 0 : i32
    %dma_wait3A_403 = tpu.memref_slice %arg5[%dma_wait3A_402] : memref<320000xf32, #tpu.memory_space<hbm>> -> memref<128xf32, #tpu.memory_space<hbm>>
    %dma_wait3A_404 = arith.constant 0 : i32
    %dma_wait3A_405 = tpu.memref_slice %arg5[%dma_wait3A_404] : memref<320000xf32, #tpu.memory_space<hbm>> -> memref<128xf32, #tpu.memory_space<hbm>>
    tpu.wait_dma2 semaphore(%arg31 : memref<!tpu.dma_semaphore, #tpu.memory_space<semaphore_mem>>) src(%dma_wait3A_405 : memref<128xf32, #tpu.memory_space<hbm>>) dst(%arg15 : memref<128xi32, #tpu.memory_space<vmem>>)
    %dma_wait3A_406 = arith.constant 0 : i32
    %dma_wait3A_407 = tpu.memref_slice %arg5[%dma_wait3A_406] : memref<320000xf32, #tpu.memory_space<hbm>> -> memref<128xf32, #tpu.memory_space<hbm>>
    %dma_wait3A_408 = arith.constant 0 : i32
    %dma_wait3A_409 = tpu.memref_slice %arg5[%dma_wait3A_408] : memref<320000xf32, #tpu.memory_space<hbm>> -> memref<128xf32, #tpu.memory_space<hbm>>
    tpu.wait_dma2 semaphore(%arg31 : memref<!tpu.dma_semaphore, #tpu.memory_space<semaphore_mem>>) src(%dma_wait3A_409 : memref<128xf32, #tpu.memory_space<hbm>>) dst(%arg19 : memref<128xf32, #tpu.memory_space<vmem>>)
    %dma_start3A_410 = arith.constant 0 : i32
    %dma_start3A_411 = arith.constant 0 : i32
    %dma_start3A_412 = tpu.memref_slice %arg2[%dma_start3A_410, %dma_start3A_411] : memref<10000x128xf32, #tpu.memory_space<hbm>> -> memref<10000x128xf32, #tpu.memory_space<hbm>>
    tpu.enqueue_indirect_dma source(%dma_start3A_412 : memref<10000x128xf32, #tpu.memory_space<hbm>>) target(%arg9 : memref<128x128xf32, #tpu.memory_space<vmem>>) offsets(%arg11 : memref<128xi32, #tpu.memory_space<vmem>>) semaphore(%arg27 : memref<!tpu.dma_semaphore, #tpu.memory_space<semaphore_mem>>)
    %scan3A_413 = arith.constant 0 : i32
    %scan3A_414 = arith.constant 0 : i32
    %scan3A_415 = arith.constant 8 : i32
    %scan3A_416 = arith.addi %scan3A_414, %scan3A_415 : i32
    %scan3A_417 = arith.constant 1 : i32
    scf.for %scan3A_460 = %scan3A_414 to %scan3A_416 step %scan3A_417  : i32 {
      %mul3A_461 = arith.constant 16 : i32
      %mul3A_462 = arith.muli %scan3A_460, %mul3A_461 : i32
      %get3A_463 = arith.index_cast %mul3A_462 : i32 to index
      %get3A_464 = tpu.vector_load %arg18[%get3A_463] {strides = array<i32>} : memref<128xf32, #tpu.memory_space<vmem>>, vector<16xf32>,
      %get3A_465 = vector.shape_cast %get3A_464 : vector<16xf32> to vector<16xf32>
      %scan3A_466 = arith.constant 0 : i32
      %scan3A_467 = arith.constant 16 : i32
      %scan3A_468 = arith.addi %scan3A_466, %scan3A_467 : i32
      %scan3A_469 = arith.constant 1 : i32
      scf.for %scan3A_471 = %scan3A_466 to %scan3A_468 step %scan3A_469  : i32 {
        %mul3A_472 = arith.constant 16 : i32
        %mul3A_473 = arith.muli %scan3A_460, %mul3A_472 : i32
        %add3A_474 = arith.addi %mul3A_473, %scan3A_471 : i32
        %broadcast_in_dim3A = arith.constant 0 : i32
        %broadcast_in_dim3A_475 = vector.broadcast %broadcast_in_dim3A : i32 to vector<16xi32>
        %add3A_476 = vector.broadcast %scan3A_471 : i32 to vector<16xi32>
        %add3A_477 = arith.addi %broadcast_in_dim3A_475, %add3A_476 : vector<16xi32>
        %lt3A = arith.constant 0 : i32
        %lt3A_478 = vector.broadcast %lt3A : i32 to vector<16xi32>
        %lt3A_479 = arith.cmpi slt, %add3A_477, %lt3A_478 : vector<16xi32>
        %add3A_480 = arith.constant 16 : i32
        %add3A_481 = vector.broadcast %add3A_480 : i32 to vector<16xi32>
        %add3A_482 = arith.addi %add3A_477, %add3A_481 : vector<16xi32>
        %select_n3A = arith.select %lt3A_479, %add3A_482, %add3A_477 : vector<16xi1>, vector<16xi32>
        %broadcast_in_dim3A_483 = vector.shape_cast %select_n3A : vector<16xi32> to vector<16x1xi32>
        %gather3A = vector.shape_cast %broadcast_in_dim3A_483 : vector<16x1xi32> to vector<16xi32>
        %gather3A_484 = tpu.dynamic_gather %get3A_465[%gather3A] in [0] : vector<16xf32>, vector<16xi32> -> vector<16xf32>
        %get3A_485 = arith.index_cast %add3A_474 : i32 to index
        %get3A_486 = arith.constant 0 : index
        %get3A_487 = tpu.vector_load %arg8[%get3A_485, %get3A_486] {strides = array<i32>} : memref<128x128xf32, #tpu.memory_space<vmem>>, vector<1x16xf32>,
        %get3A_488 = vector.shape_cast %get3A_487 : vector<1x16xf32> to vector<16xf32>
        %mul3A_489 = arith.mulf %get3A_488, %gather3A_484 : vector<16xf32>
        %swap3A = arith.index_cast %add3A_474 : i32 to index
        %swap3A_490 = arith.constant 0 : index
        %swap3A_491 = tpu.vector_load %arg8[%swap3A, %swap3A_490] {strides = array<i32>} : memref<128x128xf32, #tpu.memory_space<vmem>>, vector<1x16xf32>,
        %swap3A_492 = vector.shape_cast %swap3A_491 : vector<1x16xf32> to vector<16xf32>
        %swap3A_493 = vector.shape_cast %mul3A_489 : vector<16xf32> to vector<1x16xf32>
        tpu.vector_store %arg8[%swap3A, %swap3A_490], %swap3A_493 {strides = array<i32>} : memref<128x128xf32, #tpu.memory_space<vmem>>, vector<1x16xf32>,
        %get3A_494 = arith.index_cast %add3A_474 : i32 to index
        %get3A_495 = arith.constant 16 : index
        %get3A_496 = tpu.vector_load %arg8[%get3A_494, %get3A_495] {strides = array<i32>} : memref<128x128xf32, #tpu.memory_space<vmem>>, vector<1x16xf32>,
        %get3A_497 = vector.shape_cast %get3A_496 : vector<1x16xf32> to vector<16xf32>
        %mul3A_498 = arith.mulf %get3A_497, %gather3A_484 : vector<16xf32>
        %swap3A_499 = arith.index_cast %add3A_474 : i32 to index
        %swap3A_500 = arith.constant 16 : index
        %swap3A_501 = tpu.vector_load %arg8[%swap3A_499, %swap3A_500] {strides = array<i32>} : memref<128x128xf32, #tpu.memory_space<vmem>>, vector<1x16xf32>,
        %swap3A_502 = vector.shape_cast %swap3A_501 : vector<1x16xf32> to vector<16xf32>
        %swap3A_503 = vector.shape_cast %mul3A_498 : vector<16xf32> to vector<1x16xf32>
        tpu.vector_store %arg8[%swap3A_499, %swap3A_500], %swap3A_503 {strides = array<i32>} : memref<128x128xf32, #tpu.memory_space<vmem>>, vector<1x16xf32>,
        %get3A_504 = arith.index_cast %add3A_474 : i32 to index
        %get3A_505 = arith.constant 32 : index
        %get3A_506 = tpu.vector_load %arg8[%get3A_504, %get3A_505] {strides = array<i32>} : memref<128x128xf32, #tpu.memory_space<vmem>>, vector<1x16xf32>,
        %get3A_507 = vector.shape_cast %get3A_506 : vector<1x16xf32> to vector<16xf32>
        %mul3A_508 = arith.mulf %get3A_507, %gather3A_484 : vector<16xf32>
        %swap3A_509 = arith.index_cast %add3A_474 : i32 to index
        %swap3A_510 = arith.constant 32 : index
        %swap3A_511 = tpu.vector_load %arg8[%swap3A_509, %swap3A_510] {strides = array<i32>} : memref<128x128xf32, #tpu.memory_space<vmem>>, vector<1x16xf32>,
        %swap3A_512 = vector.shape_cast %swap3A_511 : vector<1x16xf32> to vector<16xf32>
        %swap3A_513 = vector.shape_cast %mul3A_508 : vector<16xf32> to vector<1x16xf32>
        tpu.vector_store %arg8[%swap3A_509, %swap3A_510], %swap3A_513 {strides = array<i32>} : memref<128x128xf32, #tpu.memory_space<vmem>>, vector<1x16xf32>,
        %get3A_514 = arith.index_cast %add3A_474 : i32 to index
        %get3A_515 = arith.constant 48 : index
        %get3A_516 = tpu.vector_load %arg8[%get3A_514, %get3A_515] {strides = array<i32>} : memref<128x128xf32, #tpu.memory_space<vmem>>, vector<1x16xf32>,
        %get3A_517 = vector.shape_cast %get3A_516 : vector<1x16xf32> to vector<16xf32>
        %mul3A_518 = arith.mulf %get3A_517, %gather3A_484 : vector<16xf32>
        %swap3A_519 = arith.index_cast %add3A_474 : i32 to index
        %swap3A_520 = arith.constant 48 : index
        %swap3A_521 = tpu.vector_load %arg8[%swap3A_519, %swap3A_520] {strides = array<i32>} : memref<128x128xf32, #tpu.memory_space<vmem>>, vector<1x16xf32>,
        %swap3A_522 = vector.shape_cast %swap3A_521 : vector<1x16xf32> to vector<16xf32>
        %swap3A_523 = vector.shape_cast %mul3A_518 : vector<16xf32> to vector<1x16xf32>
        tpu.vector_store %arg8[%swap3A_519, %swap3A_520], %swap3A_523 {strides = array<i32>} : memref<128x128xf32, #tpu.memory_space<vmem>>, vector<1x16xf32>,
        %get3A_524 = arith.index_cast %add3A_474 : i32 to index
        %get3A_525 = arith.constant 64 : index
        %get3A_526 = tpu.vector_load %arg8[%get3A_524, %get3A_525] {strides = array<i32>} : memref<128x128xf32, #tpu.memory_space<vmem>>, vector<1x16xf32>,
        %get3A_527 = vector.shape_cast %get3A_526 : vector<1x16xf32> to vector<16xf32>
        %mul3A_528 = arith.mulf %get3A_527, %gather3A_484 : vector<16xf32>
        %swap3A_529 = arith.index_cast %add3A_474 : i32 to index
        %swap3A_530 = arith.constant 64 : index
        %swap3A_531 = tpu.vector_load %arg8[%swap3A_529, %swap3A_530] {strides = array<i32>} : memref<128x128xf32, #tpu.memory_space<vmem>>, vector<1x16xf32>,
        %swap3A_532 = vector.shape_cast %swap3A_531 : vector<1x16xf32> to vector<16xf32>
        %swap3A_533 = vector.shape_cast %mul3A_528 : vector<16xf32> to vector<1x16xf32>
        tpu.vector_store %arg8[%swap3A_529, %swap3A_530], %swap3A_533 {strides = array<i32>} : memref<128x128xf32, #tpu.memory_space<vmem>>, vector<1x16xf32>,
        %get3A_534 = arith.index_cast %add3A_474 : i32 to index
        %get3A_535 = arith.constant 80 : index
        %get3A_536 = tpu.vector_load %arg8[%get3A_534, %get3A_535] {strides = array<i32>} : memref<128x128xf32, #tpu.memory_space<vmem>>, vector<1x16xf32>,
        %get3A_537 = vector.shape_cast %get3A_536 : vector<1x16xf32> to vector<16xf32>
        %mul3A_538 = arith.mulf %get3A_537, %gather3A_484 : vector<16xf32>
        %swap3A_539 = arith.index_cast %add3A_474 : i32 to index
        %swap3A_540 = arith.constant 80 : index
        %swap3A_541 = tpu.vector_load %arg8[%swap3A_539, %swap3A_540] {strides = array<i32>} : memref<128x128xf32, #tpu.memory_space<vmem>>, vector<1x16xf32>,
        %swap3A_542 = vector.shape_cast %swap3A_541 : vector<1x16xf32> to vector<16xf32>
        %swap3A_543 = vector.shape_cast %mul3A_538 : vector<16xf32> to vector<1x16xf32>
        tpu.vector_store %arg8[%swap3A_539, %swap3A_540], %swap3A_543 {strides = array<i32>} : memref<128x128xf32, #tpu.memory_space<vmem>>, vector<1x16xf32>,
        %get3A_544 = arith.index_cast %add3A_474 : i32 to index
        %get3A_545 = arith.constant 96 : index
        %get3A_546 = tpu.vector_load %arg8[%get3A_544, %get3A_545] {strides = array<i32>} : memref<128x128xf32, #tpu.memory_space<vmem>>, vector<1x16xf32>,
        %get3A_547 = vector.shape_cast %get3A_546 : vector<1x16xf32> to vector<16xf32>
        %mul3A_548 = arith.mulf %get3A_547, %gather3A_484 : vector<16xf32>
        %swap3A_549 = arith.index_cast %add3A_474 : i32 to index
        %swap3A_550 = arith.constant 96 : index
        %swap3A_551 = tpu.vector_load %arg8[%swap3A_549, %swap3A_550] {strides = array<i32>} : memref<128x128xf32, #tpu.memory_space<vmem>>, vector<1x16xf32>,
        %swap3A_552 = vector.shape_cast %swap3A_551 : vector<1x16xf32> to vector<16xf32>
        %swap3A_553 = vector.shape_cast %mul3A_548 : vector<16xf32> to vector<1x16xf32>
        tpu.vector_store %arg8[%swap3A_549, %swap3A_550], %swap3A_553 {strides = array<i32>} : memref<128x128xf32, #tpu.memory_space<vmem>>, vector<1x16xf32>,
        %get3A_554 = arith.index_cast %add3A_474 : i32 to index
        %get3A_555 = arith.constant 112 : index
        %get3A_556 = tpu.vector_load %arg8[%get3A_554, %get3A_555] {strides = array<i32>} : memref<128x128xf32, #tpu.memory_space<vmem>>, vector<1x16xf32>,
        %get3A_557 = vector.shape_cast %get3A_556 : vector<1x16xf32> to vector<16xf32>
        %mul3A_558 = arith.mulf %get3A_557, %gather3A_484 : vector<16xf32>
        %swap3A_559 = arith.index_cast %add3A_474 : i32 to index
        %swap3A_560 = arith.constant 112 : index
        %swap3A_561 = tpu.vector_load %arg8[%swap3A_559, %swap3A_560] {strides = array<i32>} : memref<128x128xf32, #tpu.memory_space<vmem>>, vector<1x16xf32>,
        %swap3A_562 = vector.shape_cast %swap3A_561 : vector<1x16xf32> to vector<16xf32>
        %swap3A_563 = vector.shape_cast %mul3A_558 : vector<16xf32> to vector<1x16xf32>
        tpu.vector_store %arg8[%swap3A_559, %swap3A_560], %swap3A_563 {strides = array<i32>} : memref<128x128xf32, #tpu.memory_space<vmem>>, vector<1x16xf32>,
      }
      %scan3A_470 = arith.constant 16 : i32
    }
    %scan3A_418 = arith.constant 8 : i32
    %dma_start3A_419 = arith.constant 0 : i32
    %dma_start3A_420 = arith.constant 0 : i32
    %dma_start3A_421 = tpu.memref_slice %arg26[%dma_start3A_419, %dma_start3A_420] : memref<10000x128xf32, #tpu.memory_space<vmem_shared>> -> memref<10000x128xf32, #tpu.memory_space<vmem_shared>>
    tpu.enqueue_indirect_dma source(%arg8 : memref<128x128xf32, #tpu.memory_space<vmem>>) target(%dma_start3A_421 : memref<10000x128xf32, #tpu.memory_space<vmem_shared>>) offsets(%arg14 : memref<128xi32, #tpu.memory_space<vmem>>) semaphore(%arg28 : memref<!tpu.dma_semaphore, #tpu.memory_space<semaphore_mem>>) {add = true}
    %dma_wait3A_422 = arith.constant 0 : i32
    %dma_wait3A_423 = arith.constant 0 : i32
    %dma_wait3A_424 = tpu.memref_slice %arg2[%dma_wait3A_422, %dma_wait3A_423] : memref<10000x128xf32, #tpu.memory_space<hbm>> -> memref<128x128xf32, #tpu.memory_space<hbm>>
    %dma_wait3A_425 = arith.constant 0 : i32
    %dma_wait3A_426 = arith.constant 0 : i32
    %dma_wait3A_427 = tpu.memref_slice %arg2[%dma_wait3A_425, %dma_wait3A_426] : memref<10000x128xf32, #tpu.memory_space<hbm>> -> memref<128x128xf32, #tpu.memory_space<hbm>>
    tpu.wait_dma2 semaphore(%arg27 : memref<!tpu.dma_semaphore, #tpu.memory_space<semaphore_mem>>) src(%dma_wait3A_427 : memref<128x128xf32, #tpu.memory_space<hbm>>) dst(%arg9 : memref<128x128xf32, #tpu.memory_space<vmem>>)
    %dma_wait3A_428 = arith.constant 0 : i32
    %dma_wait3A_429 = arith.constant 0 : i32
    %dma_wait3A_430 = tpu.memref_slice %arg2[%dma_wait3A_428, %dma_wait3A_429] : memref<10000x128xf32, #tpu.memory_space<hbm>> -> memref<128x128xf32, #tpu.memory_space<hbm>>
    %dma_wait3A_431 = arith.constant 0 : i32
    %dma_wait3A_432 = arith.constant 0 : i32
    %dma_wait3A_433 = tpu.memref_slice %arg2[%dma_wait3A_431, %dma_wait3A_432] : memref<10000x128xf32, #tpu.memory_space<hbm>> -> memref<128x128xf32, #tpu.memory_space<hbm>>
    tpu.wait_dma2 semaphore(%arg28 : memref<!tpu.dma_semaphore, #tpu.memory_space<semaphore_mem>>) src(%dma_wait3A_433 : memref<128x128xf32, #tpu.memory_space<hbm>>) dst(%arg8 : memref<128x128xf32, #tpu.memory_space<vmem>>)
    %scan3A_434 = arith.constant 0 : i32
    %scan3A_435 = arith.constant 0 : i32
    %scan3A_436 = arith.constant 8 : i32
    %scan3A_437 = arith.addi %scan3A_435, %scan3A_436 : i32
    %scan3A_438 = arith.constant 1 : i32
    scf.for %scan3A_460 = %scan3A_435 to %scan3A_437 step %scan3A_438  : i32 {
      %mul3A_461 = arith.constant 16 : i32
      %mul3A_462 = arith.muli %scan3A_460, %mul3A_461 : i32
      %get3A_463 = arith.index_cast %mul3A_462 : i32 to index
      %get3A_464 = tpu.vector_load %arg19[%get3A_463] {strides = array<i32>} : memref<128xf32, #tpu.memory_space<vmem>>, vector<16xf32>,
      %get3A_465 = vector.shape_cast %get3A_464 : vector<16xf32> to vector<16xf32>
      %scan3A_466 = arith.constant 0 : i32
      %scan3A_467 = arith.constant 16 : i32
      %scan3A_468 = arith.addi %scan3A_466, %scan3A_467 : i32
      %scan3A_469 = arith.constant 1 : i32
      scf.for %scan3A_471 = %scan3A_466 to %scan3A_468 step %scan3A_469  : i32 {
        %mul3A_472 = arith.constant 16 : i32
        %mul3A_473 = arith.muli %scan3A_460, %mul3A_472 : i32
        %add3A_474 = arith.addi %mul3A_473, %scan3A_471 : i32
        %broadcast_in_dim3A = arith.constant 0 : i32
        %broadcast_in_dim3A_475 = vector.broadcast %broadcast_in_dim3A : i32 to vector<16xi32>
        %add3A_476 = vector.broadcast %scan3A_471 : i32 to vector<16xi32>
        %add3A_477 = arith.addi %broadcast_in_dim3A_475, %add3A_476 : vector<16xi32>
        %lt3A = arith.constant 0 : i32
        %lt3A_478 = vector.broadcast %lt3A : i32 to vector<16xi32>
        %lt3A_479 = arith.cmpi slt, %add3A_477, %lt3A_478 : vector<16xi32>
        %add3A_480 = arith.constant 16 : i32
        %add3A_481 = vector.broadcast %add3A_480 : i32 to vector<16xi32>
        %add3A_482 = arith.addi %add3A_477, %add3A_481 : vector<16xi32>
        %select_n3A = arith.select %lt3A_479, %add3A_482, %add3A_477 : vector<16xi1>, vector<16xi32>
        %broadcast_in_dim3A_483 = vector.shape_cast %select_n3A : vector<16xi32> to vector<16x1xi32>
        %gather3A = vector.shape_cast %broadcast_in_dim3A_483 : vector<16x1xi32> to vector<16xi32>
        %gather3A_484 = tpu.dynamic_gather %get3A_465[%gather3A] in [0] : vector<16xf32>, vector<16xi32> -> vector<16xf32>
        %get3A_485 = arith.index_cast %add3A_474 : i32 to index
        %get3A_486 = arith.constant 0 : index
        %get3A_487 = tpu.vector_load %arg9[%get3A_485, %get3A_486] {strides = array<i32>} : memref<128x128xf32, #tpu.memory_space<vmem>>, vector<1x16xf32>,
        %get3A_488 = vector.shape_cast %get3A_487 : vector<1x16xf32> to vector<16xf32>
        %mul3A_489 = arith.mulf %get3A_488, %gather3A_484 : vector<16xf32>
        %swap3A = arith.index_cast %add3A_474 : i32 to index
        %swap3A_490 = arith.constant 0 : index
        %swap3A_491 = tpu.vector_load %arg9[%swap3A, %swap3A_490] {strides = array<i32>} : memref<128x128xf32, #tpu.memory_space<vmem>>, vector<1x16xf32>,
        %swap3A_492 = vector.shape_cast %swap3A_491 : vector<1x16xf32> to vector<16xf32>
        %swap3A_493 = vector.shape_cast %mul3A_489 : vector<16xf32> to vector<1x16xf32>
        tpu.vector_store %arg9[%swap3A, %swap3A_490], %swap3A_493 {strides = array<i32>} : memref<128x128xf32, #tpu.memory_space<vmem>>, vector<1x16xf32>,
        %get3A_494 = arith.index_cast %add3A_474 : i32 to index
        %get3A_495 = arith.constant 16 : index
        %get3A_496 = tpu.vector_load %arg9[%get3A_494, %get3A_495] {strides = array<i32>} : memref<128x128xf32, #tpu.memory_space<vmem>>, vector<1x16xf32>,
        %get3A_497 = vector.shape_cast %get3A_496 : vector<1x16xf32> to vector<16xf32>
        %mul3A_498 = arith.mulf %get3A_497, %gather3A_484 : vector<16xf32>
        %swap3A_499 = arith.index_cast %add3A_474 : i32 to index
        %swap3A_500 = arith.constant 16 : index
        %swap3A_501 = tpu.vector_load %arg9[%swap3A_499, %swap3A_500] {strides = array<i32>} : memref<128x128xf32, #tpu.memory_space<vmem>>, vector<1x16xf32>,
        %swap3A_502 = vector.shape_cast %swap3A_501 : vector<1x16xf32> to vector<16xf32>
        %swap3A_503 = vector.shape_cast %mul3A_498 : vector<16xf32> to vector<1x16xf32>
        tpu.vector_store %arg9[%swap3A_499, %swap3A_500], %swap3A_503 {strides = array<i32>} : memref<128x128xf32, #tpu.memory_space<vmem>>, vector<1x16xf32>,
        %get3A_504 = arith.index_cast %add3A_474 : i32 to index
        %get3A_505 = arith.constant 32 : index
        %get3A_506 = tpu.vector_load %arg9[%get3A_504, %get3A_505] {strides = array<i32>} : memref<128x128xf32, #tpu.memory_space<vmem>>, vector<1x16xf32>,
        %get3A_507 = vector.shape_cast %get3A_506 : vector<1x16xf32> to vector<16xf32>
        %mul3A_508 = arith.mulf %get3A_507, %gather3A_484 : vector<16xf32>
        %swap3A_509 = arith.index_cast %add3A_474 : i32 to index
        %swap3A_510 = arith.constant 32 : index
        %swap3A_511 = tpu.vector_load %arg9[%swap3A_509, %swap3A_510] {strides = array<i32>} : memref<128x128xf32, #tpu.memory_space<vmem>>, vector<1x16xf32>,
        %swap3A_512 = vector.shape_cast %swap3A_511 : vector<1x16xf32> to vector<16xf32>
        %swap3A_513 = vector.shape_cast %mul3A_508 : vector<16xf32> to vector<1x16xf32>
        tpu.vector_store %arg9[%swap3A_509, %swap3A_510], %swap3A_513 {strides = array<i32>} : memref<128x128xf32, #tpu.memory_space<vmem>>, vector<1x16xf32>,
        %get3A_514 = arith.index_cast %add3A_474 : i32 to index
        %get3A_515 = arith.constant 48 : index
        %get3A_516 = tpu.vector_load %arg9[%get3A_514, %get3A_515] {strides = array<i32>} : memref<128x128xf32, #tpu.memory_space<vmem>>, vector<1x16xf32>,
        %get3A_517 = vector.shape_cast %get3A_516 : vector<1x16xf32> to vector<16xf32>
        %mul3A_518 = arith.mulf %get3A_517, %gather3A_484 : vector<16xf32>
        %swap3A_519 = arith.index_cast %add3A_474 : i32 to index
        %swap3A_520 = arith.constant 48 : index
        %swap3A_521 = tpu.vector_load %arg9[%swap3A_519, %swap3A_520] {strides = array<i32>} : memref<128x128xf32, #tpu.memory_space<vmem>>, vector<1x16xf32>,
        %swap3A_522 = vector.shape_cast %swap3A_521 : vector<1x16xf32> to vector<16xf32>
        %swap3A_523 = vector.shape_cast %mul3A_518 : vector<16xf32> to vector<1x16xf32>
        tpu.vector_store %arg9[%swap3A_519, %swap3A_520], %swap3A_523 {strides = array<i32>} : memref<128x128xf32, #tpu.memory_space<vmem>>, vector<1x16xf32>,
        %get3A_524 = arith.index_cast %add3A_474 : i32 to index
        %get3A_525 = arith.constant 64 : index
        %get3A_526 = tpu.vector_load %arg9[%get3A_524, %get3A_525] {strides = array<i32>} : memref<128x128xf32, #tpu.memory_space<vmem>>, vector<1x16xf32>,
        %get3A_527 = vector.shape_cast %get3A_526 : vector<1x16xf32> to vector<16xf32>
        %mul3A_528 = arith.mulf %get3A_527, %gather3A_484 : vector<16xf32>
        %swap3A_529 = arith.index_cast %add3A_474 : i32 to index
        %swap3A_530 = arith.constant 64 : index
        %swap3A_531 = tpu.vector_load %arg9[%swap3A_529, %swap3A_530] {strides = array<i32>} : memref<128x128xf32, #tpu.memory_space<vmem>>, vector<1x16xf32>,
        %swap3A_532 = vector.shape_cast %swap3A_531 : vector<1x16xf32> to vector<16xf32>
        %swap3A_533 = vector.shape_cast %mul3A_528 : vector<16xf32> to vector<1x16xf32>
        tpu.vector_store %arg9[%swap3A_529, %swap3A_530], %swap3A_533 {strides = array<i32>} : memref<128x128xf32, #tpu.memory_space<vmem>>, vector<1x16xf32>,
        %get3A_534 = arith.index_cast %add3A_474 : i32 to index
        %get3A_535 = arith.constant 80 : index
        %get3A_536 = tpu.vector_load %arg9[%get3A_534, %get3A_535] {strides = array<i32>} : memref<128x128xf32, #tpu.memory_space<vmem>>, vector<1x16xf32>,
        %get3A_537 = vector.shape_cast %get3A_536 : vector<1x16xf32> to vector<16xf32>
        %mul3A_538 = arith.mulf %get3A_537, %gather3A_484 : vector<16xf32>
        %swap3A_539 = arith.index_cast %add3A_474 : i32 to index
        %swap3A_540 = arith.constant 80 : index
        %swap3A_541 = tpu.vector_load %arg9[%swap3A_539, %swap3A_540] {strides = array<i32>} : memref<128x128xf32, #tpu.memory_space<vmem>>, vector<1x16xf32>,
        %swap3A_542 = vector.shape_cast %swap3A_541 : vector<1x16xf32> to vector<16xf32>
        %swap3A_543 = vector.shape_cast %mul3A_538 : vector<16xf32> to vector<1x16xf32>
        tpu.vector_store %arg9[%swap3A_539, %swap3A_540], %swap3A_543 {strides = array<i32>} : memref<128x128xf32, #tpu.memory_space<vmem>>, vector<1x16xf32>,
        %get3A_544 = arith.index_cast %add3A_474 : i32 to index
        %get3A_545 = arith.constant 96 : index
        %get3A_546 = tpu.vector_load %arg9[%get3A_544, %get3A_545] {strides = array<i32>} : memref<128x128xf32, #tpu.memory_space<vmem>>, vector<1x16xf32>,
        %get3A_547 = vector.shape_cast %get3A_546 : vector<1x16xf32> to vector<16xf32>
        %mul3A_548 = arith.mulf %get3A_547, %gather3A_484 : vector<16xf32>
        %swap3A_549 = arith.index_cast %add3A_474 : i32 to index
        %swap3A_550 = arith.constant 96 : index
        %swap3A_551 = tpu.vector_load %arg9[%swap3A_549, %swap3A_550] {strides = array<i32>} : memref<128x128xf32, #tpu.memory_space<vmem>>, vector<1x16xf32>,
        %swap3A_552 = vector.shape_cast %swap3A_551 : vector<1x16xf32> to vector<16xf32>
        %swap3A_553 = vector.shape_cast %mul3A_548 : vector<16xf32> to vector<1x16xf32>
        tpu.vector_store %arg9[%swap3A_549, %swap3A_550], %swap3A_553 {strides = array<i32>} : memref<128x128xf32, #tpu.memory_space<vmem>>, vector<1x16xf32>,
        %get3A_554 = arith.index_cast %add3A_474 : i32 to index
        %get3A_555 = arith.constant 112 : index
        %get3A_556 = tpu.vector_load %arg9[%get3A_554, %get3A_555] {strides = array<i32>} : memref<128x128xf32, #tpu.memory_space<vmem>>, vector<1x16xf32>,
        %get3A_557 = vector.shape_cast %get3A_556 : vector<1x16xf32> to vector<16xf32>
        %mul3A_558 = arith.mulf %get3A_557, %gather3A_484 : vector<16xf32>
        %swap3A_559 = arith.index_cast %add3A_474 : i32 to index
        %swap3A_560 = arith.constant 112 : index
        %swap3A_561 = tpu.vector_load %arg9[%swap3A_559, %swap3A_560] {strides = array<i32>} : memref<128x128xf32, #tpu.memory_space<vmem>>, vector<1x16xf32>,
        %swap3A_562 = vector.shape_cast %swap3A_561 : vector<1x16xf32> to vector<16xf32>
        %swap3A_563 = vector.shape_cast %mul3A_558 : vector<16xf32> to vector<1x16xf32>
        tpu.vector_store %arg9[%swap3A_559, %swap3A_560], %swap3A_563 {strides = array<i32>} : memref<128x128xf32, #tpu.memory_space<vmem>>, vector<1x16xf32>,
      }
      %scan3A_470 = arith.constant 16 : i32
    }
    %scan3A_439 = arith.constant 8 : i32
    %dma_start3A_440 = arith.constant 0 : i32
    %dma_start3A_441 = arith.constant 0 : i32
    %dma_start3A_442 = tpu.memref_slice %arg26[%dma_start3A_440, %dma_start3A_441] : memref<10000x128xf32, #tpu.memory_space<vmem_shared>> -> memref<10000x128xf32, #tpu.memory_space<vmem_shared>>
    tpu.enqueue_indirect_dma source(%arg9 : memref<128x128xf32, #tpu.memory_space<vmem>>) target(%dma_start3A_442 : memref<10000x128xf32, #tpu.memory_space<vmem_shared>>) offsets(%arg15 : memref<128xi32, #tpu.memory_space<vmem>>) semaphore(%arg29 : memref<!tpu.dma_semaphore, #tpu.memory_space<semaphore_mem>>) {add = true}
    %dma_wait3A_443 = arith.constant 0 : i32
    %dma_wait3A_444 = arith.constant 0 : i32
    %dma_wait3A_445 = tpu.memref_slice %arg2[%dma_wait3A_443, %dma_wait3A_444] : memref<10000x128xf32, #tpu.memory_space<hbm>> -> memref<128x128xf32, #tpu.memory_space<hbm>>
    %dma_wait3A_446 = arith.constant 0 : i32
    %dma_wait3A_447 = arith.constant 0 : i32
    %dma_wait3A_448 = tpu.memref_slice %arg2[%dma_wait3A_446, %dma_wait3A_447] : memref<10000x128xf32, #tpu.memory_space<hbm>> -> memref<128x128xf32, #tpu.memory_space<hbm>>
    tpu.wait_dma2 semaphore(%arg29 : memref<!tpu.dma_semaphore, #tpu.memory_space<semaphore_mem>>) src(%dma_wait3A_448 : memref<128x128xf32, #tpu.memory_space<hbm>>) dst(%arg8 : memref<128x128xf32, #tpu.memory_space<vmem>>)
    %add3A_449 = arith.constant 9984 : i32
    %add3A_450 = arith.addi %mul3A_2, %add3A_449 : i32
    "tpu.region"() ({
      %run_scoped3A = tpu.sem_alloc : memref<!tpu.dma_semaphore, #tpu.memory_space<semaphore_mem>>
      %dma_start3A_460 = tpu.memref_slice %arg3[%add3A_450] : memref<320000xi32, #tpu.memory_space<hbm>> -> memref<16xi32, #tpu.memory_space<hbm>>
      %dma_start3A_461 = tpu.memref_slice %arg3[%add3A_450] : memref<320000xi32, #tpu.memory_space<hbm>> -> memref<16xi32, #tpu.memory_space<hbm>>
      tpu.enqueue_dma source(%dma_start3A_461 : memref<16xi32, #tpu.memory_space<hbm>>) target(%arg22 : memref<16xi32, #tpu.memory_space<vmem>>) target_semaphore(%run_scoped3A : memref<!tpu.dma_semaphore, #tpu.memory_space<semaphore_mem>>)
      %dma_wait3A_462 = tpu.memref_slice %arg3[%add3A_450] : memref<320000xi32, #tpu.memory_space<hbm>> -> memref<16xi32, #tpu.memory_space<hbm>>
      %dma_wait3A_463 = tpu.memref_slice %arg3[%add3A_450] : memref<320000xi32, #tpu.memory_space<hbm>> -> memref<16xi32, #tpu.memory_space<hbm>>
      tpu.wait_dma2 semaphore(%run_scoped3A : memref<!tpu.dma_semaphore, #tpu.memory_space<semaphore_mem>>) src(%dma_wait3A_463 : memref<16xi32, #tpu.memory_space<hbm>>) dst(%arg22 : memref<16xi32, #tpu.memory_space<vmem>>)
      tpu.yield
    }) : () -> ()
    "tpu.region"() ({
      %run_scoped3A = tpu.sem_alloc : memref<!tpu.dma_semaphore, #tpu.memory_space<semaphore_mem>>
      %dma_start3A_460 = tpu.memref_slice %arg4[%add3A_450] : memref<320000xi32, #tpu.memory_space<hbm>> -> memref<16xi32, #tpu.memory_space<hbm>>
      %dma_start3A_461 = tpu.memref_slice %arg4[%add3A_450] : memref<320000xi32, #tpu.memory_space<hbm>> -> memref<16xi32, #tpu.memory_space<hbm>>
      tpu.enqueue_dma source(%dma_start3A_461 : memref<16xi32, #tpu.memory_space<hbm>>) target(%arg23 : memref<16xi32, #tpu.memory_space<vmem>>) target_semaphore(%run_scoped3A : memref<!tpu.dma_semaphore, #tpu.memory_space<semaphore_mem>>)
      %dma_wait3A_462 = tpu.memref_slice %arg4[%add3A_450] : memref<320000xi32, #tpu.memory_space<hbm>> -> memref<16xi32, #tpu.memory_space<hbm>>
      %dma_wait3A_463 = tpu.memref_slice %arg4[%add3A_450] : memref<320000xi32, #tpu.memory_space<hbm>> -> memref<16xi32, #tpu.memory_space<hbm>>
      tpu.wait_dma2 semaphore(%run_scoped3A : memref<!tpu.dma_semaphore, #tpu.memory_space<semaphore_mem>>) src(%dma_wait3A_463 : memref<16xi32, #tpu.memory_space<hbm>>) dst(%arg23 : memref<16xi32, #tpu.memory_space<vmem>>)
      tpu.yield
    }) : () -> ()
    "tpu.region"() ({
      %run_scoped3A = tpu.sem_alloc : memref<!tpu.dma_semaphore, #tpu.memory_space<semaphore_mem>>
      %dma_start3A_460 = tpu.memref_slice %arg5[%add3A_450] : memref<320000xf32, #tpu.memory_space<hbm>> -> memref<16xf32, #tpu.memory_space<hbm>>
      %dma_start3A_461 = tpu.memref_slice %arg5[%add3A_450] : memref<320000xf32, #tpu.memory_space<hbm>> -> memref<16xf32, #tpu.memory_space<hbm>>
      tpu.enqueue_dma source(%dma_start3A_461 : memref<16xf32, #tpu.memory_space<hbm>>) target(%arg24 : memref<16xf32, #tpu.memory_space<vmem>>) target_semaphore(%run_scoped3A : memref<!tpu.dma_semaphore, #tpu.memory_space<semaphore_mem>>)
      %dma_wait3A_462 = tpu.memref_slice %arg5[%add3A_450] : memref<320000xf32, #tpu.memory_space<hbm>> -> memref<16xf32, #tpu.memory_space<hbm>>
      %dma_wait3A_463 = tpu.memref_slice %arg5[%add3A_450] : memref<320000xf32, #tpu.memory_space<hbm>> -> memref<16xf32, #tpu.memory_space<hbm>>
      tpu.wait_dma2 semaphore(%run_scoped3A : memref<!tpu.dma_semaphore, #tpu.memory_space<semaphore_mem>>) src(%dma_wait3A_463 : memref<16xf32, #tpu.memory_space<hbm>>) dst(%arg24 : memref<16xf32, #tpu.memory_space<vmem>>)
      tpu.yield
    }) : () -> ()
    "tpu.region"() ({
      %run_scoped3A = tpu.sem_alloc : memref<!tpu.dma_semaphore, #tpu.memory_space<semaphore_mem>>
      %dma_start3A_460 = arith.constant 0 : i32
      %dma_start3A_461 = arith.constant 0 : i32
      %dma_start3A_462 = tpu.memref_slice %arg2[%dma_start3A_460, %dma_start3A_461] : memref<10000x128xf32, #tpu.memory_space<hbm>> -> memref<10000x128xf32, #tpu.memory_space<hbm>>
      tpu.enqueue_indirect_dma source(%dma_start3A_462 : memref<10000x128xf32, #tpu.memory_space<hbm>>) target(%arg25 : memref<16x128xf32, #tpu.memory_space<vmem>>) offsets(%arg22 : memref<16xi32, #tpu.memory_space<vmem>>) semaphore(%run_scoped3A : memref<!tpu.dma_semaphore, #tpu.memory_space<semaphore_mem>>)
      %dma_wait3A_463 = arith.constant 0 : i32
      %dma_wait3A_464 = arith.constant 0 : i32
      %dma_wait3A_465 = tpu.memref_slice %arg2[%dma_wait3A_463, %dma_wait3A_464] : memref<10000x128xf32, #tpu.memory_space<hbm>> -> memref<10000x128xf32, #tpu.memory_space<hbm>>
      tpu.wait_indirect_dma semaphore(%run_scoped3A : memref<!tpu.dma_semaphore, #tpu.memory_space<semaphore_mem>>) src(%dma_wait3A_465 : memref<10000x128xf32, #tpu.memory_space<hbm>>) dst(%arg25 : memref<16x128xf32, #tpu.memory_space<vmem>>)
      tpu.yield
    }) : () -> ()
    %get3A = arith.constant 0 : index
    %get3A_451 = tpu.vector_load %arg24[%get3A] {strides = array<i32>} : memref<16xf32, #tpu.memory_space<vmem>>, vector<16xf32>,
    %get3A_452 = vector.shape_cast %get3A_451 : vector<16xf32> to vector<16xf32>
    %scan3A_453 = arith.constant 0 : i32
    %scan3A_454 = arith.constant 0 : i32
    %scan3A_455 = arith.constant 16 : i32
    %scan3A_456 = arith.addi %scan3A_454, %scan3A_455 : i32
    %scan3A_457 = arith.constant 1 : i32
    scf.for %scan3A_460 = %scan3A_454 to %scan3A_456 step %scan3A_457  : i32 {
      %broadcast_in_dim3A = arith.constant 0 : i32
      %broadcast_in_dim3A_461 = vector.broadcast %broadcast_in_dim3A : i32 to vector<16xi32>
      %add3A_462 = vector.broadcast %scan3A_460 : i32 to vector<16xi32>
      %add3A_463 = arith.addi %broadcast_in_dim3A_461, %add3A_462 : vector<16xi32>
      %lt3A = arith.constant 0 : i32
      %lt3A_464 = vector.broadcast %lt3A : i32 to vector<16xi32>
      %lt3A_465 = arith.cmpi slt, %add3A_463, %lt3A_464 : vector<16xi32>
      %add3A_466 = arith.constant 16 : i32
      %add3A_467 = vector.broadcast %add3A_466 : i32 to vector<16xi32>
      %add3A_468 = arith.addi %add3A_463, %add3A_467 : vector<16xi32>
      %select_n3A = arith.select %lt3A_465, %add3A_468, %add3A_463 : vector<16xi1>, vector<16xi32>
      %broadcast_in_dim3A_469 = vector.shape_cast %select_n3A : vector<16xi32> to vector<16x1xi32>
      %gather3A = vector.shape_cast %broadcast_in_dim3A_469 : vector<16x1xi32> to vector<16xi32>
      %gather3A_470 = tpu.dynamic_gather %get3A_452[%gather3A] in [0] : vector<16xf32>, vector<16xi32> -> vector<16xf32>
      %get3A_471 = arith.index_cast %scan3A_460 : i32 to index
      %get3A_472 = arith.constant 0 : index
      %get3A_473 = tpu.vector_load %arg25[%get3A_471, %get3A_472] {strides = array<i32>} : memref<16x128xf32, #tpu.memory_space<vmem>>, vector<1x16xf32>,
      %get3A_474 = vector.shape_cast %get3A_473 : vector<1x16xf32> to vector<16xf32>
      %mul3A_475 = arith.mulf %get3A_474, %gather3A_470 : vector<16xf32>
      %swap3A = arith.index_cast %scan3A_460 : i32 to index
      %swap3A_476 = arith.constant 0 : index
      %swap3A_477 = tpu.vector_load %arg25[%swap3A, %swap3A_476] {strides = array<i32>} : memref<16x128xf32, #tpu.memory_space<vmem>>, vector<1x16xf32>,
      %swap3A_478 = vector.shape_cast %swap3A_477 : vector<1x16xf32> to vector<16xf32>
      %swap3A_479 = vector.shape_cast %mul3A_475 : vector<16xf32> to vector<1x16xf32>
      tpu.vector_store %arg25[%swap3A, %swap3A_476], %swap3A_479 {strides = array<i32>} : memref<16x128xf32, #tpu.memory_space<vmem>>, vector<1x16xf32>,
      %get3A_480 = arith.index_cast %scan3A_460 : i32 to index
      %get3A_481 = arith.constant 16 : index
      %get3A_482 = tpu.vector_load %arg25[%get3A_480, %get3A_481] {strides = array<i32>} : memref<16x128xf32, #tpu.memory_space<vmem>>, vector<1x16xf32>,
      %get3A_483 = vector.shape_cast %get3A_482 : vector<1x16xf32> to vector<16xf32>
      %mul3A_484 = arith.mulf %get3A_483, %gather3A_470 : vector<16xf32>
      %swap3A_485 = arith.index_cast %scan3A_460 : i32 to index
      %swap3A_486 = arith.constant 16 : index
      %swap3A_487 = tpu.vector_load %arg25[%swap3A_485, %swap3A_486] {strides = array<i32>} : memref<16x128xf32, #tpu.memory_space<vmem>>, vector<1x16xf32>,
      %swap3A_488 = vector.shape_cast %swap3A_487 : vector<1x16xf32> to vector<16xf32>
      %swap3A_489 = vector.shape_cast %mul3A_484 : vector<16xf32> to vector<1x16xf32>
      tpu.vector_store %arg25[%swap3A_485, %swap3A_486], %swap3A_489 {strides = array<i32>} : memref<16x128xf32, #tpu.memory_space<vmem>>, vector<1x16xf32>,
      %get3A_490 = arith.index_cast %scan3A_460 : i32 to index
      %get3A_491 = arith.constant 32 : index
      %get3A_492 = tpu.vector_load %arg25[%get3A_490, %get3A_491] {strides = array<i32>} : memref<16x128xf32, #tpu.memory_space<vmem>>, vector<1x16xf32>,
      %get3A_493 = vector.shape_cast %get3A_492 : vector<1x16xf32> to vector<16xf32>
      %mul3A_494 = arith.mulf %get3A_493, %gather3A_470 : vector<16xf32>
      %swap3A_495 = arith.index_cast %scan3A_460 : i32 to index
      %swap3A_496 = arith.constant 32 : index
      %swap3A_497 = tpu.vector_load %arg25[%swap3A_495, %swap3A_496] {strides = array<i32>} : memref<16x128xf32, #tpu.memory_space<vmem>>, vector<1x16xf32>,
      %swap3A_498 = vector.shape_cast %swap3A_497 : vector<1x16xf32> to vector<16xf32>
      %swap3A_499 = vector.shape_cast %mul3A_494 : vector<16xf32> to vector<1x16xf32>
      tpu.vector_store %arg25[%swap3A_495, %swap3A_496], %swap3A_499 {strides = array<i32>} : memref<16x128xf32, #tpu.memory_space<vmem>>, vector<1x16xf32>,
      %get3A_500 = arith.index_cast %scan3A_460 : i32 to index
      %get3A_501 = arith.constant 48 : index
      %get3A_502 = tpu.vector_load %arg25[%get3A_500, %get3A_501] {strides = array<i32>} : memref<16x128xf32, #tpu.memory_space<vmem>>, vector<1x16xf32>,
      %get3A_503 = vector.shape_cast %get3A_502 : vector<1x16xf32> to vector<16xf32>
      %mul3A_504 = arith.mulf %get3A_503, %gather3A_470 : vector<16xf32>
      %swap3A_505 = arith.index_cast %scan3A_460 : i32 to index
      %swap3A_506 = arith.constant 48 : index
      %swap3A_507 = tpu.vector_load %arg25[%swap3A_505, %swap3A_506] {strides = array<i32>} : memref<16x128xf32, #tpu.memory_space<vmem>>, vector<1x16xf32>,
      %swap3A_508 = vector.shape_cast %swap3A_507 : vector<1x16xf32> to vector<16xf32>
      %swap3A_509 = vector.shape_cast %mul3A_504 : vector<16xf32> to vector<1x16xf32>
      tpu.vector_store %arg25[%swap3A_505, %swap3A_506], %swap3A_509 {strides = array<i32>} : memref<16x128xf32, #tpu.memory_space<vmem>>, vector<1x16xf32>,
      %get3A_510 = arith.index_cast %scan3A_460 : i32 to index
      %get3A_511 = arith.constant 64 : index
      %get3A_512 = tpu.vector_load %arg25[%get3A_510, %get3A_511] {strides = array<i32>} : memref<16x128xf32, #tpu.memory_space<vmem>>, vector<1x16xf32>,
      %get3A_513 = vector.shape_cast %get3A_512 : vector<1x16xf32> to vector<16xf32>
      %mul3A_514 = arith.mulf %get3A_513, %gather3A_470 : vector<16xf32>
      %swap3A_515 = arith.index_cast %scan3A_460 : i32 to index
      %swap3A_516 = arith.constant 64 : index
      %swap3A_517 = tpu.vector_load %arg25[%swap3A_515, %swap3A_516] {strides = array<i32>} : memref<16x128xf32, #tpu.memory_space<vmem>>, vector<1x16xf32>,
      %swap3A_518 = vector.shape_cast %swap3A_517 : vector<1x16xf32> to vector<16xf32>
      %swap3A_519 = vector.shape_cast %mul3A_514 : vector<16xf32> to vector<1x16xf32>
      tpu.vector_store %arg25[%swap3A_515, %swap3A_516], %swap3A_519 {strides = array<i32>} : memref<16x128xf32, #tpu.memory_space<vmem>>, vector<1x16xf32>,
      %get3A_520 = arith.index_cast %scan3A_460 : i32 to index
      %get3A_521 = arith.constant 80 : index
      %get3A_522 = tpu.vector_load %arg25[%get3A_520, %get3A_521] {strides = array<i32>} : memref<16x128xf32, #tpu.memory_space<vmem>>, vector<1x16xf32>,
      %get3A_523 = vector.shape_cast %get3A_522 : vector<1x16xf32> to vector<16xf32>
      %mul3A_524 = arith.mulf %get3A_523, %gather3A_470 : vector<16xf32>
      %swap3A_525 = arith.index_cast %scan3A_460 : i32 to index
      %swap3A_526 = arith.constant 80 : index
      %swap3A_527 = tpu.vector_load %arg25[%swap3A_525, %swap3A_526] {strides = array<i32>} : memref<16x128xf32, #tpu.memory_space<vmem>>, vector<1x16xf32>,
      %swap3A_528 = vector.shape_cast %swap3A_527 : vector<1x16xf32> to vector<16xf32>
      %swap3A_529 = vector.shape_cast %mul3A_524 : vector<16xf32> to vector<1x16xf32>
      tpu.vector_store %arg25[%swap3A_525, %swap3A_526], %swap3A_529 {strides = array<i32>} : memref<16x128xf32, #tpu.memory_space<vmem>>, vector<1x16xf32>,
      %get3A_530 = arith.index_cast %scan3A_460 : i32 to index
      %get3A_531 = arith.constant 96 : index
      %get3A_532 = tpu.vector_load %arg25[%get3A_530, %get3A_531] {strides = array<i32>} : memref<16x128xf32, #tpu.memory_space<vmem>>, vector<1x16xf32>,
      %get3A_533 = vector.shape_cast %get3A_532 : vector<1x16xf32> to vector<16xf32>
      %mul3A_534 = arith.mulf %get3A_533, %gather3A_470 : vector<16xf32>
      %swap3A_535 = arith.index_cast %scan3A_460 : i32 to index
      %swap3A_536 = arith.constant 96 : index
      %swap3A_537 = tpu.vector_load %arg25[%swap3A_535, %swap3A_536] {strides = array<i32>} : memref<16x128xf32, #tpu.memory_space<vmem>>, vector<1x16xf32>,
      %swap3A_538 = vector.shape_cast %swap3A_537 : vector<1x16xf32> to vector<16xf32>
      %swap3A_539 = vector.shape_cast %mul3A_534 : vector<16xf32> to vector<1x16xf32>
      tpu.vector_store %arg25[%swap3A_535, %swap3A_536], %swap3A_539 {strides = array<i32>} : memref<16x128xf32, #tpu.memory_space<vmem>>, vector<1x16xf32>,
      %get3A_540 = arith.index_cast %scan3A_460 : i32 to index
      %get3A_541 = arith.constant 112 : index
      %get3A_542 = tpu.vector_load %arg25[%get3A_540, %get3A_541] {strides = array<i32>} : memref<16x128xf32, #tpu.memory_space<vmem>>, vector<1x16xf32>,
      %get3A_543 = vector.shape_cast %get3A_542 : vector<1x16xf32> to vector<16xf32>
      %mul3A_544 = arith.mulf %get3A_543, %gather3A_470 : vector<16xf32>
      %swap3A_545 = arith.index_cast %scan3A_460 : i32 to index
      %swap3A_546 = arith.constant 112 : index
      %swap3A_547 = tpu.vector_load %arg25[%swap3A_545, %swap3A_546] {strides = array<i32>} : memref<16x128xf32, #tpu.memory_space<vmem>>, vector<1x16xf32>,
      %swap3A_548 = vector.shape_cast %swap3A_547 : vector<1x16xf32> to vector<16xf32>
      %swap3A_549 = vector.shape_cast %mul3A_544 : vector<16xf32> to vector<1x16xf32>
      tpu.vector_store %arg25[%swap3A_545, %swap3A_546], %swap3A_549 {strides = array<i32>} : memref<16x128xf32, #tpu.memory_space<vmem>>, vector<1x16xf32>,
    }
    %scan3A_458 = arith.constant 16 : i32
    "tpu.region"() ({
      %run_scoped3A = tpu.sem_alloc : memref<!tpu.dma_semaphore, #tpu.memory_space<semaphore_mem>>
      %dma_start3A_460 = arith.constant 0 : i32
      %dma_start3A_461 = arith.constant 0 : i32
      %dma_start3A_462 = tpu.memref_slice %arg26[%dma_start3A_460, %dma_start3A_461] : memref<10000x128xf32, #tpu.memory_space<vmem_shared>> -> memref<10000x128xf32, #tpu.memory_space<vmem_shared>>
      tpu.enqueue_indirect_dma source(%arg25 : memref<16x128xf32, #tpu.memory_space<vmem>>) target(%dma_start3A_462 : memref<10000x128xf32, #tpu.memory_space<vmem_shared>>) offsets(%arg23 : memref<16xi32, #tpu.memory_space<vmem>>) semaphore(%run_scoped3A : memref<!tpu.dma_semaphore, #tpu.memory_space<semaphore_mem>>) {add = true}
      %dma_wait3A_463 = arith.constant 0 : i32
      %dma_wait3A_464 = arith.constant 0 : i32
      %dma_wait3A_465 = tpu.memref_slice %arg26[%dma_wait3A_463, %dma_wait3A_464] : memref<10000x128xf32, #tpu.memory_space<vmem_shared>> -> memref<10000x128xf32, #tpu.memory_space<vmem_shared>>
      tpu.wait_indirect_dma semaphore(%run_scoped3A : memref<!tpu.dma_semaphore, #tpu.memory_space<semaphore_mem>>) src(%arg25 : memref<16x128xf32, #tpu.memory_space<vmem>>) dst(%dma_wait3A_465 : memref<10000x128xf32, #tpu.memory_space<vmem_shared>>)
      tpu.yield
    }) : () -> ()
    %barrier3A_459 = arith.constant 0 : index
    tpu.barrier barrier_id(%barrier3A_459)
    "tpu.region"() ({
      %run_scoped3A = tpu.sem_alloc : memref<!tpu.dma_semaphore, #tpu.memory_space<semaphore_mem>>
      %dma_start3A_460 = arith.constant 0 : i32
      %dma_start3A_461 = tpu.memref_slice %arg7[%arg0, %min3A_5, %dma_start3A_460] : memref<2x10000x128xf32, #tpu.memory_space<hbm>> -> memref<1x640x128xf32, #tpu.memory_space<hbm>>
      %dma_start3A_462 = tpu.memref_squeeze %dma_start3A_461 : memref<1x640x128xf32, #tpu.memory_space<hbm>> -> memref<640x128xf32, #tpu.memory_space<hbm>>
      %dma_start3A_463 = arith.constant 0 : i32
      %dma_start3A_464 = tpu.memref_slice %arg26[%min3A_5, %dma_start3A_463] : memref<10000x128xf32, #tpu.memory_space<vmem_shared>> -> memref<640x128xf32, #tpu.memory_space<vmem_shared>>
      tpu.enqueue_dma source(%dma_start3A_464 : memref<640x128xf32, #tpu.memory_space<vmem_shared>>) target(%dma_start3A_462 : memref<640x128xf32, #tpu.memory_space<hbm>>) target_semaphore(%run_scoped3A : memref<!tpu.dma_semaphore, #tpu.memory_space<semaphore_mem>>)
      %dma_wait3A_465 = arith.constant 0 : i32
      %dma_wait3A_466 = tpu.memref_slice %arg7[%arg0, %min3A_5, %dma_wait3A_465] : memref<2x10000x128xf32, #tpu.memory_space<hbm>> -> memref<1x640x128xf32, #tpu.memory_space<hbm>>
      %dma_wait3A_467 = tpu.memref_squeeze %dma_wait3A_466 : memref<1x640x128xf32, #tpu.memory_space<hbm>> -> memref<640x128xf32, #tpu.memory_space<hbm>>
      %dma_wait3A_468 = arith.constant 0 : i32
      %dma_wait3A_469 = tpu.memref_slice %arg26[%min3A_5, %dma_wait3A_468] : memref<10000x128xf32, #tpu.memory_space<vmem_shared>> -> memref<640x128xf32, #tpu.memory_space<vmem_shared>>
      tpu.wait_dma2 semaphore(%run_scoped3A : memref<!tpu.dma_semaphore, #tpu.memory_space<semaphore_mem>>) src(%dma_wait3A_469 : memref<640x128xf32, #tpu.memory_space<vmem_shared>>) dst(%dma_wait3A_467 : memref<640x128xf32, #tpu.memory_space<hbm>>)
      tpu.yield
    }) : () -> ()
    return
  }
}

module attributes {stable_mosaic.version = 14 : i64} {
  func.func @body(%arg0: i32, %arg1: memref<2x1000x128xf32, #tpu.memory_space<vmem>>, %arg2: memref<128x128xf32, #tpu.memory_space<vmem>>, %arg3: memref<1x128xf32, #tpu.memory_space<vmem>>, %arg4: memref<1000x128xf32, #tpu.memory_space<vmem>>) attributes {dimension_semantics = [#tpu.dimension_semantics<arbitrary>], iteration_bounds = array<i64: 10>, scalar_prefetch = 0 : i64, scratch_operands = 0 : i64, tpu.core_type = #tpu.core_type<tc>, window_params = [{transform_indices = @transform_0, window_bounds = array<i64: 2, 1000, 128>}, {pipeline_mode = #tpu.pipeline_mode<synchronous>, transform_indices = @transform_1, window_bounds = array<i64: 128, 128>}, {pipeline_mode = #tpu.pipeline_mode<synchronous>, transform_indices = @transform_2, window_bounds = array<i64: 1, 128>}, {transform_indices = @transform_3, window_bounds = array<i64: 1000, 128>}]} {
    %get3A = arith.constant 0 : index
    %get3A_0 = arith.constant 0 : index
    %get3A_1 = arith.constant 0 : index
    %get3A_2 = vector.load %arg1[%get3A, %get3A_0, %get3A_1] : memref<2x1000x128xf32, #tpu.memory_space<vmem>>, vector<1x1000x128xf32>
    %get3A_3 = vector.shape_cast %get3A_2 : vector<1x1000x128xf32> to vector<1000x128xf32>
    %get3A_4 = arith.constant 1 : index
    %get3A_5 = arith.constant 0 : index
    %get3A_6 = arith.constant 0 : index
    %get3A_7 = vector.load %arg1[%get3A_4, %get3A_5, %get3A_6] : memref<2x1000x128xf32, #tpu.memory_space<vmem>>, vector<1x1000x128xf32>
    %get3A_8 = vector.shape_cast %get3A_7 : vector<1x1000x128xf32> to vector<1000x128xf32>
    %add3A = arith.addf %get3A_3, %get3A_8 : vector<1000x128xf32>
    %get3A_9 = arith.constant 0 : index
    %get3A_10 = arith.constant 0 : index
    %get3A_11 = vector.load %arg2[%get3A_9, %get3A_10] : memref<128x128xf32, #tpu.memory_space<vmem>>, vector<128x128xf32>
    %dot_general3A = arith.constant dense<0.000000e+00> : vector<1000x128xf32>
    %dot_general3A_12 = tpu.matmul %add3A, %get3A_11, %dot_general3A {dimension_numbers = #tpu.dot_dimension_numbers<[1], [0], [0], [1], [0, 0, 1, 1], [], []>, transpose_lhs_hint = false} : vector<1000x128xf32>, vector<128x128xf32>, vector<1000x128xf32> -> vector<1000x128xf32>
    %get3A_13 = arith.constant 0 : index
    %get3A_14 = arith.constant 0 : index
    %get3A_15 = vector.load %arg3[%get3A_13, %get3A_14] : memref<1x128xf32, #tpu.memory_space<vmem>>, vector<1x128xf32>
    %add3A_16 = vector.broadcast %get3A_15 : vector<1x128xf32> to vector<1000x128xf32>
    %add3A_17 = arith.addf %dot_general3A_12, %add3A_16 : vector<1000x128xf32>
    %max3A = arith.constant 0.000000e+00 : f32
    %max3A_18 = vector.broadcast %max3A : f32 to vector<1000x128xf32>
    %max3A_19 = arith.maximumf %add3A_17, %max3A_18 : vector<1000x128xf32>
    %swap3A = arith.constant 0 : index
    %swap3A_20 = arith.constant 0 : index
    %swap3A_21 = vector.load %arg4[%swap3A, %swap3A_20] : memref<1000x128xf32, #tpu.memory_space<vmem>>, vector<1000x128xf32>
    tpu.vector_store %arg4[%swap3A, %swap3A_20], %max3A_19 {strides = array<i32>} : memref<1000x128xf32, #tpu.memory_space<vmem>>, vector<1000x128xf32>,
    return
  }
  func.func @transform_0(%arg0: i32) -> (i32, i32, i32) {
    %c0_i32 = arith.constant 0 : i32
    %c0_i32_0 = arith.constant 0 : i32
    %c0_i32_1 = arith.constant 0 : i32
    return %c0_i32, %arg0, %c0_i32_0 : i32, i32, i32
  }
  func.func @transform_1(%arg0: i32) -> (i32, i32) {
    %c0_i32 = arith.constant 0 : i32
    %c0_i32_0 = arith.constant 0 : i32
    %c0_i32_1 = arith.constant 0 : i32
    return %c0_i32, %c0_i32_0 : i32, i32
  }
  func.func @transform_2(%arg0: i32) -> (i32, i32) {
    %c0_i32 = arith.constant 0 : i32
    %c0_i32_0 = arith.constant 0 : i32
    %c0_i32_1 = arith.constant 0 : i32
    return %c0_i32, %c0_i32_0 : i32, i32
  }
  func.func @transform_3(%arg0: i32) -> (i32, i32) {
    %c0_i32 = arith.constant 0 : i32
    %c0_i32_0 = arith.constant 0 : i32
    return %arg0, %c0_i32 : i32, i32
  }
}

</mosaic_0001>

<sc_bundles>
// kernel: kernel.5.cloned.1.call-start
scs
__scs_entry_jumppad:
0x0: {  	(pc) =	sbr.rel $0x88, $3  }
0x1: {  	(tag) =	ssettag $0x0;
	lr =	simm.s32 $0x1  }
0x2: {  	[smem:$0x3F9C] =	sst lr;
	_ =	strace $0xD0000000  }
0x3: {  	_ = 	snop  }
0x4: {  	_ = 	snop  }
0x5: {  	_ = 	snop  }
0x6: {  	_ = 	snop  }
0x7: {  	_ = 	snop  }
__scs_overlays_trampoline_lowered:
0x8: {  	[smem:$0x3FAB] =	sst s0  }
0x9: {  	[smem:$0x3FAC] =	sst s1  }
0xa: {  	[smem:$0x3FAD] =	sst s2  }
0xb: {  	[smem:$0x3FAE] =	sst s3  }
0xc: {  	[smem:$0x3FAF] =	sst s4  }
0xd: {  	[smem:$0x3FB0] =	sst s5  }
0xe: {  	[smem:$0x3FB1] =	sst s6  }
0xf: {  	[smem:$0x3FB2] =	sst s7  }
0x10: {  	[smem:$0x3FB3] =	sst s8  }
0x11: {  	[smem:$0x3FB4] =	sst s9;
	s0 =	simm.s32 @!p0 $0x0  }
0x12: {  	s1 =	sld [smem:$0x3F9A];
	s0 =	simm.s32 @p0 $0x1  }
0x13: {  	[smem:$0x3FB5] =	sst s0;
	s0 =	simm.s32 @!p1 $0x0  }
0x14: {  	s2 =	sld [smem:$0x3F99];
	s0 =	simm.s32 @p1 $0x1  }
0x15: {  	[smem:$0x3FB6] =	sst s0;
	s0 =	simm.s32 @!p2 $0x0  }
0x16: {  	s3 =	sld [smem:$0x3FDB];
	s0 =	simm.s32 @p2 $0x1  }
0x17: {  	s4 =	simm.s32 $0x1BF5;
	[smem:$0x3FB8] =	sst s0  }
0x18: {  	s0 =	sld [smem:$0x3F9B];
	_ =	swait.ge [sflag:s4], $0x0  }
0x19: {  	s7 =	sld [smem:$0x3F9C]  }
0x1a: {  	s8 =	sadd.s32 $0xFFFFE003, lr  }
0x1b: {  	s9 =	sadd.s32 $0xFFFFFEF7, lr;
	s5 =	simm.s32 $0xFFFFFFFF;
	p2 =	slt.u32 s8, $0xFFFFF086  }
0x1c: {  	p1 =	slt.u32 s9, $0xF7A;
	s5 =	simm.s32 @!p2 $0x0  }
0x1d: {  	s5 =	simm.s32 @p1 $0x1;
	p0 =	seq.s32 s7, s2  }
0x1e: {  	s7 =	smul.u32 @!p0 $0xF7A, s2;
	p2 =	seq.s32 @!p0 s5, $0x0  }
0x1f: {  	s9 =	smul.u32 $0xF7A, s1;
	s8 =	simm.s32 @!p0 $0x1BF5;
	p2 =	por !p2, p0  }
0x20: {  	[sflag:s8] =	ssyncset.s32 @!p0 $0xFFFFF086;
	s6 =	sadd.s32 @!p0 s3, s7;
	s7 =	simm.s32 @!p0 $0x108  }
0x21: {  	s3 =	sadd.s32 s3, s9;
	s6 =	sadd.s32 @!p0 $0x88, s6;
	s7 =	simm.s32 @p2 $0x1082  }
0x22: {  	[simem:s7], [sflag:s8] =	dma.local @!p0 [hbm:s6], $0xF7A  }
0x23: {  	s9 =	sor.u32 $0xD0000000, s2;
	s6 =	simm.s32 $0x108;
	_ =	swait.ge @!p0 [sflag:s8], $0x0  }
0x24: {  	s3 =	sadd.s32 $0x88, s3;
	s6 =	simm.s32 @!p1 $0x1082;
	[sflag:s4] =	ssyncset.s32 $0xFFFFF086  }
0x25: {  	[simem:s6], [sflag:s4] =	dma.local [hbm:s3], $0xF7A  }
0x26: {  	[smem:$0x3F9C] =	sst s1;
	(tag) =	ssettag s2;
	_ =	strace s9  }
0x27: {  	s1 =	sld [smem:$0x3FAC]  }
0x28: {  	s2 =	sld [smem:$0x3FAD]  }
0x29: {  	s4 =	sld [smem:$0x3FAF]  }
0x2a: {  	p0 =	seq.s32 s5, $0x0;
	s5 =	sld [smem:$0x3FB0]  }
0x2b: {  	s6 =	sld [smem:$0x3FB1]  }
0x2c: {  	s7 =	sld [smem:$0x3FB2]  }
0x2d: {  	s3 =	simm.s32 $0x108;
	s8 =	sld [smem:$0x3FB3]  }
0x2e: {  	s3 =	simm.s32 @!p0 $0x1082;
	s9 =	sld [smem:$0x3FB4]  }
0x2f: {  	lr =	sadd.s32 s0, s3;
	s0 =	sld [smem:$0x3FAB]  }
0x30: {  	s3 =	sld [smem:$0x3FAE]  }
0x31: {  	[smem:$0x3FB7] =	sst s10  }
0x32: {  	s10 =	sld [smem:$0x3FB5];
	_ =	sdelay $0x3  }
0x33: {  	p0 =	seq.s32 s10, $0x1;
	s10 =	sld [smem:$0x3FB7];
	_ =	sdelay $0x3  }
0x34: {  	[smem:$0x3FB7] =	sst s10  }
0x35: {  	s10 =	sld [smem:$0x3FB6];
	_ =	sdelay $0x3  }
0x36: {  	p1 =	seq.s32 s10, $0x1;
	s10 =	sld [smem:$0x3FB7];
	_ =	sdelay $0x3  }
0x37: {  	[smem:$0x3FB7] =	sst s10  }
0x38: {  	s10 =	sld [smem:$0x3FB8]  }
0x39: {  	_ = 	snop;
	(pc) =	sbr.ind lr, $3  }
0x3a: {  	_ = 	snop  }
0x3b: {  	_ = 	snop  }
0x3c: {  	p2 =	seq.s32 s10, $0x1;
	s10 =	sld [smem:$0x3FB7]  }
0x3d: {  	_ =	shalt  }
0x3e: {  	_ =	shalt  }
0x3f: {  	_ =	shalt  }
0x40: {  	_ =	shalt  }
0x41: {  	_ =	shalt  }
0x42: {  	_ =	shalt  }
0x43: {  	_ =	shalt  }
0x44: {  	_ =	shalt  }
0x45: {  	_ =	shalt  }
0x46: {  	_ =	shalt  }
0x47: {  	_ =	shalt  }
0x48: {  	_ =	shalt  }
0x49: {  	_ =	shalt  }
0x4a: {  	_ =	shalt  }
0x4b: {  	_ =	shalt  }
0x4c: {  	_ =	shalt  }
0x4d: {  	_ =	shalt  }
0x4e: {  	_ =	shalt  }
0x4f: {  	_ =	shalt  }
0x50: {  	_ =	shalt  }
0x51: {  	_ =	shalt  }
0x52: {  	_ =	shalt  }
0x53: {  	_ =	shalt  }
0x54: {  	_ =	shalt  }
0x55: {  	_ =	shalt  }
0x56: {  	_ =	shalt  }
0x57: {  	_ =	shalt  }
0x58: {  	_ =	shalt  }
0x59: {  	_ =	shalt  }
0x5a: {  	_ =	shalt  }
0x5b: {  	_ =	shalt  }
0x5c: {  	_ =	shalt  }
0x5d: {  	_ =	shalt  }
0x5e: {  	_ =	shalt  }
0x5f: {  	_ =	shalt  }
0x60: {  	_ =	shalt  }
0x61: {  	_ =	shalt  }
0x62: {  	_ =	shalt  }
0x63: {  	_ =	shalt  }
0x64: {  	_ =	shalt  }
0x65: {  	_ =	shalt  }
0x66: {  	_ =	shalt  }
0x67: {  	_ =	shalt  }
0x68: {  	_ =	shalt  }
0x69: {  	_ =	shalt  }
0x6a: {  	_ =	shalt  }
0x6b: {  	_ =	shalt  }
0x6c: {  	_ =	shalt  }
0x6d: {  	_ =	shalt  }
0x6e: {  	_ =	shalt  }
0x6f: {  	_ =	shalt  }
0x70: {  	_ =	shalt  }
0x71: {  	_ =	shalt  }
0x72: {  	_ =	shalt  }
0x73: {  	_ =	shalt  }
0x74: {  	_ =	shalt  }
0x75: {  	_ =	shalt  }
0x76: {  	_ =	shalt  }
0x77: {  	_ =	shalt  }
0x78: {  	_ =	shalt  }
0x79: {  	_ =	shalt  }
0x7a: {  	_ =	shalt  }
0x7b: {  	_ =	shalt  }
0x7c: {  	_ =	shalt  }
0x7d: {  	_ =	shalt  }
0x7e: {  	_ =	shalt  }
0x7f: {  	_ =	shalt  }
0x80: {  	_ =	shalt  }
0x81: {  	_ =	shalt  }
0x82: {  	_ =	shalt  }
0x83: {  	_ =	shalt  }
0x84: {  	_ =	shalt  }
0x85: {  	_ =	shalt  }
0x86: {  	_ =	shalt  }
0x87: {  	_ =	shalt  }
.Lfunc_end0:
.L_simem_size_0:
called_computation_lowered:
.L_overlay_start_0:
0x88: {  	s2 =	sld [smem:$0x3FD9]  }
0x89: {  	s3 =	sld [smem:$0x3FFE];
	_ =	sdelay $0x1  }
0x8a: {  	s1 =	srdreg.scid  }
0x8b: {  	s0 =	sand.u32 $0x1, s1  }
0x8c: {  	s17 =	sshll.u32 s0, $0xA;
	s2 =	sadd.s32 s3, s2  }
0x8d: {  	s2 =	sadd.s32 s2, s17  }
0x8e: {  	[smem:$0x3FC3] =	sst s2  }
0x8f: {  	_ = 	snop  }
0x90: {  	s2 =	sld [smem:$0x3FC9]  }
0x91: {  	s18 =	sld [smem:$0x3FC7]  }
0x92: {  	s4 =	sld [smem:$0x3FD0];
	(tm) =	ssettm $0x1  }
0x93: {  	s5 =	sld [smem:$0x3FFB];
	_ =	sdelay $0x3  }
0x94: {  	_ =	strace s5  }
0x95: {  	s5 =	sld [smem:$0x3FFC];
	_ =	sdelay $0x3  }
0x96: {  	_ =	strace s5  }
0x97: {  	s5 =	sld [smem:$0x3FFD];
	_ =	sdelay $0x3  }
0x98: {  	_ =	strace s5  }
0x99: {  	_ =	strace $0x8FFFFFFF  }
0x9a: {  	s19 =	sld [smem:$0x3FDB];
	_ =	sdelay $0x1  }
0x9b: {  	s6 =	simm.s32 $_scs_section_size  }
0x9c: {  	s7 =	simm.s32 $_size__tile_overlayer_lowered;
	s8 =	simm.s32 $_tile_overlayer_lowered  }
0x9d: {  	s22 =	simm.s32 $0x1BFF;
	s21 =	sshll.u32 s8, $0x1;
	s5 =	sadd.s32 s6, s19  }
0x9e: {  	s9 =	simm.s32 $0x0;
	s20 =	sshll.u32 s7, $0x1;
	s7 =	sadd.s32 s21, s5  }
0x9f: {  	[timem:s9], [sflag:s22] =	dma.local [hbm:s7], s20  }
0xa0: {  	_ =	swait.ge [sflag:s22], s20  }
0xa1: {  	s6 =	ssub.s32 $0x0, s20;
	[sflag:s22] =	ssyncset.done $0x0  }
0xa2: {  	[sflag:s22] =	ssyncadd.s32 s6;
	_ =	sdelay $0x1  }
0xa3: {  	s23 =	simm.s32 $0x1B8B  }
0xa4: {  	_ =	swait.ge [sflag:s23], $0x1  }
0xa5: {  	[sflag:s23] =	ssyncset.done $0x0  }
0xa6: {  	s25 =	simm.s32 $0x1B8E;
	s24 =	sld [smem:$0x3FFE];
	[sflag:s23] =	ssyncadd.s32 $0xFFFFFFFF  }
0xa7: {  	s26 =	simm.s32 $execute0_lowered;
	[smem:$0x3FD2] =	sst s25  }
0xa8: {  	s7 =	sshll.u32 s26, $0x1;
	_ =	strace $0x80000046;
	[dreg:$0x1] =	wrdreg $0xFFFFFFFF  }
0xa9: {  	s28 =	simm.s32 $_size_execute0_lowered;
	s5 =	sadd.s32 s5, s7;
	[dreg:$0x0] =	wrdreg $0x0  }
0xaa: {  	s7 =	sshll.u32 s28, $0x1;
	[dreg:$0x2] =	wrdreg s5  }
0xab: {  	[dreg:$0x3] =	wrdreg s7  }
0xac: {  	[dreg:$0x4] =	wrdreg $0xC0  }
0xad: {  	_ =	task [dreg:s9], $0x5FFFF  }
0xae: {  	[dreg:$0x1] =	wrdreg $0xFFFFFFFF  }
0xaf: {  	[dreg:$0x0] =	wrdreg $0x60  }
0xb0: {  	[dreg:$0x2] =	wrdreg s2  }
0xb1: {  	[dreg:$0x3] =	wrdreg s24  }
0xb2: {  	[dreg:$0x4] =	wrdreg s18  }
0xb3: {  	[dreg:$0x5] =	wrdreg s4  }
0xb4: {  	[dreg:$0x6] =	wrdreg $0x8F800  }
0xb5: {  	[dreg:$0x7] =	wrdreg $0x9  }
0xb6: {  	_ =	task.clear_ibuf [dreg:s9], $0x8FFFF;
	_ =	strace $0x90000046  }
0xb7: {  	s29 =	simm.s32 $0x9;
	_ =	strace $0x80000048  }
0xb8: {  	_ =	swait.ge [sflag:s29], $0x1  }
0xb9: {  	[sflag:s29] =	ssyncadd.s32 $0xFFFFFFFF  }
0xba: {  	_ =	strace $0x90000048  }
0xbb: {  	_ =	sfence  }
0xbc: {  	s30 =	sld [smem:$0x0];
	_ =	sdelay $0x2  }
0xbd: {  	s31 =	sshll.u32 s1, $0xD;
	s1 =	sshrl.u32 s1, $0x2  }
0xbe: {  	s3 =	sand.u32 $0x4000, s31;
	s1 =	sadd.s32 s1, s30  }
0xbf: {  	s0 =	sor.u32 s3, s0;
	s1 =	sshll.u32 s1, $0x11  }
0xc0: {  	s0 =	sor.u32 s1, s0  }
0xc1: {  	s0 =	sadd.s32 $0x8F2B, s0  }
0xc2: {  	[sflag:s0] =	ssyncadd.remote.s32 $0x1  }
0xc3: {  	_ =	sfence.sel $0xFFFF  }
0xc4: {  	[dreg:$0x0] =	wrdreg $0xFFFFFFFF;
	(pc) =	sbr.abs _section_cstart, $3  }
0xc5: {  	[dreg:$0x1] =	wrdreg $0xFFFFFFFF  }
0xc6: {  	_ =	task.clear_ibuf [dreg:s9], $0x2FFFF;
	_ =	strace $0x9FFFFFFF  }
0xc7: {  	(tm) =	ssettm $0x7FFFFFFF  }
tec
execute0_lowered:
.L_overlay_start_1:
0x0: {  	(tag) =	ssettag $0x1  }
0x1: {  	s0 =	rddreg [dreg:$0x0]  }
0x2: {  	s1 =	rddreg [dreg:$0x1]  }
0x3: {  	s3 =	rddreg [dreg:$0x2]  }
0x4: {  	s2 =	rddreg [dreg:$0x3]  }
0x5: {  	s4 =	rddreg [dreg:$0x4]  }
0x6: {  	s12 =	stileid.u32;
	s5 =	srdreg.scid;
	s7 =	simm.s32 $0x0  }
0x7: {  	s6 =	smul.u32 $0x280, s12;
	s5 =	sand.u32 $0x1, s5;
	[smem:$0x7FF] =	sst s7  }
0x8: {  	s7 =	sadd.s32 $0x200, s1;
	s29 =	sshll.u32 s12, $0x6;
	_ =	strace $0x80000047  }
0x9: {  	s11 =	sshll.u32 s5, $0x4;
	s13 =	sor.u32 $0x1C08, s29;
	s8 =	smin.u32 s6, $0x2490  }
0xa: {  	s11 =	sor.u32 s12, s11;
	[dreg:$0x8] =	wrdreg s13;
	s10 =	sshll.u32 s8, $0x7  }
0xb: {  	s11 =	smul.u32 $0x2710, s11;
	s8 =	sshll.u32 s8, $0x4;
	s26 =	sadd.s32 s10, s4  }
0xc: {  	s9 =	smul.u32 $0x138800, s5;
	s2 =	sadd.s32 s2, s8;
	[dreg:$0x6] =	wrdreg s26  }
0xd: {  	s6 =	sadd.s32 $0xA000, s1;
	[dreg:$0x7] =	wrdreg s2;
	s12 =	sadd.s32 $0x100, s11  }
0xe: {  	s9 =	sadd.s32 s9, s10;
	s17 =	sadd.s32 $0x180, s11;
	[dreg:$0xd] =	wrdreg s12  }
0xf: {  	s8 =	sshrl.u32 s11, $0x3;
	s21 =	sadd.s32 $0x200, s11;
	[dreg:$0x12] =	wrdreg s17  }
0x10: {  	s22 =	sadd.s32 $0x280, s11;
	s31 =	sadd.s32 $0x10, s8;
	[dreg:$0x14] =	wrdreg s21  }
0x11: {  	s23 =	smov.u32 s22;
	s26 =	sshrl.u32 s22, $0x3;
	s22 =	sadd.s32 s6, s8  }
0x12: {  	s9 =	sshrl.u32 s9, $0x3;
	s14 =	sadd.s32 s6, s31;
	[smem:$0x7F6] =	sst s22  }
0x13: {  	s1 =	sadd.s32 s9, s1;
	s15 =	sadd.s32 s7, s31;
	[dreg:$0x9] =	wrdreg s14  }
0x14: {  	s9 =	sshrl.u32 s12, $0x3;
	s2 =	sadd.s32 s3, s31;
	[dreg:$0xa] =	wrdreg s15  }
0x15: {  	s5 =	ssub.s32 $0x2, s5;
	s16 =	sadd.s32 s6, s9;
	[dreg:$0xb] =	wrdreg s2  }
0x16: {  	s25 =	sshrl.u32 s5, $0x1;
	s18 =	sadd.s32 s7, s9;
	[dreg:$0xc] =	wrdreg s16  }
0x17: {  	s24 =	sshrl.u32 s21, $0x3;
	s9 =	sadd.s32 s3, s9;
	[dreg:$0xe] =	wrdreg s18  }
0x18: {  	s5 =	ssub.s32 s5, s25;
	s25 =	sadd.s32 s7, s24;
	[dreg:$0xf] =	wrdreg s9  }
0x19: {  	s29 =	sadd.s32 s6, s26;
	[dreg:$0x16] =	wrdreg s25  }
0x1a: {  	s10 =	sadd.s32 s7, s26;
	[dreg:$0x18] =	wrdreg s29  }
0x1b: {  	s1 =	sadd.s32 $0x13E00, s1;
	[dreg:$0x19] =	wrdreg s10  }
0x1c: {  	s31 =	sadd.s32 $0x4A0, s8;
	s9 =	sadd.s32 s6, s24;
	[smem:$0x7FC] =	sst s1  }
0x1d: {  	s10 =	sadd.s32 s6, s31;
	[dreg:$0x15] =	wrdreg s9  }
0x1e: {  	s12 =	sadd.s32 $0x4B0, s8;
	s11 =	sadd.s32 s7, s31;
	[dreg:$0x1b] =	wrdreg s10  }
0x1f: {  	s28 =	simm.s32 $0x8380;
	s14 =	sadd.s32 s6, s12;
	[dreg:$0x1c] =	wrdreg s11  }
0x20: {  	s30 =	simm.s32 $0x6;
	s15 =	sadd.s32 s7, s12;
	[dreg:$0x1e] =	wrdreg s14  }
0x21: {  	s2 =	sshrl.u32 s17, $0x3;
	s25 =	sadd.s32 s3, s8;
	[dreg:$0x1f] =	wrdreg s15  }
0x22: {  	s22 =	simm.s32 $0x5;
	s19 =	sadd.s32 s6, s2;
	[smem:$0x7F8] =	sst s25  }
0x23: {  	s16 =	sadd.s32 $0x4C0, s8;
	s20 =	sadd.s32 s7, s2;
	[dreg:$0x10] =	wrdreg s19  }
0x24: {  	s18 =	sadd.s32 $0x4D0, s8;
	s2 =	sadd.s32 s3, s2;
	[dreg:$0x11] =	wrdreg s20  }
0x25: {  	s1 =	simm.s32 $0x8200;
	s9 =	sadd.s32 s3, s26;
	[dreg:$0x13] =	wrdreg s2  }
0x26: {  	s17 =	sadd.s32 s6, s16;
	s21 =	sadd.s32 s7, s18;
	[dreg:$0x1a] =	wrdreg s9  }
0x27: {  	s26 =	sadd.s32 $0x4E0, s8;
	s14 =	simm.s32 $0x4;
	[smem:$0x7F0] =	sst s17  }
0x28: {  	s15 =	simm.s32 $0x80;
	s2 =	sadd.s32 s3, s24;
	[smem:$0x7F4] =	sst s21  }
0x29: {  	s25 =	simm.s32 $0x2;
	s19 =	sadd.s32 s7, s16;
	[dreg:$0x17] =	wrdreg s2  }
0x2a: {  	s10 =	simm.s32 $0x3;
	s9 =	sadd.s32 s3, s16;
	[smem:$0x7F1] =	sst s19  }
0x2b: {  	s11 =	simm.s32 $0x0;
	s20 =	sadd.s32 s6, s18;
	[smem:$0x7F2] =	sst s9  }
0x2c: {  	s24 =	sadd.s32 s7, s8;
	s8 =	sadd.s32 s6, s26;
	[smem:$0x7F3] =	sst s20  }
0x2d: {  	s29 =	sadd.s32 s7, s26;
	s16 =	simm.s32 $0x8;
	[smem:$0x7F7] =	sst s24  }
0x2e: {  	s17 =	simm.s32 $0x1;
	s2 =	sadd.s32 s3, s31;
	[smem:$0x7F9] =	sst s8  }
0x2f: {  	[smem:$0x7FA] =	sst s29;
	s31 =	smax.u32 s5, $0x1;
	s9 =	simm.s32 $0x8080  }
0x30: {  	s19 =	simm.s32 $0x8300;
	s24 =	simm.s32 $0x4000;
	[dreg:$0x1d] =	wrdreg s2  }
0x31: {  	s5 =	simm.s32 $0x7;
	s2 =	sadd.s32 s3, s12;
	[smem:$0x7FD] =	sst s31  }
0x32: {  	s12 =	simm.s32 $0x8280;
	[smem:$0x7EF] =	sst s2;
	s2 =	sadd.s32 s3, s18  }
0x33: {  	s18 =	simm.s32 $0x8100;
	[smem:$0x7F5] =	sst s2;
	s2 =	sadd.s32 s3, s26  }
0x34: {  	s26 =	simm.s32 $0x8180;
	[smem:$0x7FB] =	sst s2;
	s2 =	simm.s32 $0x8000  }
.LBB2_1:
0x35: {  	[smem:$0x7ED] =	sst s11  }
0x36: {  	s8 =	rddreg [dreg:$0x6]  }
0x37: {  	s31 =	rddreg [dreg:$0x7];
	s21 =	sshrl.u32 s8, $0x3  }
0x38: {  	[smem:$0x7EE] =	sst s21  }
0x39: {  	[spmem:s21], [sflag:s13] =	dma.local [hbm:s31], $0x2800  }
0x3a: {  	_ =	swait.ge [sflag:s16], $0x2800  }
0x3b: {  	[sflag:s16] =	ssyncset.done $0x0  }
0x3c: {  	[sflag:s16] =	ssyncadd.s32 $0xFFFFD800  }
0x3d: {  	[bflag:$0x0] =	sbarrier.arrive $0xFFFF  }
0x3e: {  	s16 =	sld [smem:$0x7F6];
	_ =	sdelay $0x1  }
0x3f: {  	s8 =	simm.s32 $0x0;
	s20 =	sld [smem:$0x7F7]  }
0x40: {  	[tilespmem:s2], [sflag:$0x4] =	stream.linear.gather [hbm4b:s16+s8], $0x80, $0x38;
	[tilespmem:$0x1C800] =	vst v63  }
0x41: {  	s21 =	sld [smem:$0x7F8]  }
0x42: {  	[tilespmem:s1], [sflag:$0x4] =	stream.linear.gather [hbm4b:s20+s8], $0x80, $0x38;
	[tilespmem:$0x1C800] =	vst v63  }
0x43: {  	s31 =	simm.s32 $0x8400  }
0x44: {  	[tilespmem:s31], [sflag:$0x4] =	stream.linear.gather [hbm4b:s21+s8], $0x80, $0x38;
	[tilespmem:$0x1C800] =	vst v63  }
0x45: {  	s16 =	rddreg [dreg:$0x9]  }
0x46: {  	[tilespmem:s9], [sflag:$0x5] =	stream.linear.gather [hbm4b:s16+s8], $0x80, $0x38;
	[tilespmem:$0x1C800] =	vst v63  }
0x47: {  	s20 =	rddreg [dreg:$0xa]  }
0x48: {  	[tilespmem:s12], [sflag:$0x5] =	stream.linear.gather [hbm4b:s20+s8], $0x80, $0x38;
	[tilespmem:$0x1C800] =	vst v63  }
0x49: {  	s21 =	rddreg [dreg:$0xb];
	s31 =	simm.s32 $0x8480  }
0x4a: {  	[tilespmem:s31], [sflag:$0x5] =	stream.linear.gather [hbm4b:s21+s8], $0x80, $0x38;
	[tilespmem:$0x1C800] =	vst v63  }
0x4b: {  	_ =	swait.ge [sflag:s14], $0x80  }
0x4c: {  	[sflag:s14] =	ssyncset.done $0x0  }
0x4d: {  	[sflag:s14] =	ssyncadd.s32 $0xFFFFFF80  }
0x4e: {  	_ =	swait.ge [sflag:s14], $0x80  }
0x4f: {  	[sflag:s14] =	ssyncset.done $0x0  }
0x50: {  	[sflag:s14] =	ssyncadd.s32 $0xFFFFFF80  }
0x51: {  	_ =	swait.ge [sflag:s14], $0x80  }
0x52: {  	[sflag:s14] =	ssyncset.done $0x0  }
0x53: {  	[sflag:s14] =	ssyncadd.s32 $0xFFFFFF80  }
0x54: {  	[tilespmem:s8], [sflag:$0x1] =	stream.indirect.gather [hbm4b:s0+s15], $0x80, s2, s15, $0xb8;
	[tilespmem:$0x1C800] =	vst v63  }
0x55: {  	_ =	swait.ge [sflag:s17], $0x4000  }
0x56: {  	[sflag:s17] =	ssyncset.done $0x0  }
0x57: {  	s16 =	rddreg [dreg:$0xc];
	[sflag:s17] =	ssyncadd.s32 $0xFFFFC000  }
0x58: {  	[tilespmem:s18], [sflag:$0x6] =	stream.linear.gather [hbm4b:s16+s8], $0x80, $0x38;
	[tilespmem:$0x1C800] =	vst v63  }
0x59: {  	s20 =	rddreg [dreg:$0xe]  }
0x5a: {  	[tilespmem:s19], [sflag:$0x6] =	stream.linear.gather [hbm4b:s20+s8], $0x80, $0x38;
	[tilespmem:$0x1C800] =	vst v63  }
0x5b: {  	s31 =	simm.s32 $0x8500;
	s21 =	rddreg [dreg:$0xf]  }
0x5c: {  	[tilespmem:s31], [sflag:$0x6] =	stream.linear.gather [hbm4b:s21+s8], $0x80, $0x38;
	[tilespmem:$0x1C800] =	vst v63  }
0x5d: {  	_ =	swait.ge [sflag:s22], $0x80  }
0x5e: {  	[sflag:s22] =	ssyncset.done $0x0  }
0x5f: {  	[sflag:s22] =	ssyncadd.s32 $0xFFFFFF80  }
0x60: {  	_ =	swait.ge [sflag:s22], $0x80  }
0x61: {  	[sflag:s22] =	ssyncset.done $0x0  }
0x62: {  	[sflag:s22] =	ssyncadd.s32 $0xFFFFFF80  }
0x63: {  	_ =	swait.ge [sflag:s22], $0x80  }
0x64: {  	[sflag:s22] =	ssyncset.done $0x0  }
0x65: {  	s29 =	simm.s32 $0x0;
	s20 =	simm.s32 $0x40;
	[sflag:s22] =	ssyncadd.s32 $0xFFFFFF80  }
0x66: {  	[tilespmem:s24], [sflag:$0x1] =	stream.indirect.gather [hbm4b:s0+s15], $0x80, s9, s15, $0xb8;
	[tilespmem:$0x1C800] =	vst v63  }
.LBB2_2:
0x67: {  	s8 =	sshll.u32 s29, $0x4  }
0x68: {  	v0 =	vld [tilespmem:s8+$0x8400];
	_ =	sdelay $0x1  }
0x69: {  	v5 =	vld [tilespmem:s20+$0xFFFFFFC0]  }
0x6a: {  	v7 =	vld [tilespmem:s20+$0xFFFFFFD0];
	s31 =	simm.s32 $0x0  }
0x6b: {  	v6 =	vld [tilespmem:s20+$0xFFFFFFE0];
	v1 =	vmov s31  }
0x6c: {  	v3 =	vld [tilespmem:s20+$0x0];
	v1 =	vperm.xlane v0, v1  }
0x6d: {  	v4 =	vld [tilespmem:s20+$0x10]  }
0x6e: {  	v2 =	vld [tilespmem:s20+$0x20];
	v8 =	vmul.f32 v5, v1  }
0x6f: {  	s11 =	simm.s32 $0x1;
	s13 =	smov.u32 s20;
	s8 =	smov.u32 s20;
	v7 =	vmul.f32 v7, v1;
	v5 =	vld [tilespmem:s20+$0x30]  }
.LBB2_3:
0x70: {  	p0 =	sne.s32 s11, $0xF;
	[tilespmem:s8+$0xFFFFFFC0] =	vst v8;
	v6 =	vmul.f32 v6, v1;
	v8 =	vld [tilespmem:s8+$0xFFFFFFF0];
	s13 =	sadd.s32 $0x80, s13  }
0x71: {  	v9 =	vld [tilespmem:s13+$0xFFFFFFC0];
	[tilespmem:s8+$0xFFFFFFD0] =	vst v7;
	v3 =	vmul.f32 v3, v1  }
0x72: {  	v7 =	vld [tilespmem:s13+$0xFFFFFFD0];
	[tilespmem:s8+$0xFFFFFFE0] =	vst v6;
	v4 =	vmul.f32 v4, v1  }
.Ltmp0:
0x73: {  	v10 =	vmov s11;
	v6 =	vld [tilespmem:s13+$0xFFFFFFE0];
	[tilespmem:s8+$0x0] =	vst v3;
	v2 =	vmul.f32 v2, v1;
	(pc) =	sbr.rel @p0 .LBB2_3-.Ltmp0, $4  }
0x74: {  	v10 =	vperm.xlane v0, v10;
	v3 =	vld [tilespmem:s13+$0x0];
	[tilespmem:s8+$0x10] =	vst v4;
	v5 =	vmul.f32 v5, v1  }
0x75: {  	v4 =	vld [tilespmem:s13+$0x10];
	v11 =	vmul.f32 v8, v1;
	[tilespmem:s8+$0x20] =	vst v2  }
0x76: {  	v1 =	vmov v10;
	v8 =	vmul.f32 v9, v10;
	v2 =	vld [tilespmem:s13+$0x20];
	[tilespmem:s8+$0x30] =	vst v5  }
0x77: {  	s11 =	sadd.s32 $0x1, s11;
	v7 =	vmul.f32 v7, v1;
	v5 =	vld [tilespmem:s13+$0x30];
	[tilespmem:s8+$0xFFFFFFF0] =	vst v11;
	s8 =	smov.u32 s13  }
0x78: {  	[tilespmem:s8+$0xFFFFFFC0] =	vst v8;
	v0 =	vmul.f32 v6, v1;
	v60 =	vld [tilespmem:s8+$0xFFFFFFF0]  }
0x79: {  	s29 =	sadd.s32 $0x1, s29;
	[tilespmem:s8+$0xFFFFFFD0] =	vst v7;
	v3 =	vmul.f32 v3, v1  }
0x7a: {  	p0 =	sne.s32 s29, $0x8;
	[tilespmem:s8+$0xFFFFFFE0] =	vst v0;
	v61 =	vmul.f32 v4, v1  }
.Ltmp1:
0x7b: {  	[tilespmem:s8+$0x0] =	vst v3;
	v2 =	vmul.f32 v2, v1;
	(pc) =	sbr.rel @p0 .LBB2_2-.Ltmp1, $4  }
0x7c: {  	[tilespmem:s8+$0x10] =	vst v61;
	v62 =	vmul.f32 v5, v1  }
0x7d: {  	v63 =	vmul.f32 v60, v1;
	[tilespmem:s8+$0x20] =	vst v2  }
0x7e: {  	[tilespmem:s8+$0x30] =	vst v62  }
0x7f: {  	s20 =	sadd.s32 $0x800, s20;
	[tilespmem:s8+$0xFFFFFFF0] =	vst v63  }
0x80: {  	s20 =	simm.s32 $0x0  }
0x81: {  	[spmem:s4] =	stream.indirect.scatter.add.f32 [tilespmem:s20], [sflag:$0x2], $0x80, s1, s15, $0xb8;
	[tilespmem:$0x1C800] =	vst v63  }
0x82: {  	_ =	swait.ge [sflag:s17], $0x4000  }
0x83: {  	[sflag:s17] =	ssyncset.done $0x0  }
0x84: {  	[sflag:s17] =	ssyncadd.s32 $0xFFFFC000  }
0x85: {  	_ =	swait.ge [sflag:s25], $0x4000  }
0x86: {  	[sflag:s25] =	ssyncset.done $0x0  }
0x87: {  	s8 =	rddreg [dreg:$0x10];
	[sflag:s25] =	ssyncadd.s32 $0xFFFFC000  }
0x88: {  	[tilespmem:s26], [sflag:$0x7] =	stream.linear.gather [hbm4b:s8+s20], $0x80, $0x38;
	[tilespmem:$0x1C800] =	vst v63  }
0x89: {  	s21 =	rddreg [dreg:$0x11]  }
0x8a: {  	[tilespmem:s28], [sflag:$0x7] =	stream.linear.gather [hbm4b:s21+s20], $0x80, $0x38;
	[tilespmem:$0x1C800] =	vst v63  }
0x8b: {  	s11 =	simm.s32 $0x8580;
	s31 =	rddreg [dreg:$0x13]  }
0x8c: {  	[tilespmem:s11], [sflag:$0x7] =	stream.linear.gather [hbm4b:s31+s20], $0x80, $0x38;
	[tilespmem:$0x1C800] =	vst v63  }
0x8d: {  	_ =	swait.ge [sflag:s30], $0x80  }
0x8e: {  	[sflag:s30] =	ssyncset.done $0x0  }
0x8f: {  	[sflag:s30] =	ssyncadd.s32 $0xFFFFFF80  }
0x90: {  	_ =	swait.ge [sflag:s30], $0x80  }
0x91: {  	[sflag:s30] =	ssyncset.done $0x0  }
0x92: {  	[sflag:s30] =	ssyncadd.s32 $0xFFFFFF80  }
0x93: {  	_ =	swait.ge [sflag:s30], $0x80  }
0x94: {  	[sflag:s30] =	ssyncset.done $0x0  }
0x95: {  	s29 =	simm.s32 $0x4040;
	s8 =	simm.s32 $0x0;
	[sflag:s30] =	ssyncadd.s32 $0xFFFFFF80  }
0x96: {  	[tilespmem:s20], [sflag:$0x1] =	stream.indirect.gather [hbm4b:s0+s15], $0x80, s18, s15, $0xb8;
	[tilespmem:$0x1C800] =	vst v63  }
.LBB2_6:
0x97: {  	s11 =	sshll.u32 s8, $0x4  }
0x98: {  	v1 =	vld [tilespmem:s11+$0x8480];
	_ =	sdelay $0x1  }
0x99: {  	v5 =	vld [tilespmem:s29+$0xFFFFFFC0]  }
0x9a: {  	v7 =	vld [tilespmem:s29+$0xFFFFFFD0]  }
0x9b: {  	v6 =	vld [tilespmem:s29+$0xFFFFFFE0];
	v0 =	vmov s20  }
0x9c: {  	v3 =	vld [tilespmem:s29+$0x0];
	v0 =	vperm.xlane v1, v0  }
0x9d: {  	v4 =	vld [tilespmem:s29+$0x10]  }
0x9e: {  	v2 =	vld [tilespmem:s29+$0x20];
	v8 =	vmul.f32 v5, v0  }
0x9f: {  	s13 =	smov.u32 s29;
	s16 =	smov.u32 s29;
	s11 =	simm.s32 $0x1;
	v7 =	vmul.f32 v7, v0;
	v5 =	vld [tilespmem:s29+$0x30]  }
.LBB2_7:
0xa0: {  	p0 =	sne.s32 s11, $0xF;
	[tilespmem:s13+$0xFFFFFFC0] =	vst v8;
	v6 =	vmul.f32 v6, v0;
	v8 =	vld [tilespmem:s13+$0xFFFFFFF0];
	s16 =	sadd.s32 $0x80, s16  }
0xa1: {  	v9 =	vld [tilespmem:s16+$0xFFFFFFC0];
	[tilespmem:s13+$0xFFFFFFD0] =	vst v7;
	v3 =	vmul.f32 v3, v0  }
0xa2: {  	v7 =	vld [tilespmem:s16+$0xFFFFFFD0];
	[tilespmem:s13+$0xFFFFFFE0] =	vst v6;
	v4 =	vmul.f32 v4, v0  }
.Ltmp2:
0xa3: {  	v10 =	vmov s11;
	v6 =	vld [tilespmem:s16+$0xFFFFFFE0];
	[tilespmem:s13+$0x0] =	vst v3;
	v2 =	vmul.f32 v2, v0;
	(pc) =	sbr.rel @p0 .LBB2_7-.Ltmp2, $4  }
0xa4: {  	v10 =	vperm.xlane v1, v10;
	v3 =	vld [tilespmem:s16+$0x0];
	[tilespmem:s13+$0x10] =	vst v4;
	v5 =	vmul.f32 v5, v0  }
0xa5: {  	v4 =	vld [tilespmem:s16+$0x10];
	v11 =	vmul.f32 v8, v0;
	[tilespmem:s13+$0x20] =	vst v2  }
0xa6: {  	v0 =	vmov v10;
	v8 =	vmul.f32 v9, v10;
	v2 =	vld [tilespmem:s16+$0x20];
	[tilespmem:s13+$0x30] =	vst v5  }
0xa7: {  	s11 =	sadd.s32 $0x1, s11;
	v7 =	vmul.f32 v7, v0;
	v5 =	vld [tilespmem:s16+$0x30];
	[tilespmem:s13+$0xFFFFFFF0] =	vst v11;
	s13 =	smov.u32 s16  }
0xa8: {  	[tilespmem:s13+$0xFFFFFFC0] =	vst v8;
	v1 =	vmul.f32 v6, v0;
	v60 =	vld [tilespmem:s13+$0xFFFFFFF0]  }
0xa9: {  	s8 =	sadd.s32 $0x1, s8;
	[tilespmem:s13+$0xFFFFFFD0] =	vst v7;
	v3 =	vmul.f32 v3, v0  }
0xaa: {  	p0 =	sne.s32 s8, $0x8;
	[tilespmem:s13+$0xFFFFFFE0] =	vst v1;
	v61 =	vmul.f32 v4, v0  }
.Ltmp3:
0xab: {  	[tilespmem:s13+$0x0] =	vst v3;
	v2 =	vmul.f32 v2, v0;
	(pc) =	sbr.rel @p0 .LBB2_6-.Ltmp3, $4  }
0xac: {  	[tilespmem:s13+$0x10] =	vst v61;
	v62 =	vmul.f32 v5, v0  }
0xad: {  	v63 =	vmul.f32 v60, v0;
	[tilespmem:s13+$0x20] =	vst v2  }
0xae: {  	[tilespmem:s13+$0x30] =	vst v62  }
0xaf: {  	s29 =	sadd.s32 $0x800, s29;
	[tilespmem:s13+$0xFFFFFFF0] =	vst v63  }
0xb0: {  	[spmem:s4] =	stream.indirect.scatter.add.f32 [tilespmem:s24], [sflag:$0x3], $0x80, s12, s15, $0xb8;
	[tilespmem:$0x1C800] =	vst v63  }
0xb1: {  	_ =	swait.ge [sflag:s17], $0x4000  }
0xb2: {  	[sflag:s17] =	ssyncset.done $0x0  }
0xb3: {  	[sflag:s17] =	ssyncadd.s32 $0xFFFFC000  }
0xb4: {  	_ =	swait.ge [sflag:s10], $0x4000  }
0xb5: {  	[sflag:s10] =	ssyncset.done $0x0  }
0xb6: {  	s20 =	simm.s32 $0x0;
	s8 =	rddreg [dreg:$0x15];
	[sflag:s10] =	ssyncadd.s32 $0xFFFFC000  }
0xb7: {  	[tilespmem:s2], [sflag:$0x4] =	stream.linear.gather [hbm4b:s8+s20], $0x80, $0x38;
	[tilespmem:$0x1C800] =	vst v63  }
0xb8: {  	s21 =	rddreg [dreg:$0x16]  }
0xb9: {  	[tilespmem:s1], [sflag:$0x4] =	stream.linear.gather [hbm4b:s21+s20], $0x80, $0x38;
	[tilespmem:$0x1C800] =	vst v63  }
0xba: {  	s11 =	simm.s32 $0x8400;
	s31 =	rddreg [dreg:$0x17]  }
0xbb: {  	[tilespmem:s11], [sflag:$0x4] =	stream.linear.gather [hbm4b:s31+s20], $0x80, $0x38;
	[tilespmem:$0x1C800] =	vst v63  }
0xbc: {  	_ =	swait.ge [sflag:s5], $0x80  }
0xbd: {  	[sflag:s5] =	ssyncset.done $0x0  }
0xbe: {  	[sflag:s5] =	ssyncadd.s32 $0xFFFFFF80  }
0xbf: {  	_ =	swait.ge [sflag:s5], $0x80  }
0xc0: {  	[sflag:s5] =	ssyncset.done $0x0  }
0xc1: {  	[sflag:s5] =	ssyncadd.s32 $0xFFFFFF80  }
0xc2: {  	_ =	swait.ge [sflag:s5], $0x80  }
0xc3: {  	[sflag:s5] =	ssyncset.done $0x0  }
0xc4: {  	s29 =	simm.s32 $0x40;
	s8 =	simm.s32 $0x0;
	[sflag:s5] =	ssyncadd.s32 $0xFFFFFF80  }
0xc5: {  	[tilespmem:s24], [sflag:$0x1] =	stream.indirect.gather [hbm4b:s0+s15], $0x80, s26, s15, $0xb8;
	[tilespmem:$0x1C800] =	vst v63  }
.LBB2_10:
0xc6: {  	s11 =	sshll.u32 s8, $0x4  }
0xc7: {  	v1 =	vld [tilespmem:s11+$0x8500];
	_ =	sdelay $0x1  }
0xc8: {  	v5 =	vld [tilespmem:s29+$0xFFFFFFC0]  }
0xc9: {  	v7 =	vld [tilespmem:s29+$0xFFFFFFD0]  }
0xca: {  	v6 =	vld [tilespmem:s29+$0xFFFFFFE0];
	v0 =	vmov s20  }
0xcb: {  	v3 =	vld [tilespmem:s29+$0x0];
	v0 =	vperm.xlane v1, v0  }
0xcc: {  	v4 =	vld [tilespmem:s29+$0x10]  }
0xcd: {  	v2 =	vld [tilespmem:s29+$0x20];
	v8 =	vmul.f32 v5, v0  }
0xce: {  	s13 =	smov.u32 s29;
	s16 =	smov.u32 s29;
	s11 =	simm.s32 $0x1;
	v7 =	vmul.f32 v7, v0;
	v5 =	vld [tilespmem:s29+$0x30]  }
.LBB2_11:
0xcf: {  	p0 =	sne.s32 s11, $0xF;
	[tilespmem:s13+$0xFFFFFFC0] =	vst v8;
	v6 =	vmul.f32 v6, v0;
	v8 =	vld [tilespmem:s13+$0xFFFFFFF0];
	s16 =	sadd.s32 $0x80, s16  }
0xd0: {  	v9 =	vld [tilespmem:s16+$0xFFFFFFC0];
	[tilespmem:s13+$0xFFFFFFD0] =	vst v7;
	v3 =	vmul.f32 v3, v0  }
0xd1: {  	v7 =	vld [tilespmem:s16+$0xFFFFFFD0];
	[tilespmem:s13+$0xFFFFFFE0] =	vst v6;
	v4 =	vmul.f32 v4, v0  }
.Ltmp4:
0xd2: {  	v10 =	vmov s11;
	v6 =	vld [tilespmem:s16+$0xFFFFFFE0];
	[tilespmem:s13+$0x0] =	vst v3;
	v2 =	vmul.f32 v2, v0;
	(pc) =	sbr.rel @p0 .LBB2_11-.Ltmp4, $4  }
0xd3: {  	v10 =	vperm.xlane v1, v10;
	v3 =	vld [tilespmem:s16+$0x0];
	[tilespmem:s13+$0x10] =	vst v4;
	v5 =	vmul.f32 v5, v0  }
0xd4: {  	v4 =	vld [tilespmem:s16+$0x10];
	v11 =	vmul.f32 v8, v0;
	[tilespmem:s13+$0x20] =	vst v2  }
0xd5: {  	v0 =	vmov v10;
	v8 =	vmul.f32 v9, v10;
	v2 =	vld [tilespmem:s16+$0x20];
	[tilespmem:s13+$0x30] =	vst v5  }
0xd6: {  	s11 =	sadd.s32 $0x1, s11;
	v7 =	vmul.f32 v7, v0;
	v5 =	vld [tilespmem:s16+$0x30];
	[tilespmem:s13+$0xFFFFFFF0] =	vst v11;
	s13 =	smov.u32 s16  }
0xd7: {  	[tilespmem:s13+$0xFFFFFFC0] =	vst v8;
	v1 =	vmul.f32 v6, v0;
	v60 =	vld [tilespmem:s13+$0xFFFFFFF0]  }
0xd8: {  	s8 =	sadd.s32 $0x1, s8;
	[tilespmem:s13+$0xFFFFFFD0] =	vst v7;
	v3 =	vmul.f32 v3, v0  }
0xd9: {  	p0 =	sne.s32 s8, $0x8;
	[tilespmem:s13+$0xFFFFFFE0] =	vst v1;
	v61 =	vmul.f32 v4, v0  }
.Ltmp5:
0xda: {  	[tilespmem:s13+$0x0] =	vst v3;
	v2 =	vmul.f32 v2, v0;
	(pc) =	sbr.rel @p0 .LBB2_10-.Ltmp5, $4  }
0xdb: {  	[tilespmem:s13+$0x10] =	vst v61;
	v62 =	vmul.f32 v5, v0  }
0xdc: {  	v63 =	vmul.f32 v60, v0;
	[tilespmem:s13+$0x20] =	vst v2  }
0xdd: {  	[tilespmem:s13+$0x30] =	vst v62  }
0xde: {  	s29 =	sadd.s32 $0x800, s29;
	[tilespmem:s13+$0xFFFFFFF0] =	vst v63  }
0xdf: {  	s20 =	simm.s32 $0x0  }
0xe0: {  	[spmem:s4] =	stream.indirect.scatter.add.f32 [tilespmem:s20], [sflag:$0x2], $0x80, s19, s15, $0xb8;
	[tilespmem:$0x1C800] =	vst v63  }
0xe1: {  	_ =	swait.ge [sflag:s17], $0x4000  }
0xe2: {  	[sflag:s17] =	ssyncset.done $0x0  }
0xe3: {  	[sflag:s17] =	ssyncadd.s32 $0xFFFFC000  }
0xe4: {  	_ =	swait.ge [sflag:s25], $0x4000  }
0xe5: {  	[sflag:s25] =	ssyncset.done $0x0  }
0xe6: {  	s8 =	rddreg [dreg:$0x18];
	[sflag:s25] =	ssyncadd.s32 $0xFFFFC000  }
0xe7: {  	[tilespmem:s9], [sflag:$0x5] =	stream.linear.gather [hbm4b:s8+s20], $0x80, $0x38;
	[tilespmem:$0x1C800] =	vst v63  }
0xe8: {  	s21 =	rddreg [dreg:$0x19]  }
0xe9: {  	[tilespmem:s12], [sflag:$0x5] =	stream.linear.gather [hbm4b:s21+s20], $0x80, $0x38;
	[tilespmem:$0x1C800] =	vst v63  }
0xea: {  	s11 =	simm.s32 $0x8480;
	s31 =	rddreg [dreg:$0x1a]  }
0xeb: {  	[tilespmem:s11], [sflag:$0x5] =	stream.linear.gather [hbm4b:s31+s20], $0x80, $0x38;
	[tilespmem:$0x1C800] =	vst v63  }
0xec: {  	_ =	swait.ge [sflag:s14], $0x80  }
0xed: {  	[sflag:s14] =	ssyncset.done $0x0  }
0xee: {  	[sflag:s14] =	ssyncadd.s32 $0xFFFFFF80  }
0xef: {  	_ =	swait.ge [sflag:s14], $0x80  }
0xf0: {  	[sflag:s14] =	ssyncset.done $0x0  }
0xf1: {  	[sflag:s14] =	ssyncadd.s32 $0xFFFFFF80  }
0xf2: {  	_ =	swait.ge [sflag:s14], $0x80  }
0xf3: {  	[sflag:s14] =	ssyncset.done $0x0  }
0xf4: {  	s29 =	simm.s32 $0x4040;
	s8 =	simm.s32 $0x0;
	[sflag:s14] =	ssyncadd.s32 $0xFFFFFF80  }
0xf5: {  	[tilespmem:s20], [sflag:$0x1] =	stream.indirect.gather [hbm4b:s0+s15], $0x80, s2, s15, $0xb8;
	[tilespmem:$0x1C800] =	vst v63  }
.LBB2_14:
0xf6: {  	s11 =	sshll.u32 s8, $0x4  }
0xf7: {  	v1 =	vld [tilespmem:s11+$0x8580];
	_ =	sdelay $0x1  }
0xf8: {  	v5 =	vld [tilespmem:s29+$0xFFFFFFC0]  }
0xf9: {  	v7 =	vld [tilespmem:s29+$0xFFFFFFD0]  }
0xfa: {  	v6 =	vld [tilespmem:s29+$0xFFFFFFE0];
	v0 =	vmov s20  }
0xfb: {  	v3 =	vld [tilespmem:s29+$0x0];
	v0 =	vperm.xlane v1, v0  }
0xfc: {  	v4 =	vld [tilespmem:s29+$0x10]  }
0xfd: {  	v2 =	vld [tilespmem:s29+$0x20];
	v8 =	vmul.f32 v5, v0  }
0xfe: {  	s13 =	smov.u32 s29;
	s16 =	smov.u32 s29;
	s11 =	simm.s32 $0x1;
	v7 =	vmul.f32 v7, v0;
	v5 =	vld [tilespmem:s29+$0x30]  }
.LBB2_15:
0xff: {  	p0 =	sne.s32 s11, $0xF;
	[tilespmem:s13+$0xFFFFFFC0] =	vst v8;
	v6 =	vmul.f32 v6, v0;
	v8 =	vld [tilespmem:s13+$0xFFFFFFF0];
	s16 =	sadd.s32 $0x80, s16  }
0x100: {  	v9 =	vld [tilespmem:s16+$0xFFFFFFC0];
	[tilespmem:s13+$0xFFFFFFD0] =	vst v7;
	v3 =	vmul.f32 v3, v0  }
0x101: {  	v7 =	vld [tilespmem:s16+$0xFFFFFFD0];
	[tilespmem:s13+$0xFFFFFFE0] =	vst v6;
	v4 =	vmul.f32 v4, v0  }
.Ltmp6:
0x102: {  	v10 =	vmov s11;
	v6 =	vld [tilespmem:s16+$0xFFFFFFE0];
	[tilespmem:s13+$0x0] =	vst v3;
	v2 =	vmul.f32 v2, v0;
	(pc) =	sbr.rel @p0 .LBB2_15-.Ltmp6, $4  }
0x103: {  	v10 =	vperm.xlane v1, v10;
	v3 =	vld [tilespmem:s16+$0x0];
	[tilespmem:s13+$0x10] =	vst v4;
	v5 =	vmul.f32 v5, v0  }
0x104: {  	v4 =	vld [tilespmem:s16+$0x10];
	v11 =	vmul.f32 v8, v0;
	[tilespmem:s13+$0x20] =	vst v2  }
0x105: {  	v0 =	vmov v10;
	v8 =	vmul.f32 v9, v10;
	v2 =	vld [tilespmem:s16+$0x20];
	[tilespmem:s13+$0x30] =	vst v5  }
0x106: {  	s11 =	sadd.s32 $0x1, s11;
	v7 =	vmul.f32 v7, v0;
	v5 =	vld [tilespmem:s16+$0x30];
	[tilespmem:s13+$0xFFFFFFF0] =	vst v11;
	s13 =	smov.u32 s16  }
0x107: {  	[tilespmem:s13+$0xFFFFFFC0] =	vst v8;
	v1 =	vmul.f32 v6, v0;
	v60 =	vld [tilespmem:s13+$0xFFFFFFF0]  }
0x108: {  	s8 =	sadd.s32 $0x1, s8;
	[tilespmem:s13+$0xFFFFFFD0] =	vst v7;
	v3 =	vmul.f32 v3, v0  }
0x109: {  	p0 =	sne.s32 s8, $0x8;
	[tilespmem:s13+$0xFFFFFFE0] =	vst v1;
	v61 =	vmul.f32 v4, v0  }
.Ltmp7:
0x10a: {  	[tilespmem:s13+$0x0] =	vst v3;
	v2 =	vmul.f32 v2, v0;
	(pc) =	sbr.rel @p0 .LBB2_14-.Ltmp7, $4  }
0x10b: {  	[tilespmem:s13+$0x10] =	vst v61;
	v62 =	vmul.f32 v5, v0  }
0x10c: {  	v63 =	vmul.f32 v60, v0;
	[tilespmem:s13+$0x20] =	vst v2  }
0x10d: {  	[tilespmem:s13+$0x30] =	vst v62  }
0x10e: {  	s29 =	sadd.s32 $0x800, s29;
	[tilespmem:s13+$0xFFFFFFF0] =	vst v63  }
0x10f: {  	[spmem:s4] =	stream.indirect.scatter.add.f32 [tilespmem:s24], [sflag:$0x3], $0x80, s28, s15, $0xb8;
	[tilespmem:$0x1C800] =	vst v63  }
0x110: {  	s31 =	simm.s32 $0x1  }
.LBB2_18:
0x111: {  	_ =	swait.ge [sflag:s17], $0x4000  }
0x112: {  	[sflag:s17] =	ssyncset.done $0x0  }
0x113: {  	[sflag:s17] =	ssyncadd.s32 $0xFFFFC000  }
0x114: {  	_ =	swait.ge [sflag:s10], $0x4000  }
0x115: {  	s20 =	sshll.u32 s31, $0x9;
	s8 =	rddreg [dreg:$0xd]  }
0x116: {  	s8 =	sadd.s32 s20, s8  }
0x117: {  	[sflag:s10] =	ssyncset.done $0x0;
	s8 =	sshrl.u32 s8, $0x3  }
0x118: {  	s29 =	simm.s32 $0x0;
	[sflag:s10] =	ssyncadd.s32 $0xFFFFC000;
	s11 =	sadd.s32 s6, s8  }
0x119: {  	[tilespmem:s18], [sflag:$0x6] =	stream.linear.gather [hbm4b:s11+s29], $0x80, $0x38;
	[tilespmem:$0x1C800] =	vst v63  }
0x11a: {  	s16 =	sadd.s32 s7, s8  }
0x11b: {  	[tilespmem:s19], [sflag:$0x6] =	stream.linear.gather [hbm4b:s16+s29], $0x80, $0x38;
	[tilespmem:$0x1C800] =	vst v63  }
0x11c: {  	s21 =	simm.s32 $0x8500;
	s8 =	sadd.s32 s3, s8  }
0x11d: {  	[tilespmem:s21], [sflag:$0x6] =	stream.linear.gather [hbm4b:s8+s29], $0x80, $0x38;
	[tilespmem:$0x1C800] =	vst v63  }
0x11e: {  	_ =	swait.ge [sflag:s22], $0x80  }
0x11f: {  	[sflag:s22] =	ssyncset.done $0x0  }
0x120: {  	[sflag:s22] =	ssyncadd.s32 $0xFFFFFF80  }
0x121: {  	_ =	swait.ge [sflag:s22], $0x80  }
0x122: {  	[sflag:s22] =	ssyncset.done $0x0  }
0x123: {  	[sflag:s22] =	ssyncadd.s32 $0xFFFFFF80  }
0x124: {  	_ =	swait.ge [sflag:s22], $0x80  }
0x125: {  	[sflag:s22] =	ssyncset.done $0x0  }
0x126: {  	s13 =	simm.s32 $0x0;
	s21 =	simm.s32 $0x40;
	[sflag:s22] =	ssyncadd.s32 $0xFFFFFF80  }
0x127: {  	[tilespmem:s24], [sflag:$0x1] =	stream.indirect.gather [hbm4b:s0+s15], $0x80, s9, s15, $0xb8;
	[tilespmem:$0x1C800] =	vst v63  }
.LBB2_19:
0x128: {  	s8 =	sshll.u32 s13, $0x4  }
0x129: {  	v1 =	vld [tilespmem:s8+$0x8400];
	_ =	sdelay $0x1  }
0x12a: {  	v5 =	vld [tilespmem:s21+$0xFFFFFFC0]  }
0x12b: {  	v7 =	vld [tilespmem:s21+$0xFFFFFFD0]  }
0x12c: {  	v6 =	vld [tilespmem:s21+$0xFFFFFFE0];
	v0 =	vmov s29  }
0x12d: {  	v3 =	vld [tilespmem:s21+$0x0];
	v0 =	vperm.xlane v1, v0  }
0x12e: {  	v4 =	vld [tilespmem:s21+$0x10]  }
0x12f: {  	v2 =	vld [tilespmem:s21+$0x20];
	v8 =	vmul.f32 v5, v0  }
0x130: {  	s16 =	simm.s32 $0x1;
	s11 =	smov.u32 s21;
	s8 =	smov.u32 s21;
	v7 =	vmul.f32 v7, v0;
	v5 =	vld [tilespmem:s21+$0x30]  }
.LBB2_20:
0x131: {  	p0 =	sne.s32 s16, $0xF;
	[tilespmem:s8+$0xFFFFFFC0] =	vst v8;
	v6 =	vmul.f32 v6, v0;
	v8 =	vld [tilespmem:s8+$0xFFFFFFF0];
	s11 =	sadd.s32 $0x80, s11  }
0x132: {  	v9 =	vld [tilespmem:s11+$0xFFFFFFC0];
	[tilespmem:s8+$0xFFFFFFD0] =	vst v7;
	v3 =	vmul.f32 v3, v0  }
0x133: {  	v7 =	vld [tilespmem:s11+$0xFFFFFFD0];
	[tilespmem:s8+$0xFFFFFFE0] =	vst v6;
	v4 =	vmul.f32 v4, v0  }
.Ltmp8:
0x134: {  	v10 =	vmov s16;
	v6 =	vld [tilespmem:s11+$0xFFFFFFE0];
	[tilespmem:s8+$0x0] =	vst v3;
	v2 =	vmul.f32 v2, v0;
	(pc) =	sbr.rel @p0 .LBB2_20-.Ltmp8, $4  }
0x135: {  	v10 =	vperm.xlane v1, v10;
	v3 =	vld [tilespmem:s11+$0x0];
	[tilespmem:s8+$0x10] =	vst v4;
	v5 =	vmul.f32 v5, v0  }
0x136: {  	v4 =	vld [tilespmem:s11+$0x10];
	v11 =	vmul.f32 v8, v0;
	[tilespmem:s8+$0x20] =	vst v2  }
0x137: {  	v0 =	vmov v10;
	v8 =	vmul.f32 v9, v10;
	v2 =	vld [tilespmem:s11+$0x20];
	[tilespmem:s8+$0x30] =	vst v5  }
0x138: {  	s16 =	sadd.s32 $0x1, s16;
	v7 =	vmul.f32 v7, v0;
	v5 =	vld [tilespmem:s11+$0x30];
	[tilespmem:s8+$0xFFFFFFF0] =	vst v11;
	s8 =	smov.u32 s11  }
0x139: {  	[tilespmem:s8+$0xFFFFFFC0] =	vst v8;
	v1 =	vmul.f32 v6, v0;
	v60 =	vld [tilespmem:s8+$0xFFFFFFF0]  }
0x13a: {  	s13 =	sadd.s32 $0x1, s13;
	[tilespmem:s8+$0xFFFFFFD0] =	vst v7;
	v3 =	vmul.f32 v3, v0  }
0x13b: {  	p0 =	sne.s32 s13, $0x8;
	[tilespmem:s8+$0xFFFFFFE0] =	vst v1;
	v61 =	vmul.f32 v4, v0  }
.Ltmp9:
0x13c: {  	[tilespmem:s8+$0x0] =	vst v3;
	v2 =	vmul.f32 v2, v0;
	(pc) =	sbr.rel @p0 .LBB2_19-.Ltmp9, $4  }
0x13d: {  	[tilespmem:s8+$0x10] =	vst v61;
	v62 =	vmul.f32 v5, v0  }
0x13e: {  	v63 =	vmul.f32 v60, v0;
	[tilespmem:s8+$0x20] =	vst v2  }
0x13f: {  	[tilespmem:s8+$0x30] =	vst v62  }
0x140: {  	s21 =	sadd.s32 $0x800, s21;
	[tilespmem:s8+$0xFFFFFFF0] =	vst v63  }
0x141: {  	s29 =	simm.s32 $0x0  }
0x142: {  	[spmem:s4] =	stream.indirect.scatter.add.f32 [tilespmem:s29], [sflag:$0x2], $0x80, s1, s15, $0xb8;
	[tilespmem:$0x1C800] =	vst v63  }
0x143: {  	_ =	swait.ge [sflag:s17], $0x4000  }
0x144: {  	[sflag:s17] =	ssyncset.done $0x0  }
0x145: {  	[sflag:s17] =	ssyncadd.s32 $0xFFFFC000  }
0x146: {  	_ =	swait.ge [sflag:s25], $0x4000  }
0x147: {  	s8 =	rddreg [dreg:$0x12]  }
0x148: {  	s8 =	sadd.s32 s20, s8  }
0x149: {  	[sflag:s25] =	ssyncset.done $0x0;
	s8 =	sshrl.u32 s8, $0x3  }
0x14a: {  	[sflag:s25] =	ssyncadd.s32 $0xFFFFC000;
	s11 =	sadd.s32 s6, s8  }
0x14b: {  	[tilespmem:s26], [sflag:$0x7] =	stream.linear.gather [hbm4b:s11+s29], $0x80, $0x38;
	[tilespmem:$0x1C800] =	vst v63  }
0x14c: {  	s16 =	sadd.s32 s7, s8  }
0x14d: {  	[tilespmem:s28], [sflag:$0x7] =	stream.linear.gather [hbm4b:s16+s29], $0x80, $0x38;
	[tilespmem:$0x1C800] =	vst v63  }
0x14e: {  	s21 =	simm.s32 $0x8580;
	s8 =	sadd.s32 s3, s8  }
0x14f: {  	[tilespmem:s21], [sflag:$0x7] =	stream.linear.gather [hbm4b:s8+s29], $0x80, $0x38;
	[tilespmem:$0x1C800] =	vst v63  }
0x150: {  	_ =	swait.ge [sflag:s30], $0x80  }
0x151: {  	[sflag:s30] =	ssyncset.done $0x0  }
0x152: {  	[sflag:s30] =	ssyncadd.s32 $0xFFFFFF80  }
0x153: {  	_ =	swait.ge [sflag:s30], $0x80  }
0x154: {  	[sflag:s30] =	ssyncset.done $0x0  }
0x155: {  	[sflag:s30] =	ssyncadd.s32 $0xFFFFFF80  }
0x156: {  	_ =	swait.ge [sflag:s30], $0x80  }
0x157: {  	[sflag:s30] =	ssyncset.done $0x0  }
0x158: {  	s13 =	simm.s32 $0x0;
	s8 =	simm.s32 $0x4040;
	[sflag:s30] =	ssyncadd.s32 $0xFFFFFF80  }
0x159: {  	[tilespmem:s29], [sflag:$0x1] =	stream.indirect.gather [hbm4b:s0+s15], $0x80, s18, s15, $0xb8;
	[tilespmem:$0x1C800] =	vst v63  }
.LBB2_23:
0x15a: {  	s11 =	sshll.u32 s13, $0x4  }
0x15b: {  	v1 =	vld [tilespmem:s11+$0x8480];
	_ =	sdelay $0x1  }
0x15c: {  	v5 =	vld [tilespmem:s8+$0xFFFFFFC0]  }
0x15d: {  	v7 =	vld [tilespmem:s8+$0xFFFFFFD0]  }
0x15e: {  	v6 =	vld [tilespmem:s8+$0xFFFFFFE0];
	v0 =	vmov s29  }
0x15f: {  	v3 =	vld [tilespmem:s8+$0x0];
	v0 =	vperm.xlane v1, v0  }
0x160: {  	v4 =	vld [tilespmem:s8+$0x10]  }
0x161: {  	v2 =	vld [tilespmem:s8+$0x20];
	v8 =	vmul.f32 v5, v0  }
0x162: {  	s16 =	simm.s32 $0x1;
	s21 =	smov.u32 s8;
	s11 =	smov.u32 s8;
	v7 =	vmul.f32 v7, v0;
	v5 =	vld [tilespmem:s8+$0x30]  }
.LBB2_24:
0x163: {  	p0 =	sne.s32 s16, $0xF;
	[tilespmem:s11+$0xFFFFFFC0] =	vst v8;
	v6 =	vmul.f32 v6, v0;
	v8 =	vld [tilespmem:s11+$0xFFFFFFF0];
	s21 =	sadd.s32 $0x80, s21  }
0x164: {  	v9 =	vld [tilespmem:s21+$0xFFFFFFC0];
	[tilespmem:s11+$0xFFFFFFD0] =	vst v7;
	v3 =	vmul.f32 v3, v0  }
0x165: {  	v7 =	vld [tilespmem:s21+$0xFFFFFFD0];
	[tilespmem:s11+$0xFFFFFFE0] =	vst v6;
	v4 =	vmul.f32 v4, v0  }
.Ltmp10:
0x166: {  	v10 =	vmov s16;
	v6 =	vld [tilespmem:s21+$0xFFFFFFE0];
	[tilespmem:s11+$0x0] =	vst v3;
	v2 =	vmul.f32 v2, v0;
	(pc) =	sbr.rel @p0 .LBB2_24-.Ltmp10, $4  }
0x167: {  	v10 =	vperm.xlane v1, v10;
	v3 =	vld [tilespmem:s21+$0x0];
	[tilespmem:s11+$0x10] =	vst v4;
	v5 =	vmul.f32 v5, v0  }
0x168: {  	v4 =	vld [tilespmem:s21+$0x10];
	v11 =	vmul.f32 v8, v0;
	[tilespmem:s11+$0x20] =	vst v2  }
0x169: {  	v0 =	vmov v10;
	v8 =	vmul.f32 v9, v10;
	v2 =	vld [tilespmem:s21+$0x20];
	[tilespmem:s11+$0x30] =	vst v5  }
0x16a: {  	s16 =	sadd.s32 $0x1, s16;
	v7 =	vmul.f32 v7, v0;
	v5 =	vld [tilespmem:s21+$0x30];
	[tilespmem:s11+$0xFFFFFFF0] =	vst v11;
	s11 =	smov.u32 s21  }
0x16b: {  	[tilespmem:s11+$0xFFFFFFC0] =	vst v8;
	v1 =	vmul.f32 v6, v0;
	v60 =	vld [tilespmem:s11+$0xFFFFFFF0]  }
0x16c: {  	s13 =	sadd.s32 $0x1, s13;
	[tilespmem:s11+$0xFFFFFFD0] =	vst v7;
	v3 =	vmul.f32 v3, v0  }
0x16d: {  	p0 =	sne.s32 s13, $0x8;
	[tilespmem:s11+$0xFFFFFFE0] =	vst v1;
	v61 =	vmul.f32 v4, v0  }
.Ltmp11:
0x16e: {  	[tilespmem:s11+$0x0] =	vst v3;
	v2 =	vmul.f32 v2, v0;
	(pc) =	sbr.rel @p0 .LBB2_23-.Ltmp11, $4  }
0x16f: {  	[tilespmem:s11+$0x10] =	vst v61;
	v62 =	vmul.f32 v5, v0  }
0x170: {  	v63 =	vmul.f32 v60, v0;
	[tilespmem:s11+$0x20] =	vst v2  }
0x171: {  	[tilespmem:s11+$0x30] =	vst v62  }
0x172: {  	s8 =	sadd.s32 $0x800, s8;
	[tilespmem:s11+$0xFFFFFFF0] =	vst v63  }
0x173: {  	[spmem:s4] =	stream.indirect.scatter.add.f32 [tilespmem:s24], [sflag:$0x3], $0x80, s12, s15, $0xb8;
	[tilespmem:$0x1C800] =	vst v63  }
0x174: {  	_ =	swait.ge [sflag:s17], $0x4000  }
0x175: {  	[sflag:s17] =	ssyncset.done $0x0  }
0x176: {  	[sflag:s17] =	ssyncadd.s32 $0xFFFFC000  }
0x177: {  	_ =	swait.ge [sflag:s10], $0x4000  }
0x178: {  	s8 =	rddreg [dreg:$0x14]  }
0x179: {  	s8 =	sadd.s32 s20, s8  }
0x17a: {  	[sflag:s10] =	ssyncset.done $0x0;
	s8 =	sshrl.u32 s8, $0x3  }
0x17b: {  	s29 =	simm.s32 $0x0;
	[sflag:s10] =	ssyncadd.s32 $0xFFFFC000;
	s11 =	sadd.s32 s6, s8  }
0x17c: {  	[tilespmem:s2], [sflag:$0x4] =	stream.linear.gather [hbm4b:s11+s29], $0x80, $0x38;
	[tilespmem:$0x1C800] =	vst v63  }
0x17d: {  	s16 =	sadd.s32 s7, s8  }
0x17e: {  	[tilespmem:s1], [sflag:$0x4] =	stream.linear.gather [hbm4b:s16+s29], $0x80, $0x38;
	[tilespmem:$0x1C800] =	vst v63  }
0x17f: {  	s21 =	simm.s32 $0x8400;
	s8 =	sadd.s32 s3, s8  }
0x180: {  	[tilespmem:s21], [sflag:$0x4] =	stream.linear.gather [hbm4b:s8+s29], $0x80, $0x38;
	[tilespmem:$0x1C800] =	vst v63  }
0x181: {  	_ =	swait.ge [sflag:s5], $0x80  }
0x182: {  	[sflag:s5] =	ssyncset.done $0x0  }
0x183: {  	[sflag:s5] =	ssyncadd.s32 $0xFFFFFF80  }
0x184: {  	_ =	swait.ge [sflag:s5], $0x80  }
0x185: {  	[sflag:s5] =	ssyncset.done $0x0  }
0x186: {  	[sflag:s5] =	ssyncadd.s32 $0xFFFFFF80  }
0x187: {  	_ =	swait.ge [sflag:s5], $0x80  }
0x188: {  	[sflag:s5] =	ssyncset.done $0x0  }
0x189: {  	s13 =	simm.s32 $0x0;
	s8 =	simm.s32 $0x40;
	[sflag:s5] =	ssyncadd.s32 $0xFFFFFF80  }
0x18a: {  	[tilespmem:s24], [sflag:$0x1] =	stream.indirect.gather [hbm4b:s0+s15], $0x80, s26, s15, $0xb8;
	[tilespmem:$0x1C800] =	vst v63  }
.LBB2_27:
0x18b: {  	s11 =	sshll.u32 s13, $0x4  }
0x18c: {  	v1 =	vld [tilespmem:s11+$0x8500];
	_ =	sdelay $0x1  }
0x18d: {  	v5 =	vld [tilespmem:s8+$0xFFFFFFC0]  }
0x18e: {  	v7 =	vld [tilespmem:s8+$0xFFFFFFD0]  }
0x18f: {  	v6 =	vld [tilespmem:s8+$0xFFFFFFE0];
	v0 =	vmov s29  }
0x190: {  	v3 =	vld [tilespmem:s8+$0x0];
	v0 =	vperm.xlane v1, v0  }
0x191: {  	v4 =	vld [tilespmem:s8+$0x10]  }
0x192: {  	v2 =	vld [tilespmem:s8+$0x20];
	v8 =	vmul.f32 v5, v0  }
0x193: {  	s16 =	simm.s32 $0x1;
	s21 =	smov.u32 s8;
	s11 =	smov.u32 s8;
	v7 =	vmul.f32 v7, v0;
	v5 =	vld [tilespmem:s8+$0x30]  }
.LBB2_28:
0x194: {  	p0 =	sne.s32 s16, $0xF;
	[tilespmem:s11+$0xFFFFFFC0] =	vst v8;
	v6 =	vmul.f32 v6, v0;
	v8 =	vld [tilespmem:s11+$0xFFFFFFF0];
	s21 =	sadd.s32 $0x80, s21  }
0x195: {  	v9 =	vld [tilespmem:s21+$0xFFFFFFC0];
	[tilespmem:s11+$0xFFFFFFD0] =	vst v7;
	v3 =	vmul.f32 v3, v0  }
0x196: {  	v7 =	vld [tilespmem:s21+$0xFFFFFFD0];
	[tilespmem:s11+$0xFFFFFFE0] =	vst v6;
	v4 =	vmul.f32 v4, v0  }
.Ltmp12:
0x197: {  	v10 =	vmov s16;
	v6 =	vld [tilespmem:s21+$0xFFFFFFE0];
	[tilespmem:s11+$0x0] =	vst v3;
	v2 =	vmul.f32 v2, v0;
	(pc) =	sbr.rel @p0 .LBB2_28-.Ltmp12, $4  }
0x198: {  	v10 =	vperm.xlane v1, v10;
	v3 =	vld [tilespmem:s21+$0x0];
	[tilespmem:s11+$0x10] =	vst v4;
	v5 =	vmul.f32 v5, v0  }
0x199: {  	v4 =	vld [tilespmem:s21+$0x10];
	v11 =	vmul.f32 v8, v0;
	[tilespmem:s11+$0x20] =	vst v2  }
0x19a: {  	v0 =	vmov v10;
	v8 =	vmul.f32 v9, v10;
	v2 =	vld [tilespmem:s21+$0x20];
	[tilespmem:s11+$0x30] =	vst v5  }
0x19b: {  	s16 =	sadd.s32 $0x1, s16;
	v7 =	vmul.f32 v7, v0;
	v5 =	vld [tilespmem:s21+$0x30];
	[tilespmem:s11+$0xFFFFFFF0] =	vst v11;
	s11 =	smov.u32 s21  }
0x19c: {  	[tilespmem:s11+$0xFFFFFFC0] =	vst v8;
	v1 =	vmul.f32 v6, v0;
	v60 =	vld [tilespmem:s11+$0xFFFFFFF0]  }
0x19d: {  	s13 =	sadd.s32 $0x1, s13;
	[tilespmem:s11+$0xFFFFFFD0] =	vst v7;
	v3 =	vmul.f32 v3, v0  }
0x19e: {  	p0 =	sne.s32 s13, $0x8;
	[tilespmem:s11+$0xFFFFFFE0] =	vst v1;
	v61 =	vmul.f32 v4, v0  }
.Ltmp13:
0x19f: {  	[tilespmem:s11+$0x0] =	vst v3;
	v2 =	vmul.f32 v2, v0;
	(pc) =	sbr.rel @p0 .LBB2_27-.Ltmp13, $4  }
0x1a0: {  	[tilespmem:s11+$0x10] =	vst v61;
	v62 =	vmul.f32 v5, v0  }
0x1a1: {  	v63 =	vmul.f32 v60, v0;
	[tilespmem:s11+$0x20] =	vst v2  }
0x1a2: {  	[tilespmem:s11+$0x30] =	vst v62  }
0x1a3: {  	s8 =	sadd.s32 $0x800, s8;
	[tilespmem:s11+$0xFFFFFFF0] =	vst v63  }
0x1a4: {  	s29 =	simm.s32 $0x0  }
0x1a5: {  	[spmem:s4] =	stream.indirect.scatter.add.f32 [tilespmem:s29], [sflag:$0x2], $0x80, s19, s15, $0xb8;
	[tilespmem:$0x1C800] =	vst v63  }
0x1a6: {  	_ =	swait.ge [sflag:s17], $0x4000  }
0x1a7: {  	[sflag:s17] =	ssyncset.done $0x0  }
0x1a8: {  	[sflag:s17] =	ssyncadd.s32 $0xFFFFC000  }
0x1a9: {  	s8 =	sadd.s32 s20, s23;
	_ =	swait.ge [sflag:s25], $0x4000  }
0x1aa: {  	s8 =	sshrl.u32 s8, $0x3;
	[sflag:s25] =	ssyncset.done $0x0  }
0x1ab: {  	s11 =	sadd.s32 s6, s8;
	[sflag:s25] =	ssyncadd.s32 $0xFFFFC000  }
0x1ac: {  	[tilespmem:s9], [sflag:$0x5] =	stream.linear.gather [hbm4b:s11+s29], $0x80, $0x38;
	[tilespmem:$0x1C800] =	vst v63  }
0x1ad: {  	s20 =	sadd.s32 s7, s8  }
0x1ae: {  	[tilespmem:s12], [sflag:$0x5] =	stream.linear.gather [hbm4b:s20+s29], $0x80, $0x38;
	[tilespmem:$0x1C800] =	vst v63  }
0x1af: {  	s21 =	simm.s32 $0x8480;
	s8 =	sadd.s32 s3, s8  }
0x1b0: {  	[tilespmem:s21], [sflag:$0x5] =	stream.linear.gather [hbm4b:s8+s29], $0x80, $0x38;
	[tilespmem:$0x1C800] =	vst v63  }
0x1b1: {  	_ =	swait.ge [sflag:s14], $0x80  }
0x1b2: {  	[sflag:s14] =	ssyncset.done $0x0  }
0x1b3: {  	[sflag:s14] =	ssyncadd.s32 $0xFFFFFF80  }
0x1b4: {  	_ =	swait.ge [sflag:s14], $0x80  }
0x1b5: {  	[sflag:s14] =	ssyncset.done $0x0  }
0x1b6: {  	[sflag:s14] =	ssyncadd.s32 $0xFFFFFF80  }
0x1b7: {  	_ =	swait.ge [sflag:s14], $0x80  }
0x1b8: {  	[sflag:s14] =	ssyncset.done $0x0  }
0x1b9: {  	s13 =	simm.s32 $0x0;
	s8 =	simm.s32 $0x4040;
	[sflag:s14] =	ssyncadd.s32 $0xFFFFFF80  }
0x1ba: {  	[tilespmem:s29], [sflag:$0x1] =	stream.indirect.gather [hbm4b:s0+s15], $0x80, s2, s15, $0xb8;
	[tilespmem:$0x1C800] =	vst v63  }
.LBB2_31:
0x1bb: {  	s11 =	sshll.u32 s13, $0x4  }
0x1bc: {  	v1 =	vld [tilespmem:s11+$0x8580];
	_ =	sdelay $0x1  }
0x1bd: {  	v5 =	vld [tilespmem:s8+$0xFFFFFFC0]  }
0x1be: {  	v7 =	vld [tilespmem:s8+$0xFFFFFFD0]  }
0x1bf: {  	v6 =	vld [tilespmem:s8+$0xFFFFFFE0];
	v0 =	vmov s29  }
0x1c0: {  	v3 =	vld [tilespmem:s8+$0x0];
	v0 =	vperm.xlane v1, v0  }
0x1c1: {  	v4 =	vld [tilespmem:s8+$0x10]  }
0x1c2: {  	v2 =	vld [tilespmem:s8+$0x20];
	v8 =	vmul.f32 v5, v0  }
0x1c3: {  	s16 =	simm.s32 $0x1;
	s20 =	smov.u32 s8;
	s11 =	smov.u32 s8;
	v7 =	vmul.f32 v7, v0;
	v5 =	vld [tilespmem:s8+$0x30]  }
.LBB2_32:
0x1c4: {  	p0 =	sne.s32 s16, $0xF;
	[tilespmem:s11+$0xFFFFFFC0] =	vst v8;
	v6 =	vmul.f32 v6, v0;
	v8 =	vld [tilespmem:s11+$0xFFFFFFF0];
	s20 =	sadd.s32 $0x80, s20  }
0x1c5: {  	v9 =	vld [tilespmem:s20+$0xFFFFFFC0];
	[tilespmem:s11+$0xFFFFFFD0] =	vst v7;
	v3 =	vmul.f32 v3, v0  }
0x1c6: {  	v7 =	vld [tilespmem:s20+$0xFFFFFFD0];
	[tilespmem:s11+$0xFFFFFFE0] =	vst v6;
	v4 =	vmul.f32 v4, v0  }
.Ltmp14:
0x1c7: {  	v10 =	vmov s16;
	v6 =	vld [tilespmem:s20+$0xFFFFFFE0];
	[tilespmem:s11+$0x0] =	vst v3;
	v2 =	vmul.f32 v2, v0;
	(pc) =	sbr.rel @p0 .LBB2_32-.Ltmp14, $4  }
0x1c8: {  	v10 =	vperm.xlane v1, v10;
	v3 =	vld [tilespmem:s20+$0x0];
	[tilespmem:s11+$0x10] =	vst v4;
	v5 =	vmul.f32 v5, v0  }
0x1c9: {  	v4 =	vld [tilespmem:s20+$0x10];
	v11 =	vmul.f32 v8, v0;
	[tilespmem:s11+$0x20] =	vst v2  }
0x1ca: {  	v0 =	vmov v10;
	v8 =	vmul.f32 v9, v10;
	v2 =	vld [tilespmem:s20+$0x20];
	[tilespmem:s11+$0x30] =	vst v5  }
0x1cb: {  	s16 =	sadd.s32 $0x1, s16;
	v7 =	vmul.f32 v7, v0;
	v5 =	vld [tilespmem:s20+$0x30];
	[tilespmem:s11+$0xFFFFFFF0] =	vst v11;
	s11 =	smov.u32 s20  }
0x1cc: {  	[tilespmem:s11+$0xFFFFFFC0] =	vst v8;
	v1 =	vmul.f32 v6, v0;
	v60 =	vld [tilespmem:s11+$0xFFFFFFF0]  }
0x1cd: {  	s13 =	sadd.s32 $0x1, s13;
	[tilespmem:s11+$0xFFFFFFD0] =	vst v7;
	v3 =	vmul.f32 v3, v0  }
0x1ce: {  	p0 =	sne.s32 s13, $0x8;
	[tilespmem:s11+$0xFFFFFFE0] =	vst v1;
	v61 =	vmul.f32 v4, v0  }
.Ltmp15:
0x1cf: {  	[tilespmem:s11+$0x0] =	vst v3;
	v2 =	vmul.f32 v2, v0;
	(pc) =	sbr.rel @p0 .LBB2_31-.Ltmp15, $4  }
0x1d0: {  	[tilespmem:s11+$0x10] =	vst v61;
	v62 =	vmul.f32 v5, v0  }
0x1d1: {  	v63 =	vmul.f32 v60, v0;
	[tilespmem:s11+$0x20] =	vst v2  }
0x1d2: {  	[tilespmem:s11+$0x30] =	vst v62  }
0x1d3: {  	s8 =	sadd.s32 $0x800, s8;
	[tilespmem:s11+$0xFFFFFFF0] =	vst v63  }
0x1d4: {  	s31 =	sadd.s32 $0x1, s31  }
0x1d5: {  	p0 =	sne.s32 s31, $0x12  }
.Ltmp16:
0x1d6: {  	_ = 	snop;
	(pc) =	sbr.rel @p0 .LBB2_18-.Ltmp16, $2  }
0x1d7: {  	_ =	sdelay $0x2  }
0x1d8: {  	[spmem:s4] =	stream.indirect.scatter.add.f32 [tilespmem:s24], [sflag:$0x3], $0x80, s28, s15, $0xb8;
	[tilespmem:$0x1C800] =	vst v63  }
0x1d9: {  	_ =	swait.ge [sflag:s17], $0x4000  }
0x1da: {  	[sflag:s17] =	ssyncset.done $0x0  }
0x1db: {  	[sflag:s17] =	ssyncadd.s32 $0xFFFFC000  }
0x1dc: {  	_ =	swait.ge [sflag:s10], $0x4000  }
0x1dd: {  	[sflag:s10] =	ssyncset.done $0x0  }
0x1de: {  	s20 =	simm.s32 $0x0;
	s8 =	rddreg [dreg:$0x1b];
	[sflag:s10] =	ssyncadd.s32 $0xFFFFC000  }
0x1df: {  	[tilespmem:s18], [sflag:$0x6] =	stream.linear.gather [hbm4b:s8+s20], $0x80, $0x38;
	[tilespmem:$0x1C800] =	vst v63  }
0x1e0: {  	s16 =	rddreg [dreg:$0x1c]  }
0x1e1: {  	[tilespmem:s19], [sflag:$0x6] =	stream.linear.gather [hbm4b:s16+s20], $0x80, $0x38;
	[tilespmem:$0x1C800] =	vst v63  }
0x1e2: {  	s11 =	simm.s32 $0x8500;
	s21 =	rddreg [dreg:$0x1d]  }
0x1e3: {  	[tilespmem:s11], [sflag:$0x6] =	stream.linear.gather [hbm4b:s21+s20], $0x80, $0x38;
	[tilespmem:$0x1C800] =	vst v63  }
0x1e4: {  	_ =	swait.ge [sflag:s22], $0x80  }
0x1e5: {  	[sflag:s22] =	ssyncset.done $0x0  }
0x1e6: {  	[sflag:s22] =	ssyncadd.s32 $0xFFFFFF80  }
0x1e7: {  	_ =	swait.ge [sflag:s22], $0x80  }
0x1e8: {  	[sflag:s22] =	ssyncset.done $0x0  }
0x1e9: {  	[sflag:s22] =	ssyncadd.s32 $0xFFFFFF80  }
0x1ea: {  	_ =	swait.ge [sflag:s22], $0x80  }
0x1eb: {  	s13 =	simm.s32 $0x0;
	s29 =	simm.s32 $0x10;
	[sflag:s22] =	ssyncset.done $0x0  }
0x1ec: {  	s31 =	simm.s32 $0x8780;
	s8 =	simm.s32 $0x40;
	[sflag:s22] =	ssyncadd.s32 $0xFFFFFF80  }
0x1ed: {  	[tilespmem:s24], [sflag:$0x1] =	stream.indirect.gather [hbm4b:s0+s15], $0x80, s9, s15, $0xb8;
	[tilespmem:$0x1C800] =	vst v63  }
.LBB2_36:
0x1ee: {  	s11 =	sshll.u32 s13, $0x4  }
0x1ef: {  	v1 =	vld [tilespmem:s11+$0x8400];
	_ =	sdelay $0x1  }
0x1f0: {  	v5 =	vld [tilespmem:s8+$0xFFFFFFC0]  }
0x1f1: {  	v7 =	vld [tilespmem:s8+$0xFFFFFFD0]  }
0x1f2: {  	v6 =	vld [tilespmem:s8+$0xFFFFFFE0];
	v0 =	vmov s20  }
0x1f3: {  	v3 =	vld [tilespmem:s8+$0x0];
	v0 =	vperm.xlane v1, v0  }
0x1f4: {  	v4 =	vld [tilespmem:s8+$0x10]  }
0x1f5: {  	v2 =	vld [tilespmem:s8+$0x20];
	v8 =	vmul.f32 v5, v0  }
0x1f6: {  	s16 =	simm.s32 $0x1;
	s21 =	smov.u32 s8;
	s11 =	smov.u32 s8;
	v7 =	vmul.f32 v7, v0;
	v5 =	vld [tilespmem:s8+$0x30]  }
.LBB2_37:
0x1f7: {  	p0 =	sne.s32 s16, $0xF;
	[tilespmem:s11+$0xFFFFFFC0] =	vst v8;
	v6 =	vmul.f32 v6, v0;
	v8 =	vld [tilespmem:s11+$0xFFFFFFF0];
	s21 =	sadd.s32 $0x80, s21  }
0x1f8: {  	v9 =	vld [tilespmem:s21+$0xFFFFFFC0];
	[tilespmem:s11+$0xFFFFFFD0] =	vst v7;
	v3 =	vmul.f32 v3, v0  }
0x1f9: {  	v7 =	vld [tilespmem:s21+$0xFFFFFFD0];
	[tilespmem:s11+$0xFFFFFFE0] =	vst v6;
	v4 =	vmul.f32 v4, v0  }
.Ltmp17:
0x1fa: {  	v10 =	vmov s16;
	v6 =	vld [tilespmem:s21+$0xFFFFFFE0];
	[tilespmem:s11+$0x0] =	vst v3;
	v2 =	vmul.f32 v2, v0;
	(pc) =	sbr.rel @p0 .LBB2_37-.Ltmp17, $4  }
0x1fb: {  	v10 =	vperm.xlane v1, v10;
	v3 =	vld [tilespmem:s21+$0x0];
	[tilespmem:s11+$0x10] =	vst v4;
	v5 =	vmul.f32 v5, v0  }
0x1fc: {  	v4 =	vld [tilespmem:s21+$0x10];
	v11 =	vmul.f32 v8, v0;
	[tilespmem:s11+$0x20] =	vst v2  }
0x1fd: {  	v0 =	vmov v10;
	v8 =	vmul.f32 v9, v10;
	v2 =	vld [tilespmem:s21+$0x20];
	[tilespmem:s11+$0x30] =	vst v5  }
0x1fe: {  	s16 =	sadd.s32 $0x1, s16;
	v7 =	vmul.f32 v7, v0;
	v5 =	vld [tilespmem:s21+$0x30];
	[tilespmem:s11+$0xFFFFFFF0] =	vst v11;
	s11 =	smov.u32 s21  }
0x1ff: {  	[tilespmem:s11+$0xFFFFFFC0] =	vst v8;
	v1 =	vmul.f32 v6, v0;
	v60 =	vld [tilespmem:s11+$0xFFFFFFF0]  }
0x200: {  	s13 =	sadd.s32 $0x1, s13;
	[tilespmem:s11+$0xFFFFFFD0] =	vst v7;
	v3 =	vmul.f32 v3, v0  }
0x201: {  	p0 =	sne.s32 s13, $0x8;
	[tilespmem:s11+$0xFFFFFFE0] =	vst v1;
	v61 =	vmul.f32 v4, v0  }
.Ltmp18:
0x202: {  	[tilespmem:s11+$0x0] =	vst v3;
	v2 =	vmul.f32 v2, v0;
	(pc) =	sbr.rel @p0 .LBB2_36-.Ltmp18, $4  }
0x203: {  	[tilespmem:s11+$0x10] =	vst v61;
	v62 =	vmul.f32 v5, v0  }
0x204: {  	v63 =	vmul.f32 v60, v0;
	[tilespmem:s11+$0x20] =	vst v2  }
0x205: {  	[tilespmem:s11+$0x30] =	vst v62  }
0x206: {  	s8 =	sadd.s32 $0x800, s8;
	[tilespmem:s11+$0xFFFFFFF0] =	vst v63  }
0x207: {  	s20 =	simm.s32 $0x0  }
0x208: {  	[spmem:s4] =	stream.indirect.scatter.add.f32 [tilespmem:s20], [sflag:$0x2], $0x80, s1, s15, $0xb8;
	[tilespmem:$0x1C800] =	vst v63  }
0x209: {  	_ =	swait.ge [sflag:s17], $0x4000  }
0x20a: {  	[sflag:s17] =	ssyncset.done $0x0  }
0x20b: {  	[sflag:s17] =	ssyncadd.s32 $0xFFFFC000  }
0x20c: {  	_ =	swait.ge [sflag:s25], $0x4000  }
0x20d: {  	[sflag:s25] =	ssyncset.done $0x0;
	s8 =	rddreg [dreg:$0x1e]  }
0x20e: {  	s16 =	rddreg [dreg:$0x1f];
	[sflag:s25] =	ssyncadd.s32 $0xFFFFC000  }
0x20f: {  	[tilespmem:s26], [sflag:$0x7] =	stream.linear.gather [hbm4b:s8+s20], $0x80, $0x38;
	[tilespmem:$0x1C800] =	vst v63  }
0x210: {  	s21 =	sld [smem:$0x7EF]  }
0x211: {  	[tilespmem:s28], [sflag:$0x7] =	stream.linear.gather [hbm4b:s16+s20], $0x80, $0x38;
	[tilespmem:$0x1C800] =	vst v63  }
0x212: {  	s11 =	simm.s32 $0x8580  }
0x213: {  	[tilespmem:s11], [sflag:$0x7] =	stream.linear.gather [hbm4b:s21+s20], $0x80, $0x38;
	[tilespmem:$0x1C800] =	vst v63  }
0x214: {  	_ =	swait.ge [sflag:s30], $0x80  }
0x215: {  	[sflag:s30] =	ssyncset.done $0x0  }
0x216: {  	[sflag:s30] =	ssyncadd.s32 $0xFFFFFF80  }
0x217: {  	_ =	swait.ge [sflag:s30], $0x80  }
0x218: {  	[sflag:s30] =	ssyncset.done $0x0  }
0x219: {  	[sflag:s30] =	ssyncadd.s32 $0xFFFFFF80  }
0x21a: {  	_ =	swait.ge [sflag:s30], $0x80  }
0x21b: {  	[sflag:s30] =	ssyncset.done $0x0  }
0x21c: {  	s13 =	simm.s32 $0x0;
	s8 =	simm.s32 $0x4040;
	[sflag:s30] =	ssyncadd.s32 $0xFFFFFF80  }
0x21d: {  	[tilespmem:s20], [sflag:$0x1] =	stream.indirect.gather [hbm4b:s0+s15], $0x80, s18, s15, $0xb8;
	[tilespmem:$0x1C800] =	vst v63  }
.LBB2_40:
0x21e: {  	s11 =	sshll.u32 s13, $0x4  }
0x21f: {  	v1 =	vld [tilespmem:s11+$0x8480];
	_ =	sdelay $0x1  }
0x220: {  	v5 =	vld [tilespmem:s8+$0xFFFFFFC0]  }
0x221: {  	v7 =	vld [tilespmem:s8+$0xFFFFFFD0]  }
0x222: {  	v6 =	vld [tilespmem:s8+$0xFFFFFFE0];
	v0 =	vmov s20  }
0x223: {  	v3 =	vld [tilespmem:s8+$0x0];
	v0 =	vperm.xlane v1, v0  }
0x224: {  	v4 =	vld [tilespmem:s8+$0x10]  }
0x225: {  	v2 =	vld [tilespmem:s8+$0x20];
	v8 =	vmul.f32 v5, v0  }
0x226: {  	s16 =	simm.s32 $0x1;
	s21 =	smov.u32 s8;
	s11 =	smov.u32 s8;
	v7 =	vmul.f32 v7, v0;
	v5 =	vld [tilespmem:s8+$0x30]  }
.LBB2_41:
0x227: {  	p0 =	sne.s32 s16, $0xF;
	[tilespmem:s11+$0xFFFFFFC0] =	vst v8;
	v6 =	vmul.f32 v6, v0;
	v8 =	vld [tilespmem:s11+$0xFFFFFFF0];
	s21 =	sadd.s32 $0x80, s21  }
0x228: {  	v9 =	vld [tilespmem:s21+$0xFFFFFFC0];
	[tilespmem:s11+$0xFFFFFFD0] =	vst v7;
	v3 =	vmul.f32 v3, v0  }
0x229: {  	v7 =	vld [tilespmem:s21+$0xFFFFFFD0];
	[tilespmem:s11+$0xFFFFFFE0] =	vst v6;
	v4 =	vmul.f32 v4, v0  }
.Ltmp19:
0x22a: {  	v10 =	vmov s16;
	v6 =	vld [tilespmem:s21+$0xFFFFFFE0];
	[tilespmem:s11+$0x0] =	vst v3;
	v2 =	vmul.f32 v2, v0;
	(pc) =	sbr.rel @p0 .LBB2_41-.Ltmp19, $4  }
0x22b: {  	v10 =	vperm.xlane v1, v10;
	v3 =	vld [tilespmem:s21+$0x0];
	[tilespmem:s11+$0x10] =	vst v4;
	v5 =	vmul.f32 v5, v0  }
0x22c: {  	v4 =	vld [tilespmem:s21+$0x10];
	v11 =	vmul.f32 v8, v0;
	[tilespmem:s11+$0x20] =	vst v2  }
0x22d: {  	v0 =	vmov v10;
	v8 =	vmul.f32 v9, v10;
	v2 =	vld [tilespmem:s21+$0x20];
	[tilespmem:s11+$0x30] =	vst v5  }
0x22e: {  	s16 =	sadd.s32 $0x1, s16;
	v7 =	vmul.f32 v7, v0;
	v5 =	vld [tilespmem:s21+$0x30];
	[tilespmem:s11+$0xFFFFFFF0] =	vst v11;
	s11 =	smov.u32 s21  }
0x22f: {  	[tilespmem:s11+$0xFFFFFFC0] =	vst v8;
	v1 =	vmul.f32 v6, v0;
	v60 =	vld [tilespmem:s11+$0xFFFFFFF0]  }
0x230: {  	s13 =	sadd.s32 $0x1, s13;
	[tilespmem:s11+$0xFFFFFFD0] =	vst v7;
	v3 =	vmul.f32 v3, v0  }
0x231: {  	p0 =	sne.s32 s13, $0x8;
	[tilespmem:s11+$0xFFFFFFE0] =	vst v1;
	v61 =	vmul.f32 v4, v0  }
.Ltmp20:
0x232: {  	[tilespmem:s11+$0x0] =	vst v3;
	v2 =	vmul.f32 v2, v0;
	(pc) =	sbr.rel @p0 .LBB2_40-.Ltmp20, $4  }
0x233: {  	[tilespmem:s11+$0x10] =	vst v61;
	v62 =	vmul.f32 v5, v0  }
0x234: {  	v63 =	vmul.f32 v60, v0;
	[tilespmem:s11+$0x20] =	vst v2  }
0x235: {  	[tilespmem:s11+$0x30] =	vst v62  }
0x236: {  	s8 =	sadd.s32 $0x800, s8;
	[tilespmem:s11+$0xFFFFFFF0] =	vst v63  }
0x237: {  	[spmem:s4] =	stream.indirect.scatter.add.f32 [tilespmem:s24], [sflag:$0x3], $0x80, s12, s15, $0xb8;
	[tilespmem:$0x1C800] =	vst v63  }
0x238: {  	_ =	swait.ge [sflag:s17], $0x4000  }
0x239: {  	[sflag:s17] =	ssyncset.done $0x0  }
0x23a: {  	[sflag:s17] =	ssyncadd.s32 $0xFFFFC000  }
0x23b: {  	_ =	swait.ge [sflag:s10], $0x4000  }
0x23c: {  	s8 =	sld [smem:$0x7F0]  }
0x23d: {  	[sflag:s10] =	ssyncset.done $0x0  }
0x23e: {  	s20 =	simm.s32 $0x0;
	s16 =	sld [smem:$0x7F1];
	[sflag:s10] =	ssyncadd.s32 $0xFFFFC000  }
0x23f: {  	[tilespmem:s2], [sflag:$0x4] =	stream.linear.gather [hbm4b:s8+s20], $0x80, $0x38;
	[tilespmem:$0x1C800] =	vst v63  }
0x240: {  	s21 =	sld [smem:$0x7F2]  }
0x241: {  	[tilespmem:s1], [sflag:$0x4] =	stream.linear.gather [hbm4b:s16+s20], $0x80, $0x38;
	[tilespmem:$0x1C800] =	vst v63  }
0x242: {  	s11 =	simm.s32 $0x8400  }
0x243: {  	[tilespmem:s11], [sflag:$0x4] =	stream.linear.gather [hbm4b:s21+s20], $0x80, $0x38;
	[tilespmem:$0x1C800] =	vst v63  }
0x244: {  	_ =	swait.ge [sflag:s5], $0x80  }
0x245: {  	[sflag:s5] =	ssyncset.done $0x0  }
0x246: {  	[sflag:s5] =	ssyncadd.s32 $0xFFFFFF80  }
0x247: {  	_ =	swait.ge [sflag:s5], $0x80  }
0x248: {  	[sflag:s5] =	ssyncset.done $0x0  }
0x249: {  	[sflag:s5] =	ssyncadd.s32 $0xFFFFFF80  }
0x24a: {  	_ =	swait.ge [sflag:s5], $0x80  }
0x24b: {  	[sflag:s5] =	ssyncset.done $0x0  }
0x24c: {  	s13 =	simm.s32 $0x0;
	s8 =	simm.s32 $0x40;
	[sflag:s5] =	ssyncadd.s32 $0xFFFFFF80  }
0x24d: {  	[tilespmem:s24], [sflag:$0x1] =	stream.indirect.gather [hbm4b:s0+s15], $0x80, s26, s15, $0xb8;
	[tilespmem:$0x1C800] =	vst v63  }
.LBB2_44:
0x24e: {  	s11 =	sshll.u32 s13, $0x4  }
0x24f: {  	v1 =	vld [tilespmem:s11+$0x8500];
	_ =	sdelay $0x1  }
0x250: {  	v5 =	vld [tilespmem:s8+$0xFFFFFFC0]  }
0x251: {  	v7 =	vld [tilespmem:s8+$0xFFFFFFD0]  }
0x252: {  	v6 =	vld [tilespmem:s8+$0xFFFFFFE0];
	v0 =	vmov s20  }
0x253: {  	v3 =	vld [tilespmem:s8+$0x0];
	v0 =	vperm.xlane v1, v0  }
0x254: {  	v4 =	vld [tilespmem:s8+$0x10]  }
0x255: {  	v2 =	vld [tilespmem:s8+$0x20];
	v8 =	vmul.f32 v5, v0  }
0x256: {  	s16 =	simm.s32 $0x1;
	s21 =	smov.u32 s8;
	s11 =	smov.u32 s8;
	v7 =	vmul.f32 v7, v0;
	v5 =	vld [tilespmem:s8+$0x30]  }
.LBB2_45:
0x257: {  	p0 =	sne.s32 s16, $0xF;
	[tilespmem:s11+$0xFFFFFFC0] =	vst v8;
	v6 =	vmul.f32 v6, v0;
	v8 =	vld [tilespmem:s11+$0xFFFFFFF0];
	s21 =	sadd.s32 $0x80, s21  }
0x258: {  	v9 =	vld [tilespmem:s21+$0xFFFFFFC0];
	[tilespmem:s11+$0xFFFFFFD0] =	vst v7;
	v3 =	vmul.f32 v3, v0  }
0x259: {  	v7 =	vld [tilespmem:s21+$0xFFFFFFD0];
	[tilespmem:s11+$0xFFFFFFE0] =	vst v6;
	v4 =	vmul.f32 v4, v0  }
.Ltmp21:
0x25a: {  	v10 =	vmov s16;
	v6 =	vld [tilespmem:s21+$0xFFFFFFE0];
	[tilespmem:s11+$0x0] =	vst v3;
	v2 =	vmul.f32 v2, v0;
	(pc) =	sbr.rel @p0 .LBB2_45-.Ltmp21, $4  }
0x25b: {  	v10 =	vperm.xlane v1, v10;
	v3 =	vld [tilespmem:s21+$0x0];
	[tilespmem:s11+$0x10] =	vst v4;
	v5 =	vmul.f32 v5, v0  }
0x25c: {  	v4 =	vld [tilespmem:s21+$0x10];
	v11 =	vmul.f32 v8, v0;
	[tilespmem:s11+$0x20] =	vst v2  }
0x25d: {  	v0 =	vmov v10;
	v8 =	vmul.f32 v9, v10;
	v2 =	vld [tilespmem:s21+$0x20];
	[tilespmem:s11+$0x30] =	vst v5  }
0x25e: {  	s16 =	sadd.s32 $0x1, s16;
	v7 =	vmul.f32 v7, v0;
	v5 =	vld [tilespmem:s21+$0x30];
	[tilespmem:s11+$0xFFFFFFF0] =	vst v11;
	s11 =	smov.u32 s21  }
0x25f: {  	[tilespmem:s11+$0xFFFFFFC0] =	vst v8;
	v1 =	vmul.f32 v6, v0;
	v60 =	vld [tilespmem:s11+$0xFFFFFFF0]  }
0x260: {  	s13 =	sadd.s32 $0x1, s13;
	[tilespmem:s11+$0xFFFFFFD0] =	vst v7;
	v3 =	vmul.f32 v3, v0  }
0x261: {  	p0 =	sne.s32 s13, $0x8;
	[tilespmem:s11+$0xFFFFFFE0] =	vst v1;
	v61 =	vmul.f32 v4, v0  }
.Ltmp22:
0x262: {  	[tilespmem:s11+$0x0] =	vst v3;
	v2 =	vmul.f32 v2, v0;
	(pc) =	sbr.rel @p0 .LBB2_44-.Ltmp22, $4  }
0x263: {  	[tilespmem:s11+$0x10] =	vst v61;
	v62 =	vmul.f32 v5, v0  }
0x264: {  	v63 =	vmul.f32 v60, v0;
	[tilespmem:s11+$0x20] =	vst v2  }
0x265: {  	[tilespmem:s11+$0x30] =	vst v62  }
0x266: {  	s8 =	sadd.s32 $0x800, s8;
	[tilespmem:s11+$0xFFFFFFF0] =	vst v63  }
0x267: {  	s20 =	simm.s32 $0x0  }
0x268: {  	[spmem:s4] =	stream.indirect.scatter.add.f32 [tilespmem:s20], [sflag:$0x2], $0x80, s19, s15, $0xb8;
	[tilespmem:$0x1C800] =	vst v63  }
0x269: {  	_ =	swait.ge [sflag:s17], $0x4000  }
0x26a: {  	[sflag:s17] =	ssyncset.done $0x0  }
0x26b: {  	[sflag:s17] =	ssyncadd.s32 $0xFFFFC000  }
0x26c: {  	_ =	swait.ge [sflag:s25], $0x4000  }
0x26d: {  	s8 =	sld [smem:$0x7F3]  }
0x26e: {  	[sflag:s25] =	ssyncset.done $0x0  }
0x26f: {  	s16 =	sld [smem:$0x7F4];
	[sflag:s25] =	ssyncadd.s32 $0xFFFFC000  }
0x270: {  	[tilespmem:s9], [sflag:$0x5] =	stream.linear.gather [hbm4b:s8+s20], $0x80, $0x38;
	[tilespmem:$0x1C800] =	vst v63  }
0x271: {  	s21 =	sld [smem:$0x7F5]  }
0x272: {  	[tilespmem:s12], [sflag:$0x5] =	stream.linear.gather [hbm4b:s16+s20], $0x80, $0x38;
	[tilespmem:$0x1C800] =	vst v63  }
0x273: {  	s11 =	simm.s32 $0x8480  }
0x274: {  	[tilespmem:s11], [sflag:$0x5] =	stream.linear.gather [hbm4b:s21+s20], $0x80, $0x38;
	[tilespmem:$0x1C800] =	vst v63  }
0x275: {  	_ =	swait.ge [sflag:s14], $0x80  }
0x276: {  	[sflag:s14] =	ssyncset.done $0x0  }
0x277: {  	[sflag:s14] =	ssyncadd.s32 $0xFFFFFF80  }
0x278: {  	_ =	swait.ge [sflag:s14], $0x80  }
0x279: {  	[sflag:s14] =	ssyncset.done $0x0  }
0x27a: {  	[sflag:s14] =	ssyncadd.s32 $0xFFFFFF80  }
0x27b: {  	_ =	swait.ge [sflag:s14], $0x80  }
0x27c: {  	[sflag:s14] =	ssyncset.done $0x0  }
0x27d: {  	s13 =	simm.s32 $0x0;
	s8 =	simm.s32 $0x4040;
	[sflag:s14] =	ssyncadd.s32 $0xFFFFFF80  }
0x27e: {  	[tilespmem:s20], [sflag:$0x1] =	stream.indirect.gather [hbm4b:s0+s15], $0x80, s2, s15, $0xb8;
	[tilespmem:$0x1C800] =	vst v63  }
.LBB2_48:
0x27f: {  	s11 =	sshll.u32 s13, $0x4  }
0x280: {  	v1 =	vld [tilespmem:s11+$0x8580];
	_ =	sdelay $0x1  }
0x281: {  	v5 =	vld [tilespmem:s8+$0xFFFFFFC0]  }
0x282: {  	v7 =	vld [tilespmem:s8+$0xFFFFFFD0]  }
0x283: {  	v6 =	vld [tilespmem:s8+$0xFFFFFFE0];
	v0 =	vmov s20  }
0x284: {  	v3 =	vld [tilespmem:s8+$0x0];
	v0 =	vperm.xlane v1, v0  }
0x285: {  	v4 =	vld [tilespmem:s8+$0x10]  }
0x286: {  	v2 =	vld [tilespmem:s8+$0x20];
	v8 =	vmul.f32 v5, v0  }
0x287: {  	s16 =	simm.s32 $0x1;
	s21 =	smov.u32 s8;
	s11 =	smov.u32 s8;
	v7 =	vmul.f32 v7, v0;
	v5 =	vld [tilespmem:s8+$0x30]  }
.LBB2_49:
0x288: {  	p0 =	sne.s32 s16, $0xF;
	[tilespmem:s11+$0xFFFFFFC0] =	vst v8;
	v6 =	vmul.f32 v6, v0;
	v8 =	vld [tilespmem:s11+$0xFFFFFFF0];
	s21 =	sadd.s32 $0x80, s21  }
0x289: {  	v9 =	vld [tilespmem:s21+$0xFFFFFFC0];
	[tilespmem:s11+$0xFFFFFFD0] =	vst v7;
	v3 =	vmul.f32 v3, v0  }
0x28a: {  	v7 =	vld [tilespmem:s21+$0xFFFFFFD0];
	[tilespmem:s11+$0xFFFFFFE0] =	vst v6;
	v4 =	vmul.f32 v4, v0  }
.Ltmp23:
0x28b: {  	v10 =	vmov s16;
	v6 =	vld [tilespmem:s21+$0xFFFFFFE0];
	[tilespmem:s11+$0x0] =	vst v3;
	v2 =	vmul.f32 v2, v0;
	(pc) =	sbr.rel @p0 .LBB2_49-.Ltmp23, $4  }
0x28c: {  	v10 =	vperm.xlane v1, v10;
	v3 =	vld [tilespmem:s21+$0x0];
	[tilespmem:s11+$0x10] =	vst v4;
	v5 =	vmul.f32 v5, v0  }
0x28d: {  	v4 =	vld [tilespmem:s21+$0x10];
	v11 =	vmul.f32 v8, v0;
	[tilespmem:s11+$0x20] =	vst v2  }
0x28e: {  	v0 =	vmov v10;
	v8 =	vmul.f32 v9, v10;
	v2 =	vld [tilespmem:s21+$0x20];
	[tilespmem:s11+$0x30] =	vst v5  }
0x28f: {  	s16 =	sadd.s32 $0x1, s16;
	v7 =	vmul.f32 v7, v0;
	v5 =	vld [tilespmem:s21+$0x30];
	[tilespmem:s11+$0xFFFFFFF0] =	vst v11;
	s11 =	smov.u32 s21  }
0x290: {  	[tilespmem:s11+$0xFFFFFFC0] =	vst v8;
	v1 =	vmul.f32 v6, v0;
	v60 =	vld [tilespmem:s11+$0xFFFFFFF0]  }
0x291: {  	s13 =	sadd.s32 $0x1, s13;
	[tilespmem:s11+$0xFFFFFFD0] =	vst v7;
	v3 =	vmul.f32 v3, v0  }
0x292: {  	p0 =	sne.s32 s13, $0x8;
	[tilespmem:s11+$0xFFFFFFE0] =	vst v1;
	v61 =	vmul.f32 v4, v0  }
.Ltmp24:
0x293: {  	[tilespmem:s11+$0x0] =	vst v3;
	v2 =	vmul.f32 v2, v0;
	(pc) =	sbr.rel @p0 .LBB2_48-.Ltmp24, $4  }
0x294: {  	[tilespmem:s11+$0x10] =	vst v61;
	v62 =	vmul.f32 v5, v0  }
0x295: {  	v63 =	vmul.f32 v60, v0;
	[tilespmem:s11+$0x20] =	vst v2  }
0x296: {  	[tilespmem:s11+$0x30] =	vst v62  }
0x297: {  	s8 =	sadd.s32 $0x800, s8;
	[tilespmem:s11+$0xFFFFFFF0] =	vst v63  }
0x298: {  	[spmem:s4] =	stream.indirect.scatter.add.f32 [tilespmem:s24], [sflag:$0x3], $0x80, s28, s15, $0xb8;
	[tilespmem:$0x1C800] =	vst v63  }
0x299: {  	_ =	swait.ge [sflag:s17], $0x4000  }
0x29a: {  	[sflag:s17] =	ssyncset.done $0x0  }
0x29b: {  	[sflag:s17] =	ssyncadd.s32 $0xFFFFC000  }
0x29c: {  	_ =	swait.ge [sflag:s10], $0x4000  }
0x29d: {  	[sflag:s10] =	ssyncset.done $0x0  }
0x29e: {  	[sflag:s10] =	ssyncadd.s32 $0xFFFFC000  }
0x29f: {  	_ =	swait.ge [sflag:s22], $0x80  }
0x2a0: {  	[sflag:s22] =	ssyncset.done $0x0  }
0x2a1: {  	[sflag:s22] =	ssyncadd.s32 $0xFFFFFF80  }
0x2a2: {  	_ =	swait.ge [sflag:s22], $0x80  }
0x2a3: {  	[sflag:s22] =	ssyncset.done $0x0  }
0x2a4: {  	[sflag:s22] =	ssyncadd.s32 $0xFFFFFF80  }
0x2a5: {  	_ =	swait.ge [sflag:s22], $0x80  }
0x2a6: {  	s20 =	simm.s32 $0x0;
	[sflag:s22] =	ssyncset.done $0x0  }
0x2a7: {  	s8 =	simm.s32 $0x40;
	s13 =	simm.s32 $0x0;
	[sflag:s22] =	ssyncadd.s32 $0xFFFFFF80  }
0x2a8: {  	[tilespmem:s24], [sflag:$0x1] =	stream.indirect.gather [hbm4b:s0+s15], $0x80, s9, s15, $0xb8;
	[tilespmem:$0x1C800] =	vst v63  }
.LBB2_52:
0x2a9: {  	s11 =	sshll.u32 s13, $0x4  }
0x2aa: {  	v1 =	vld [tilespmem:s11+$0x8400];
	_ =	sdelay $0x1  }
0x2ab: {  	v5 =	vld [tilespmem:s8+$0xFFFFFFC0]  }
0x2ac: {  	v7 =	vld [tilespmem:s8+$0xFFFFFFD0]  }
0x2ad: {  	v6 =	vld [tilespmem:s8+$0xFFFFFFE0];
	v0 =	vmov s20  }
0x2ae: {  	v3 =	vld [tilespmem:s8+$0x0];
	v0 =	vperm.xlane v1, v0  }
0x2af: {  	v4 =	vld [tilespmem:s8+$0x10]  }
0x2b0: {  	v2 =	vld [tilespmem:s8+$0x20];
	v8 =	vmul.f32 v5, v0  }
0x2b1: {  	s16 =	simm.s32 $0x1;
	s21 =	smov.u32 s8;
	s11 =	smov.u32 s8;
	v7 =	vmul.f32 v7, v0;
	v5 =	vld [tilespmem:s8+$0x30]  }
.LBB2_53:
0x2b2: {  	p0 =	sne.s32 s16, $0xF;
	[tilespmem:s11+$0xFFFFFFC0] =	vst v8;
	v6 =	vmul.f32 v6, v0;
	v8 =	vld [tilespmem:s11+$0xFFFFFFF0];
	s21 =	sadd.s32 $0x80, s21  }
0x2b3: {  	v9 =	vld [tilespmem:s21+$0xFFFFFFC0];
	[tilespmem:s11+$0xFFFFFFD0] =	vst v7;
	v3 =	vmul.f32 v3, v0  }
0x2b4: {  	v7 =	vld [tilespmem:s21+$0xFFFFFFD0];
	[tilespmem:s11+$0xFFFFFFE0] =	vst v6;
	v4 =	vmul.f32 v4, v0  }
.Ltmp25:
0x2b5: {  	v10 =	vmov s16;
	v6 =	vld [tilespmem:s21+$0xFFFFFFE0];
	[tilespmem:s11+$0x0] =	vst v3;
	v2 =	vmul.f32 v2, v0;
	(pc) =	sbr.rel @p0 .LBB2_53-.Ltmp25, $4  }
0x2b6: {  	v10 =	vperm.xlane v1, v10;
	v3 =	vld [tilespmem:s21+$0x0];
	[tilespmem:s11+$0x10] =	vst v4;
	v5 =	vmul.f32 v5, v0  }
0x2b7: {  	v4 =	vld [tilespmem:s21+$0x10];
	v11 =	vmul.f32 v8, v0;
	[tilespmem:s11+$0x20] =	vst v2  }
0x2b8: {  	v0 =	vmov v10;
	v8 =	vmul.f32 v9, v10;
	v2 =	vld [tilespmem:s21+$0x20];
	[tilespmem:s11+$0x30] =	vst v5  }
0x2b9: {  	s16 =	sadd.s32 $0x1, s16;
	v7 =	vmul.f32 v7, v0;
	v5 =	vld [tilespmem:s21+$0x30];
	[tilespmem:s11+$0xFFFFFFF0] =	vst v11;
	s11 =	smov.u32 s21  }
0x2ba: {  	[tilespmem:s11+$0xFFFFFFC0] =	vst v8;
	v1 =	vmul.f32 v6, v0;
	v60 =	vld [tilespmem:s11+$0xFFFFFFF0]  }
0x2bb: {  	s13 =	sadd.s32 $0x1, s13;
	[tilespmem:s11+$0xFFFFFFD0] =	vst v7;
	v3 =	vmul.f32 v3, v0  }
0x2bc: {  	p0 =	sne.s32 s13, $0x8;
	[tilespmem:s11+$0xFFFFFFE0] =	vst v1;
	v61 =	vmul.f32 v4, v0  }
.Ltmp26:
0x2bd: {  	[tilespmem:s11+$0x0] =	vst v3;
	v2 =	vmul.f32 v2, v0;
	(pc) =	sbr.rel @p0 .LBB2_52-.Ltmp26, $4  }
0x2be: {  	[tilespmem:s11+$0x10] =	vst v61;
	v62 =	vmul.f32 v5, v0  }
0x2bf: {  	v63 =	vmul.f32 v60, v0;
	[tilespmem:s11+$0x20] =	vst v2  }
0x2c0: {  	[tilespmem:s11+$0x30] =	vst v62  }
0x2c1: {  	s8 =	sadd.s32 $0x800, s8;
	[tilespmem:s11+$0xFFFFFFF0] =	vst v63  }
0x2c2: {  	s20 =	simm.s32 $0x0  }
0x2c3: {  	[spmem:s4] =	stream.indirect.scatter.add.f32 [tilespmem:s20], [sflag:$0x2], $0x80, s1, s15, $0xb8;
	[tilespmem:$0x1C800] =	vst v63  }
0x2c4: {  	_ =	swait.ge [sflag:s17], $0x4000  }
0x2c5: {  	[sflag:s17] =	ssyncset.done $0x0  }
0x2c6: {  	[sflag:s17] =	ssyncadd.s32 $0xFFFFC000  }
0x2c7: {  	_ =	swait.ge [sflag:s25], $0x4000  }
0x2c8: {  	[sflag:s25] =	ssyncset.done $0x0  }
0x2c9: {  	s8 =	simm.s32 $0x4040;
	s13 =	simm.s32 $0x0;
	[sflag:s25] =	ssyncadd.s32 $0xFFFFC000  }
.LBB2_56:
0x2ca: {  	s11 =	sshll.u32 s13, $0x4  }
0x2cb: {  	v1 =	vld [tilespmem:s11+$0x8480];
	_ =	sdelay $0x1  }
0x2cc: {  	v5 =	vld [tilespmem:s8+$0xFFFFFFC0]  }
0x2cd: {  	v7 =	vld [tilespmem:s8+$0xFFFFFFD0]  }
0x2ce: {  	v6 =	vld [tilespmem:s8+$0xFFFFFFE0];
	v0 =	vmov s20  }
0x2cf: {  	v3 =	vld [tilespmem:s8+$0x0];
	v0 =	vperm.xlane v1, v0  }
0x2d0: {  	v4 =	vld [tilespmem:s8+$0x10]  }
0x2d1: {  	v2 =	vld [tilespmem:s8+$0x20];
	v8 =	vmul.f32 v5, v0  }
0x2d2: {  	s16 =	simm.s32 $0x1;
	s21 =	smov.u32 s8;
	s11 =	smov.u32 s8;
	v7 =	vmul.f32 v7, v0;
	v5 =	vld [tilespmem:s8+$0x30]  }
.LBB2_57:
0x2d3: {  	p0 =	sne.s32 s16, $0xF;
	[tilespmem:s11+$0xFFFFFFC0] =	vst v8;
	v6 =	vmul.f32 v6, v0;
	v8 =	vld [tilespmem:s11+$0xFFFFFFF0];
	s21 =	sadd.s32 $0x80, s21  }
0x2d4: {  	v9 =	vld [tilespmem:s21+$0xFFFFFFC0];
	[tilespmem:s11+$0xFFFFFFD0] =	vst v7;
	v3 =	vmul.f32 v3, v0  }
0x2d5: {  	v7 =	vld [tilespmem:s21+$0xFFFFFFD0];
	[tilespmem:s11+$0xFFFFFFE0] =	vst v6;
	v4 =	vmul.f32 v4, v0  }
.Ltmp27:
0x2d6: {  	v10 =	vmov s16;
	v6 =	vld [tilespmem:s21+$0xFFFFFFE0];
	[tilespmem:s11+$0x0] =	vst v3;
	v2 =	vmul.f32 v2, v0;
	(pc) =	sbr.rel @p0 .LBB2_57-.Ltmp27, $4  }
0x2d7: {  	v10 =	vperm.xlane v1, v10;
	v3 =	vld [tilespmem:s21+$0x0];
	[tilespmem:s11+$0x10] =	vst v4;
	v5 =	vmul.f32 v5, v0  }
0x2d8: {  	v4 =	vld [tilespmem:s21+$0x10];
	v11 =	vmul.f32 v8, v0;
	[tilespmem:s11+$0x20] =	vst v2  }
0x2d9: {  	v0 =	vmov v10;
	v8 =	vmul.f32 v9, v10;
	v2 =	vld [tilespmem:s21+$0x20];
	[tilespmem:s11+$0x30] =	vst v5  }
0x2da: {  	s16 =	sadd.s32 $0x1, s16;
	v7 =	vmul.f32 v7, v0;
	v5 =	vld [tilespmem:s21+$0x30];
	[tilespmem:s11+$0xFFFFFFF0] =	vst v11;
	s11 =	smov.u32 s21  }
0x2db: {  	[tilespmem:s11+$0xFFFFFFC0] =	vst v8;
	v1 =	vmul.f32 v6, v0;
	v60 =	vld [tilespmem:s11+$0xFFFFFFF0]  }
0x2dc: {  	s13 =	sadd.s32 $0x1, s13;
	[tilespmem:s11+$0xFFFFFFD0] =	vst v7;
	v3 =	vmul.f32 v3, v0  }
0x2dd: {  	p0 =	sne.s32 s13, $0x8;
	[tilespmem:s11+$0xFFFFFFE0] =	vst v1;
	v61 =	vmul.f32 v4, v0  }
.Ltmp28:
0x2de: {  	[tilespmem:s11+$0x0] =	vst v3;
	v2 =	vmul.f32 v2, v0;
	(pc) =	sbr.rel @p0 .LBB2_56-.Ltmp28, $4  }
0x2df: {  	[tilespmem:s11+$0x10] =	vst v61;
	v62 =	vmul.f32 v5, v0  }
0x2e0: {  	v63 =	vmul.f32 v60, v0;
	[tilespmem:s11+$0x20] =	vst v2  }
0x2e1: {  	[tilespmem:s11+$0x30] =	vst v62  }
0x2e2: {  	s8 =	sadd.s32 $0x800, s8;
	[tilespmem:s11+$0xFFFFFFF0] =	vst v63  }
0x2e3: {  	[spmem:s4] =	stream.indirect.scatter.add.f32 [tilespmem:s24], [sflag:$0x3], $0x80, s12, s15, $0xb8;
	[tilespmem:$0x1C800] =	vst v63  }
0x2e4: {  	_ =	swait.ge [sflag:s10], $0x4000  }
0x2e5: {  	s8 =	sld [smem:$0x7F9]  }
0x2e6: {  	s11 =	simm.s32 $0x0;
	[sflag:s10] =	ssyncset.done $0x0  }
0x2e7: {  	s13 =	simm.s32 $0x8600;
	s16 =	simm.s32 $0x8;
	[sflag:s10] =	ssyncadd.s32 $0xFFFFC000  }
0x2e8: {  	[tilespmem:s13], [sflag:$0x8] =	stream.linear.gather [hbm4b:s8+s11], $0x10, $0x38;
	[tilespmem:$0x1C800] =	vst v63  }
0x2e9: {  	_ =	swait.ge [sflag:s16], $0x10  }
0x2ea: {  	s21 =	sld [smem:$0x7FA]  }
0x2eb: {  	[sflag:s16] =	ssyncset.done $0x0  }
0x2ec: {  	s20 =	simm.s32 $0x8680;
	[sflag:s16] =	ssyncadd.s32 $0xFFFFFFF0  }
0x2ed: {  	[tilespmem:s20], [sflag:$0x8] =	stream.linear.gather [hbm4b:s21+s11], $0x10, $0x38;
	[tilespmem:$0x1C800] =	vst v63  }
0x2ee: {  	_ =	swait.ge [sflag:s16], $0x10  }
0x2ef: {  	s8 =	sld [smem:$0x7FB]  }
0x2f0: {  	[sflag:s16] =	ssyncset.done $0x0  }
0x2f1: {  	s21 =	simm.s32 $0x8700;
	[sflag:s16] =	ssyncadd.s32 $0xFFFFFFF0  }
0x2f2: {  	[tilespmem:s21], [sflag:$0x8] =	stream.linear.gather [hbm4b:s8+s11], $0x10, $0x38;
	[tilespmem:$0x1C800] =	vst v63  }
0x2f3: {  	_ =	swait.ge [sflag:s16], $0x10  }
0x2f4: {  	[sflag:s16] =	ssyncset.done $0x0  }
0x2f5: {  	[sflag:s16] =	ssyncadd.s32 $0xFFFFFFF0  }
0x2f6: {  	[tilespmem:s31], [sflag:$0x8] =	stream.indirect.gather [hbm4b:s0+s29], $0x80, s13, s29, $0xb8;
	[tilespmem:$0x1C800] =	vst v63  }
0x2f7: {  	_ =	swait.ge [sflag:s16], $0x800  }
0x2f8: {  	[sflag:s16] =	ssyncset.done $0x0  }
0x2f9: {  	[sflag:s16] =	ssyncadd.s32 $0xFFFFF800  }
0x2fa: {  	v1 =	vld [tilespmem:$0x8700]  }
0x2fb: {  	s8 =	simm.s32 $0x87C0  }
0x2fc: {  	v5 =	vld [tilespmem:s8+$0xFFFFFFC0]  }
0x2fd: {  	v7 =	vld [tilespmem:s8+$0xFFFFFFD0]  }
0x2fe: {  	v0 =	vmov s11;
	v6 =	vld [tilespmem:s8+$0xFFFFFFE0]  }
0x2ff: {  	v3 =	vld [tilespmem:s8+$0x0];
	v0 =	vperm.xlane v1, v0  }
0x300: {  	v4 =	vld [tilespmem:s8+$0x10]  }
0x301: {  	v2 =	vld [tilespmem:s8+$0x20];
	v8 =	vmul.f32 v5, v0  }
0x302: {  	s11 =	simm.s32 $0x1;
	s13 =	simm.s32 $0x87C0;
	v7 =	vmul.f32 v7, v0;
	v5 =	vld [tilespmem:s8+$0x30]  }
.LBB2_60:
0x303: {  	p0 =	sne.s32 s11, $0xF;
	[tilespmem:s8+$0xFFFFFFC0] =	vst v8;
	v6 =	vmul.f32 v6, v0;
	v8 =	vld [tilespmem:s8+$0xFFFFFFF0];
	s13 =	sadd.s32 $0x80, s13  }
0x304: {  	v9 =	vld [tilespmem:s13+$0xFFFFFFC0];
	[tilespmem:s8+$0xFFFFFFD0] =	vst v7;
	v3 =	vmul.f32 v3, v0  }
0x305: {  	v7 =	vld [tilespmem:s13+$0xFFFFFFD0];
	[tilespmem:s8+$0xFFFFFFE0] =	vst v6;
	v4 =	vmul.f32 v4, v0  }
.Ltmp29:
0x306: {  	v10 =	vmov s11;
	v6 =	vld [tilespmem:s13+$0xFFFFFFE0];
	[tilespmem:s8+$0x0] =	vst v3;
	v2 =	vmul.f32 v2, v0;
	(pc) =	sbr.rel @p0 .LBB2_60-.Ltmp29, $4  }
0x307: {  	v10 =	vperm.xlane v1, v10;
	v3 =	vld [tilespmem:s13+$0x0];
	[tilespmem:s8+$0x10] =	vst v4;
	v5 =	vmul.f32 v5, v0  }
0x308: {  	v4 =	vld [tilespmem:s13+$0x10];
	v11 =	vmul.f32 v8, v0;
	[tilespmem:s8+$0x20] =	vst v2  }
0x309: {  	v0 =	vmov v10;
	v8 =	vmul.f32 v9, v10;
	v2 =	vld [tilespmem:s13+$0x20];
	[tilespmem:s8+$0x30] =	vst v5  }
0x30a: {  	s11 =	sadd.s32 $0x1, s11;
	v7 =	vmul.f32 v7, v0;
	v5 =	vld [tilespmem:s13+$0x30];
	[tilespmem:s8+$0xFFFFFFF0] =	vst v11;
	s8 =	smov.u32 s13  }
0x30b: {  	[tilespmem:s8+$0xFFFFFFC0] =	vst v8;
	v1 =	vmul.f32 v6, v0;
	v60 =	vld [tilespmem:s8+$0xFFFFFFF0]  }
0x30c: {  	[tilespmem:s8+$0xFFFFFFD0] =	vst v7;
	v3 =	vmul.f32 v3, v0  }
0x30d: {  	[tilespmem:s8+$0xFFFFFFE0] =	vst v1;
	v61 =	vmul.f32 v4, v0  }
0x30e: {  	[tilespmem:s8+$0x0] =	vst v3;
	v2 =	vmul.f32 v2, v0  }
0x30f: {  	[tilespmem:s8+$0x10] =	vst v61;
	v62 =	vmul.f32 v5, v0  }
0x310: {  	v63 =	vmul.f32 v60, v0;
	[tilespmem:s8+$0x20] =	vst v2  }
0x311: {  	[tilespmem:s8+$0x30] =	vst v62  }
0x312: {  	[tilespmem:s8+$0xFFFFFFF0] =	vst v63  }
0x313: {  	[spmem:s4] =	stream.indirect.scatter.add.f32 [tilespmem:s31], [sflag:$0x8], $0x80, s20, s29, $0xb8;
	[tilespmem:$0x1C800] =	vst v63  }
0x314: {  	_ =	swait.ge [sflag:s16], $0x800  }
0x315: {  	[sflag:s16] =	ssyncset.done $0x0  }
0x316: {  	[sflag:s16] =	ssyncadd.s32 $0xFFFFF800  }
0x317: {  	[bflag:$0x0] =	sbarrier.arrive $0xFFFF  }
0x318: {  	s21 =	sld [smem:$0x7FC]  }
0x319: {  	s11 =	sld [smem:$0x7EE];
	_ =	sdelay $0x1  }
0x31a: {  	s13 =	rddreg [dreg:$0x8]  }
0x31b: {  	[hbm:s21], [sflag:s13] =	dma.local [spmem:s11], $0x2800  }
0x31c: {  	_ =	swait.ge [sflag:s16], $0x2800  }
0x31d: {  	s29 =	sld [smem:$0x7ED]  }
0x31e: {  	s31 =	sld [smem:$0x7FD];
	_ =	sdelay $0x1  }
0x31f: {  	s11 =	sadd.s32 $0x1, s29  }
0x320: {  	p0 =	sne.s32 s11, s31  }
.Ltmp30:
0x321: {  	_ = 	snop;
	(pc) =	sbr.rel @p0 .LBB2_1-.Ltmp30, $3  }
0x322: {  	_ =	sdelay $0x1  }
0x323: {  	[sflag:s16] =	ssyncset.done $0x0  }
0x324: {  	[sflag:s16] =	ssyncadd.s32 $0xFFFFD800  }
0x325: {  	_ =	sfence.sel $0x180000  }
0x326: {  	[bflag:$0x0] =	sbarrier.arrive $0xFFFF  }
0x327: {  	_ =	strace $0x90000047  }
0x328: {  	s0 =	stileid.u32;
	[bflag:$0x2] =	sbarrier.arrive $0xFFFF  }
0x329: {  	p0 =	sne.s32 s0, $0x0;
	s0 =	rddreg [dreg:$0x5]  }
0x32a: {  	s0 =	sadd.s32 @!p0 $0x100000, s0  }
0x32b: {  	[sflag:s0] =	ssyncadd.tile.s32 @!p0 $0x1;
	_ =	shalt  }
.Lfunc_end2:
_tile_overlayer_lowered:
.L_overlay_start_2:
0x32c: {  	(tag) =	ssettag $0x2  }
0x32d: {  	s0 =	rddreg [dreg:$0x0];
	s2 =	stileid.u32  }
0x32e: {  	s1 =	rddreg [dreg:$0x1];
	p0 =	sne.s32 s2, $0x0  }
0x32f: {  	s3 =	rddreg [dreg:$0x2];
	[bflag:$0x3] =	sbarrier.arrive $0xFFFF;
	s2 =	simm.s32 @!p0 $0x1C08  }
0x330: {  	[timem:s3], [sflag:s2] =	dma.local @!p0 [hbm:s0], s1  }
0x331: {  	s0 =	simm.s32 @!p0 $0x8  }
0x332: {  	_ =	swait.ge @!p0 [sflag:s0], s1  }
0x333: {  	s1 =	ssub.s32 @!p0 $0x0, s1;
	[sflag:s0] =	ssyncset.done @!p0 $0x0  }
0x334: {  	[sflag:s0] =	ssyncadd.s32 @!p0 s1  }
0x335: {  	[bflag:$0x3] =	sbarrier.arrive $0xFFFF  }
0x336: {  	_ =	shalt  }

</sc_bundles>
